<compile_context>
chip_gen: v7x
topology: tpu7x:2x2x1
jax: 0.10.2.dev20260603
libtpu: 0.0.44.dev20260713+nightly
codegen_flags: <defaults>
</compile_context>

<pallas_src>
import jax
import jax.numpy as jnp
import numpy as np
from jax import lax
from jax.experimental import pallas as pl
from jax.experimental.pallas import tpu as pltpu
from jax.experimental.pallas import tpu_sc as plsc

N = 1048576
K = 5
NW = 32
COLS_W = N // NW
CW = 2048
NCHUNK = COLS_W // CW

_LOG_COEF = [0.12644733488559723, -0.18256883323192596, 0.20221665501594543,
             -0.24957875907421112, 0.3333088159561157]
_MAGIC = 0x3F3504F3


def _fastlog_parts(x):
    b = plsc.bitcast(x, jnp.int32)
    e = (b - _MAGIC) >> 23
    m = plsc.bitcast(b - (e << 23), jnp.float32)
    ef = e.astype(jnp.float32)
    x1 = m - np.float32(1.0)
    z = x1 * x1
    p = np.float32(_LOG_COEF[0])
    for c in _LOG_COEF[1:]:
        p = p * x1 + np.float32(c)
    lnm = x1 + z * (x1 * p - np.float32(0.5))
    return lnm, ef


def _body(ut_hbm, ept_hbm, p16_hbm, ot_hbm,
          u0, u1, e0, e1, o0, o1, p16_v, sem0, sem1, oss0, oss1):
    wid = lax.axis_index("s") * 2 + lax.axis_index("c")
    base = wid * COLS_W

    pltpu.sync_copy(p16_hbm, p16_v.at[pl.ds(0, K)])
    iota = lax.iota(jnp.int32, 16)
    pv = p16_v[...]
    mx = jnp.max(jnp.where(iota < K, pv, np.float32(-3.0e38)))
    s = jnp.where(iota < K, jnp.exp(pv - mx), np.float32(0.0))
    se = jnp.zeros((16,), jnp.float32) + jnp.sum(s)
    lnm_se, ef_se = _fastlog_parts(se)
    lse = lnm_se + ef_se * np.float32(0.6931471805599453)
    tbv = jnp.where(iota < K, pv, np.float32(0.0)) - mx - lse \
        - np.float32(0.5 * K * np.log(2.0 * np.pi))
    nwv = -jnp.exp(-pv)
    nw2v = nwv * np.float32(0.6931471805599453)

    def splat(vec, k):
        return jnp.sum(jnp.where(iota == k, vec, np.float32(0.0)))

    nw = [splat(nwv, k) for k in range(K)]
    nw2 = [splat(nw2v, k) for k in range(K)]
    tb = [splat(tbv, k) for k in range(K)]
    muc = [jnp.full((16,), float(k), jnp.float32) for k in range(K)]

    ubuf, ebuf, sems = (u0, u1), (e0, e1), (sem0, sem1)
    obuf, osems = (o0, o1), (oss0, oss1)

    def start_in(c, b):
        col0 = base + c * CW
        pltpu.async_copy(ut_hbm.at[:, pl.ds(col0, CW)], ubuf[b], sems[b])
        pltpu.async_copy(ept_hbm.at[:, pl.ds(col0, CW)], ebuf[b], sems[b])

    def wait_in(b):
        pltpu.make_async_copy(ut_hbm.at[:, pl.ds(0, CW)], ubuf[b], sems[b]).wait()
        pltpu.make_async_copy(ept_hbm.at[:, pl.ds(0, CW)], ebuf[b], sems[b]).wait()

    def start_out(c, b):
        pltpu.async_copy(obuf[b], ot_hbm.at[:, pl.ds(base + c * CW, CW)], osems[b])

    def wait_out(b):
        pltpu.make_async_copy(obuf[b], ot_hbm.at[:, pl.ds(0, CW)], osems[b]).wait()

    def compute_chunk(uv, ev, ov):
        @plsc.parallel_loop(0, CW, step=16, unroll=8)
        def _(o):
            v = []
            for k in range(K):
                lnm, ef = _fastlog_parts(uv[k, pl.ds(o, 16)])
                v.append(lnm * nw[k] + ef * nw2[k])
            t01 = v[1] < v[0]
            m01 = jnp.where(t01, v[1], v[0])
            f01 = jnp.where(t01, muc[1], muc[0])
            b01 = jnp.where(t01, tb[1], tb[0])
            t23 = v[3] < v[2]
            m23 = jnp.where(t23, v[3], v[2])
            f23 = jnp.where(t23, muc[3], muc[2])
            b23 = jnp.where(t23, tb[3], tb[2])
            t03 = m23 < m01
            m03 = jnp.where(t03, m23, m01)
            f03 = jnp.where(t03, f23, f01)
            b03 = jnp.where(t03, b23, b01)
            t4 = v[4] < m03
            muf = jnp.where(t4, muc[4], f03)
            tbs = jnp.where(t4, tb[4], b03)

            ss = None
            for k in range(K):
                ek = ev[k, pl.ds(o, 16)]
                ov[k, pl.ds(o, 16)] = muf + ek
                ss = ek * ek if ss is None else ss + ek * ek
            ov[K, pl.ds(o, 16)] = tbs - np.float32(0.5) * ss

    start_in(0, 0)
    start_in(1, 1)

    def pair_body(i, _):
        c = i * 2

        wait_in(0)
        @pl.when(i > 0)
        def _():
            wait_out(0)
        compute_chunk(ubuf[0], ebuf[0], obuf[0])
        start_out(c, 0)
        start_in(c + 2, 0)

        wait_in(1)
        @pl.when(i > 0)
        def _():
            wait_out(1)
        compute_chunk(ubuf[1], ebuf[1], obuf[1])
        start_out(c + 1, 1)
        start_in(c + 3, 1)
        return 0

    lax.fori_loop(0, NCHUNK // 2 - 1, pair_body, 0)

    wait_in(0)
    wait_out(0)
    compute_chunk(ubuf[0], ebuf[0], obuf[0])
    start_out(NCHUNK - 2, 0)
    wait_in(1)
    wait_out(1)
    compute_chunk(ubuf[1], ebuf[1], obuf[1])
    start_out(NCHUNK - 1, 1)
    wait_out(0)
    wait_out(1)


@jax.jit
def _run(ut, ept, p16):
    mesh = plsc.VectorSubcoreMesh(
        core_axis_name="c", subcore_axis_name="s", num_cores=2, num_subcores=16)
    f = pl.kernel(
        _body,
        out_type=jax.ShapeDtypeStruct((K + 1, N), jnp.float32),
        mesh=mesh,
        scratch_types=[
            pltpu.VMEM((K, CW), jnp.float32),
            pltpu.VMEM((K, CW), jnp.float32),
            pltpu.VMEM((K, CW), jnp.float32),
            pltpu.VMEM((K, CW), jnp.float32),
            pltpu.VMEM((K + 1, CW), jnp.float32),
            pltpu.VMEM((K + 1, CW), jnp.float32),
            pltpu.VMEM((16,), jnp.float32),
            pltpu.SemaphoreType.DMA,
            pltpu.SemaphoreType.DMA,
            pltpu.SemaphoreType.DMA,
            pltpu.SemaphoreType.DMA,
        ],
        compiler_params=pltpu.CompilerParams(
            needs_layout_passes=False, use_tc_tiling_on_sc=True),
    )
    return f(ut, ept, p16)


def kernel(u, eps, prob):
    return _run(u.T, eps.T, prob).T

# --- scband reference (transcript-rebuilt; emitter-appended) ---
"""Pipeline reference for scband-p-73332271612733 (READ-ONLY COPY).

The authoritative reference and input builder live on the scoring server;
editing this copy changes nothing except your own understanding.
"""

import jax, jax.numpy as jnp
import numpy as np

N = 1048576
K = 5

def setup_inputs(seed=0) -> dict:
    key = jax.random.key(seed)
    k1, k2 = jax.random.split(key)
    u = jax.random.uniform(k1, (N, K), dtype=jnp.float32, minval=1e-6, maxval=1.0 - 1e-6)
    eps = jax.random.normal(k2, (N, K), dtype=jnp.float32)
    prob = jnp.array([0.1, 0.8, 0.05, 0.05, 0.05], dtype=jnp.float32)
    return {"u": u, "eps": eps, "prob": prob}

def reference(u, eps, prob):
    # tr['mu'] = Categorical(logits=prob), sampled over plate of size N via Gumbel-max
    gumbel = -jnp.log(-jnp.log(u))
    mu = jnp.argmax(prob[None, :] + gumbel, axis=-1)  # int32 [N]
    # tr['obs'] = MultivariateNormal(ones(5)*mu, diag(ones(5))) sampled with reparameterization
    mean = jnp.ones((K,), jnp.float32)[None, :] * mu[:, None].astype(jnp.float32)
    obs = mean + eps  # [N, K]
    # trace log-probabilities (log p(mu) + log p(obs | mu))
    logp_mu = jax.nn.log_softmax(prob)[mu]  # [N]
    diff = obs - mean
    logp_obs = -0.5 * jnp.sum(diff * diff, axis=-1) - 0.5 * K * jnp.log(2.0 * jnp.pi)
    logp = logp_mu + logp_obs  # [N]
    return jnp.concatenate([obs, logp[:, None]], axis=-1)  # [N, K+1]

if __name__ == "__main__":
    import jax
    _d = setup_inputs()
    print(jax.jit(kernel)(*tuple(_d.values())))

</pallas_src>

<mosaic_0001>
#map = affine_map<(d0, d1) -> (0, 0)>
#map1 = affine_map<(d0, d1) -> (0)>
module attributes {stable_mosaic.version = 14 : i64} {
  func.func @_body(%arg0: i32, %arg1: i32, %arg2: memref<5x1048576xf32, #tpu.memory_space<hbm>>, %arg3: memref<5x1048576xf32, #tpu.memory_space<hbm>>, %arg4: memref<5xf32, #tpu.memory_space<hbm>>, %arg5: memref<6x1048576xf32, #tpu.memory_space<hbm>>, %arg6: memref<5x2048xf32, #tpu.memory_space<vmem>>, %arg7: memref<5x2048xf32, #tpu.memory_space<vmem>>, %arg8: memref<5x2048xf32, #tpu.memory_space<vmem>>, %arg9: memref<5x2048xf32, #tpu.memory_space<vmem>>, %arg10: memref<6x2048xf32, #tpu.memory_space<vmem>>, %arg11: memref<6x2048xf32, #tpu.memory_space<vmem>>, %arg12: memref<16xf32, #tpu.memory_space<vmem>>, %arg13: memref<!tpu.dma_semaphore, #tpu.memory_space<semaphore_mem>>, %arg14: memref<!tpu.dma_semaphore, #tpu.memory_space<semaphore_mem>>, %arg15: memref<!tpu.dma_semaphore, #tpu.memory_space<semaphore_mem>>, %arg16: memref<!tpu.dma_semaphore, #tpu.memory_space<semaphore_mem>>) attributes {dimension_semantics = [#tpu.dimension_semantics<core_parallel>, #tpu.dimension_semantics<subcore_parallel>], iteration_bounds = array<i64: 2, 16>, scalar_prefetch = 0 : i64, scratch_operands = 11 : i64, tpu.core_type = #tpu.core_type<sc_vector_subcore>, window_params = [{transform_indices = #map}, {transform_indices = #map}, {transform_indices = #map1}, {transform_indices = #map}]} {
    %mul3A = arith.constant 2 : i32
    %mul3A_0 = arith.muli %arg1, %mul3A : i32
    %add3A = arith.addi %mul3A_0, %arg0 : i32
    %mul3A_1 = arith.constant 32768 : i32
    %mul3A_2 = arith.muli %add3A, %mul3A_1 : i32
    "tpu.region"() ({
      %run_scoped3A = tpu.sem_alloc : memref<!tpu.dma_semaphore, #tpu.memory_space<semaphore_mem>>
      %dma_start3A_333 = arith.constant 0 : i32
      %dma_start3A_334 = tpu.memref_slice %arg12[%dma_start3A_333] : memref<16xf32, #tpu.memory_space<vmem>> -> memref<5xf32, #tpu.memory_space<vmem>>
      %dma_start3A_335 = arith.constant 0 : i32
      %dma_start3A_336 = tpu.memref_slice %arg12[%dma_start3A_335] : memref<16xf32, #tpu.memory_space<vmem>> -> memref<5xf32, #tpu.memory_space<vmem>>
      tpu.enqueue_dma source(%arg4 : memref<5xf32, #tpu.memory_space<hbm>>) target(%dma_start3A_336 : memref<5xf32, #tpu.memory_space<vmem>>) target_semaphore(%run_scoped3A : memref<!tpu.dma_semaphore, #tpu.memory_space<semaphore_mem>>)
      %dma_wait3A_337 = arith.constant 0 : i32
      %dma_wait3A_338 = tpu.memref_slice %arg12[%dma_wait3A_337] : memref<16xf32, #tpu.memory_space<vmem>> -> memref<5xf32, #tpu.memory_space<vmem>>
      %dma_wait3A_339 = arith.constant 0 : i32
      %dma_wait3A_340 = tpu.memref_slice %arg12[%dma_wait3A_339] : memref<16xf32, #tpu.memory_space<vmem>> -> memref<5xf32, #tpu.memory_space<vmem>>
      tpu.wait_dma2 semaphore(%run_scoped3A : memref<!tpu.dma_semaphore, #tpu.memory_space<semaphore_mem>>) src(%arg4 : memref<5xf32, #tpu.memory_space<hbm>>) dst(%dma_wait3A_340 : memref<5xf32, #tpu.memory_space<vmem>>)
      tpu.yield
    }) : () -> ()
    %iota3A = tpu.iota {dimensions = array<i32: 0>} : vector<16xi32>
    %get3A = arith.constant 0 : index
    %get3A_3 = tpu.vector_load %arg12[%get3A] {strides = array<i32>} : memref<16xf32, #tpu.memory_space<vmem>>, vector<16xf32>,
    %lt3A = arith.constant 5 : i32
    %lt3A_4 = vector.broadcast %lt3A : i32 to vector<16xi32>
    %lt3A_5 = arith.cmpi slt, %iota3A, %lt3A_4 : vector<16xi32>
    %jit3A = arith.constant -3.000000e+38 : f32
    %broadcast_in_dim3A = vector.broadcast %jit3A : f32 to vector<16xf32>
    %select_n3A = arith.select %lt3A_5, %get3A_3, %broadcast_in_dim3A : vector<16xi1>, vector<16xf32>
    %reduce_max3A = arith.constant true
    %reduce_max3A_6 = vector.broadcast %reduce_max3A : i1 to vector<16xi1>
    %reduce_max3A_7 = tpu.scan <max>, %select_n3A masked %reduce_max3A_6 : vector<16xf32>, vector<16xi1> -> vector<16xf32>
    %reduce_max3A_8 = vector.extract %reduce_max3A_7[15] : f32 from vector<16xf32>
    %lt3A_9 = arith.constant 5 : i32
    %lt3A_10 = vector.broadcast %lt3A_9 : i32 to vector<16xi32>
    %lt3A_11 = arith.cmpi slt, %iota3A, %lt3A_10 : vector<16xi32>
    %sub3A = vector.broadcast %reduce_max3A_8 : f32 to vector<16xf32>
    %sub3A_12 = arith.subf %get3A_3, %sub3A : vector<16xf32>
    %exp3A = math.exp %sub3A_12 : vector<16xf32>
    %jit3A_13 = arith.constant 0.000000e+00 : f32
    %broadcast_in_dim3A_14 = vector.broadcast %jit3A_13 : f32 to vector<16xf32>
    %select_n3A_15 = arith.select %lt3A_11, %exp3A, %broadcast_in_dim3A_14 : vector<16xi1>, vector<16xf32>
    %broadcast_in_dim3A_16 = arith.constant 0.000000e+00 : f32
    %broadcast_in_dim3A_17 = vector.broadcast %broadcast_in_dim3A_16 : f32 to vector<16xf32>
    %reduce_sum3A = arith.constant true
    %reduce_sum3A_18 = vector.broadcast %reduce_sum3A : i1 to vector<16xi1>
    %reduce_sum3A_19 = tpu.scan <sum>, %select_n3A_15 masked %reduce_sum3A_18 : vector<16xf32>, vector<16xi1> -> vector<16xf32>
    %reduce_sum3A_20 = vector.extract %reduce_sum3A_19[15] : f32 from vector<16xf32>
    %add3A_21 = vector.broadcast %reduce_sum3A_20 : f32 to vector<16xf32>
    %add3A_22 = arith.addf %broadcast_in_dim3A_17, %add3A_21 : vector<16xf32>
    %bitcast3A = vector.bitcast %add3A_22 : vector<16xf32> to vector<16xi32>
    %sub3A_23 = arith.constant 1060439283 : i32
    %sub3A_24 = vector.broadcast %sub3A_23 : i32 to vector<16xi32>
    %sub3A_25 = arith.subi %bitcast3A, %sub3A_24 : vector<16xi32>
    %shift_right_arithmetic3A = arith.constant 23 : i32
    %shift_right_arithmetic3A_26 = vector.broadcast %shift_right_arithmetic3A : i32 to vector<16xi32>
    %shift_right_arithmetic3A_27 = arith.shrsi %sub3A_25, %shift_right_arithmetic3A_26 : vector<16xi32>
    %shift_left3A = arith.constant 23 : i32
    %shift_left3A_28 = vector.broadcast %shift_left3A : i32 to vector<16xi32>
    %shift_left3A_29 = arith.shli %shift_right_arithmetic3A_27, %shift_left3A_28 : vector<16xi32>
    %sub3A_30 = arith.subi %bitcast3A, %shift_left3A_29 : vector<16xi32>
    %bitcast3A_31 = vector.bitcast %sub3A_30 : vector<16xi32> to vector<16xf32>
    %convert_element_type3A = arith.sitofp %shift_right_arithmetic3A_27 : vector<16xi32> to vector<16xf32>
    %sub3A_32 = arith.constant 1.000000e+00 : f32
    %sub3A_33 = vector.broadcast %sub3A_32 : f32 to vector<16xf32>
    %sub3A_34 = arith.subf %bitcast3A_31, %sub3A_33 : vector<16xf32>
    %mul3A_35 = arith.mulf %sub3A_34, %sub3A_34 : vector<16xf32>
    %mul3A_36 = arith.constant 0.126447335 : f32
    %mul3A_37 = vector.broadcast %mul3A_36 : f32 to vector<16xf32>
    %mul3A_38 = arith.mulf %mul3A_37, %sub3A_34 : vector<16xf32>
    %add3A_39 = arith.constant -0.182568833 : f32
    %add3A_40 = vector.broadcast %add3A_39 : f32 to vector<16xf32>
    %add3A_41 = arith.addf %mul3A_38, %add3A_40 : vector<16xf32>
    %mul3A_42 = arith.mulf %add3A_41, %sub3A_34 : vector<16xf32>
    %add3A_43 = arith.constant 0.202216655 : f32
    %add3A_44 = vector.broadcast %add3A_43 : f32 to vector<16xf32>
    %add3A_45 = arith.addf %mul3A_42, %add3A_44 : vector<16xf32>
    %mul3A_46 = arith.mulf %add3A_45, %sub3A_34 : vector<16xf32>
    %add3A_47 = arith.constant -0.249578759 : f32
    %add3A_48 = vector.broadcast %add3A_47 : f32 to vector<16xf32>
    %add3A_49 = arith.addf %mul3A_46, %add3A_48 : vector<16xf32>
    %mul3A_50 = arith.mulf %add3A_49, %sub3A_34 : vector<16xf32>
    %add3A_51 = arith.constant 0.333308816 : f32
    %add3A_52 = vector.broadcast %add3A_51 : f32 to vector<16xf32>
    %add3A_53 = arith.addf %mul3A_50, %add3A_52 : vector<16xf32>
    %mul3A_54 = arith.mulf %sub3A_34, %add3A_53 : vector<16xf32>
    %sub3A_55 = arith.constant 5.000000e-01 : f32
    %sub3A_56 = vector.broadcast %sub3A_55 : f32 to vector<16xf32>
    %sub3A_57 = arith.subf %mul3A_54, %sub3A_56 : vector<16xf32>
    %mul3A_58 = arith.mulf %mul3A_35, %sub3A_57 : vector<16xf32>
    %add3A_59 = arith.addf %sub3A_34, %mul3A_58 : vector<16xf32>
    %mul3A_60 = arith.constant 0.693147182 : f32
    %mul3A_61 = vector.broadcast %mul3A_60 : f32 to vector<16xf32>
    %mul3A_62 = arith.mulf %convert_element_type3A, %mul3A_61 : vector<16xf32>
    %add3A_63 = arith.addf %add3A_59, %mul3A_62 : vector<16xf32>
    %lt3A_64 = arith.constant 5 : i32
    %lt3A_65 = vector.broadcast %lt3A_64 : i32 to vector<16xi32>
    %lt3A_66 = arith.cmpi slt, %iota3A, %lt3A_65 : vector<16xi32>
    %jit3A_67 = arith.constant 0.000000e+00 : f32
    %broadcast_in_dim3A_68 = vector.broadcast %jit3A_67 : f32 to vector<16xf32>
    %select_n3A_69 = arith.select %lt3A_66, %get3A_3, %broadcast_in_dim3A_68 : vector<16xi1>, vector<16xf32>
    %sub3A_70 = vector.broadcast %reduce_max3A_8 : f32 to vector<16xf32>
    %sub3A_71 = arith.subf %select_n3A_69, %sub3A_70 : vector<16xf32>
    %sub3A_72 = arith.subf %sub3A_71, %add3A_63 : vector<16xf32>
    %sub3A_73 = arith.constant 4.59469271 : f32
    %sub3A_74 = vector.broadcast %sub3A_73 : f32 to vector<16xf32>
    %sub3A_75 = arith.subf %sub3A_72, %sub3A_74 : vector<16xf32>
    %neg3A = arith.constant 0.000000e+00 : f32
    %neg3A_76 = vector.broadcast %neg3A : f32 to vector<16xf32>
    %neg3A_77 = arith.subf %neg3A_76, %get3A_3 : vector<16xf32>
    %exp3A_78 = math.exp %neg3A_77 : vector<16xf32>
    %neg3A_79 = arith.constant 0.000000e+00 : f32
    %neg3A_80 = vector.broadcast %neg3A_79 : f32 to vector<16xf32>
    %neg3A_81 = arith.subf %neg3A_80, %exp3A_78 : vector<16xf32>
    %mul3A_82 = arith.constant 0.693147182 : f32
    %mul3A_83 = vector.broadcast %mul3A_82 : f32 to vector<16xf32>
    %mul3A_84 = arith.mulf %neg3A_81, %mul3A_83 : vector<16xf32>
    %eq3A = arith.constant 0 : i32
    %eq3A_85 = vector.broadcast %eq3A : i32 to vector<16xi32>
    %eq3A_86 = arith.cmpi eq, %iota3A, %eq3A_85 : vector<16xi32>
    %jit3A_87 = arith.constant 0.000000e+00 : f32
    %broadcast_in_dim3A_88 = vector.broadcast %jit3A_87 : f32 to vector<16xf32>
    %select_n3A_89 = arith.select %eq3A_86, %neg3A_81, %broadcast_in_dim3A_88 : vector<16xi1>, vector<16xf32>
    %reduce_sum3A_90 = arith.constant true
    %reduce_sum3A_91 = vector.broadcast %reduce_sum3A_90 : i1 to vector<16xi1>
    %reduce_sum3A_92 = tpu.scan <sum>, %select_n3A_89 masked %reduce_sum3A_91 : vector<16xf32>, vector<16xi1> -> vector<16xf32>
    %reduce_sum3A_93 = vector.extract %reduce_sum3A_92[15] : f32 from vector<16xf32>
    %eq3A_94 = arith.constant 1 : i32
    %eq3A_95 = vector.broadcast %eq3A_94 : i32 to vector<16xi32>
    %eq3A_96 = arith.cmpi eq, %iota3A, %eq3A_95 : vector<16xi32>
    %jit3A_97 = arith.constant 0.000000e+00 : f32
    %broadcast_in_dim3A_98 = vector.broadcast %jit3A_97 : f32 to vector<16xf32>
    %select_n3A_99 = arith.select %eq3A_96, %neg3A_81, %broadcast_in_dim3A_98 : vector<16xi1>, vector<16xf32>
    %reduce_sum3A_100 = arith.constant true
    %reduce_sum3A_101 = vector.broadcast %reduce_sum3A_100 : i1 to vector<16xi1>
    %reduce_sum3A_102 = tpu.scan <sum>, %select_n3A_99 masked %reduce_sum3A_101 : vector<16xf32>, vector<16xi1> -> vector<16xf32>
    %reduce_sum3A_103 = vector.extract %reduce_sum3A_102[15] : f32 from vector<16xf32>
    %eq3A_104 = arith.constant 2 : i32
    %eq3A_105 = vector.broadcast %eq3A_104 : i32 to vector<16xi32>
    %eq3A_106 = arith.cmpi eq, %iota3A, %eq3A_105 : vector<16xi32>
    %jit3A_107 = arith.constant 0.000000e+00 : f32
    %broadcast_in_dim3A_108 = vector.broadcast %jit3A_107 : f32 to vector<16xf32>
    %select_n3A_109 = arith.select %eq3A_106, %neg3A_81, %broadcast_in_dim3A_108 : vector<16xi1>, vector<16xf32>
    %reduce_sum3A_110 = arith.constant true
    %reduce_sum3A_111 = vector.broadcast %reduce_sum3A_110 : i1 to vector<16xi1>
    %reduce_sum3A_112 = tpu.scan <sum>, %select_n3A_109 masked %reduce_sum3A_111 : vector<16xf32>, vector<16xi1> -> vector<16xf32>
    %reduce_sum3A_113 = vector.extract %reduce_sum3A_112[15] : f32 from vector<16xf32>
    %eq3A_114 = arith.constant 3 : i32
    %eq3A_115 = vector.broadcast %eq3A_114 : i32 to vector<16xi32>
    %eq3A_116 = arith.cmpi eq, %iota3A, %eq3A_115 : vector<16xi32>
    %jit3A_117 = arith.constant 0.000000e+00 : f32
    %broadcast_in_dim3A_118 = vector.broadcast %jit3A_117 : f32 to vector<16xf32>
    %select_n3A_119 = arith.select %eq3A_116, %neg3A_81, %broadcast_in_dim3A_118 : vector<16xi1>, vector<16xf32>
    %reduce_sum3A_120 = arith.constant true
    %reduce_sum3A_121 = vector.broadcast %reduce_sum3A_120 : i1 to vector<16xi1>
    %reduce_sum3A_122 = tpu.scan <sum>, %select_n3A_119 masked %reduce_sum3A_121 : vector<16xf32>, vector<16xi1> -> vector<16xf32>
    %reduce_sum3A_123 = vector.extract %reduce_sum3A_122[15] : f32 from vector<16xf32>
    %eq3A_124 = arith.constant 4 : i32
    %eq3A_125 = vector.broadcast %eq3A_124 : i32 to vector<16xi32>
    %eq3A_126 = arith.cmpi eq, %iota3A, %eq3A_125 : vector<16xi32>
    %jit3A_127 = arith.constant 0.000000e+00 : f32
    %broadcast_in_dim3A_128 = vector.broadcast %jit3A_127 : f32 to vector<16xf32>
    %select_n3A_129 = arith.select %eq3A_126, %neg3A_81, %broadcast_in_dim3A_128 : vector<16xi1>, vector<16xf32>
    %reduce_sum3A_130 = arith.constant true
    %reduce_sum3A_131 = vector.broadcast %reduce_sum3A_130 : i1 to vector<16xi1>
    %reduce_sum3A_132 = tpu.scan <sum>, %select_n3A_129 masked %reduce_sum3A_131 : vector<16xf32>, vector<16xi1> -> vector<16xf32>
    %reduce_sum3A_133 = vector.extract %reduce_sum3A_132[15] : f32 from vector<16xf32>
    %eq3A_134 = arith.constant 0 : i32
    %eq3A_135 = vector.broadcast %eq3A_134 : i32 to vector<16xi32>
    %eq3A_136 = arith.cmpi eq, %iota3A, %eq3A_135 : vector<16xi32>
    %jit3A_137 = arith.constant 0.000000e+00 : f32
    %broadcast_in_dim3A_138 = vector.broadcast %jit3A_137 : f32 to vector<16xf32>
    %select_n3A_139 = arith.select %eq3A_136, %mul3A_84, %broadcast_in_dim3A_138 : vector<16xi1>, vector<16xf32>
    %reduce_sum3A_140 = arith.constant true
    %reduce_sum3A_141 = vector.broadcast %reduce_sum3A_140 : i1 to vector<16xi1>
    %reduce_sum3A_142 = tpu.scan <sum>, %select_n3A_139 masked %reduce_sum3A_141 : vector<16xf32>, vector<16xi1> -> vector<16xf32>
    %reduce_sum3A_143 = vector.extract %reduce_sum3A_142[15] : f32 from vector<16xf32>
    %eq3A_144 = arith.constant 1 : i32
    %eq3A_145 = vector.broadcast %eq3A_144 : i32 to vector<16xi32>
    %eq3A_146 = arith.cmpi eq, %iota3A, %eq3A_145 : vector<16xi32>
    %jit3A_147 = arith.constant 0.000000e+00 : f32
    %broadcast_in_dim3A_148 = vector.broadcast %jit3A_147 : f32 to vector<16xf32>
    %select_n3A_149 = arith.select %eq3A_146, %mul3A_84, %broadcast_in_dim3A_148 : vector<16xi1>, vector<16xf32>
    %reduce_sum3A_150 = arith.constant true
    %reduce_sum3A_151 = vector.broadcast %reduce_sum3A_150 : i1 to vector<16xi1>
    %reduce_sum3A_152 = tpu.scan <sum>, %select_n3A_149 masked %reduce_sum3A_151 : vector<16xf32>, vector<16xi1> -> vector<16xf32>
    %reduce_sum3A_153 = vector.extract %reduce_sum3A_152[15] : f32 from vector<16xf32>
    %eq3A_154 = arith.constant 2 : i32
    %eq3A_155 = vector.broadcast %eq3A_154 : i32 to vector<16xi32>
    %eq3A_156 = arith.cmpi eq, %iota3A, %eq3A_155 : vector<16xi32>
    %jit3A_157 = arith.constant 0.000000e+00 : f32
    %broadcast_in_dim3A_158 = vector.broadcast %jit3A_157 : f32 to vector<16xf32>
    %select_n3A_159 = arith.select %eq3A_156, %mul3A_84, %broadcast_in_dim3A_158 : vector<16xi1>, vector<16xf32>
    %reduce_sum3A_160 = arith.constant true
    %reduce_sum3A_161 = vector.broadcast %reduce_sum3A_160 : i1 to vector<16xi1>
    %reduce_sum3A_162 = tpu.scan <sum>, %select_n3A_159 masked %reduce_sum3A_161 : vector<16xf32>, vector<16xi1> -> vector<16xf32>
    %reduce_sum3A_163 = vector.extract %reduce_sum3A_162[15] : f32 from vector<16xf32>
    %eq3A_164 = arith.constant 3 : i32
    %eq3A_165 = vector.broadcast %eq3A_164 : i32 to vector<16xi32>
    %eq3A_166 = arith.cmpi eq, %iota3A, %eq3A_165 : vector<16xi32>
    %jit3A_167 = arith.constant 0.000000e+00 : f32
    %broadcast_in_dim3A_168 = vector.broadcast %jit3A_167 : f32 to vector<16xf32>
    %select_n3A_169 = arith.select %eq3A_166, %mul3A_84, %broadcast_in_dim3A_168 : vector<16xi1>, vector<16xf32>
    %reduce_sum3A_170 = arith.constant true
    %reduce_sum3A_171 = vector.broadcast %reduce_sum3A_170 : i1 to vector<16xi1>
    %reduce_sum3A_172 = tpu.scan <sum>, %select_n3A_169 masked %reduce_sum3A_171 : vector<16xf32>, vector<16xi1> -> vector<16xf32>
    %reduce_sum3A_173 = vector.extract %reduce_sum3A_172[15] : f32 from vector<16xf32>
    %eq3A_174 = arith.constant 4 : i32
    %eq3A_175 = vector.broadcast %eq3A_174 : i32 to vector<16xi32>
    %eq3A_176 = arith.cmpi eq, %iota3A, %eq3A_175 : vector<16xi32>
    %jit3A_177 = arith.constant 0.000000e+00 : f32
    %broadcast_in_dim3A_178 = vector.broadcast %jit3A_177 : f32 to vector<16xf32>
    %select_n3A_179 = arith.select %eq3A_176, %mul3A_84, %broadcast_in_dim3A_178 : vector<16xi1>, vector<16xf32>
    %reduce_sum3A_180 = arith.constant true
    %reduce_sum3A_181 = vector.broadcast %reduce_sum3A_180 : i1 to vector<16xi1>
    %reduce_sum3A_182 = tpu.scan <sum>, %select_n3A_179 masked %reduce_sum3A_181 : vector<16xf32>, vector<16xi1> -> vector<16xf32>
    %reduce_sum3A_183 = vector.extract %reduce_sum3A_182[15] : f32 from vector<16xf32>
    %eq3A_184 = arith.constant 0 : i32
    %eq3A_185 = vector.broadcast %eq3A_184 : i32 to vector<16xi32>
    %eq3A_186 = arith.cmpi eq, %iota3A, %eq3A_185 : vector<16xi32>
    %jit3A_187 = arith.constant 0.000000e+00 : f32
    %broadcast_in_dim3A_188 = vector.broadcast %jit3A_187 : f32 to vector<16xf32>
    %select_n3A_189 = arith.select %eq3A_186, %sub3A_75, %broadcast_in_dim3A_188 : vector<16xi1>, vector<16xf32>
    %reduce_sum3A_190 = arith.constant true
    %reduce_sum3A_191 = vector.broadcast %reduce_sum3A_190 : i1 to vector<16xi1>
    %reduce_sum3A_192 = tpu.scan <sum>, %select_n3A_189 masked %reduce_sum3A_191 : vector<16xf32>, vector<16xi1> -> vector<16xf32>
    %reduce_sum3A_193 = vector.extract %reduce_sum3A_192[15] : f32 from vector<16xf32>
    %eq3A_194 = arith.constant 1 : i32
    %eq3A_195 = vector.broadcast %eq3A_194 : i32 to vector<16xi32>
    %eq3A_196 = arith.cmpi eq, %iota3A, %eq3A_195 : vector<16xi32>
    %jit3A_197 = arith.constant 0.000000e+00 : f32
    %broadcast_in_dim3A_198 = vector.broadcast %jit3A_197 : f32 to vector<16xf32>
    %select_n3A_199 = arith.select %eq3A_196, %sub3A_75, %broadcast_in_dim3A_198 : vector<16xi1>, vector<16xf32>
    %reduce_sum3A_200 = arith.constant true
    %reduce_sum3A_201 = vector.broadcast %reduce_sum3A_200 : i1 to vector<16xi1>
    %reduce_sum3A_202 = tpu.scan <sum>, %select_n3A_199 masked %reduce_sum3A_201 : vector<16xf32>, vector<16xi1> -> vector<16xf32>
    %reduce_sum3A_203 = vector.extract %reduce_sum3A_202[15] : f32 from vector<16xf32>
    %eq3A_204 = arith.constant 2 : i32
    %eq3A_205 = vector.broadcast %eq3A_204 : i32 to vector<16xi32>
    %eq3A_206 = arith.cmpi eq, %iota3A, %eq3A_205 : vector<16xi32>
    %jit3A_207 = arith.constant 0.000000e+00 : f32
    %broadcast_in_dim3A_208 = vector.broadcast %jit3A_207 : f32 to vector<16xf32>
    %select_n3A_209 = arith.select %eq3A_206, %sub3A_75, %broadcast_in_dim3A_208 : vector<16xi1>, vector<16xf32>
    %reduce_sum3A_210 = arith.constant true
    %reduce_sum3A_211 = vector.broadcast %reduce_sum3A_210 : i1 to vector<16xi1>
    %reduce_sum3A_212 = tpu.scan <sum>, %select_n3A_209 masked %reduce_sum3A_211 : vector<16xf32>, vector<16xi1> -> vector<16xf32>
    %reduce_sum3A_213 = vector.extract %reduce_sum3A_212[15] : f32 from vector<16xf32>
    %eq3A_214 = arith.constant 3 : i32
    %eq3A_215 = vector.broadcast %eq3A_214 : i32 to vector<16xi32>
    %eq3A_216 = arith.cmpi eq, %iota3A, %eq3A_215 : vector<16xi32>
    %jit3A_217 = arith.constant 0.000000e+00 : f32
    %broadcast_in_dim3A_218 = vector.broadcast %jit3A_217 : f32 to vector<16xf32>
    %select_n3A_219 = arith.select %eq3A_216, %sub3A_75, %broadcast_in_dim3A_218 : vector<16xi1>, vector<16xf32>
    %reduce_sum3A_220 = arith.constant true
    %reduce_sum3A_221 = vector.broadcast %reduce_sum3A_220 : i1 to vector<16xi1>
    %reduce_sum3A_222 = tpu.scan <sum>, %select_n3A_219 masked %reduce_sum3A_221 : vector<16xf32>, vector<16xi1> -> vector<16xf32>
    %reduce_sum3A_223 = vector.extract %reduce_sum3A_222[15] : f32 from vector<16xf32>
    %eq3A_224 = arith.constant 4 : i32
    %eq3A_225 = vector.broadcast %eq3A_224 : i32 to vector<16xi32>
    %eq3A_226 = arith.cmpi eq, %iota3A, %eq3A_225 : vector<16xi32>
    %jit3A_227 = arith.constant 0.000000e+00 : f32
    %broadcast_in_dim3A_228 = vector.broadcast %jit3A_227 : f32 to vector<16xf32>
    %select_n3A_229 = arith.select %eq3A_226, %sub3A_75, %broadcast_in_dim3A_228 : vector<16xi1>, vector<16xf32>
    %reduce_sum3A_230 = arith.constant true
    %reduce_sum3A_231 = vector.broadcast %reduce_sum3A_230 : i1 to vector<16xi1>
    %reduce_sum3A_232 = tpu.scan <sum>, %select_n3A_229 masked %reduce_sum3A_231 : vector<16xf32>, vector<16xi1> -> vector<16xf32>
    %reduce_sum3A_233 = vector.extract %reduce_sum3A_232[15] : f32 from vector<16xf32>
    %broadcast_in_dim3A_234 = arith.constant 0.000000e+00 : f32
    %broadcast_in_dim3A_235 = vector.broadcast %broadcast_in_dim3A_234 : f32 to vector<16xf32>
    %broadcast_in_dim3A_236 = arith.constant 1.000000e+00 : f32
    %broadcast_in_dim3A_237 = vector.broadcast %broadcast_in_dim3A_236 : f32 to vector<16xf32>
    %broadcast_in_dim3A_238 = arith.constant 2.000000e+00 : f32
    %broadcast_in_dim3A_239 = vector.broadcast %broadcast_in_dim3A_238 : f32 to vector<16xf32>
    %broadcast_in_dim3A_240 = arith.constant 3.000000e+00 : f32
    %broadcast_in_dim3A_241 = vector.broadcast %broadcast_in_dim3A_240 : f32 to vector<16xf32>
    %broadcast_in_dim3A_242 = arith.constant 4.000000e+00 : f32
    %broadcast_in_dim3A_243 = vector.broadcast %broadcast_in_dim3A_242 : f32 to vector<16xf32>
    %add3A_244 = arith.constant 0 : i32
    %add3A_245 = arith.addi %mul3A_2, %add3A_244 : i32
    %dma_start3A = arith.constant 0 : i32
    %dma_start3A_246 = tpu.memref_slice %arg2[%dma_start3A, %add3A_245] : memref<5x1048576xf32, #tpu.memory_space<hbm>> -> memref<5x2048xf32, #tpu.memory_space<hbm>>
    %dma_start3A_247 = arith.constant 0 : i32
    %dma_start3A_248 = tpu.memref_slice %arg2[%dma_start3A_247, %add3A_245] : memref<5x1048576xf32, #tpu.memory_space<hbm>> -> memref<5x2048xf32, #tpu.memory_space<hbm>>
    tpu.enqueue_dma source(%dma_start3A_248 : memref<5x2048xf32, #tpu.memory_space<hbm>>) target(%arg6 : memref<5x2048xf32, #tpu.memory_space<vmem>>) target_semaphore(%arg13 : memref<!tpu.dma_semaphore, #tpu.memory_space<semaphore_mem>>)
    %dma_start3A_249 = arith.constant 0 : i32
    %dma_start3A_250 = tpu.memref_slice %arg3[%dma_start3A_249, %add3A_245] : memref<5x1048576xf32, #tpu.memory_space<hbm>> -> memref<5x2048xf32, #tpu.memory_space<hbm>>
    %dma_start3A_251 = arith.constant 0 : i32
    %dma_start3A_252 = tpu.memref_slice %arg3[%dma_start3A_251, %add3A_245] : memref<5x1048576xf32, #tpu.memory_space<hbm>> -> memref<5x2048xf32, #tpu.memory_space<hbm>>
    tpu.enqueue_dma source(%dma_start3A_252 : memref<5x2048xf32, #tpu.memory_space<hbm>>) target(%arg8 : memref<5x2048xf32, #tpu.memory_space<vmem>>) target_semaphore(%arg13 : memref<!tpu.dma_semaphore, #tpu.memory_space<semaphore_mem>>)
    %add3A_253 = arith.constant 2048 : i32
    %add3A_254 = arith.addi %mul3A_2, %add3A_253 : i32
    %dma_start3A_255 = arith.constant 0 : i32
    %dma_start3A_256 = tpu.memref_slice %arg2[%dma_start3A_255, %add3A_254] : memref<5x1048576xf32, #tpu.memory_space<hbm>> -> memref<5x2048xf32, #tpu.memory_space<hbm>>
    %dma_start3A_257 = arith.constant 0 : i32
    %dma_start3A_258 = tpu.memref_slice %arg2[%dma_start3A_257, %add3A_254] : memref<5x1048576xf32, #tpu.memory_space<hbm>> -> memref<5x2048xf32, #tpu.memory_space<hbm>>
    tpu.enqueue_dma source(%dma_start3A_258 : memref<5x2048xf32, #tpu.memory_space<hbm>>) target(%arg7 : memref<5x2048xf32, #tpu.memory_space<vmem>>) target_semaphore(%arg14 : memref<!tpu.dma_semaphore, #tpu.memory_space<semaphore_mem>>)
    %dma_start3A_259 = arith.constant 0 : i32
    %dma_start3A_260 = tpu.memref_slice %arg3[%dma_start3A_259, %add3A_254] : memref<5x1048576xf32, #tpu.memory_space<hbm>> -> memref<5x2048xf32, #tpu.memory_space<hbm>>
    %dma_start3A_261 = arith.constant 0 : i32
    %dma_start3A_262 = tpu.memref_slice %arg3[%dma_start3A_261, %add3A_254] : memref<5x1048576xf32, #tpu.memory_space<hbm>> -> memref<5x2048xf32, #tpu.memory_space<hbm>>
    tpu.enqueue_dma source(%dma_start3A_262 : memref<5x2048xf32, #tpu.memory_space<hbm>>) target(%arg9 : memref<5x2048xf32, #tpu.memory_space<vmem>>) target_semaphore(%arg14 : memref<!tpu.dma_semaphore, #tpu.memory_space<semaphore_mem>>)
    %scan3A = arith.constant 0 : i32
    %scan3A_263 = arith.constant 0 : i32
    %scan3A_264 = arith.constant 7 : i32
    %scan3A_265 = arith.addi %scan3A_263, %scan3A_264 : i32
    %scan3A_266 = arith.constant 1 : i32
    %scan3A_267 = scf.for %scan3A_333 = %scan3A_263 to %scan3A_265 step %scan3A_266 iter_args(%scan3A_334 = %scan3A) -> (i32)  : i32 {
      %mul3A_335 = arith.constant 2 : i32
      %mul3A_336 = arith.muli %scan3A_333, %mul3A_335 : i32
      %dma_wait3A_337 = arith.constant 0 : i32
      %dma_wait3A_338 = arith.constant 0 : i32
      %dma_wait3A_339 = tpu.memref_slice %arg2[%dma_wait3A_337, %dma_wait3A_338] : memref<5x1048576xf32, #tpu.memory_space<hbm>> -> memref<5x2048xf32, #tpu.memory_space<hbm>>
      %dma_wait3A_340 = arith.constant 0 : i32
      %dma_wait3A_341 = arith.constant 0 : i32
      %dma_wait3A_342 = tpu.memref_slice %arg2[%dma_wait3A_340, %dma_wait3A_341] : memref<5x1048576xf32, #tpu.memory_space<hbm>> -> memref<5x2048xf32, #tpu.memory_space<hbm>>
      tpu.wait_dma2 semaphore(%arg13 : memref<!tpu.dma_semaphore, #tpu.memory_space<semaphore_mem>>) src(%dma_wait3A_342 : memref<5x2048xf32, #tpu.memory_space<hbm>>) dst(%arg6 : memref<5x2048xf32, #tpu.memory_space<vmem>>)
      %dma_wait3A_343 = arith.constant 0 : i32
      %dma_wait3A_344 = arith.constant 0 : i32
      %dma_wait3A_345 = tpu.memref_slice %arg3[%dma_wait3A_343, %dma_wait3A_344] : memref<5x1048576xf32, #tpu.memory_space<hbm>> -> memref<5x2048xf32, #tpu.memory_space<hbm>>
      %dma_wait3A_346 = arith.constant 0 : i32
      %dma_wait3A_347 = arith.constant 0 : i32
      %dma_wait3A_348 = tpu.memref_slice %arg3[%dma_wait3A_346, %dma_wait3A_347] : memref<5x1048576xf32, #tpu.memory_space<hbm>> -> memref<5x2048xf32, #tpu.memory_space<hbm>>
      tpu.wait_dma2 semaphore(%arg13 : memref<!tpu.dma_semaphore, #tpu.memory_space<semaphore_mem>>) src(%dma_wait3A_348 : memref<5x2048xf32, #tpu.memory_space<hbm>>) dst(%arg8 : memref<5x2048xf32, #tpu.memory_space<vmem>>)
      %gt3A = arith.constant 0 : i32
      %gt3A_349 = arith.cmpi sgt, %scan3A_333, %gt3A : i32
      %convert_element_type3A_350 = arith.extui %gt3A_349 : i1 to i32
      %cond3A = arith.constant 0 : i32
      %cond3A_351 = arith.cmpi ne, %convert_element_type3A_350, %cond3A : i32
      scf.if %cond3A_351 {
        %dma_wait3A_418 = arith.constant 0 : i32
        %dma_wait3A_419 = arith.constant 0 : i32
        %dma_wait3A_420 = tpu.memref_slice %arg5[%dma_wait3A_418, %dma_wait3A_419] : memref<6x1048576xf32, #tpu.memory_space<hbm>> -> memref<6x2048xf32, #tpu.memory_space<hbm>>
        %dma_wait3A_421 = arith.constant 0 : i32
        %dma_wait3A_422 = arith.constant 0 : i32
        %dma_wait3A_423 = tpu.memref_slice %arg5[%dma_wait3A_421, %dma_wait3A_422] : memref<6x1048576xf32, #tpu.memory_space<hbm>> -> memref<6x2048xf32, #tpu.memory_space<hbm>>
        tpu.wait_dma2 semaphore(%arg15 : memref<!tpu.dma_semaphore, #tpu.memory_space<semaphore_mem>>) src(%arg10 : memref<6x2048xf32, #tpu.memory_space<vmem>>) dst(%dma_wait3A_423 : memref<6x2048xf32, #tpu.memory_space<hbm>>)
      } else {
      }
      %parallel_loop3A_352 = arith.constant 0 : i32
      %parallel_loop3A_353 = arith.constant 2048 : i32
      %parallel_loop3A_354 = arith.constant 16 : i32
      scf.for %parallel_loop3A_418 = %parallel_loop3A_352 to %parallel_loop3A_353 step %parallel_loop3A_354  : i32 {
        %parallel_loop3A_419 = arith.constant 0 : i32
        %parallel_loop3A_420 = arith.index_cast %parallel_loop3A_419 : i32 to index
        %parallel_loop3A_421 = arith.index_cast %parallel_loop3A_418 : i32 to index
        %parallel_loop3A_422 = tpu.vector_load %arg6[%parallel_loop3A_420, %parallel_loop3A_421] {strides = array<i32>} : memref<5x2048xf32, #tpu.memory_space<vmem>>, vector<16xf32>,
        %parallel_loop3A_423 = vector.bitcast %parallel_loop3A_422 : vector<16xf32> to vector<16xi32>
        %parallel_loop3A_424 = arith.constant 1060439283 : i32
        %parallel_loop3A_425 = vector.broadcast %parallel_loop3A_424 : i32 to vector<16xi32>
        %parallel_loop3A_426 = arith.subi %parallel_loop3A_423, %parallel_loop3A_425 : vector<16xi32>
        %parallel_loop3A_427 = arith.constant 23 : i32
        %parallel_loop3A_428 = vector.broadcast %parallel_loop3A_427 : i32 to vector<16xi32>
        %parallel_loop3A_429 = arith.shrsi %parallel_loop3A_426, %parallel_loop3A_428 : vector<16xi32>
        %parallel_loop3A_430 = arith.constant 23 : i32
        %parallel_loop3A_431 = vector.broadcast %parallel_loop3A_430 : i32 to vector<16xi32>
        %parallel_loop3A_432 = arith.shli %parallel_loop3A_429, %parallel_loop3A_431 : vector<16xi32>
        %parallel_loop3A_433 = arith.subi %parallel_loop3A_423, %parallel_loop3A_432 : vector<16xi32>
        %parallel_loop3A_434 = vector.bitcast %parallel_loop3A_433 : vector<16xi32> to vector<16xf32>
        %parallel_loop3A_435 = arith.sitofp %parallel_loop3A_429 : vector<16xi32> to vector<16xf32>
        %parallel_loop3A_436 = arith.constant 1.000000e+00 : f32
        %parallel_loop3A_437 = vector.broadcast %parallel_loop3A_436 : f32 to vector<16xf32>
        %parallel_loop3A_438 = arith.subf %parallel_loop3A_434, %parallel_loop3A_437 : vector<16xf32>
        %parallel_loop3A_439 = arith.mulf %parallel_loop3A_438, %parallel_loop3A_438 : vector<16xf32>
        %parallel_loop3A_440 = arith.constant 0.126447335 : f32
        %parallel_loop3A_441 = vector.broadcast %parallel_loop3A_440 : f32 to vector<16xf32>
        %parallel_loop3A_442 = arith.mulf %parallel_loop3A_441, %parallel_loop3A_438 : vector<16xf32>
        %parallel_loop3A_443 = arith.constant -0.182568833 : f32
        %parallel_loop3A_444 = vector.broadcast %parallel_loop3A_443 : f32 to vector<16xf32>
        %parallel_loop3A_445 = arith.addf %parallel_loop3A_442, %parallel_loop3A_444 : vector<16xf32>
        %parallel_loop3A_446 = arith.mulf %parallel_loop3A_445, %parallel_loop3A_438 : vector<16xf32>
        %parallel_loop3A_447 = arith.constant 0.202216655 : f32
        %parallel_loop3A_448 = vector.broadcast %parallel_loop3A_447 : f32 to vector<16xf32>
        %parallel_loop3A_449 = arith.addf %parallel_loop3A_446, %parallel_loop3A_448 : vector<16xf32>
        %parallel_loop3A_450 = arith.mulf %parallel_loop3A_449, %parallel_loop3A_438 : vector<16xf32>
        %parallel_loop3A_451 = arith.constant -0.249578759 : f32
        %parallel_loop3A_452 = vector.broadcast %parallel_loop3A_451 : f32 to vector<16xf32>
        %parallel_loop3A_453 = arith.addf %parallel_loop3A_450, %parallel_loop3A_452 : vector<16xf32>
        %parallel_loop3A_454 = arith.mulf %parallel_loop3A_453, %parallel_loop3A_438 : vector<16xf32>
        %parallel_loop3A_455 = arith.constant 0.333308816 : f32
        %parallel_loop3A_456 = vector.broadcast %parallel_loop3A_455 : f32 to vector<16xf32>
        %parallel_loop3A_457 = arith.addf %parallel_loop3A_454, %parallel_loop3A_456 : vector<16xf32>
        %parallel_loop3A_458 = arith.mulf %parallel_loop3A_438, %parallel_loop3A_457 : vector<16xf32>
        %parallel_loop3A_459 = arith.constant 5.000000e-01 : f32
        %parallel_loop3A_460 = vector.broadcast %parallel_loop3A_459 : f32 to vector<16xf32>
        %parallel_loop3A_461 = arith.subf %parallel_loop3A_458, %parallel_loop3A_460 : vector<16xf32>
        %parallel_loop3A_462 = arith.mulf %parallel_loop3A_439, %parallel_loop3A_461 : vector<16xf32>
        %parallel_loop3A_463 = arith.addf %parallel_loop3A_438, %parallel_loop3A_462 : vector<16xf32>
        %parallel_loop3A_464 = vector.broadcast %reduce_sum3A_93 : f32 to vector<16xf32>
        %parallel_loop3A_465 = arith.mulf %parallel_loop3A_463, %parallel_loop3A_464 : vector<16xf32>
        %parallel_loop3A_466 = vector.broadcast %reduce_sum3A_143 : f32 to vector<16xf32>
        %parallel_loop3A_467 = arith.mulf %parallel_loop3A_435, %parallel_loop3A_466 : vector<16xf32>
        %parallel_loop3A_468 = arith.addf %parallel_loop3A_465, %parallel_loop3A_467 : vector<16xf32>
        %parallel_loop3A_469 = arith.constant 1 : i32
        %parallel_loop3A_470 = arith.index_cast %parallel_loop3A_469 : i32 to index
        %parallel_loop3A_471 = arith.index_cast %parallel_loop3A_418 : i32 to index
        %parallel_loop3A_472 = tpu.vector_load %arg6[%parallel_loop3A_470, %parallel_loop3A_471] {strides = array<i32>} : memref<5x2048xf32, #tpu.memory_space<vmem>>, vector<16xf32>,
        %parallel_loop3A_473 = vector.bitcast %parallel_loop3A_472 : vector<16xf32> to vector<16xi32>
        %parallel_loop3A_474 = arith.constant 1060439283 : i32
        %parallel_loop3A_475 = vector.broadcast %parallel_loop3A_474 : i32 to vector<16xi32>
        %parallel_loop3A_476 = arith.subi %parallel_loop3A_473, %parallel_loop3A_475 : vector<16xi32>
        %parallel_loop3A_477 = arith.constant 23 : i32
        %parallel_loop3A_478 = vector.broadcast %parallel_loop3A_477 : i32 to vector<16xi32>
        %parallel_loop3A_479 = arith.shrsi %parallel_loop3A_476, %parallel_loop3A_478 : vector<16xi32>
        %parallel_loop3A_480 = arith.constant 23 : i32
        %parallel_loop3A_481 = vector.broadcast %parallel_loop3A_480 : i32 to vector<16xi32>
        %parallel_loop3A_482 = arith.shli %parallel_loop3A_479, %parallel_loop3A_481 : vector<16xi32>
        %parallel_loop3A_483 = arith.subi %parallel_loop3A_473, %parallel_loop3A_482 : vector<16xi32>
        %parallel_loop3A_484 = vector.bitcast %parallel_loop3A_483 : vector<16xi32> to vector<16xf32>
        %parallel_loop3A_485 = arith.sitofp %parallel_loop3A_479 : vector<16xi32> to vector<16xf32>
        %parallel_loop3A_486 = arith.constant 1.000000e+00 : f32
        %parallel_loop3A_487 = vector.broadcast %parallel_loop3A_486 : f32 to vector<16xf32>
        %parallel_loop3A_488 = arith.subf %parallel_loop3A_484, %parallel_loop3A_487 : vector<16xf32>
        %parallel_loop3A_489 = arith.mulf %parallel_loop3A_488, %parallel_loop3A_488 : vector<16xf32>
        %parallel_loop3A_490 = arith.constant 0.126447335 : f32
        %parallel_loop3A_491 = vector.broadcast %parallel_loop3A_490 : f32 to vector<16xf32>
        %parallel_loop3A_492 = arith.mulf %parallel_loop3A_491, %parallel_loop3A_488 : vector<16xf32>
        %parallel_loop3A_493 = arith.constant -0.182568833 : f32
        %parallel_loop3A_494 = vector.broadcast %parallel_loop3A_493 : f32 to vector<16xf32>
        %parallel_loop3A_495 = arith.addf %parallel_loop3A_492, %parallel_loop3A_494 : vector<16xf32>
        %parallel_loop3A_496 = arith.mulf %parallel_loop3A_495, %parallel_loop3A_488 : vector<16xf32>
        %parallel_loop3A_497 = arith.constant 0.202216655 : f32
        %parallel_loop3A_498 = vector.broadcast %parallel_loop3A_497 : f32 to vector<16xf32>
        %parallel_loop3A_499 = arith.addf %parallel_loop3A_496, %parallel_loop3A_498 : vector<16xf32>
        %parallel_loop3A_500 = arith.mulf %parallel_loop3A_499, %parallel_loop3A_488 : vector<16xf32>
        %parallel_loop3A_501 = arith.constant -0.249578759 : f32
        %parallel_loop3A_502 = vector.broadcast %parallel_loop3A_501 : f32 to vector<16xf32>
        %parallel_loop3A_503 = arith.addf %parallel_loop3A_500, %parallel_loop3A_502 : vector<16xf32>
        %parallel_loop3A_504 = arith.mulf %parallel_loop3A_503, %parallel_loop3A_488 : vector<16xf32>
        %parallel_loop3A_505 = arith.constant 0.333308816 : f32
        %parallel_loop3A_506 = vector.broadcast %parallel_loop3A_505 : f32 to vector<16xf32>
        %parallel_loop3A_507 = arith.addf %parallel_loop3A_504, %parallel_loop3A_506 : vector<16xf32>
        %parallel_loop3A_508 = arith.mulf %parallel_loop3A_488, %parallel_loop3A_507 : vector<16xf32>
        %parallel_loop3A_509 = arith.constant 5.000000e-01 : f32
        %parallel_loop3A_510 = vector.broadcast %parallel_loop3A_509 : f32 to vector<16xf32>
        %parallel_loop3A_511 = arith.subf %parallel_loop3A_508, %parallel_loop3A_510 : vector<16xf32>
        %parallel_loop3A_512 = arith.mulf %parallel_loop3A_489, %parallel_loop3A_511 : vector<16xf32>
        %parallel_loop3A_513 = arith.addf %parallel_loop3A_488, %parallel_loop3A_512 : vector<16xf32>
        %parallel_loop3A_514 = vector.broadcast %reduce_sum3A_103 : f32 to vector<16xf32>
        %parallel_loop3A_515 = arith.mulf %parallel_loop3A_513, %parallel_loop3A_514 : vector<16xf32>
        %parallel_loop3A_516 = vector.broadcast %reduce_sum3A_153 : f32 to vector<16xf32>
        %parallel_loop3A_517 = arith.mulf %parallel_loop3A_485, %parallel_loop3A_516 : vector<16xf32>
        %parallel_loop3A_518 = arith.addf %parallel_loop3A_515, %parallel_loop3A_517 : vector<16xf32>
        %parallel_loop3A_519 = arith.constant 2 : i32
        %parallel_loop3A_520 = arith.index_cast %parallel_loop3A_519 : i32 to index
        %parallel_loop3A_521 = arith.index_cast %parallel_loop3A_418 : i32 to index
        %parallel_loop3A_522 = tpu.vector_load %arg6[%parallel_loop3A_520, %parallel_loop3A_521] {strides = array<i32>} : memref<5x2048xf32, #tpu.memory_space<vmem>>, vector<16xf32>,
        %parallel_loop3A_523 = vector.bitcast %parallel_loop3A_522 : vector<16xf32> to vector<16xi32>
        %parallel_loop3A_524 = arith.constant 1060439283 : i32
        %parallel_loop3A_525 = vector.broadcast %parallel_loop3A_524 : i32 to vector<16xi32>
        %parallel_loop3A_526 = arith.subi %parallel_loop3A_523, %parallel_loop3A_525 : vector<16xi32>
        %parallel_loop3A_527 = arith.constant 23 : i32
        %parallel_loop3A_528 = vector.broadcast %parallel_loop3A_527 : i32 to vector<16xi32>
        %parallel_loop3A_529 = arith.shrsi %parallel_loop3A_526, %parallel_loop3A_528 : vector<16xi32>
        %parallel_loop3A_530 = arith.constant 23 : i32
        %parallel_loop3A_531 = vector.broadcast %parallel_loop3A_530 : i32 to vector<16xi32>
        %parallel_loop3A_532 = arith.shli %parallel_loop3A_529, %parallel_loop3A_531 : vector<16xi32>
        %parallel_loop3A_533 = arith.subi %parallel_loop3A_523, %parallel_loop3A_532 : vector<16xi32>
        %parallel_loop3A_534 = vector.bitcast %parallel_loop3A_533 : vector<16xi32> to vector<16xf32>
        %parallel_loop3A_535 = arith.sitofp %parallel_loop3A_529 : vector<16xi32> to vector<16xf32>
        %parallel_loop3A_536 = arith.constant 1.000000e+00 : f32
        %parallel_loop3A_537 = vector.broadcast %parallel_loop3A_536 : f32 to vector<16xf32>
        %parallel_loop3A_538 = arith.subf %parallel_loop3A_534, %parallel_loop3A_537 : vector<16xf32>
        %parallel_loop3A_539 = arith.mulf %parallel_loop3A_538, %parallel_loop3A_538 : vector<16xf32>
        %parallel_loop3A_540 = arith.constant 0.126447335 : f32
        %parallel_loop3A_541 = vector.broadcast %parallel_loop3A_540 : f32 to vector<16xf32>
        %parallel_loop3A_542 = arith.mulf %parallel_loop3A_541, %parallel_loop3A_538 : vector<16xf32>
        %parallel_loop3A_543 = arith.constant -0.182568833 : f32
        %parallel_loop3A_544 = vector.broadcast %parallel_loop3A_543 : f32 to vector<16xf32>
        %parallel_loop3A_545 = arith.addf %parallel_loop3A_542, %parallel_loop3A_544 : vector<16xf32>
        %parallel_loop3A_546 = arith.mulf %parallel_loop3A_545, %parallel_loop3A_538 : vector<16xf32>
        %parallel_loop3A_547 = arith.constant 0.202216655 : f32
        %parallel_loop3A_548 = vector.broadcast %parallel_loop3A_547 : f32 to vector<16xf32>
        %parallel_loop3A_549 = arith.addf %parallel_loop3A_546, %parallel_loop3A_548 : vector<16xf32>
        %parallel_loop3A_550 = arith.mulf %parallel_loop3A_549, %parallel_loop3A_538 : vector<16xf32>
        %parallel_loop3A_551 = arith.constant -0.249578759 : f32
        %parallel_loop3A_552 = vector.broadcast %parallel_loop3A_551 : f32 to vector<16xf32>
        %parallel_loop3A_553 = arith.addf %parallel_loop3A_550, %parallel_loop3A_552 : vector<16xf32>
        %parallel_loop3A_554 = arith.mulf %parallel_loop3A_553, %parallel_loop3A_538 : vector<16xf32>
        %parallel_loop3A_555 = arith.constant 0.333308816 : f32
        %parallel_loop3A_556 = vector.broadcast %parallel_loop3A_555 : f32 to vector<16xf32>
        %parallel_loop3A_557 = arith.addf %parallel_loop3A_554, %parallel_loop3A_556 : vector<16xf32>
        %parallel_loop3A_558 = arith.mulf %parallel_loop3A_538, %parallel_loop3A_557 : vector<16xf32>
        %parallel_loop3A_559 = arith.constant 5.000000e-01 : f32
        %parallel_loop3A_560 = vector.broadcast %parallel_loop3A_559 : f32 to vector<16xf32>
        %parallel_loop3A_561 = arith.subf %parallel_loop3A_558, %parallel_loop3A_560 : vector<16xf32>
        %parallel_loop3A_562 = arith.mulf %parallel_loop3A_539, %parallel_loop3A_561 : vector<16xf32>
        %parallel_loop3A_563 = arith.addf %parallel_loop3A_538, %parallel_loop3A_562 : vector<16xf32>
        %parallel_loop3A_564 = vector.broadcast %reduce_sum3A_113 : f32 to vector<16xf32>
        %parallel_loop3A_565 = arith.mulf %parallel_loop3A_563, %parallel_loop3A_564 : vector<16xf32>
        %parallel_loop3A_566 = vector.broadcast %reduce_sum3A_163 : f32 to vector<16xf32>
        %parallel_loop3A_567 = arith.mulf %parallel_loop3A_535, %parallel_loop3A_566 : vector<16xf32>
        %parallel_loop3A_568 = arith.addf %parallel_loop3A_565, %parallel_loop3A_567 : vector<16xf32>
        %parallel_loop3A_569 = arith.constant 3 : i32
        %parallel_loop3A_570 = arith.index_cast %parallel_loop3A_569 : i32 to index
        %parallel_loop3A_571 = arith.index_cast %parallel_loop3A_418 : i32 to index
        %parallel_loop3A_572 = tpu.vector_load %arg6[%parallel_loop3A_570, %parallel_loop3A_571] {strides = array<i32>} : memref<5x2048xf32, #tpu.memory_space<vmem>>, vector<16xf32>,
        %parallel_loop3A_573 = vector.bitcast %parallel_loop3A_572 : vector<16xf32> to vector<16xi32>
        %parallel_loop3A_574 = arith.constant 1060439283 : i32
        %parallel_loop3A_575 = vector.broadcast %parallel_loop3A_574 : i32 to vector<16xi32>
        %parallel_loop3A_576 = arith.subi %parallel_loop3A_573, %parallel_loop3A_575 : vector<16xi32>
        %parallel_loop3A_577 = arith.constant 23 : i32
        %parallel_loop3A_578 = vector.broadcast %parallel_loop3A_577 : i32 to vector<16xi32>
        %parallel_loop3A_579 = arith.shrsi %parallel_loop3A_576, %parallel_loop3A_578 : vector<16xi32>
        %parallel_loop3A_580 = arith.constant 23 : i32
        %parallel_loop3A_581 = vector.broadcast %parallel_loop3A_580 : i32 to vector<16xi32>
        %parallel_loop3A_582 = arith.shli %parallel_loop3A_579, %parallel_loop3A_581 : vector<16xi32>
        %parallel_loop3A_583 = arith.subi %parallel_loop3A_573, %parallel_loop3A_582 : vector<16xi32>
        %parallel_loop3A_584 = vector.bitcast %parallel_loop3A_583 : vector<16xi32> to vector<16xf32>
        %parallel_loop3A_585 = arith.sitofp %parallel_loop3A_579 : vector<16xi32> to vector<16xf32>
        %parallel_loop3A_586 = arith.constant 1.000000e+00 : f32
        %parallel_loop3A_587 = vector.broadcast %parallel_loop3A_586 : f32 to vector<16xf32>
        %parallel_loop3A_588 = arith.subf %parallel_loop3A_584, %parallel_loop3A_587 : vector<16xf32>
        %parallel_loop3A_589 = arith.mulf %parallel_loop3A_588, %parallel_loop3A_588 : vector<16xf32>
        %parallel_loop3A_590 = arith.constant 0.126447335 : f32
        %parallel_loop3A_591 = vector.broadcast %parallel_loop3A_590 : f32 to vector<16xf32>
        %parallel_loop3A_592 = arith.mulf %parallel_loop3A_591, %parallel_loop3A_588 : vector<16xf32>
        %parallel_loop3A_593 = arith.constant -0.182568833 : f32
        %parallel_loop3A_594 = vector.broadcast %parallel_loop3A_593 : f32 to vector<16xf32>
        %parallel_loop3A_595 = arith.addf %parallel_loop3A_592, %parallel_loop3A_594 : vector<16xf32>
        %parallel_loop3A_596 = arith.mulf %parallel_loop3A_595, %parallel_loop3A_588 : vector<16xf32>
        %parallel_loop3A_597 = arith.constant 0.202216655 : f32
        %parallel_loop3A_598 = vector.broadcast %parallel_loop3A_597 : f32 to vector<16xf32>
        %parallel_loop3A_599 = arith.addf %parallel_loop3A_596, %parallel_loop3A_598 : vector<16xf32>
        %parallel_loop3A_600 = arith.mulf %parallel_loop3A_599, %parallel_loop3A_588 : vector<16xf32>
        %parallel_loop3A_601 = arith.constant -0.249578759 : f32
        %parallel_loop3A_602 = vector.broadcast %parallel_loop3A_601 : f32 to vector<16xf32>
        %parallel_loop3A_603 = arith.addf %parallel_loop3A_600, %parallel_loop3A_602 : vector<16xf32>
        %parallel_loop3A_604 = arith.mulf %parallel_loop3A_603, %parallel_loop3A_588 : vector<16xf32>
        %parallel_loop3A_605 = arith.constant 0.333308816 : f32
        %parallel_loop3A_606 = vector.broadcast %parallel_loop3A_605 : f32 to vector<16xf32>
        %parallel_loop3A_607 = arith.addf %parallel_loop3A_604, %parallel_loop3A_606 : vector<16xf32>
        %parallel_loop3A_608 = arith.mulf %parallel_loop3A_588, %parallel_loop3A_607 : vector<16xf32>
        %parallel_loop3A_609 = arith.constant 5.000000e-01 : f32
        %parallel_loop3A_610 = vector.broadcast %parallel_loop3A_609 : f32 to vector<16xf32>
        %parallel_loop3A_611 = arith.subf %parallel_loop3A_608, %parallel_loop3A_610 : vector<16xf32>
        %parallel_loop3A_612 = arith.mulf %parallel_loop3A_589, %parallel_loop3A_611 : vector<16xf32>
        %parallel_loop3A_613 = arith.addf %parallel_loop3A_588, %parallel_loop3A_612 : vector<16xf32>
        %parallel_loop3A_614 = vector.broadcast %reduce_sum3A_123 : f32 to vector<16xf32>
        %parallel_loop3A_615 = arith.mulf %parallel_loop3A_613, %parallel_loop3A_614 : vector<16xf32>
        %parallel_loop3A_616 = vector.broadcast %reduce_sum3A_173 : f32 to vector<16xf32>
        %parallel_loop3A_617 = arith.mulf %parallel_loop3A_585, %parallel_loop3A_616 : vector<16xf32>
        %parallel_loop3A_618 = arith.addf %parallel_loop3A_615, %parallel_loop3A_617 : vector<16xf32>
        %parallel_loop3A_619 = arith.constant 4 : i32
        %parallel_loop3A_620 = arith.index_cast %parallel_loop3A_619 : i32 to index
        %parallel_loop3A_621 = arith.index_cast %parallel_loop3A_418 : i32 to index
        %parallel_loop3A_622 = tpu.vector_load %arg6[%parallel_loop3A_620, %parallel_loop3A_621] {strides = array<i32>} : memref<5x2048xf32, #tpu.memory_space<vmem>>, vector<16xf32>,
        %parallel_loop3A_623 = vector.bitcast %parallel_loop3A_622 : vector<16xf32> to vector<16xi32>
        %parallel_loop3A_624 = arith.constant 1060439283 : i32
        %parallel_loop3A_625 = vector.broadcast %parallel_loop3A_624 : i32 to vector<16xi32>
        %parallel_loop3A_626 = arith.subi %parallel_loop3A_623, %parallel_loop3A_625 : vector<16xi32>
        %parallel_loop3A_627 = arith.constant 23 : i32
        %parallel_loop3A_628 = vector.broadcast %parallel_loop3A_627 : i32 to vector<16xi32>
        %parallel_loop3A_629 = arith.shrsi %parallel_loop3A_626, %parallel_loop3A_628 : vector<16xi32>
        %parallel_loop3A_630 = arith.constant 23 : i32
        %parallel_loop3A_631 = vector.broadcast %parallel_loop3A_630 : i32 to vector<16xi32>
        %parallel_loop3A_632 = arith.shli %parallel_loop3A_629, %parallel_loop3A_631 : vector<16xi32>
        %parallel_loop3A_633 = arith.subi %parallel_loop3A_623, %parallel_loop3A_632 : vector<16xi32>
        %parallel_loop3A_634 = vector.bitcast %parallel_loop3A_633 : vector<16xi32> to vector<16xf32>
        %parallel_loop3A_635 = arith.sitofp %parallel_loop3A_629 : vector<16xi32> to vector<16xf32>
        %parallel_loop3A_636 = arith.constant 1.000000e+00 : f32
        %parallel_loop3A_637 = vector.broadcast %parallel_loop3A_636 : f32 to vector<16xf32>
        %parallel_loop3A_638 = arith.subf %parallel_loop3A_634, %parallel_loop3A_637 : vector<16xf32>
        %parallel_loop3A_639 = arith.mulf %parallel_loop3A_638, %parallel_loop3A_638 : vector<16xf32>
        %parallel_loop3A_640 = arith.constant 0.126447335 : f32
        %parallel_loop3A_641 = vector.broadcast %parallel_loop3A_640 : f32 to vector<16xf32>
        %parallel_loop3A_642 = arith.mulf %parallel_loop3A_641, %parallel_loop3A_638 : vector<16xf32>
        %parallel_loop3A_643 = arith.constant -0.182568833 : f32
        %parallel_loop3A_644 = vector.broadcast %parallel_loop3A_643 : f32 to vector<16xf32>
        %parallel_loop3A_645 = arith.addf %parallel_loop3A_642, %parallel_loop3A_644 : vector<16xf32>
        %parallel_loop3A_646 = arith.mulf %parallel_loop3A_645, %parallel_loop3A_638 : vector<16xf32>
        %parallel_loop3A_647 = arith.constant 0.202216655 : f32
        %parallel_loop3A_648 = vector.broadcast %parallel_loop3A_647 : f32 to vector<16xf32>
        %parallel_loop3A_649 = arith.addf %parallel_loop3A_646, %parallel_loop3A_648 : vector<16xf32>
        %parallel_loop3A_650 = arith.mulf %parallel_loop3A_649, %parallel_loop3A_638 : vector<16xf32>
        %parallel_loop3A_651 = arith.constant -0.249578759 : f32
        %parallel_loop3A_652 = vector.broadcast %parallel_loop3A_651 : f32 to vector<16xf32>
        %parallel_loop3A_653 = arith.addf %parallel_loop3A_650, %parallel_loop3A_652 : vector<16xf32>
        %parallel_loop3A_654 = arith.mulf %parallel_loop3A_653, %parallel_loop3A_638 : vector<16xf32>
        %parallel_loop3A_655 = arith.constant 0.333308816 : f32
        %parallel_loop3A_656 = vector.broadcast %parallel_loop3A_655 : f32 to vector<16xf32>
        %parallel_loop3A_657 = arith.addf %parallel_loop3A_654, %parallel_loop3A_656 : vector<16xf32>
        %parallel_loop3A_658 = arith.mulf %parallel_loop3A_638, %parallel_loop3A_657 : vector<16xf32>
        %parallel_loop3A_659 = arith.constant 5.000000e-01 : f32
        %parallel_loop3A_660 = vector.broadcast %parallel_loop3A_659 : f32 to vector<16xf32>
        %parallel_loop3A_661 = arith.subf %parallel_loop3A_658, %parallel_loop3A_660 : vector<16xf32>
        %parallel_loop3A_662 = arith.mulf %parallel_loop3A_639, %parallel_loop3A_661 : vector<16xf32>
        %parallel_loop3A_663 = arith.addf %parallel_loop3A_638, %parallel_loop3A_662 : vector<16xf32>
        %parallel_loop3A_664 = vector.broadcast %reduce_sum3A_133 : f32 to vector<16xf32>
        %parallel_loop3A_665 = arith.mulf %parallel_loop3A_663, %parallel_loop3A_664 : vector<16xf32>
        %parallel_loop3A_666 = vector.broadcast %reduce_sum3A_183 : f32 to vector<16xf32>
        %parallel_loop3A_667 = arith.mulf %parallel_loop3A_635, %parallel_loop3A_666 : vector<16xf32>
        %parallel_loop3A_668 = arith.addf %parallel_loop3A_665, %parallel_loop3A_667 : vector<16xf32>
        %parallel_loop3A_669 = arith.cmpf olt, %parallel_loop3A_518, %parallel_loop3A_468 : vector<16xf32>
        %parallel_loop3A_670 = arith.select %parallel_loop3A_669, %parallel_loop3A_518, %parallel_loop3A_468 : vector<16xi1>, vector<16xf32>
        %parallel_loop3A_671 = arith.select %parallel_loop3A_669, %broadcast_in_dim3A_237, %broadcast_in_dim3A_235 : vector<16xi1>, vector<16xf32>
        %parallel_loop3A_672 = vector.broadcast %reduce_sum3A_203 : f32 to vector<16xf32>
        %parallel_loop3A_673 = vector.broadcast %reduce_sum3A_193 : f32 to vector<16xf32>
        %parallel_loop3A_674 = arith.select %parallel_loop3A_669, %parallel_loop3A_672, %parallel_loop3A_673 : vector<16xi1>, vector<16xf32>
        %parallel_loop3A_675 = arith.cmpf olt, %parallel_loop3A_618, %parallel_loop3A_568 : vector<16xf32>
        %parallel_loop3A_676 = arith.select %parallel_loop3A_675, %parallel_loop3A_618, %parallel_loop3A_568 : vector<16xi1>, vector<16xf32>
        %parallel_loop3A_677 = arith.select %parallel_loop3A_675, %broadcast_in_dim3A_241, %broadcast_in_dim3A_239 : vector<16xi1>, vector<16xf32>
        %parallel_loop3A_678 = vector.broadcast %reduce_sum3A_223 : f32 to vector<16xf32>
        %parallel_loop3A_679 = vector.broadcast %reduce_sum3A_213 : f32 to vector<16xf32>
        %parallel_loop3A_680 = arith.select %parallel_loop3A_675, %parallel_loop3A_678, %parallel_loop3A_679 : vector<16xi1>, vector<16xf32>
        %parallel_loop3A_681 = arith.cmpf olt, %parallel_loop3A_676, %parallel_loop3A_670 : vector<16xf32>
        %parallel_loop3A_682 = arith.select %parallel_loop3A_681, %parallel_loop3A_676, %parallel_loop3A_670 : vector<16xi1>, vector<16xf32>
        %parallel_loop3A_683 = arith.select %parallel_loop3A_681, %parallel_loop3A_677, %parallel_loop3A_671 : vector<16xi1>, vector<16xf32>
        %parallel_loop3A_684 = arith.select %parallel_loop3A_681, %parallel_loop3A_680, %parallel_loop3A_674 : vector<16xi1>, vector<16xf32>
        %parallel_loop3A_685 = arith.cmpf olt, %parallel_loop3A_668, %parallel_loop3A_682 : vector<16xf32>
        %parallel_loop3A_686 = arith.select %parallel_loop3A_685, %broadcast_in_dim3A_243, %parallel_loop3A_683 : vector<16xi1>, vector<16xf32>
        %parallel_loop3A_687 = vector.broadcast %reduce_sum3A_233 : f32 to vector<16xf32>
        %parallel_loop3A_688 = arith.select %parallel_loop3A_685, %parallel_loop3A_687, %parallel_loop3A_684 : vector<16xi1>, vector<16xf32>
        %parallel_loop3A_689 = arith.constant 0 : i32
        %parallel_loop3A_690 = arith.index_cast %parallel_loop3A_689 : i32 to index
        %parallel_loop3A_691 = arith.index_cast %parallel_loop3A_418 : i32 to index
        %parallel_loop3A_692 = tpu.vector_load %arg8[%parallel_loop3A_690, %parallel_loop3A_691] {strides = array<i32>} : memref<5x2048xf32, #tpu.memory_space<vmem>>, vector<16xf32>,
        %parallel_loop3A_693 = arith.addf %parallel_loop3A_686, %parallel_loop3A_692 : vector<16xf32>
        %parallel_loop3A_694 = arith.constant 0 : i32
        %parallel_loop3A_695 = arith.index_cast %parallel_loop3A_694 : i32 to index
        %parallel_loop3A_696 = arith.index_cast %parallel_loop3A_418 : i32 to index
        %parallel_loop3A_697 = tpu.vector_load %arg10[%parallel_loop3A_695, %parallel_loop3A_696] {strides = array<i32>} : memref<6x2048xf32, #tpu.memory_space<vmem>>, vector<16xf32>,
        tpu.vector_store %arg10[%parallel_loop3A_695, %parallel_loop3A_696], %parallel_loop3A_693 {strides = array<i32>} : memref<6x2048xf32, #tpu.memory_space<vmem>>, vector<16xf32>,
        %parallel_loop3A_698 = arith.mulf %parallel_loop3A_692, %parallel_loop3A_692 : vector<16xf32>
        %parallel_loop3A_699 = arith.constant 1 : i32
        %parallel_loop3A_700 = arith.index_cast %parallel_loop3A_699 : i32 to index
        %parallel_loop3A_701 = arith.index_cast %parallel_loop3A_418 : i32 to index
        %parallel_loop3A_702 = tpu.vector_load %arg8[%parallel_loop3A_700, %parallel_loop3A_701] {strides = array<i32>} : memref<5x2048xf32, #tpu.memory_space<vmem>>, vector<16xf32>,
        %parallel_loop3A_703 = arith.addf %parallel_loop3A_686, %parallel_loop3A_702 : vector<16xf32>
        %parallel_loop3A_704 = arith.constant 1 : i32
        %parallel_loop3A_705 = arith.index_cast %parallel_loop3A_704 : i32 to index
        %parallel_loop3A_706 = arith.index_cast %parallel_loop3A_418 : i32 to index
        %parallel_loop3A_707 = tpu.vector_load %arg10[%parallel_loop3A_705, %parallel_loop3A_706] {strides = array<i32>} : memref<6x2048xf32, #tpu.memory_space<vmem>>, vector<16xf32>,
        tpu.vector_store %arg10[%parallel_loop3A_705, %parallel_loop3A_706], %parallel_loop3A_703 {strides = array<i32>} : memref<6x2048xf32, #tpu.memory_space<vmem>>, vector<16xf32>,
        %parallel_loop3A_708 = arith.mulf %parallel_loop3A_702, %parallel_loop3A_702 : vector<16xf32>
        %parallel_loop3A_709 = arith.addf %parallel_loop3A_698, %parallel_loop3A_708 : vector<16xf32>
        %parallel_loop3A_710 = arith.constant 2 : i32
        %parallel_loop3A_711 = arith.index_cast %parallel_loop3A_710 : i32 to index
        %parallel_loop3A_712 = arith.index_cast %parallel_loop3A_418 : i32 to index
        %parallel_loop3A_713 = tpu.vector_load %arg8[%parallel_loop3A_711, %parallel_loop3A_712] {strides = array<i32>} : memref<5x2048xf32, #tpu.memory_space<vmem>>, vector<16xf32>,
        %parallel_loop3A_714 = arith.addf %parallel_loop3A_686, %parallel_loop3A_713 : vector<16xf32>
        %parallel_loop3A_715 = arith.constant 2 : i32
        %parallel_loop3A_716 = arith.index_cast %parallel_loop3A_715 : i32 to index
        %parallel_loop3A_717 = arith.index_cast %parallel_loop3A_418 : i32 to index
        %parallel_loop3A_718 = tpu.vector_load %arg10[%parallel_loop3A_716, %parallel_loop3A_717] {strides = array<i32>} : memref<6x2048xf32, #tpu.memory_space<vmem>>, vector<16xf32>,
        tpu.vector_store %arg10[%parallel_loop3A_716, %parallel_loop3A_717], %parallel_loop3A_714 {strides = array<i32>} : memref<6x2048xf32, #tpu.memory_space<vmem>>, vector<16xf32>,
        %parallel_loop3A_719 = arith.mulf %parallel_loop3A_713, %parallel_loop3A_713 : vector<16xf32>
        %parallel_loop3A_720 = arith.addf %parallel_loop3A_709, %parallel_loop3A_719 : vector<16xf32>
        %parallel_loop3A_721 = arith.constant 3 : i32
        %parallel_loop3A_722 = arith.index_cast %parallel_loop3A_721 : i32 to index
        %parallel_loop3A_723 = arith.index_cast %parallel_loop3A_418 : i32 to index
        %parallel_loop3A_724 = tpu.vector_load %arg8[%parallel_loop3A_722, %parallel_loop3A_723] {strides = array<i32>} : memref<5x2048xf32, #tpu.memory_space<vmem>>, vector<16xf32>,
        %parallel_loop3A_725 = arith.addf %parallel_loop3A_686, %parallel_loop3A_724 : vector<16xf32>
        %parallel_loop3A_726 = arith.constant 3 : i32
        %parallel_loop3A_727 = arith.index_cast %parallel_loop3A_726 : i32 to index
        %parallel_loop3A_728 = arith.index_cast %parallel_loop3A_418 : i32 to index
        %parallel_loop3A_729 = tpu.vector_load %arg10[%parallel_loop3A_727, %parallel_loop3A_728] {strides = array<i32>} : memref<6x2048xf32, #tpu.memory_space<vmem>>, vector<16xf32>,
        tpu.vector_store %arg10[%parallel_loop3A_727, %parallel_loop3A_728], %parallel_loop3A_725 {strides = array<i32>} : memref<6x2048xf32, #tpu.memory_space<vmem>>, vector<16xf32>,
        %parallel_loop3A_730 = arith.mulf %parallel_loop3A_724, %parallel_loop3A_724 : vector<16xf32>
        %parallel_loop3A_731 = arith.addf %parallel_loop3A_720, %parallel_loop3A_730 : vector<16xf32>
        %parallel_loop3A_732 = arith.constant 4 : i32
        %parallel_loop3A_733 = arith.index_cast %parallel_loop3A_732 : i32 to index
        %parallel_loop3A_734 = arith.index_cast %parallel_loop3A_418 : i32 to index
        %parallel_loop3A_735 = tpu.vector_load %arg8[%parallel_loop3A_733, %parallel_loop3A_734] {strides = array<i32>} : memref<5x2048xf32, #tpu.memory_space<vmem>>, vector<16xf32>,
        %parallel_loop3A_736 = arith.addf %parallel_loop3A_686, %parallel_loop3A_735 : vector<16xf32>
        %parallel_loop3A_737 = arith.constant 4 : i32
        %parallel_loop3A_738 = arith.index_cast %parallel_loop3A_737 : i32 to index
        %parallel_loop3A_739 = arith.index_cast %parallel_loop3A_418 : i32 to index
        %parallel_loop3A_740 = tpu.vector_load %arg10[%parallel_loop3A_738, %parallel_loop3A_739] {strides = array<i32>} : memref<6x2048xf32, #tpu.memory_space<vmem>>, vector<16xf32>,
        tpu.vector_store %arg10[%parallel_loop3A_738, %parallel_loop3A_739], %parallel_loop3A_736 {strides = array<i32>} : memref<6x2048xf32, #tpu.memory_space<vmem>>, vector<16xf32>,
        %parallel_loop3A_741 = arith.mulf %parallel_loop3A_735, %parallel_loop3A_735 : vector<16xf32>
        %parallel_loop3A_742 = arith.addf %parallel_loop3A_731, %parallel_loop3A_741 : vector<16xf32>
        %parallel_loop3A_743 = arith.constant 5.000000e-01 : f32
        %parallel_loop3A_744 = vector.broadcast %parallel_loop3A_743 : f32 to vector<16xf32>
        %parallel_loop3A_745 = arith.mulf %parallel_loop3A_744, %parallel_loop3A_742 : vector<16xf32>
        %parallel_loop3A_746 = arith.subf %parallel_loop3A_688, %parallel_loop3A_745 : vector<16xf32>
        %parallel_loop3A_747 = arith.constant 5 : i32
        %parallel_loop3A_748 = arith.index_cast %parallel_loop3A_747 : i32 to index
        %parallel_loop3A_749 = arith.index_cast %parallel_loop3A_418 : i32 to index
        %parallel_loop3A_750 = tpu.vector_load %arg10[%parallel_loop3A_748, %parallel_loop3A_749] {strides = array<i32>} : memref<6x2048xf32, #tpu.memory_space<vmem>>, vector<16xf32>,
        tpu.vector_store %arg10[%parallel_loop3A_748, %parallel_loop3A_749], %parallel_loop3A_746 {strides = array<i32>} : memref<6x2048xf32, #tpu.memory_space<vmem>>, vector<16xf32>,
      } {sc.loop_unroll_factor = 8 : i64, sc.parallel_access}
      %mul3A_355 = arith.constant 2048 : i32
      %mul3A_356 = arith.muli %mul3A_336, %mul3A_355 : i32
      %add3A_357 = arith.addi %mul3A_2, %mul3A_356 : i32
      %dma_start3A_358 = arith.constant 0 : i32
      %dma_start3A_359 = tpu.memref_slice %arg5[%dma_start3A_358, %add3A_357] : memref<6x1048576xf32, #tpu.memory_space<hbm>> -> memref<6x2048xf32, #tpu.memory_space<hbm>>
      %dma_start3A_360 = arith.constant 0 : i32
      %dma_start3A_361 = tpu.memref_slice %arg5[%dma_start3A_360, %add3A_357] : memref<6x1048576xf32, #tpu.memory_space<hbm>> -> memref<6x2048xf32, #tpu.memory_space<hbm>>
      tpu.enqueue_dma source(%arg10 : memref<6x2048xf32, #tpu.memory_space<vmem>>) target(%dma_start3A_361 : memref<6x2048xf32, #tpu.memory_space<hbm>>) target_semaphore(%arg15 : memref<!tpu.dma_semaphore, #tpu.memory_space<semaphore_mem>>)
      %add3A_362 = arith.constant 2 : i32
      %add3A_363 = arith.addi %mul3A_336, %add3A_362 : i32
      %mul3A_364 = arith.constant 2048 : i32
      %mul3A_365 = arith.muli %add3A_363, %mul3A_364 : i32
      %add3A_366 = arith.addi %mul3A_2, %mul3A_365 : i32
      %dma_start3A_367 = arith.constant 0 : i32
      %dma_start3A_368 = tpu.memref_slice %arg2[%dma_start3A_367, %add3A_366] : memref<5x1048576xf32, #tpu.memory_space<hbm>> -> memref<5x2048xf32, #tpu.memory_space<hbm>>
      %dma_start3A_369 = arith.constant 0 : i32
      %dma_start3A_370 = tpu.memref_slice %arg2[%dma_start3A_369, %add3A_366] : memref<5x1048576xf32, #tpu.memory_space<hbm>> -> memref<5x2048xf32, #tpu.memory_space<hbm>>
      tpu.enqueue_dma source(%dma_start3A_370 : memref<5x2048xf32, #tpu.memory_space<hbm>>) target(%arg6 : memref<5x2048xf32, #tpu.memory_space<vmem>>) target_semaphore(%arg13 : memref<!tpu.dma_semaphore, #tpu.memory_space<semaphore_mem>>)
      %dma_start3A_371 = arith.constant 0 : i32
      %dma_start3A_372 = tpu.memref_slice %arg3[%dma_start3A_371, %add3A_366] : memref<5x1048576xf32, #tpu.memory_space<hbm>> -> memref<5x2048xf32, #tpu.memory_space<hbm>>
      %dma_start3A_373 = arith.constant 0 : i32
      %dma_start3A_374 = tpu.memref_slice %arg3[%dma_start3A_373, %add3A_366] : memref<5x1048576xf32, #tpu.memory_space<hbm>> -> memref<5x2048xf32, #tpu.memory_space<hbm>>
      tpu.enqueue_dma source(%dma_start3A_374 : memref<5x2048xf32, #tpu.memory_space<hbm>>) target(%arg8 : memref<5x2048xf32, #tpu.memory_space<vmem>>) target_semaphore(%arg13 : memref<!tpu.dma_semaphore, #tpu.memory_space<semaphore_mem>>)
      %dma_wait3A_375 = arith.constant 0 : i32
      %dma_wait3A_376 = arith.constant 0 : i32
      %dma_wait3A_377 = tpu.memref_slice %arg2[%dma_wait3A_375, %dma_wait3A_376] : memref<5x1048576xf32, #tpu.memory_space<hbm>> -> memref<5x2048xf32, #tpu.memory_space<hbm>>
      %dma_wait3A_378 = arith.constant 0 : i32
      %dma_wait3A_379 = arith.constant 0 : i32
      %dma_wait3A_380 = tpu.memref_slice %arg2[%dma_wait3A_378, %dma_wait3A_379] : memref<5x1048576xf32, #tpu.memory_space<hbm>> -> memref<5x2048xf32, #tpu.memory_space<hbm>>
      tpu.wait_dma2 semaphore(%arg14 : memref<!tpu.dma_semaphore, #tpu.memory_space<semaphore_mem>>) src(%dma_wait3A_380 : memref<5x2048xf32, #tpu.memory_space<hbm>>) dst(%arg7 : memref<5x2048xf32, #tpu.memory_space<vmem>>)
      %dma_wait3A_381 = arith.constant 0 : i32
      %dma_wait3A_382 = arith.constant 0 : i32
      %dma_wait3A_383 = tpu.memref_slice %arg3[%dma_wait3A_381, %dma_wait3A_382] : memref<5x1048576xf32, #tpu.memory_space<hbm>> -> memref<5x2048xf32, #tpu.memory_space<hbm>>
      %dma_wait3A_384 = arith.constant 0 : i32
      %dma_wait3A_385 = arith.constant 0 : i32
      %dma_wait3A_386 = tpu.memref_slice %arg3[%dma_wait3A_384, %dma_wait3A_385] : memref<5x1048576xf32, #tpu.memory_space<hbm>> -> memref<5x2048xf32, #tpu.memory_space<hbm>>
      tpu.wait_dma2 semaphore(%arg14 : memref<!tpu.dma_semaphore, #tpu.memory_space<semaphore_mem>>) src(%dma_wait3A_386 : memref<5x2048xf32, #tpu.memory_space<hbm>>) dst(%arg9 : memref<5x2048xf32, #tpu.memory_space<vmem>>)
      %gt3A_387 = arith.constant 0 : i32
      %gt3A_388 = arith.cmpi sgt, %scan3A_333, %gt3A_387 : i32
      %convert_element_type3A_389 = arith.extui %gt3A_388 : i1 to i32
      %cond3A_390 = arith.constant 0 : i32
      %cond3A_391 = arith.cmpi ne, %convert_element_type3A_389, %cond3A_390 : i32
      scf.if %cond3A_391 {
        %dma_wait3A_418 = arith.constant 0 : i32
        %dma_wait3A_419 = arith.constant 0 : i32
        %dma_wait3A_420 = tpu.memref_slice %arg5[%dma_wait3A_418, %dma_wait3A_419] : memref<6x1048576xf32, #tpu.memory_space<hbm>> -> memref<6x2048xf32, #tpu.memory_space<hbm>>
        %dma_wait3A_421 = arith.constant 0 : i32
        %dma_wait3A_422 = arith.constant 0 : i32
        %dma_wait3A_423 = tpu.memref_slice %arg5[%dma_wait3A_421, %dma_wait3A_422] : memref<6x1048576xf32, #tpu.memory_space<hbm>> -> memref<6x2048xf32, #tpu.memory_space<hbm>>
        tpu.wait_dma2 semaphore(%arg16 : memref<!tpu.dma_semaphore, #tpu.memory_space<semaphore_mem>>) src(%arg11 : memref<6x2048xf32, #tpu.memory_space<vmem>>) dst(%dma_wait3A_423 : memref<6x2048xf32, #tpu.memory_space<hbm>>)
      } else {
      }
      %parallel_loop3A_392 = arith.constant 0 : i32
      %parallel_loop3A_393 = arith.constant 2048 : i32
      %parallel_loop3A_394 = arith.constant 16 : i32
      scf.for %parallel_loop3A_418 = %parallel_loop3A_392 to %parallel_loop3A_393 step %parallel_loop3A_394  : i32 {
        %parallel_loop3A_419 = arith.constant 0 : i32
        %parallel_loop3A_420 = arith.index_cast %parallel_loop3A_419 : i32 to index
        %parallel_loop3A_421 = arith.index_cast %parallel_loop3A_418 : i32 to index
        %parallel_loop3A_422 = tpu.vector_load %arg7[%parallel_loop3A_420, %parallel_loop3A_421] {strides = array<i32>} : memref<5x2048xf32, #tpu.memory_space<vmem>>, vector<16xf32>,
        %parallel_loop3A_423 = vector.bitcast %parallel_loop3A_422 : vector<16xf32> to vector<16xi32>
        %parallel_loop3A_424 = arith.constant 1060439283 : i32
        %parallel_loop3A_425 = vector.broadcast %parallel_loop3A_424 : i32 to vector<16xi32>
        %parallel_loop3A_426 = arith.subi %parallel_loop3A_423, %parallel_loop3A_425 : vector<16xi32>
        %parallel_loop3A_427 = arith.constant 23 : i32
        %parallel_loop3A_428 = vector.broadcast %parallel_loop3A_427 : i32 to vector<16xi32>
        %parallel_loop3A_429 = arith.shrsi %parallel_loop3A_426, %parallel_loop3A_428 : vector<16xi32>
        %parallel_loop3A_430 = arith.constant 23 : i32
        %parallel_loop3A_431 = vector.broadcast %parallel_loop3A_430 : i32 to vector<16xi32>
        %parallel_loop3A_432 = arith.shli %parallel_loop3A_429, %parallel_loop3A_431 : vector<16xi32>
        %parallel_loop3A_433 = arith.subi %parallel_loop3A_423, %parallel_loop3A_432 : vector<16xi32>
        %parallel_loop3A_434 = vector.bitcast %parallel_loop3A_433 : vector<16xi32> to vector<16xf32>
        %parallel_loop3A_435 = arith.sitofp %parallel_loop3A_429 : vector<16xi32> to vector<16xf32>
        %parallel_loop3A_436 = arith.constant 1.000000e+00 : f32
        %parallel_loop3A_437 = vector.broadcast %parallel_loop3A_436 : f32 to vector<16xf32>
        %parallel_loop3A_438 = arith.subf %parallel_loop3A_434, %parallel_loop3A_437 : vector<16xf32>
        %parallel_loop3A_439 = arith.mulf %parallel_loop3A_438, %parallel_loop3A_438 : vector<16xf32>
        %parallel_loop3A_440 = arith.constant 0.126447335 : f32
        %parallel_loop3A_441 = vector.broadcast %parallel_loop3A_440 : f32 to vector<16xf32>
        %parallel_loop3A_442 = arith.mulf %parallel_loop3A_441, %parallel_loop3A_438 : vector<16xf32>
        %parallel_loop3A_443 = arith.constant -0.182568833 : f32
        %parallel_loop3A_444 = vector.broadcast %parallel_loop3A_443 : f32 to vector<16xf32>
        %parallel_loop3A_445 = arith.addf %parallel_loop3A_442, %parallel_loop3A_444 : vector<16xf32>
        %parallel_loop3A_446 = arith.mulf %parallel_loop3A_445, %parallel_loop3A_438 : vector<16xf32>
        %parallel_loop3A_447 = arith.constant 0.202216655 : f32
        %parallel_loop3A_448 = vector.broadcast %parallel_loop3A_447 : f32 to vector<16xf32>
        %parallel_loop3A_449 = arith.addf %parallel_loop3A_446, %parallel_loop3A_448 : vector<16xf32>
        %parallel_loop3A_450 = arith.mulf %parallel_loop3A_449, %parallel_loop3A_438 : vector<16xf32>
        %parallel_loop3A_451 = arith.constant -0.249578759 : f32
        %parallel_loop3A_452 = vector.broadcast %parallel_loop3A_451 : f32 to vector<16xf32>
        %parallel_loop3A_453 = arith.addf %parallel_loop3A_450, %parallel_loop3A_452 : vector<16xf32>
        %parallel_loop3A_454 = arith.mulf %parallel_loop3A_453, %parallel_loop3A_438 : vector<16xf32>
        %parallel_loop3A_455 = arith.constant 0.333308816 : f32
        %parallel_loop3A_456 = vector.broadcast %parallel_loop3A_455 : f32 to vector<16xf32>
        %parallel_loop3A_457 = arith.addf %parallel_loop3A_454, %parallel_loop3A_456 : vector<16xf32>
        %parallel_loop3A_458 = arith.mulf %parallel_loop3A_438, %parallel_loop3A_457 : vector<16xf32>
        %parallel_loop3A_459 = arith.constant 5.000000e-01 : f32
        %parallel_loop3A_460 = vector.broadcast %parallel_loop3A_459 : f32 to vector<16xf32>
        %parallel_loop3A_461 = arith.subf %parallel_loop3A_458, %parallel_loop3A_460 : vector<16xf32>
        %parallel_loop3A_462 = arith.mulf %parallel_loop3A_439, %parallel_loop3A_461 : vector<16xf32>
        %parallel_loop3A_463 = arith.addf %parallel_loop3A_438, %parallel_loop3A_462 : vector<16xf32>
        %parallel_loop3A_464 = vector.broadcast %reduce_sum3A_93 : f32 to vector<16xf32>
        %parallel_loop3A_465 = arith.mulf %parallel_loop3A_463, %parallel_loop3A_464 : vector<16xf32>
        %parallel_loop3A_466 = vector.broadcast %reduce_sum3A_143 : f32 to vector<16xf32>
        %parallel_loop3A_467 = arith.mulf %parallel_loop3A_435, %parallel_loop3A_466 : vector<16xf32>
        %parallel_loop3A_468 = arith.addf %parallel_loop3A_465, %parallel_loop3A_467 : vector<16xf32>
        %parallel_loop3A_469 = arith.constant 1 : i32
        %parallel_loop3A_470 = arith.index_cast %parallel_loop3A_469 : i32 to index
        %parallel_loop3A_471 = arith.index_cast %parallel_loop3A_418 : i32 to index
        %parallel_loop3A_472 = tpu.vector_load %arg7[%parallel_loop3A_470, %parallel_loop3A_471] {strides = array<i32>} : memref<5x2048xf32, #tpu.memory_space<vmem>>, vector<16xf32>,
        %parallel_loop3A_473 = vector.bitcast %parallel_loop3A_472 : vector<16xf32> to vector<16xi32>
        %parallel_loop3A_474 = arith.constant 1060439283 : i32
        %parallel_loop3A_475 = vector.broadcast %parallel_loop3A_474 : i32 to vector<16xi32>
        %parallel_loop3A_476 = arith.subi %parallel_loop3A_473, %parallel_loop3A_475 : vector<16xi32>
        %parallel_loop3A_477 = arith.constant 23 : i32
        %parallel_loop3A_478 = vector.broadcast %parallel_loop3A_477 : i32 to vector<16xi32>
        %parallel_loop3A_479 = arith.shrsi %parallel_loop3A_476, %parallel_loop3A_478 : vector<16xi32>
        %parallel_loop3A_480 = arith.constant 23 : i32
        %parallel_loop3A_481 = vector.broadcast %parallel_loop3A_480 : i32 to vector<16xi32>
        %parallel_loop3A_482 = arith.shli %parallel_loop3A_479, %parallel_loop3A_481 : vector<16xi32>
        %parallel_loop3A_483 = arith.subi %parallel_loop3A_473, %parallel_loop3A_482 : vector<16xi32>
        %parallel_loop3A_484 = vector.bitcast %parallel_loop3A_483 : vector<16xi32> to vector<16xf32>
        %parallel_loop3A_485 = arith.sitofp %parallel_loop3A_479 : vector<16xi32> to vector<16xf32>
        %parallel_loop3A_486 = arith.constant 1.000000e+00 : f32
        %parallel_loop3A_487 = vector.broadcast %parallel_loop3A_486 : f32 to vector<16xf32>
        %parallel_loop3A_488 = arith.subf %parallel_loop3A_484, %parallel_loop3A_487 : vector<16xf32>
        %parallel_loop3A_489 = arith.mulf %parallel_loop3A_488, %parallel_loop3A_488 : vector<16xf32>
        %parallel_loop3A_490 = arith.constant 0.126447335 : f32
        %parallel_loop3A_491 = vector.broadcast %parallel_loop3A_490 : f32 to vector<16xf32>
        %parallel_loop3A_492 = arith.mulf %parallel_loop3A_491, %parallel_loop3A_488 : vector<16xf32>
        %parallel_loop3A_493 = arith.constant -0.182568833 : f32
        %parallel_loop3A_494 = vector.broadcast %parallel_loop3A_493 : f32 to vector<16xf32>
        %parallel_loop3A_495 = arith.addf %parallel_loop3A_492, %parallel_loop3A_494 : vector<16xf32>
        %parallel_loop3A_496 = arith.mulf %parallel_loop3A_495, %parallel_loop3A_488 : vector<16xf32>
        %parallel_loop3A_497 = arith.constant 0.202216655 : f32
        %parallel_loop3A_498 = vector.broadcast %parallel_loop3A_497 : f32 to vector<16xf32>
        %parallel_loop3A_499 = arith.addf %parallel_loop3A_496, %parallel_loop3A_498 : vector<16xf32>
        %parallel_loop3A_500 = arith.mulf %parallel_loop3A_499, %parallel_loop3A_488 : vector<16xf32>
        %parallel_loop3A_501 = arith.constant -0.249578759 : f32
        %parallel_loop3A_502 = vector.broadcast %parallel_loop3A_501 : f32 to vector<16xf32>
        %parallel_loop3A_503 = arith.addf %parallel_loop3A_500, %parallel_loop3A_502 : vector<16xf32>
        %parallel_loop3A_504 = arith.mulf %parallel_loop3A_503, %parallel_loop3A_488 : vector<16xf32>
        %parallel_loop3A_505 = arith.constant 0.333308816 : f32
        %parallel_loop3A_506 = vector.broadcast %parallel_loop3A_505 : f32 to vector<16xf32>
        %parallel_loop3A_507 = arith.addf %parallel_loop3A_504, %parallel_loop3A_506 : vector<16xf32>
        %parallel_loop3A_508 = arith.mulf %parallel_loop3A_488, %parallel_loop3A_507 : vector<16xf32>
        %parallel_loop3A_509 = arith.constant 5.000000e-01 : f32
        %parallel_loop3A_510 = vector.broadcast %parallel_loop3A_509 : f32 to vector<16xf32>
        %parallel_loop3A_511 = arith.subf %parallel_loop3A_508, %parallel_loop3A_510 : vector<16xf32>
        %parallel_loop3A_512 = arith.mulf %parallel_loop3A_489, %parallel_loop3A_511 : vector<16xf32>
        %parallel_loop3A_513 = arith.addf %parallel_loop3A_488, %parallel_loop3A_512 : vector<16xf32>
        %parallel_loop3A_514 = vector.broadcast %reduce_sum3A_103 : f32 to vector<16xf32>
        %parallel_loop3A_515 = arith.mulf %parallel_loop3A_513, %parallel_loop3A_514 : vector<16xf32>
        %parallel_loop3A_516 = vector.broadcast %reduce_sum3A_153 : f32 to vector<16xf32>
        %parallel_loop3A_517 = arith.mulf %parallel_loop3A_485, %parallel_loop3A_516 : vector<16xf32>
        %parallel_loop3A_518 = arith.addf %parallel_loop3A_515, %parallel_loop3A_517 : vector<16xf32>
        %parallel_loop3A_519 = arith.constant 2 : i32
        %parallel_loop3A_520 = arith.index_cast %parallel_loop3A_519 : i32 to index
        %parallel_loop3A_521 = arith.index_cast %parallel_loop3A_418 : i32 to index
        %parallel_loop3A_522 = tpu.vector_load %arg7[%parallel_loop3A_520, %parallel_loop3A_521] {strides = array<i32>} : memref<5x2048xf32, #tpu.memory_space<vmem>>, vector<16xf32>,
        %parallel_loop3A_523 = vector.bitcast %parallel_loop3A_522 : vector<16xf32> to vector<16xi32>
        %parallel_loop3A_524 = arith.constant 1060439283 : i32
        %parallel_loop3A_525 = vector.broadcast %parallel_loop3A_524 : i32 to vector<16xi32>
        %parallel_loop3A_526 = arith.subi %parallel_loop3A_523, %parallel_loop3A_525 : vector<16xi32>
        %parallel_loop3A_527 = arith.constant 23 : i32
        %parallel_loop3A_528 = vector.broadcast %parallel_loop3A_527 : i32 to vector<16xi32>
        %parallel_loop3A_529 = arith.shrsi %parallel_loop3A_526, %parallel_loop3A_528 : vector<16xi32>
        %parallel_loop3A_530 = arith.constant 23 : i32
        %parallel_loop3A_531 = vector.broadcast %parallel_loop3A_530 : i32 to vector<16xi32>
        %parallel_loop3A_532 = arith.shli %parallel_loop3A_529, %parallel_loop3A_531 : vector<16xi32>
        %parallel_loop3A_533 = arith.subi %parallel_loop3A_523, %parallel_loop3A_532 : vector<16xi32>
        %parallel_loop3A_534 = vector.bitcast %parallel_loop3A_533 : vector<16xi32> to vector<16xf32>
        %parallel_loop3A_535 = arith.sitofp %parallel_loop3A_529 : vector<16xi32> to vector<16xf32>
        %parallel_loop3A_536 = arith.constant 1.000000e+00 : f32
        %parallel_loop3A_537 = vector.broadcast %parallel_loop3A_536 : f32 to vector<16xf32>
        %parallel_loop3A_538 = arith.subf %parallel_loop3A_534, %parallel_loop3A_537 : vector<16xf32>
        %parallel_loop3A_539 = arith.mulf %parallel_loop3A_538, %parallel_loop3A_538 : vector<16xf32>
        %parallel_loop3A_540 = arith.constant 0.126447335 : f32
        %parallel_loop3A_541 = vector.broadcast %parallel_loop3A_540 : f32 to vector<16xf32>
        %parallel_loop3A_542 = arith.mulf %parallel_loop3A_541, %parallel_loop3A_538 : vector<16xf32>
        %parallel_loop3A_543 = arith.constant -0.182568833 : f32
        %parallel_loop3A_544 = vector.broadcast %parallel_loop3A_543 : f32 to vector<16xf32>
        %parallel_loop3A_545 = arith.addf %parallel_loop3A_542, %parallel_loop3A_544 : vector<16xf32>
        %parallel_loop3A_546 = arith.mulf %parallel_loop3A_545, %parallel_loop3A_538 : vector<16xf32>
        %parallel_loop3A_547 = arith.constant 0.202216655 : f32
        %parallel_loop3A_548 = vector.broadcast %parallel_loop3A_547 : f32 to vector<16xf32>
        %parallel_loop3A_549 = arith.addf %parallel_loop3A_546, %parallel_loop3A_548 : vector<16xf32>
        %parallel_loop3A_550 = arith.mulf %parallel_loop3A_549, %parallel_loop3A_538 : vector<16xf32>
        %parallel_loop3A_551 = arith.constant -0.249578759 : f32
        %parallel_loop3A_552 = vector.broadcast %parallel_loop3A_551 : f32 to vector<16xf32>
        %parallel_loop3A_553 = arith.addf %parallel_loop3A_550, %parallel_loop3A_552 : vector<16xf32>
        %parallel_loop3A_554 = arith.mulf %parallel_loop3A_553, %parallel_loop3A_538 : vector<16xf32>
        %parallel_loop3A_555 = arith.constant 0.333308816 : f32
        %parallel_loop3A_556 = vector.broadcast %parallel_loop3A_555 : f32 to vector<16xf32>
        %parallel_loop3A_557 = arith.addf %parallel_loop3A_554, %parallel_loop3A_556 : vector<16xf32>
        %parallel_loop3A_558 = arith.mulf %parallel_loop3A_538, %parallel_loop3A_557 : vector<16xf32>
        %parallel_loop3A_559 = arith.constant 5.000000e-01 : f32
        %parallel_loop3A_560 = vector.broadcast %parallel_loop3A_559 : f32 to vector<16xf32>
        %parallel_loop3A_561 = arith.subf %parallel_loop3A_558, %parallel_loop3A_560 : vector<16xf32>
        %parallel_loop3A_562 = arith.mulf %parallel_loop3A_539, %parallel_loop3A_561 : vector<16xf32>
        %parallel_loop3A_563 = arith.addf %parallel_loop3A_538, %parallel_loop3A_562 : vector<16xf32>
        %parallel_loop3A_564 = vector.broadcast %reduce_sum3A_113 : f32 to vector<16xf32>
        %parallel_loop3A_565 = arith.mulf %parallel_loop3A_563, %parallel_loop3A_564 : vector<16xf32>
        %parallel_loop3A_566 = vector.broadcast %reduce_sum3A_163 : f32 to vector<16xf32>
        %parallel_loop3A_567 = arith.mulf %parallel_loop3A_535, %parallel_loop3A_566 : vector<16xf32>
        %parallel_loop3A_568 = arith.addf %parallel_loop3A_565, %parallel_loop3A_567 : vector<16xf32>
        %parallel_loop3A_569 = arith.constant 3 : i32
        %parallel_loop3A_570 = arith.index_cast %parallel_loop3A_569 : i32 to index
        %parallel_loop3A_571 = arith.index_cast %parallel_loop3A_418 : i32 to index
        %parallel_loop3A_572 = tpu.vector_load %arg7[%parallel_loop3A_570, %parallel_loop3A_571] {strides = array<i32>} : memref<5x2048xf32, #tpu.memory_space<vmem>>, vector<16xf32>,
        %parallel_loop3A_573 = vector.bitcast %parallel_loop3A_572 : vector<16xf32> to vector<16xi32>
        %parallel_loop3A_574 = arith.constant 1060439283 : i32
        %parallel_loop3A_575 = vector.broadcast %parallel_loop3A_574 : i32 to vector<16xi32>
        %parallel_loop3A_576 = arith.subi %parallel_loop3A_573, %parallel_loop3A_575 : vector<16xi32>
        %parallel_loop3A_577 = arith.constant 23 : i32
        %parallel_loop3A_578 = vector.broadcast %parallel_loop3A_577 : i32 to vector<16xi32>
        %parallel_loop3A_579 = arith.shrsi %parallel_loop3A_576, %parallel_loop3A_578 : vector<16xi32>
        %parallel_loop3A_580 = arith.constant 23 : i32
        %parallel_loop3A_581 = vector.broadcast %parallel_loop3A_580 : i32 to vector<16xi32>
        %parallel_loop3A_582 = arith.shli %parallel_loop3A_579, %parallel_loop3A_581 : vector<16xi32>
        %parallel_loop3A_583 = arith.subi %parallel_loop3A_573, %parallel_loop3A_582 : vector<16xi32>
        %parallel_loop3A_584 = vector.bitcast %parallel_loop3A_583 : vector<16xi32> to vector<16xf32>
        %parallel_loop3A_585 = arith.sitofp %parallel_loop3A_579 : vector<16xi32> to vector<16xf32>
        %parallel_loop3A_586 = arith.constant 1.000000e+00 : f32
        %parallel_loop3A_587 = vector.broadcast %parallel_loop3A_586 : f32 to vector<16xf32>
        %parallel_loop3A_588 = arith.subf %parallel_loop3A_584, %parallel_loop3A_587 : vector<16xf32>
        %parallel_loop3A_589 = arith.mulf %parallel_loop3A_588, %parallel_loop3A_588 : vector<16xf32>
        %parallel_loop3A_590 = arith.constant 0.126447335 : f32
        %parallel_loop3A_591 = vector.broadcast %parallel_loop3A_590 : f32 to vector<16xf32>
        %parallel_loop3A_592 = arith.mulf %parallel_loop3A_591, %parallel_loop3A_588 : vector<16xf32>
        %parallel_loop3A_593 = arith.constant -0.182568833 : f32
        %parallel_loop3A_594 = vector.broadcast %parallel_loop3A_593 : f32 to vector<16xf32>
        %parallel_loop3A_595 = arith.addf %parallel_loop3A_592, %parallel_loop3A_594 : vector<16xf32>
        %parallel_loop3A_596 = arith.mulf %parallel_loop3A_595, %parallel_loop3A_588 : vector<16xf32>
        %parallel_loop3A_597 = arith.constant 0.202216655 : f32
        %parallel_loop3A_598 = vector.broadcast %parallel_loop3A_597 : f32 to vector<16xf32>
        %parallel_loop3A_599 = arith.addf %parallel_loop3A_596, %parallel_loop3A_598 : vector<16xf32>
        %parallel_loop3A_600 = arith.mulf %parallel_loop3A_599, %parallel_loop3A_588 : vector<16xf32>
        %parallel_loop3A_601 = arith.constant -0.249578759 : f32
        %parallel_loop3A_602 = vector.broadcast %parallel_loop3A_601 : f32 to vector<16xf32>
        %parallel_loop3A_603 = arith.addf %parallel_loop3A_600, %parallel_loop3A_602 : vector<16xf32>
        %parallel_loop3A_604 = arith.mulf %parallel_loop3A_603, %parallel_loop3A_588 : vector<16xf32>
        %parallel_loop3A_605 = arith.constant 0.333308816 : f32
        %parallel_loop3A_606 = vector.broadcast %parallel_loop3A_605 : f32 to vector<16xf32>
        %parallel_loop3A_607 = arith.addf %parallel_loop3A_604, %parallel_loop3A_606 : vector<16xf32>
        %parallel_loop3A_608 = arith.mulf %parallel_loop3A_588, %parallel_loop3A_607 : vector<16xf32>
        %parallel_loop3A_609 = arith.constant 5.000000e-01 : f32
        %parallel_loop3A_610 = vector.broadcast %parallel_loop3A_609 : f32 to vector<16xf32>
        %parallel_loop3A_611 = arith.subf %parallel_loop3A_608, %parallel_loop3A_610 : vector<16xf32>
        %parallel_loop3A_612 = arith.mulf %parallel_loop3A_589, %parallel_loop3A_611 : vector<16xf32>
        %parallel_loop3A_613 = arith.addf %parallel_loop3A_588, %parallel_loop3A_612 : vector<16xf32>
        %parallel_loop3A_614 = vector.broadcast %reduce_sum3A_123 : f32 to vector<16xf32>
        %parallel_loop3A_615 = arith.mulf %parallel_loop3A_613, %parallel_loop3A_614 : vector<16xf32>
        %parallel_loop3A_616 = vector.broadcast %reduce_sum3A_173 : f32 to vector<16xf32>
        %parallel_loop3A_617 = arith.mulf %parallel_loop3A_585, %parallel_loop3A_616 : vector<16xf32>
        %parallel_loop3A_618 = arith.addf %parallel_loop3A_615, %parallel_loop3A_617 : vector<16xf32>
        %parallel_loop3A_619 = arith.constant 4 : i32
        %parallel_loop3A_620 = arith.index_cast %parallel_loop3A_619 : i32 to index
        %parallel_loop3A_621 = arith.index_cast %parallel_loop3A_418 : i32 to index
        %parallel_loop3A_622 = tpu.vector_load %arg7[%parallel_loop3A_620, %parallel_loop3A_621] {strides = array<i32>} : memref<5x2048xf32, #tpu.memory_space<vmem>>, vector<16xf32>,
        %parallel_loop3A_623 = vector.bitcast %parallel_loop3A_622 : vector<16xf32> to vector<16xi32>
        %parallel_loop3A_624 = arith.constant 1060439283 : i32
        %parallel_loop3A_625 = vector.broadcast %parallel_loop3A_624 : i32 to vector<16xi32>
        %parallel_loop3A_626 = arith.subi %parallel_loop3A_623, %parallel_loop3A_625 : vector<16xi32>
        %parallel_loop3A_627 = arith.constant 23 : i32
        %parallel_loop3A_628 = vector.broadcast %parallel_loop3A_627 : i32 to vector<16xi32>
        %parallel_loop3A_629 = arith.shrsi %parallel_loop3A_626, %parallel_loop3A_628 : vector<16xi32>
        %parallel_loop3A_630 = arith.constant 23 : i32
        %parallel_loop3A_631 = vector.broadcast %parallel_loop3A_630 : i32 to vector<16xi32>
        %parallel_loop3A_632 = arith.shli %parallel_loop3A_629, %parallel_loop3A_631 : vector<16xi32>
        %parallel_loop3A_633 = arith.subi %parallel_loop3A_623, %parallel_loop3A_632 : vector<16xi32>
        %parallel_loop3A_634 = vector.bitcast %parallel_loop3A_633 : vector<16xi32> to vector<16xf32>
        %parallel_loop3A_635 = arith.sitofp %parallel_loop3A_629 : vector<16xi32> to vector<16xf32>
        %parallel_loop3A_636 = arith.constant 1.000000e+00 : f32
        %parallel_loop3A_637 = vector.broadcast %parallel_loop3A_636 : f32 to vector<16xf32>
        %parallel_loop3A_638 = arith.subf %parallel_loop3A_634, %parallel_loop3A_637 : vector<16xf32>
        %parallel_loop3A_639 = arith.mulf %parallel_loop3A_638, %parallel_loop3A_638 : vector<16xf32>
        %parallel_loop3A_640 = arith.constant 0.126447335 : f32
        %parallel_loop3A_641 = vector.broadcast %parallel_loop3A_640 : f32 to vector<16xf32>
        %parallel_loop3A_642 = arith.mulf %parallel_loop3A_641, %parallel_loop3A_638 : vector<16xf32>
        %parallel_loop3A_643 = arith.constant -0.182568833 : f32
        %parallel_loop3A_644 = vector.broadcast %parallel_loop3A_643 : f32 to vector<16xf32>
        %parallel_loop3A_645 = arith.addf %parallel_loop3A_642, %parallel_loop3A_644 : vector<16xf32>
        %parallel_loop3A_646 = arith.mulf %parallel_loop3A_645, %parallel_loop3A_638 : vector<16xf32>
        %parallel_loop3A_647 = arith.constant 0.202216655 : f32
        %parallel_loop3A_648 = vector.broadcast %parallel_loop3A_647 : f32 to vector<16xf32>
        %parallel_loop3A_649 = arith.addf %parallel_loop3A_646, %parallel_loop3A_648 : vector<16xf32>
        %parallel_loop3A_650 = arith.mulf %parallel_loop3A_649, %parallel_loop3A_638 : vector<16xf32>
        %parallel_loop3A_651 = arith.constant -0.249578759 : f32
        %parallel_loop3A_652 = vector.broadcast %parallel_loop3A_651 : f32 to vector<16xf32>
        %parallel_loop3A_653 = arith.addf %parallel_loop3A_650, %parallel_loop3A_652 : vector<16xf32>
        %parallel_loop3A_654 = arith.mulf %parallel_loop3A_653, %parallel_loop3A_638 : vector<16xf32>
        %parallel_loop3A_655 = arith.constant 0.333308816 : f32
        %parallel_loop3A_656 = vector.broadcast %parallel_loop3A_655 : f32 to vector<16xf32>
        %parallel_loop3A_657 = arith.addf %parallel_loop3A_654, %parallel_loop3A_656 : vector<16xf32>
        %parallel_loop3A_658 = arith.mulf %parallel_loop3A_638, %parallel_loop3A_657 : vector<16xf32>
        %parallel_loop3A_659 = arith.constant 5.000000e-01 : f32
        %parallel_loop3A_660 = vector.broadcast %parallel_loop3A_659 : f32 to vector<16xf32>
        %parallel_loop3A_661 = arith.subf %parallel_loop3A_658, %parallel_loop3A_660 : vector<16xf32>
        %parallel_loop3A_662 = arith.mulf %parallel_loop3A_639, %parallel_loop3A_661 : vector<16xf32>
        %parallel_loop3A_663 = arith.addf %parallel_loop3A_638, %parallel_loop3A_662 : vector<16xf32>
        %parallel_loop3A_664 = vector.broadcast %reduce_sum3A_133 : f32 to vector<16xf32>
        %parallel_loop3A_665 = arith.mulf %parallel_loop3A_663, %parallel_loop3A_664 : vector<16xf32>
        %parallel_loop3A_666 = vector.broadcast %reduce_sum3A_183 : f32 to vector<16xf32>
        %parallel_loop3A_667 = arith.mulf %parallel_loop3A_635, %parallel_loop3A_666 : vector<16xf32>
        %parallel_loop3A_668 = arith.addf %parallel_loop3A_665, %parallel_loop3A_667 : vector<16xf32>
        %parallel_loop3A_669 = arith.cmpf olt, %parallel_loop3A_518, %parallel_loop3A_468 : vector<16xf32>
        %parallel_loop3A_670 = arith.select %parallel_loop3A_669, %parallel_loop3A_518, %parallel_loop3A_468 : vector<16xi1>, vector<16xf32>
        %parallel_loop3A_671 = arith.select %parallel_loop3A_669, %broadcast_in_dim3A_237, %broadcast_in_dim3A_235 : vector<16xi1>, vector<16xf32>
        %parallel_loop3A_672 = vector.broadcast %reduce_sum3A_203 : f32 to vector<16xf32>
        %parallel_loop3A_673 = vector.broadcast %reduce_sum3A_193 : f32 to vector<16xf32>
        %parallel_loop3A_674 = arith.select %parallel_loop3A_669, %parallel_loop3A_672, %parallel_loop3A_673 : vector<16xi1>, vector<16xf32>
        %parallel_loop3A_675 = arith.cmpf olt, %parallel_loop3A_618, %parallel_loop3A_568 : vector<16xf32>
        %parallel_loop3A_676 = arith.select %parallel_loop3A_675, %parallel_loop3A_618, %parallel_loop3A_568 : vector<16xi1>, vector<16xf32>
        %parallel_loop3A_677 = arith.select %parallel_loop3A_675, %broadcast_in_dim3A_241, %broadcast_in_dim3A_239 : vector<16xi1>, vector<16xf32>
        %parallel_loop3A_678 = vector.broadcast %reduce_sum3A_223 : f32 to vector<16xf32>
        %parallel_loop3A_679 = vector.broadcast %reduce_sum3A_213 : f32 to vector<16xf32>
        %parallel_loop3A_680 = arith.select %parallel_loop3A_675, %parallel_loop3A_678, %parallel_loop3A_679 : vector<16xi1>, vector<16xf32>
        %parallel_loop3A_681 = arith.cmpf olt, %parallel_loop3A_676, %parallel_loop3A_670 : vector<16xf32>
        %parallel_loop3A_682 = arith.select %parallel_loop3A_681, %parallel_loop3A_676, %parallel_loop3A_670 : vector<16xi1>, vector<16xf32>
        %parallel_loop3A_683 = arith.select %parallel_loop3A_681, %parallel_loop3A_677, %parallel_loop3A_671 : vector<16xi1>, vector<16xf32>
        %parallel_loop3A_684 = arith.select %parallel_loop3A_681, %parallel_loop3A_680, %parallel_loop3A_674 : vector<16xi1>, vector<16xf32>
        %parallel_loop3A_685 = arith.cmpf olt, %parallel_loop3A_668, %parallel_loop3A_682 : vector<16xf32>
        %parallel_loop3A_686 = arith.select %parallel_loop3A_685, %broadcast_in_dim3A_243, %parallel_loop3A_683 : vector<16xi1>, vector<16xf32>
        %parallel_loop3A_687 = vector.broadcast %reduce_sum3A_233 : f32 to vector<16xf32>
        %parallel_loop3A_688 = arith.select %parallel_loop3A_685, %parallel_loop3A_687, %parallel_loop3A_684 : vector<16xi1>, vector<16xf32>
        %parallel_loop3A_689 = arith.constant 0 : i32
        %parallel_loop3A_690 = arith.index_cast %parallel_loop3A_689 : i32 to index
        %parallel_loop3A_691 = arith.index_cast %parallel_loop3A_418 : i32 to index
        %parallel_loop3A_692 = tpu.vector_load %arg9[%parallel_loop3A_690, %parallel_loop3A_691] {strides = array<i32>} : memref<5x2048xf32, #tpu.memory_space<vmem>>, vector<16xf32>,
        %parallel_loop3A_693 = arith.addf %parallel_loop3A_686, %parallel_loop3A_692 : vector<16xf32>
        %parallel_loop3A_694 = arith.constant 0 : i32
        %parallel_loop3A_695 = arith.index_cast %parallel_loop3A_694 : i32 to index
        %parallel_loop3A_696 = arith.index_cast %parallel_loop3A_418 : i32 to index
        %parallel_loop3A_697 = tpu.vector_load %arg11[%parallel_loop3A_695, %parallel_loop3A_696] {strides = array<i32>} : memref<6x2048xf32, #tpu.memory_space<vmem>>, vector<16xf32>,
        tpu.vector_store %arg11[%parallel_loop3A_695, %parallel_loop3A_696], %parallel_loop3A_693 {strides = array<i32>} : memref<6x2048xf32, #tpu.memory_space<vmem>>, vector<16xf32>,
        %parallel_loop3A_698 = arith.mulf %parallel_loop3A_692, %parallel_loop3A_692 : vector<16xf32>
        %parallel_loop3A_699 = arith.constant 1 : i32
        %parallel_loop3A_700 = arith.index_cast %parallel_loop3A_699 : i32 to index
        %parallel_loop3A_701 = arith.index_cast %parallel_loop3A_418 : i32 to index
        %parallel_loop3A_702 = tpu.vector_load %arg9[%parallel_loop3A_700, %parallel_loop3A_701] {strides = array<i32>} : memref<5x2048xf32, #tpu.memory_space<vmem>>, vector<16xf32>,
        %parallel_loop3A_703 = arith.addf %parallel_loop3A_686, %parallel_loop3A_702 : vector<16xf32>
        %parallel_loop3A_704 = arith.constant 1 : i32
        %parallel_loop3A_705 = arith.index_cast %parallel_loop3A_704 : i32 to index
        %parallel_loop3A_706 = arith.index_cast %parallel_loop3A_418 : i32 to index
        %parallel_loop3A_707 = tpu.vector_load %arg11[%parallel_loop3A_705, %parallel_loop3A_706] {strides = array<i32>} : memref<6x2048xf32, #tpu.memory_space<vmem>>, vector<16xf32>,
        tpu.vector_store %arg11[%parallel_loop3A_705, %parallel_loop3A_706], %parallel_loop3A_703 {strides = array<i32>} : memref<6x2048xf32, #tpu.memory_space<vmem>>, vector<16xf32>,
        %parallel_loop3A_708 = arith.mulf %parallel_loop3A_702, %parallel_loop3A_702 : vector<16xf32>
        %parallel_loop3A_709 = arith.addf %parallel_loop3A_698, %parallel_loop3A_708 : vector<16xf32>
        %parallel_loop3A_710 = arith.constant 2 : i32
        %parallel_loop3A_711 = arith.index_cast %parallel_loop3A_710 : i32 to index
        %parallel_loop3A_712 = arith.index_cast %parallel_loop3A_418 : i32 to index
        %parallel_loop3A_713 = tpu.vector_load %arg9[%parallel_loop3A_711, %parallel_loop3A_712] {strides = array<i32>} : memref<5x2048xf32, #tpu.memory_space<vmem>>, vector<16xf32>,
        %parallel_loop3A_714 = arith.addf %parallel_loop3A_686, %parallel_loop3A_713 : vector<16xf32>
        %parallel_loop3A_715 = arith.constant 2 : i32
        %parallel_loop3A_716 = arith.index_cast %parallel_loop3A_715 : i32 to index
        %parallel_loop3A_717 = arith.index_cast %parallel_loop3A_418 : i32 to index
        %parallel_loop3A_718 = tpu.vector_load %arg11[%parallel_loop3A_716, %parallel_loop3A_717] {strides = array<i32>} : memref<6x2048xf32, #tpu.memory_space<vmem>>, vector<16xf32>,
        tpu.vector_store %arg11[%parallel_loop3A_716, %parallel_loop3A_717], %parallel_loop3A_714 {strides = array<i32>} : memref<6x2048xf32, #tpu.memory_space<vmem>>, vector<16xf32>,
        %parallel_loop3A_719 = arith.mulf %parallel_loop3A_713, %parallel_loop3A_713 : vector<16xf32>
        %parallel_loop3A_720 = arith.addf %parallel_loop3A_709, %parallel_loop3A_719 : vector<16xf32>
        %parallel_loop3A_721 = arith.constant 3 : i32
        %parallel_loop3A_722 = arith.index_cast %parallel_loop3A_721 : i32 to index
        %parallel_loop3A_723 = arith.index_cast %parallel_loop3A_418 : i32 to index
        %parallel_loop3A_724 = tpu.vector_load %arg9[%parallel_loop3A_722, %parallel_loop3A_723] {strides = array<i32>} : memref<5x2048xf32, #tpu.memory_space<vmem>>, vector<16xf32>,
        %parallel_loop3A_725 = arith.addf %parallel_loop3A_686, %parallel_loop3A_724 : vector<16xf32>
        %parallel_loop3A_726 = arith.constant 3 : i32
        %parallel_loop3A_727 = arith.index_cast %parallel_loop3A_726 : i32 to index
        %parallel_loop3A_728 = arith.index_cast %parallel_loop3A_418 : i32 to index
        %parallel_loop3A_729 = tpu.vector_load %arg11[%parallel_loop3A_727, %parallel_loop3A_728] {strides = array<i32>} : memref<6x2048xf32, #tpu.memory_space<vmem>>, vector<16xf32>,
        tpu.vector_store %arg11[%parallel_loop3A_727, %parallel_loop3A_728], %parallel_loop3A_725 {strides = array<i32>} : memref<6x2048xf32, #tpu.memory_space<vmem>>, vector<16xf32>,
        %parallel_loop3A_730 = arith.mulf %parallel_loop3A_724, %parallel_loop3A_724 : vector<16xf32>
        %parallel_loop3A_731 = arith.addf %parallel_loop3A_720, %parallel_loop3A_730 : vector<16xf32>
        %parallel_loop3A_732 = arith.constant 4 : i32
        %parallel_loop3A_733 = arith.index_cast %parallel_loop3A_732 : i32 to index
        %parallel_loop3A_734 = arith.index_cast %parallel_loop3A_418 : i32 to index
        %parallel_loop3A_735 = tpu.vector_load %arg9[%parallel_loop3A_733, %parallel_loop3A_734] {strides = array<i32>} : memref<5x2048xf32, #tpu.memory_space<vmem>>, vector<16xf32>,
        %parallel_loop3A_736 = arith.addf %parallel_loop3A_686, %parallel_loop3A_735 : vector<16xf32>
        %parallel_loop3A_737 = arith.constant 4 : i32
        %parallel_loop3A_738 = arith.index_cast %parallel_loop3A_737 : i32 to index
        %parallel_loop3A_739 = arith.index_cast %parallel_loop3A_418 : i32 to index
        %parallel_loop3A_740 = tpu.vector_load %arg11[%parallel_loop3A_738, %parallel_loop3A_739] {strides = array<i32>} : memref<6x2048xf32, #tpu.memory_space<vmem>>, vector<16xf32>,
        tpu.vector_store %arg11[%parallel_loop3A_738, %parallel_loop3A_739], %parallel_loop3A_736 {strides = array<i32>} : memref<6x2048xf32, #tpu.memory_space<vmem>>, vector<16xf32>,
        %parallel_loop3A_741 = arith.mulf %parallel_loop3A_735, %parallel_loop3A_735 : vector<16xf32>
        %parallel_loop3A_742 = arith.addf %parallel_loop3A_731, %parallel_loop3A_741 : vector<16xf32>
        %parallel_loop3A_743 = arith.constant 5.000000e-01 : f32
        %parallel_loop3A_744 = vector.broadcast %parallel_loop3A_743 : f32 to vector<16xf32>
        %parallel_loop3A_745 = arith.mulf %parallel_loop3A_744, %parallel_loop3A_742 : vector<16xf32>
        %parallel_loop3A_746 = arith.subf %parallel_loop3A_688, %parallel_loop3A_745 : vector<16xf32>
        %parallel_loop3A_747 = arith.constant 5 : i32
        %parallel_loop3A_748 = arith.index_cast %parallel_loop3A_747 : i32 to index
        %parallel_loop3A_749 = arith.index_cast %parallel_loop3A_418 : i32 to index
        %parallel_loop3A_750 = tpu.vector_load %arg11[%parallel_loop3A_748, %parallel_loop3A_749] {strides = array<i32>} : memref<6x2048xf32, #tpu.memory_space<vmem>>, vector<16xf32>,
        tpu.vector_store %arg11[%parallel_loop3A_748, %parallel_loop3A_749], %parallel_loop3A_746 {strides = array<i32>} : memref<6x2048xf32, #tpu.memory_space<vmem>>, vector<16xf32>,
      } {sc.loop_unroll_factor = 8 : i64, sc.parallel_access}
      %add3A_395 = arith.constant 1 : i32
      %add3A_396 = arith.addi %mul3A_336, %add3A_395 : i32
      %mul3A_397 = arith.constant 2048 : i32
      %mul3A_398 = arith.muli %add3A_396, %mul3A_397 : i32
      %add3A_399 = arith.addi %mul3A_2, %mul3A_398 : i32
      %dma_start3A_400 = arith.constant 0 : i32
      %dma_start3A_401 = tpu.memref_slice %arg5[%dma_start3A_400, %add3A_399] : memref<6x1048576xf32, #tpu.memory_space<hbm>> -> memref<6x2048xf32, #tpu.memory_space<hbm>>
      %dma_start3A_402 = arith.constant 0 : i32
      %dma_start3A_403 = tpu.memref_slice %arg5[%dma_start3A_402, %add3A_399] : memref<6x1048576xf32, #tpu.memory_space<hbm>> -> memref<6x2048xf32, #tpu.memory_space<hbm>>
      tpu.enqueue_dma source(%arg11 : memref<6x2048xf32, #tpu.memory_space<vmem>>) target(%dma_start3A_403 : memref<6x2048xf32, #tpu.memory_space<hbm>>) target_semaphore(%arg16 : memref<!tpu.dma_semaphore, #tpu.memory_space<semaphore_mem>>)
      %add3A_404 = arith.constant 3 : i32
      %add3A_405 = arith.addi %mul3A_336, %add3A_404 : i32
      %mul3A_406 = arith.constant 2048 : i32
      %mul3A_407 = arith.muli %add3A_405, %mul3A_406 : i32
      %add3A_408 = arith.addi %mul3A_2, %mul3A_407 : i32
      %dma_start3A_409 = arith.constant 0 : i32
      %dma_start3A_410 = tpu.memref_slice %arg2[%dma_start3A_409, %add3A_408] : memref<5x1048576xf32, #tpu.memory_space<hbm>> -> memref<5x2048xf32, #tpu.memory_space<hbm>>
      %dma_start3A_411 = arith.constant 0 : i32
      %dma_start3A_412 = tpu.memref_slice %arg2[%dma_start3A_411, %add3A_408] : memref<5x1048576xf32, #tpu.memory_space<hbm>> -> memref<5x2048xf32, #tpu.memory_space<hbm>>
      tpu.enqueue_dma source(%dma_start3A_412 : memref<5x2048xf32, #tpu.memory_space<hbm>>) target(%arg7 : memref<5x2048xf32, #tpu.memory_space<vmem>>) target_semaphore(%arg14 : memref<!tpu.dma_semaphore, #tpu.memory_space<semaphore_mem>>)
      %dma_start3A_413 = arith.constant 0 : i32
      %dma_start3A_414 = tpu.memref_slice %arg3[%dma_start3A_413, %add3A_408] : memref<5x1048576xf32, #tpu.memory_space<hbm>> -> memref<5x2048xf32, #tpu.memory_space<hbm>>
      %dma_start3A_415 = arith.constant 0 : i32
      %dma_start3A_416 = tpu.memref_slice %arg3[%dma_start3A_415, %add3A_408] : memref<5x1048576xf32, #tpu.memory_space<hbm>> -> memref<5x2048xf32, #tpu.memory_space<hbm>>
      tpu.enqueue_dma source(%dma_start3A_416 : memref<5x2048xf32, #tpu.memory_space<hbm>>) target(%arg9 : memref<5x2048xf32, #tpu.memory_space<vmem>>) target_semaphore(%arg14 : memref<!tpu.dma_semaphore, #tpu.memory_space<semaphore_mem>>)
      %scan3A_417 = arith.constant 0 : i32
      scf.yield %scan3A_417 : i32
    }
    %scan3A_268 = arith.constant 7 : i32
    %dma_wait3A = arith.constant 0 : i32
    %dma_wait3A_269 = arith.constant 0 : i32
    %dma_wait3A_270 = tpu.memref_slice %arg2[%dma_wait3A, %dma_wait3A_269] : memref<5x1048576xf32, #tpu.memory_space<hbm>> -> memref<5x2048xf32, #tpu.memory_space<hbm>>
    %dma_wait3A_271 = arith.constant 0 : i32
    %dma_wait3A_272 = arith.constant 0 : i32
    %dma_wait3A_273 = tpu.memref_slice %arg2[%dma_wait3A_271, %dma_wait3A_272] : memref<5x1048576xf32, #tpu.memory_space<hbm>> -> memref<5x2048xf32, #tpu.memory_space<hbm>>
    tpu.wait_dma2 semaphore(%arg13 : memref<!tpu.dma_semaphore, #tpu.memory_space<semaphore_mem>>) src(%dma_wait3A_273 : memref<5x2048xf32, #tpu.memory_space<hbm>>) dst(%arg6 : memref<5x2048xf32, #tpu.memory_space<vmem>>)
    %dma_wait3A_274 = arith.constant 0 : i32
    %dma_wait3A_275 = arith.constant 0 : i32
    %dma_wait3A_276 = tpu.memref_slice %arg3[%dma_wait3A_274, %dma_wait3A_275] : memref<5x1048576xf32, #tpu.memory_space<hbm>> -> memref<5x2048xf32, #tpu.memory_space<hbm>>
    %dma_wait3A_277 = arith.constant 0 : i32
    %dma_wait3A_278 = arith.constant 0 : i32
    %dma_wait3A_279 = tpu.memref_slice %arg3[%dma_wait3A_277, %dma_wait3A_278] : memref<5x1048576xf32, #tpu.memory_space<hbm>> -> memref<5x2048xf32, #tpu.memory_space<hbm>>
    tpu.wait_dma2 semaphore(%arg13 : memref<!tpu.dma_semaphore, #tpu.memory_space<semaphore_mem>>) src(%dma_wait3A_279 : memref<5x2048xf32, #tpu.memory_space<hbm>>) dst(%arg8 : memref<5x2048xf32, #tpu.memory_space<vmem>>)
    %dma_wait3A_280 = arith.constant 0 : i32
    %dma_wait3A_281 = arith.constant 0 : i32
    %dma_wait3A_282 = tpu.memref_slice %arg5[%dma_wait3A_280, %dma_wait3A_281] : memref<6x1048576xf32, #tpu.memory_space<hbm>> -> memref<6x2048xf32, #tpu.memory_space<hbm>>
    %dma_wait3A_283 = arith.constant 0 : i32
    %dma_wait3A_284 = arith.constant 0 : i32
    %dma_wait3A_285 = tpu.memref_slice %arg5[%dma_wait3A_283, %dma_wait3A_284] : memref<6x1048576xf32, #tpu.memory_space<hbm>> -> memref<6x2048xf32, #tpu.memory_space<hbm>>
    tpu.wait_dma2 semaphore(%arg15 : memref<!tpu.dma_semaphore, #tpu.memory_space<semaphore_mem>>) src(%arg10 : memref<6x2048xf32, #tpu.memory_space<vmem>>) dst(%dma_wait3A_285 : memref<6x2048xf32, #tpu.memory_space<hbm>>)
    %parallel_loop3A = arith.constant 0 : i32
    %parallel_loop3A_286 = arith.constant 2048 : i32
    %parallel_loop3A_287 = arith.constant 16 : i32
    scf.for %parallel_loop3A_333 = %parallel_loop3A to %parallel_loop3A_286 step %parallel_loop3A_287  : i32 {
      %parallel_loop3A_334 = arith.constant 0 : i32
      %parallel_loop3A_335 = arith.index_cast %parallel_loop3A_334 : i32 to index
      %parallel_loop3A_336 = arith.index_cast %parallel_loop3A_333 : i32 to index
      %parallel_loop3A_337 = tpu.vector_load %arg6[%parallel_loop3A_335, %parallel_loop3A_336] {strides = array<i32>} : memref<5x2048xf32, #tpu.memory_space<vmem>>, vector<16xf32>,
      %parallel_loop3A_338 = vector.bitcast %parallel_loop3A_337 : vector<16xf32> to vector<16xi32>
      %parallel_loop3A_339 = arith.constant 1060439283 : i32
      %parallel_loop3A_340 = vector.broadcast %parallel_loop3A_339 : i32 to vector<16xi32>
      %parallel_loop3A_341 = arith.subi %parallel_loop3A_338, %parallel_loop3A_340 : vector<16xi32>
      %parallel_loop3A_342 = arith.constant 23 : i32
      %parallel_loop3A_343 = vector.broadcast %parallel_loop3A_342 : i32 to vector<16xi32>
      %parallel_loop3A_344 = arith.shrsi %parallel_loop3A_341, %parallel_loop3A_343 : vector<16xi32>
      %parallel_loop3A_345 = arith.constant 23 : i32
      %parallel_loop3A_346 = vector.broadcast %parallel_loop3A_345 : i32 to vector<16xi32>
      %parallel_loop3A_347 = arith.shli %parallel_loop3A_344, %parallel_loop3A_346 : vector<16xi32>
      %parallel_loop3A_348 = arith.subi %parallel_loop3A_338, %parallel_loop3A_347 : vector<16xi32>
      %parallel_loop3A_349 = vector.bitcast %parallel_loop3A_348 : vector<16xi32> to vector<16xf32>
      %parallel_loop3A_350 = arith.sitofp %parallel_loop3A_344 : vector<16xi32> to vector<16xf32>
      %parallel_loop3A_351 = arith.constant 1.000000e+00 : f32
      %parallel_loop3A_352 = vector.broadcast %parallel_loop3A_351 : f32 to vector<16xf32>
      %parallel_loop3A_353 = arith.subf %parallel_loop3A_349, %parallel_loop3A_352 : vector<16xf32>
      %parallel_loop3A_354 = arith.mulf %parallel_loop3A_353, %parallel_loop3A_353 : vector<16xf32>
      %parallel_loop3A_355 = arith.constant 0.126447335 : f32
      %parallel_loop3A_356 = vector.broadcast %parallel_loop3A_355 : f32 to vector<16xf32>
      %parallel_loop3A_357 = arith.mulf %parallel_loop3A_356, %parallel_loop3A_353 : vector<16xf32>
      %parallel_loop3A_358 = arith.constant -0.182568833 : f32
      %parallel_loop3A_359 = vector.broadcast %parallel_loop3A_358 : f32 to vector<16xf32>
      %parallel_loop3A_360 = arith.addf %parallel_loop3A_357, %parallel_loop3A_359 : vector<16xf32>
      %parallel_loop3A_361 = arith.mulf %parallel_loop3A_360, %parallel_loop3A_353 : vector<16xf32>
      %parallel_loop3A_362 = arith.constant 0.202216655 : f32
      %parallel_loop3A_363 = vector.broadcast %parallel_loop3A_362 : f32 to vector<16xf32>
      %parallel_loop3A_364 = arith.addf %parallel_loop3A_361, %parallel_loop3A_363 : vector<16xf32>
      %parallel_loop3A_365 = arith.mulf %parallel_loop3A_364, %parallel_loop3A_353 : vector<16xf32>
      %parallel_loop3A_366 = arith.constant -0.249578759 : f32
      %parallel_loop3A_367 = vector.broadcast %parallel_loop3A_366 : f32 to vector<16xf32>
      %parallel_loop3A_368 = arith.addf %parallel_loop3A_365, %parallel_loop3A_367 : vector<16xf32>
      %parallel_loop3A_369 = arith.mulf %parallel_loop3A_368, %parallel_loop3A_353 : vector<16xf32>
      %parallel_loop3A_370 = arith.constant 0.333308816 : f32
      %parallel_loop3A_371 = vector.broadcast %parallel_loop3A_370 : f32 to vector<16xf32>
      %parallel_loop3A_372 = arith.addf %parallel_loop3A_369, %parallel_loop3A_371 : vector<16xf32>
      %parallel_loop3A_373 = arith.mulf %parallel_loop3A_353, %parallel_loop3A_372 : vector<16xf32>
      %parallel_loop3A_374 = arith.constant 5.000000e-01 : f32
      %parallel_loop3A_375 = vector.broadcast %parallel_loop3A_374 : f32 to vector<16xf32>
      %parallel_loop3A_376 = arith.subf %parallel_loop3A_373, %parallel_loop3A_375 : vector<16xf32>
      %parallel_loop3A_377 = arith.mulf %parallel_loop3A_354, %parallel_loop3A_376 : vector<16xf32>
      %parallel_loop3A_378 = arith.addf %parallel_loop3A_353, %parallel_loop3A_377 : vector<16xf32>
      %parallel_loop3A_379 = vector.broadcast %reduce_sum3A_93 : f32 to vector<16xf32>
      %parallel_loop3A_380 = arith.mulf %parallel_loop3A_378, %parallel_loop3A_379 : vector<16xf32>
      %parallel_loop3A_381 = vector.broadcast %reduce_sum3A_143 : f32 to vector<16xf32>
      %parallel_loop3A_382 = arith.mulf %parallel_loop3A_350, %parallel_loop3A_381 : vector<16xf32>
      %parallel_loop3A_383 = arith.addf %parallel_loop3A_380, %parallel_loop3A_382 : vector<16xf32>
      %parallel_loop3A_384 = arith.constant 1 : i32
      %parallel_loop3A_385 = arith.index_cast %parallel_loop3A_384 : i32 to index
      %parallel_loop3A_386 = arith.index_cast %parallel_loop3A_333 : i32 to index
      %parallel_loop3A_387 = tpu.vector_load %arg6[%parallel_loop3A_385, %parallel_loop3A_386] {strides = array<i32>} : memref<5x2048xf32, #tpu.memory_space<vmem>>, vector<16xf32>,
      %parallel_loop3A_388 = vector.bitcast %parallel_loop3A_387 : vector<16xf32> to vector<16xi32>
      %parallel_loop3A_389 = arith.constant 1060439283 : i32
      %parallel_loop3A_390 = vector.broadcast %parallel_loop3A_389 : i32 to vector<16xi32>
      %parallel_loop3A_391 = arith.subi %parallel_loop3A_388, %parallel_loop3A_390 : vector<16xi32>
      %parallel_loop3A_392 = arith.constant 23 : i32
      %parallel_loop3A_393 = vector.broadcast %parallel_loop3A_392 : i32 to vector<16xi32>
      %parallel_loop3A_394 = arith.shrsi %parallel_loop3A_391, %parallel_loop3A_393 : vector<16xi32>
      %parallel_loop3A_395 = arith.constant 23 : i32
      %parallel_loop3A_396 = vector.broadcast %parallel_loop3A_395 : i32 to vector<16xi32>
      %parallel_loop3A_397 = arith.shli %parallel_loop3A_394, %parallel_loop3A_396 : vector<16xi32>
      %parallel_loop3A_398 = arith.subi %parallel_loop3A_388, %parallel_loop3A_397 : vector<16xi32>
      %parallel_loop3A_399 = vector.bitcast %parallel_loop3A_398 : vector<16xi32> to vector<16xf32>
      %parallel_loop3A_400 = arith.sitofp %parallel_loop3A_394 : vector<16xi32> to vector<16xf32>
      %parallel_loop3A_401 = arith.constant 1.000000e+00 : f32
      %parallel_loop3A_402 = vector.broadcast %parallel_loop3A_401 : f32 to vector<16xf32>
      %parallel_loop3A_403 = arith.subf %parallel_loop3A_399, %parallel_loop3A_402 : vector<16xf32>
      %parallel_loop3A_404 = arith.mulf %parallel_loop3A_403, %parallel_loop3A_403 : vector<16xf32>
      %parallel_loop3A_405 = arith.constant 0.126447335 : f32
      %parallel_loop3A_406 = vector.broadcast %parallel_loop3A_405 : f32 to vector<16xf32>
      %parallel_loop3A_407 = arith.mulf %parallel_loop3A_406, %parallel_loop3A_403 : vector<16xf32>
      %parallel_loop3A_408 = arith.constant -0.182568833 : f32
      %parallel_loop3A_409 = vector.broadcast %parallel_loop3A_408 : f32 to vector<16xf32>
      %parallel_loop3A_410 = arith.addf %parallel_loop3A_407, %parallel_loop3A_409 : vector<16xf32>
      %parallel_loop3A_411 = arith.mulf %parallel_loop3A_410, %parallel_loop3A_403 : vector<16xf32>
      %parallel_loop3A_412 = arith.constant 0.202216655 : f32
      %parallel_loop3A_413 = vector.broadcast %parallel_loop3A_412 : f32 to vector<16xf32>
      %parallel_loop3A_414 = arith.addf %parallel_loop3A_411, %parallel_loop3A_413 : vector<16xf32>
      %parallel_loop3A_415 = arith.mulf %parallel_loop3A_414, %parallel_loop3A_403 : vector<16xf32>
      %parallel_loop3A_416 = arith.constant -0.249578759 : f32
      %parallel_loop3A_417 = vector.broadcast %parallel_loop3A_416 : f32 to vector<16xf32>
      %parallel_loop3A_418 = arith.addf %parallel_loop3A_415, %parallel_loop3A_417 : vector<16xf32>
      %parallel_loop3A_419 = arith.mulf %parallel_loop3A_418, %parallel_loop3A_403 : vector<16xf32>
      %parallel_loop3A_420 = arith.constant 0.333308816 : f32
      %parallel_loop3A_421 = vector.broadcast %parallel_loop3A_420 : f32 to vector<16xf32>
      %parallel_loop3A_422 = arith.addf %parallel_loop3A_419, %parallel_loop3A_421 : vector<16xf32>
      %parallel_loop3A_423 = arith.mulf %parallel_loop3A_403, %parallel_loop3A_422 : vector<16xf32>
      %parallel_loop3A_424 = arith.constant 5.000000e-01 : f32
      %parallel_loop3A_425 = vector.broadcast %parallel_loop3A_424 : f32 to vector<16xf32>
      %parallel_loop3A_426 = arith.subf %parallel_loop3A_423, %parallel_loop3A_425 : vector<16xf32>
      %parallel_loop3A_427 = arith.mulf %parallel_loop3A_404, %parallel_loop3A_426 : vector<16xf32>
      %parallel_loop3A_428 = arith.addf %parallel_loop3A_403, %parallel_loop3A_427 : vector<16xf32>
      %parallel_loop3A_429 = vector.broadcast %reduce_sum3A_103 : f32 to vector<16xf32>
      %parallel_loop3A_430 = arith.mulf %parallel_loop3A_428, %parallel_loop3A_429 : vector<16xf32>
      %parallel_loop3A_431 = vector.broadcast %reduce_sum3A_153 : f32 to vector<16xf32>
      %parallel_loop3A_432 = arith.mulf %parallel_loop3A_400, %parallel_loop3A_431 : vector<16xf32>
      %parallel_loop3A_433 = arith.addf %parallel_loop3A_430, %parallel_loop3A_432 : vector<16xf32>
      %parallel_loop3A_434 = arith.constant 2 : i32
      %parallel_loop3A_435 = arith.index_cast %parallel_loop3A_434 : i32 to index
      %parallel_loop3A_436 = arith.index_cast %parallel_loop3A_333 : i32 to index
      %parallel_loop3A_437 = tpu.vector_load %arg6[%parallel_loop3A_435, %parallel_loop3A_436] {strides = array<i32>} : memref<5x2048xf32, #tpu.memory_space<vmem>>, vector<16xf32>,
      %parallel_loop3A_438 = vector.bitcast %parallel_loop3A_437 : vector<16xf32> to vector<16xi32>
      %parallel_loop3A_439 = arith.constant 1060439283 : i32
      %parallel_loop3A_440 = vector.broadcast %parallel_loop3A_439 : i32 to vector<16xi32>
      %parallel_loop3A_441 = arith.subi %parallel_loop3A_438, %parallel_loop3A_440 : vector<16xi32>
      %parallel_loop3A_442 = arith.constant 23 : i32
      %parallel_loop3A_443 = vector.broadcast %parallel_loop3A_442 : i32 to vector<16xi32>
      %parallel_loop3A_444 = arith.shrsi %parallel_loop3A_441, %parallel_loop3A_443 : vector<16xi32>
      %parallel_loop3A_445 = arith.constant 23 : i32
      %parallel_loop3A_446 = vector.broadcast %parallel_loop3A_445 : i32 to vector<16xi32>
      %parallel_loop3A_447 = arith.shli %parallel_loop3A_444, %parallel_loop3A_446 : vector<16xi32>
      %parallel_loop3A_448 = arith.subi %parallel_loop3A_438, %parallel_loop3A_447 : vector<16xi32>
      %parallel_loop3A_449 = vector.bitcast %parallel_loop3A_448 : vector<16xi32> to vector<16xf32>
      %parallel_loop3A_450 = arith.sitofp %parallel_loop3A_444 : vector<16xi32> to vector<16xf32>
      %parallel_loop3A_451 = arith.constant 1.000000e+00 : f32
      %parallel_loop3A_452 = vector.broadcast %parallel_loop3A_451 : f32 to vector<16xf32>
      %parallel_loop3A_453 = arith.subf %parallel_loop3A_449, %parallel_loop3A_452 : vector<16xf32>
      %parallel_loop3A_454 = arith.mulf %parallel_loop3A_453, %parallel_loop3A_453 : vector<16xf32>
      %parallel_loop3A_455 = arith.constant 0.126447335 : f32
      %parallel_loop3A_456 = vector.broadcast %parallel_loop3A_455 : f32 to vector<16xf32>
      %parallel_loop3A_457 = arith.mulf %parallel_loop3A_456, %parallel_loop3A_453 : vector<16xf32>
      %parallel_loop3A_458 = arith.constant -0.182568833 : f32
      %parallel_loop3A_459 = vector.broadcast %parallel_loop3A_458 : f32 to vector<16xf32>
      %parallel_loop3A_460 = arith.addf %parallel_loop3A_457, %parallel_loop3A_459 : vector<16xf32>
      %parallel_loop3A_461 = arith.mulf %parallel_loop3A_460, %parallel_loop3A_453 : vector<16xf32>
      %parallel_loop3A_462 = arith.constant 0.202216655 : f32
      %parallel_loop3A_463 = vector.broadcast %parallel_loop3A_462 : f32 to vector<16xf32>
      %parallel_loop3A_464 = arith.addf %parallel_loop3A_461, %parallel_loop3A_463 : vector<16xf32>
      %parallel_loop3A_465 = arith.mulf %parallel_loop3A_464, %parallel_loop3A_453 : vector<16xf32>
      %parallel_loop3A_466 = arith.constant -0.249578759 : f32
      %parallel_loop3A_467 = vector.broadcast %parallel_loop3A_466 : f32 to vector<16xf32>
      %parallel_loop3A_468 = arith.addf %parallel_loop3A_465, %parallel_loop3A_467 : vector<16xf32>
      %parallel_loop3A_469 = arith.mulf %parallel_loop3A_468, %parallel_loop3A_453 : vector<16xf32>
      %parallel_loop3A_470 = arith.constant 0.333308816 : f32
      %parallel_loop3A_471 = vector.broadcast %parallel_loop3A_470 : f32 to vector<16xf32>
      %parallel_loop3A_472 = arith.addf %parallel_loop3A_469, %parallel_loop3A_471 : vector<16xf32>
      %parallel_loop3A_473 = arith.mulf %parallel_loop3A_453, %parallel_loop3A_472 : vector<16xf32>
      %parallel_loop3A_474 = arith.constant 5.000000e-01 : f32
      %parallel_loop3A_475 = vector.broadcast %parallel_loop3A_474 : f32 to vector<16xf32>
      %parallel_loop3A_476 = arith.subf %parallel_loop3A_473, %parallel_loop3A_475 : vector<16xf32>
      %parallel_loop3A_477 = arith.mulf %parallel_loop3A_454, %parallel_loop3A_476 : vector<16xf32>
      %parallel_loop3A_478 = arith.addf %parallel_loop3A_453, %parallel_loop3A_477 : vector<16xf32>
      %parallel_loop3A_479 = vector.broadcast %reduce_sum3A_113 : f32 to vector<16xf32>
      %parallel_loop3A_480 = arith.mulf %parallel_loop3A_478, %parallel_loop3A_479 : vector<16xf32>
      %parallel_loop3A_481 = vector.broadcast %reduce_sum3A_163 : f32 to vector<16xf32>
      %parallel_loop3A_482 = arith.mulf %parallel_loop3A_450, %parallel_loop3A_481 : vector<16xf32>
      %parallel_loop3A_483 = arith.addf %parallel_loop3A_480, %parallel_loop3A_482 : vector<16xf32>
      %parallel_loop3A_484 = arith.constant 3 : i32
      %parallel_loop3A_485 = arith.index_cast %parallel_loop3A_484 : i32 to index
      %parallel_loop3A_486 = arith.index_cast %parallel_loop3A_333 : i32 to index
      %parallel_loop3A_487 = tpu.vector_load %arg6[%parallel_loop3A_485, %parallel_loop3A_486] {strides = array<i32>} : memref<5x2048xf32, #tpu.memory_space<vmem>>, vector<16xf32>,
      %parallel_loop3A_488 = vector.bitcast %parallel_loop3A_487 : vector<16xf32> to vector<16xi32>
      %parallel_loop3A_489 = arith.constant 1060439283 : i32
      %parallel_loop3A_490 = vector.broadcast %parallel_loop3A_489 : i32 to vector<16xi32>
      %parallel_loop3A_491 = arith.subi %parallel_loop3A_488, %parallel_loop3A_490 : vector<16xi32>
      %parallel_loop3A_492 = arith.constant 23 : i32
      %parallel_loop3A_493 = vector.broadcast %parallel_loop3A_492 : i32 to vector<16xi32>
      %parallel_loop3A_494 = arith.shrsi %parallel_loop3A_491, %parallel_loop3A_493 : vector<16xi32>
      %parallel_loop3A_495 = arith.constant 23 : i32
      %parallel_loop3A_496 = vector.broadcast %parallel_loop3A_495 : i32 to vector<16xi32>
      %parallel_loop3A_497 = arith.shli %parallel_loop3A_494, %parallel_loop3A_496 : vector<16xi32>
      %parallel_loop3A_498 = arith.subi %parallel_loop3A_488, %parallel_loop3A_497 : vector<16xi32>
      %parallel_loop3A_499 = vector.bitcast %parallel_loop3A_498 : vector<16xi32> to vector<16xf32>
      %parallel_loop3A_500 = arith.sitofp %parallel_loop3A_494 : vector<16xi32> to vector<16xf32>
      %parallel_loop3A_501 = arith.constant 1.000000e+00 : f32
      %parallel_loop3A_502 = vector.broadcast %parallel_loop3A_501 : f32 to vector<16xf32>
      %parallel_loop3A_503 = arith.subf %parallel_loop3A_499, %parallel_loop3A_502 : vector<16xf32>
      %parallel_loop3A_504 = arith.mulf %parallel_loop3A_503, %parallel_loop3A_503 : vector<16xf32>
      %parallel_loop3A_505 = arith.constant 0.126447335 : f32
      %parallel_loop3A_506 = vector.broadcast %parallel_loop3A_505 : f32 to vector<16xf32>
      %parallel_loop3A_507 = arith.mulf %parallel_loop3A_506, %parallel_loop3A_503 : vector<16xf32>
      %parallel_loop3A_508 = arith.constant -0.182568833 : f32
      %parallel_loop3A_509 = vector.broadcast %parallel_loop3A_508 : f32 to vector<16xf32>
      %parallel_loop3A_510 = arith.addf %parallel_loop3A_507, %parallel_loop3A_509 : vector<16xf32>
      %parallel_loop3A_511 = arith.mulf %parallel_loop3A_510, %parallel_loop3A_503 : vector<16xf32>
      %parallel_loop3A_512 = arith.constant 0.202216655 : f32
      %parallel_loop3A_513 = vector.broadcast %parallel_loop3A_512 : f32 to vector<16xf32>
      %parallel_loop3A_514 = arith.addf %parallel_loop3A_511, %parallel_loop3A_513 : vector<16xf32>
      %parallel_loop3A_515 = arith.mulf %parallel_loop3A_514, %parallel_loop3A_503 : vector<16xf32>
      %parallel_loop3A_516 = arith.constant -0.249578759 : f32
      %parallel_loop3A_517 = vector.broadcast %parallel_loop3A_516 : f32 to vector<16xf32>
      %parallel_loop3A_518 = arith.addf %parallel_loop3A_515, %parallel_loop3A_517 : vector<16xf32>
      %parallel_loop3A_519 = arith.mulf %parallel_loop3A_518, %parallel_loop3A_503 : vector<16xf32>
      %parallel_loop3A_520 = arith.constant 0.333308816 : f32
      %parallel_loop3A_521 = vector.broadcast %parallel_loop3A_520 : f32 to vector<16xf32>
      %parallel_loop3A_522 = arith.addf %parallel_loop3A_519, %parallel_loop3A_521 : vector<16xf32>
      %parallel_loop3A_523 = arith.mulf %parallel_loop3A_503, %parallel_loop3A_522 : vector<16xf32>
      %parallel_loop3A_524 = arith.constant 5.000000e-01 : f32
      %parallel_loop3A_525 = vector.broadcast %parallel_loop3A_524 : f32 to vector<16xf32>
      %parallel_loop3A_526 = arith.subf %parallel_loop3A_523, %parallel_loop3A_525 : vector<16xf32>
      %parallel_loop3A_527 = arith.mulf %parallel_loop3A_504, %parallel_loop3A_526 : vector<16xf32>
      %parallel_loop3A_528 = arith.addf %parallel_loop3A_503, %parallel_loop3A_527 : vector<16xf32>
      %parallel_loop3A_529 = vector.broadcast %reduce_sum3A_123 : f32 to vector<16xf32>
      %parallel_loop3A_530 = arith.mulf %parallel_loop3A_528, %parallel_loop3A_529 : vector<16xf32>
      %parallel_loop3A_531 = vector.broadcast %reduce_sum3A_173 : f32 to vector<16xf32>
      %parallel_loop3A_532 = arith.mulf %parallel_loop3A_500, %parallel_loop3A_531 : vector<16xf32>
      %parallel_loop3A_533 = arith.addf %parallel_loop3A_530, %parallel_loop3A_532 : vector<16xf32>
      %parallel_loop3A_534 = arith.constant 4 : i32
      %parallel_loop3A_535 = arith.index_cast %parallel_loop3A_534 : i32 to index
      %parallel_loop3A_536 = arith.index_cast %parallel_loop3A_333 : i32 to index
      %parallel_loop3A_537 = tpu.vector_load %arg6[%parallel_loop3A_535, %parallel_loop3A_536] {strides = array<i32>} : memref<5x2048xf32, #tpu.memory_space<vmem>>, vector<16xf32>,
      %parallel_loop3A_538 = vector.bitcast %parallel_loop3A_537 : vector<16xf32> to vector<16xi32>
      %parallel_loop3A_539 = arith.constant 1060439283 : i32
      %parallel_loop3A_540 = vector.broadcast %parallel_loop3A_539 : i32 to vector<16xi32>
      %parallel_loop3A_541 = arith.subi %parallel_loop3A_538, %parallel_loop3A_540 : vector<16xi32>
      %parallel_loop3A_542 = arith.constant 23 : i32
      %parallel_loop3A_543 = vector.broadcast %parallel_loop3A_542 : i32 to vector<16xi32>
      %parallel_loop3A_544 = arith.shrsi %parallel_loop3A_541, %parallel_loop3A_543 : vector<16xi32>
      %parallel_loop3A_545 = arith.constant 23 : i32
      %parallel_loop3A_546 = vector.broadcast %parallel_loop3A_545 : i32 to vector<16xi32>
      %parallel_loop3A_547 = arith.shli %parallel_loop3A_544, %parallel_loop3A_546 : vector<16xi32>
      %parallel_loop3A_548 = arith.subi %parallel_loop3A_538, %parallel_loop3A_547 : vector<16xi32>
      %parallel_loop3A_549 = vector.bitcast %parallel_loop3A_548 : vector<16xi32> to vector<16xf32>
      %parallel_loop3A_550 = arith.sitofp %parallel_loop3A_544 : vector<16xi32> to vector<16xf32>
      %parallel_loop3A_551 = arith.constant 1.000000e+00 : f32
      %parallel_loop3A_552 = vector.broadcast %parallel_loop3A_551 : f32 to vector<16xf32>
      %parallel_loop3A_553 = arith.subf %parallel_loop3A_549, %parallel_loop3A_552 : vector<16xf32>
      %parallel_loop3A_554 = arith.mulf %parallel_loop3A_553, %parallel_loop3A_553 : vector<16xf32>
      %parallel_loop3A_555 = arith.constant 0.126447335 : f32
      %parallel_loop3A_556 = vector.broadcast %parallel_loop3A_555 : f32 to vector<16xf32>
      %parallel_loop3A_557 = arith.mulf %parallel_loop3A_556, %parallel_loop3A_553 : vector<16xf32>
      %parallel_loop3A_558 = arith.constant -0.182568833 : f32
      %parallel_loop3A_559 = vector.broadcast %parallel_loop3A_558 : f32 to vector<16xf32>
      %parallel_loop3A_560 = arith.addf %parallel_loop3A_557, %parallel_loop3A_559 : vector<16xf32>
      %parallel_loop3A_561 = arith.mulf %parallel_loop3A_560, %parallel_loop3A_553 : vector<16xf32>
      %parallel_loop3A_562 = arith.constant 0.202216655 : f32
      %parallel_loop3A_563 = vector.broadcast %parallel_loop3A_562 : f32 to vector<16xf32>
      %parallel_loop3A_564 = arith.addf %parallel_loop3A_561, %parallel_loop3A_563 : vector<16xf32>
      %parallel_loop3A_565 = arith.mulf %parallel_loop3A_564, %parallel_loop3A_553 : vector<16xf32>
      %parallel_loop3A_566 = arith.constant -0.249578759 : f32
      %parallel_loop3A_567 = vector.broadcast %parallel_loop3A_566 : f32 to vector<16xf32>
      %parallel_loop3A_568 = arith.addf %parallel_loop3A_565, %parallel_loop3A_567 : vector<16xf32>
      %parallel_loop3A_569 = arith.mulf %parallel_loop3A_568, %parallel_loop3A_553 : vector<16xf32>
      %parallel_loop3A_570 = arith.constant 0.333308816 : f32
      %parallel_loop3A_571 = vector.broadcast %parallel_loop3A_570 : f32 to vector<16xf32>
      %parallel_loop3A_572 = arith.addf %parallel_loop3A_569, %parallel_loop3A_571 : vector<16xf32>
      %parallel_loop3A_573 = arith.mulf %parallel_loop3A_553, %parallel_loop3A_572 : vector<16xf32>
      %parallel_loop3A_574 = arith.constant 5.000000e-01 : f32
      %parallel_loop3A_575 = vector.broadcast %parallel_loop3A_574 : f32 to vector<16xf32>
      %parallel_loop3A_576 = arith.subf %parallel_loop3A_573, %parallel_loop3A_575 : vector<16xf32>
      %parallel_loop3A_577 = arith.mulf %parallel_loop3A_554, %parallel_loop3A_576 : vector<16xf32>
      %parallel_loop3A_578 = arith.addf %parallel_loop3A_553, %parallel_loop3A_577 : vector<16xf32>
      %parallel_loop3A_579 = vector.broadcast %reduce_sum3A_133 : f32 to vector<16xf32>
      %parallel_loop3A_580 = arith.mulf %parallel_loop3A_578, %parallel_loop3A_579 : vector<16xf32>
      %parallel_loop3A_581 = vector.broadcast %reduce_sum3A_183 : f32 to vector<16xf32>
      %parallel_loop3A_582 = arith.mulf %parallel_loop3A_550, %parallel_loop3A_581 : vector<16xf32>
      %parallel_loop3A_583 = arith.addf %parallel_loop3A_580, %parallel_loop3A_582 : vector<16xf32>
      %parallel_loop3A_584 = arith.cmpf olt, %parallel_loop3A_433, %parallel_loop3A_383 : vector<16xf32>
      %parallel_loop3A_585 = arith.select %parallel_loop3A_584, %parallel_loop3A_433, %parallel_loop3A_383 : vector<16xi1>, vector<16xf32>
      %parallel_loop3A_586 = arith.select %parallel_loop3A_584, %broadcast_in_dim3A_237, %broadcast_in_dim3A_235 : vector<16xi1>, vector<16xf32>
      %parallel_loop3A_587 = vector.broadcast %reduce_sum3A_203 : f32 to vector<16xf32>
      %parallel_loop3A_588 = vector.broadcast %reduce_sum3A_193 : f32 to vector<16xf32>
      %parallel_loop3A_589 = arith.select %parallel_loop3A_584, %parallel_loop3A_587, %parallel_loop3A_588 : vector<16xi1>, vector<16xf32>
      %parallel_loop3A_590 = arith.cmpf olt, %parallel_loop3A_533, %parallel_loop3A_483 : vector<16xf32>
      %parallel_loop3A_591 = arith.select %parallel_loop3A_590, %parallel_loop3A_533, %parallel_loop3A_483 : vector<16xi1>, vector<16xf32>
      %parallel_loop3A_592 = arith.select %parallel_loop3A_590, %broadcast_in_dim3A_241, %broadcast_in_dim3A_239 : vector<16xi1>, vector<16xf32>
      %parallel_loop3A_593 = vector.broadcast %reduce_sum3A_223 : f32 to vector<16xf32>
      %parallel_loop3A_594 = vector.broadcast %reduce_sum3A_213 : f32 to vector<16xf32>
      %parallel_loop3A_595 = arith.select %parallel_loop3A_590, %parallel_loop3A_593, %parallel_loop3A_594 : vector<16xi1>, vector<16xf32>
      %parallel_loop3A_596 = arith.cmpf olt, %parallel_loop3A_591, %parallel_loop3A_585 : vector<16xf32>
      %parallel_loop3A_597 = arith.select %parallel_loop3A_596, %parallel_loop3A_591, %parallel_loop3A_585 : vector<16xi1>, vector<16xf32>
      %parallel_loop3A_598 = arith.select %parallel_loop3A_596, %parallel_loop3A_592, %parallel_loop3A_586 : vector<16xi1>, vector<16xf32>
      %parallel_loop3A_599 = arith.select %parallel_loop3A_596, %parallel_loop3A_595, %parallel_loop3A_589 : vector<16xi1>, vector<16xf32>
      %parallel_loop3A_600 = arith.cmpf olt, %parallel_loop3A_583, %parallel_loop3A_597 : vector<16xf32>
      %parallel_loop3A_601 = arith.select %parallel_loop3A_600, %broadcast_in_dim3A_243, %parallel_loop3A_598 : vector<16xi1>, vector<16xf32>
      %parallel_loop3A_602 = vector.broadcast %reduce_sum3A_233 : f32 to vector<16xf32>
      %parallel_loop3A_603 = arith.select %parallel_loop3A_600, %parallel_loop3A_602, %parallel_loop3A_599 : vector<16xi1>, vector<16xf32>
      %parallel_loop3A_604 = arith.constant 0 : i32
      %parallel_loop3A_605 = arith.index_cast %parallel_loop3A_604 : i32 to index
      %parallel_loop3A_606 = arith.index_cast %parallel_loop3A_333 : i32 to index
      %parallel_loop3A_607 = tpu.vector_load %arg8[%parallel_loop3A_605, %parallel_loop3A_606] {strides = array<i32>} : memref<5x2048xf32, #tpu.memory_space<vmem>>, vector<16xf32>,
      %parallel_loop3A_608 = arith.addf %parallel_loop3A_601, %parallel_loop3A_607 : vector<16xf32>
      %parallel_loop3A_609 = arith.constant 0 : i32
      %parallel_loop3A_610 = arith.index_cast %parallel_loop3A_609 : i32 to index
      %parallel_loop3A_611 = arith.index_cast %parallel_loop3A_333 : i32 to index
      %parallel_loop3A_612 = tpu.vector_load %arg10[%parallel_loop3A_610, %parallel_loop3A_611] {strides = array<i32>} : memref<6x2048xf32, #tpu.memory_space<vmem>>, vector<16xf32>,
      tpu.vector_store %arg10[%parallel_loop3A_610, %parallel_loop3A_611], %parallel_loop3A_608 {strides = array<i32>} : memref<6x2048xf32, #tpu.memory_space<vmem>>, vector<16xf32>,
      %parallel_loop3A_613 = arith.mulf %parallel_loop3A_607, %parallel_loop3A_607 : vector<16xf32>
      %parallel_loop3A_614 = arith.constant 1 : i32
      %parallel_loop3A_615 = arith.index_cast %parallel_loop3A_614 : i32 to index
      %parallel_loop3A_616 = arith.index_cast %parallel_loop3A_333 : i32 to index
      %parallel_loop3A_617 = tpu.vector_load %arg8[%parallel_loop3A_615, %parallel_loop3A_616] {strides = array<i32>} : memref<5x2048xf32, #tpu.memory_space<vmem>>, vector<16xf32>,
      %parallel_loop3A_618 = arith.addf %parallel_loop3A_601, %parallel_loop3A_617 : vector<16xf32>
      %parallel_loop3A_619 = arith.constant 1 : i32
      %parallel_loop3A_620 = arith.index_cast %parallel_loop3A_619 : i32 to index
      %parallel_loop3A_621 = arith.index_cast %parallel_loop3A_333 : i32 to index
      %parallel_loop3A_622 = tpu.vector_load %arg10[%parallel_loop3A_620, %parallel_loop3A_621] {strides = array<i32>} : memref<6x2048xf32, #tpu.memory_space<vmem>>, vector<16xf32>,
      tpu.vector_store %arg10[%parallel_loop3A_620, %parallel_loop3A_621], %parallel_loop3A_618 {strides = array<i32>} : memref<6x2048xf32, #tpu.memory_space<vmem>>, vector<16xf32>,
      %parallel_loop3A_623 = arith.mulf %parallel_loop3A_617, %parallel_loop3A_617 : vector<16xf32>
      %parallel_loop3A_624 = arith.addf %parallel_loop3A_613, %parallel_loop3A_623 : vector<16xf32>
      %parallel_loop3A_625 = arith.constant 2 : i32
      %parallel_loop3A_626 = arith.index_cast %parallel_loop3A_625 : i32 to index
      %parallel_loop3A_627 = arith.index_cast %parallel_loop3A_333 : i32 to index
      %parallel_loop3A_628 = tpu.vector_load %arg8[%parallel_loop3A_626, %parallel_loop3A_627] {strides = array<i32>} : memref<5x2048xf32, #tpu.memory_space<vmem>>, vector<16xf32>,
      %parallel_loop3A_629 = arith.addf %parallel_loop3A_601, %parallel_loop3A_628 : vector<16xf32>
      %parallel_loop3A_630 = arith.constant 2 : i32
      %parallel_loop3A_631 = arith.index_cast %parallel_loop3A_630 : i32 to index
      %parallel_loop3A_632 = arith.index_cast %parallel_loop3A_333 : i32 to index
      %parallel_loop3A_633 = tpu.vector_load %arg10[%parallel_loop3A_631, %parallel_loop3A_632] {strides = array<i32>} : memref<6x2048xf32, #tpu.memory_space<vmem>>, vector<16xf32>,
      tpu.vector_store %arg10[%parallel_loop3A_631, %parallel_loop3A_632], %parallel_loop3A_629 {strides = array<i32>} : memref<6x2048xf32, #tpu.memory_space<vmem>>, vector<16xf32>,
      %parallel_loop3A_634 = arith.mulf %parallel_loop3A_628, %parallel_loop3A_628 : vector<16xf32>
      %parallel_loop3A_635 = arith.addf %parallel_loop3A_624, %parallel_loop3A_634 : vector<16xf32>
      %parallel_loop3A_636 = arith.constant 3 : i32
      %parallel_loop3A_637 = arith.index_cast %parallel_loop3A_636 : i32 to index
      %parallel_loop3A_638 = arith.index_cast %parallel_loop3A_333 : i32 to index
      %parallel_loop3A_639 = tpu.vector_load %arg8[%parallel_loop3A_637, %parallel_loop3A_638] {strides = array<i32>} : memref<5x2048xf32, #tpu.memory_space<vmem>>, vector<16xf32>,
      %parallel_loop3A_640 = arith.addf %parallel_loop3A_601, %parallel_loop3A_639 : vector<16xf32>
      %parallel_loop3A_641 = arith.constant 3 : i32
      %parallel_loop3A_642 = arith.index_cast %parallel_loop3A_641 : i32 to index
      %parallel_loop3A_643 = arith.index_cast %parallel_loop3A_333 : i32 to index
      %parallel_loop3A_644 = tpu.vector_load %arg10[%parallel_loop3A_642, %parallel_loop3A_643] {strides = array<i32>} : memref<6x2048xf32, #tpu.memory_space<vmem>>, vector<16xf32>,
      tpu.vector_store %arg10[%parallel_loop3A_642, %parallel_loop3A_643], %parallel_loop3A_640 {strides = array<i32>} : memref<6x2048xf32, #tpu.memory_space<vmem>>, vector<16xf32>,
      %parallel_loop3A_645 = arith.mulf %parallel_loop3A_639, %parallel_loop3A_639 : vector<16xf32>
      %parallel_loop3A_646 = arith.addf %parallel_loop3A_635, %parallel_loop3A_645 : vector<16xf32>
      %parallel_loop3A_647 = arith.constant 4 : i32
      %parallel_loop3A_648 = arith.index_cast %parallel_loop3A_647 : i32 to index
      %parallel_loop3A_649 = arith.index_cast %parallel_loop3A_333 : i32 to index
      %parallel_loop3A_650 = tpu.vector_load %arg8[%parallel_loop3A_648, %parallel_loop3A_649] {strides = array<i32>} : memref<5x2048xf32, #tpu.memory_space<vmem>>, vector<16xf32>,
      %parallel_loop3A_651 = arith.addf %parallel_loop3A_601, %parallel_loop3A_650 : vector<16xf32>
      %parallel_loop3A_652 = arith.constant 4 : i32
      %parallel_loop3A_653 = arith.index_cast %parallel_loop3A_652 : i32 to index
      %parallel_loop3A_654 = arith.index_cast %parallel_loop3A_333 : i32 to index
      %parallel_loop3A_655 = tpu.vector_load %arg10[%parallel_loop3A_653, %parallel_loop3A_654] {strides = array<i32>} : memref<6x2048xf32, #tpu.memory_space<vmem>>, vector<16xf32>,
      tpu.vector_store %arg10[%parallel_loop3A_653, %parallel_loop3A_654], %parallel_loop3A_651 {strides = array<i32>} : memref<6x2048xf32, #tpu.memory_space<vmem>>, vector<16xf32>,
      %parallel_loop3A_656 = arith.mulf %parallel_loop3A_650, %parallel_loop3A_650 : vector<16xf32>
      %parallel_loop3A_657 = arith.addf %parallel_loop3A_646, %parallel_loop3A_656 : vector<16xf32>
      %parallel_loop3A_658 = arith.constant 5.000000e-01 : f32
      %parallel_loop3A_659 = vector.broadcast %parallel_loop3A_658 : f32 to vector<16xf32>
      %parallel_loop3A_660 = arith.mulf %parallel_loop3A_659, %parallel_loop3A_657 : vector<16xf32>
      %parallel_loop3A_661 = arith.subf %parallel_loop3A_603, %parallel_loop3A_660 : vector<16xf32>
      %parallel_loop3A_662 = arith.constant 5 : i32
      %parallel_loop3A_663 = arith.index_cast %parallel_loop3A_662 : i32 to index
      %parallel_loop3A_664 = arith.index_cast %parallel_loop3A_333 : i32 to index
      %parallel_loop3A_665 = tpu.vector_load %arg10[%parallel_loop3A_663, %parallel_loop3A_664] {strides = array<i32>} : memref<6x2048xf32, #tpu.memory_space<vmem>>, vector<16xf32>,
      tpu.vector_store %arg10[%parallel_loop3A_663, %parallel_loop3A_664], %parallel_loop3A_661 {strides = array<i32>} : memref<6x2048xf32, #tpu.memory_space<vmem>>, vector<16xf32>,
    } {sc.loop_unroll_factor = 8 : i64, sc.parallel_access}
    %add3A_288 = arith.constant 28672 : i32
    %add3A_289 = arith.addi %mul3A_2, %add3A_288 : i32
    %dma_start3A_290 = arith.constant 0 : i32
    %dma_start3A_291 = tpu.memref_slice %arg5[%dma_start3A_290, %add3A_289] : memref<6x1048576xf32, #tpu.memory_space<hbm>> -> memref<6x2048xf32, #tpu.memory_space<hbm>>
    %dma_start3A_292 = arith.constant 0 : i32
    %dma_start3A_293 = tpu.memref_slice %arg5[%dma_start3A_292, %add3A_289] : memref<6x1048576xf32, #tpu.memory_space<hbm>> -> memref<6x2048xf32, #tpu.memory_space<hbm>>
    tpu.enqueue_dma source(%arg10 : memref<6x2048xf32, #tpu.memory_space<vmem>>) target(%dma_start3A_293 : memref<6x2048xf32, #tpu.memory_space<hbm>>) target_semaphore(%arg15 : memref<!tpu.dma_semaphore, #tpu.memory_space<semaphore_mem>>)
    %dma_wait3A_294 = arith.constant 0 : i32
    %dma_wait3A_295 = arith.constant 0 : i32
    %dma_wait3A_296 = tpu.memref_slice %arg2[%dma_wait3A_294, %dma_wait3A_295] : memref<5x1048576xf32, #tpu.memory_space<hbm>> -> memref<5x2048xf32, #tpu.memory_space<hbm>>
    %dma_wait3A_297 = arith.constant 0 : i32
    %dma_wait3A_298 = arith.constant 0 : i32
    %dma_wait3A_299 = tpu.memref_slice %arg2[%dma_wait3A_297, %dma_wait3A_298] : memref<5x1048576xf32, #tpu.memory_space<hbm>> -> memref<5x2048xf32, #tpu.memory_space<hbm>>
    tpu.wait_dma2 semaphore(%arg14 : memref<!tpu.dma_semaphore, #tpu.memory_space<semaphore_mem>>) src(%dma_wait3A_299 : memref<5x2048xf32, #tpu.memory_space<hbm>>) dst(%arg7 : memref<5x2048xf32, #tpu.memory_space<vmem>>)
    %dma_wait3A_300 = arith.constant 0 : i32
    %dma_wait3A_301 = arith.constant 0 : i32
    %dma_wait3A_302 = tpu.memref_slice %arg3[%dma_wait3A_300, %dma_wait3A_301] : memref<5x1048576xf32, #tpu.memory_space<hbm>> -> memref<5x2048xf32, #tpu.memory_space<hbm>>
    %dma_wait3A_303 = arith.constant 0 : i32
    %dma_wait3A_304 = arith.constant 0 : i32
    %dma_wait3A_305 = tpu.memref_slice %arg3[%dma_wait3A_303, %dma_wait3A_304] : memref<5x1048576xf32, #tpu.memory_space<hbm>> -> memref<5x2048xf32, #tpu.memory_space<hbm>>
    tpu.wait_dma2 semaphore(%arg14 : memref<!tpu.dma_semaphore, #tpu.memory_space<semaphore_mem>>) src(%dma_wait3A_305 : memref<5x2048xf32, #tpu.memory_space<hbm>>) dst(%arg9 : memref<5x2048xf32, #tpu.memory_space<vmem>>)
    %dma_wait3A_306 = arith.constant 0 : i32
    %dma_wait3A_307 = arith.constant 0 : i32
    %dma_wait3A_308 = tpu.memref_slice %arg5[%dma_wait3A_306, %dma_wait3A_307] : memref<6x1048576xf32, #tpu.memory_space<hbm>> -> memref<6x2048xf32, #tpu.memory_space<hbm>>
    %dma_wait3A_309 = arith.constant 0 : i32
    %dma_wait3A_310 = arith.constant 0 : i32
    %dma_wait3A_311 = tpu.memref_slice %arg5[%dma_wait3A_309, %dma_wait3A_310] : memref<6x1048576xf32, #tpu.memory_space<hbm>> -> memref<6x2048xf32, #tpu.memory_space<hbm>>
    tpu.wait_dma2 semaphore(%arg16 : memref<!tpu.dma_semaphore, #tpu.memory_space<semaphore_mem>>) src(%arg11 : memref<6x2048xf32, #tpu.memory_space<vmem>>) dst(%dma_wait3A_311 : memref<6x2048xf32, #tpu.memory_space<hbm>>)
    %parallel_loop3A_312 = arith.constant 0 : i32
    %parallel_loop3A_313 = arith.constant 2048 : i32
    %parallel_loop3A_314 = arith.constant 16 : i32
    scf.for %parallel_loop3A_333 = %parallel_loop3A_312 to %parallel_loop3A_313 step %parallel_loop3A_314  : i32 {
      %parallel_loop3A_334 = arith.constant 0 : i32
      %parallel_loop3A_335 = arith.index_cast %parallel_loop3A_334 : i32 to index
      %parallel_loop3A_336 = arith.index_cast %parallel_loop3A_333 : i32 to index
      %parallel_loop3A_337 = tpu.vector_load %arg7[%parallel_loop3A_335, %parallel_loop3A_336] {strides = array<i32>} : memref<5x2048xf32, #tpu.memory_space<vmem>>, vector<16xf32>,
      %parallel_loop3A_338 = vector.bitcast %parallel_loop3A_337 : vector<16xf32> to vector<16xi32>
      %parallel_loop3A_339 = arith.constant 1060439283 : i32
      %parallel_loop3A_340 = vector.broadcast %parallel_loop3A_339 : i32 to vector<16xi32>
      %parallel_loop3A_341 = arith.subi %parallel_loop3A_338, %parallel_loop3A_340 : vector<16xi32>
      %parallel_loop3A_342 = arith.constant 23 : i32
      %parallel_loop3A_343 = vector.broadcast %parallel_loop3A_342 : i32 to vector<16xi32>
      %parallel_loop3A_344 = arith.shrsi %parallel_loop3A_341, %parallel_loop3A_343 : vector<16xi32>
      %parallel_loop3A_345 = arith.constant 23 : i32
      %parallel_loop3A_346 = vector.broadcast %parallel_loop3A_345 : i32 to vector<16xi32>
      %parallel_loop3A_347 = arith.shli %parallel_loop3A_344, %parallel_loop3A_346 : vector<16xi32>
      %parallel_loop3A_348 = arith.subi %parallel_loop3A_338, %parallel_loop3A_347 : vector<16xi32>
      %parallel_loop3A_349 = vector.bitcast %parallel_loop3A_348 : vector<16xi32> to vector<16xf32>
      %parallel_loop3A_350 = arith.sitofp %parallel_loop3A_344 : vector<16xi32> to vector<16xf32>
      %parallel_loop3A_351 = arith.constant 1.000000e+00 : f32
      %parallel_loop3A_352 = vector.broadcast %parallel_loop3A_351 : f32 to vector<16xf32>
      %parallel_loop3A_353 = arith.subf %parallel_loop3A_349, %parallel_loop3A_352 : vector<16xf32>
      %parallel_loop3A_354 = arith.mulf %parallel_loop3A_353, %parallel_loop3A_353 : vector<16xf32>
      %parallel_loop3A_355 = arith.constant 0.126447335 : f32
      %parallel_loop3A_356 = vector.broadcast %parallel_loop3A_355 : f32 to vector<16xf32>
      %parallel_loop3A_357 = arith.mulf %parallel_loop3A_356, %parallel_loop3A_353 : vector<16xf32>
      %parallel_loop3A_358 = arith.constant -0.182568833 : f32
      %parallel_loop3A_359 = vector.broadcast %parallel_loop3A_358 : f32 to vector<16xf32>
      %parallel_loop3A_360 = arith.addf %parallel_loop3A_357, %parallel_loop3A_359 : vector<16xf32>
      %parallel_loop3A_361 = arith.mulf %parallel_loop3A_360, %parallel_loop3A_353 : vector<16xf32>
      %parallel_loop3A_362 = arith.constant 0.202216655 : f32
      %parallel_loop3A_363 = vector.broadcast %parallel_loop3A_362 : f32 to vector<16xf32>
      %parallel_loop3A_364 = arith.addf %parallel_loop3A_361, %parallel_loop3A_363 : vector<16xf32>
      %parallel_loop3A_365 = arith.mulf %parallel_loop3A_364, %parallel_loop3A_353 : vector<16xf32>
      %parallel_loop3A_366 = arith.constant -0.249578759 : f32
      %parallel_loop3A_367 = vector.broadcast %parallel_loop3A_366 : f32 to vector<16xf32>
      %parallel_loop3A_368 = arith.addf %parallel_loop3A_365, %parallel_loop3A_367 : vector<16xf32>
      %parallel_loop3A_369 = arith.mulf %parallel_loop3A_368, %parallel_loop3A_353 : vector<16xf32>
      %parallel_loop3A_370 = arith.constant 0.333308816 : f32
      %parallel_loop3A_371 = vector.broadcast %parallel_loop3A_370 : f32 to vector<16xf32>
      %parallel_loop3A_372 = arith.addf %parallel_loop3A_369, %parallel_loop3A_371 : vector<16xf32>
      %parallel_loop3A_373 = arith.mulf %parallel_loop3A_353, %parallel_loop3A_372 : vector<16xf32>
      %parallel_loop3A_374 = arith.constant 5.000000e-01 : f32
      %parallel_loop3A_375 = vector.broadcast %parallel_loop3A_374 : f32 to vector<16xf32>
      %parallel_loop3A_376 = arith.subf %parallel_loop3A_373, %parallel_loop3A_375 : vector<16xf32>
      %parallel_loop3A_377 = arith.mulf %parallel_loop3A_354, %parallel_loop3A_376 : vector<16xf32>
      %parallel_loop3A_378 = arith.addf %parallel_loop3A_353, %parallel_loop3A_377 : vector<16xf32>
      %parallel_loop3A_379 = vector.broadcast %reduce_sum3A_93 : f32 to vector<16xf32>
      %parallel_loop3A_380 = arith.mulf %parallel_loop3A_378, %parallel_loop3A_379 : vector<16xf32>
      %parallel_loop3A_381 = vector.broadcast %reduce_sum3A_143 : f32 to vector<16xf32>
      %parallel_loop3A_382 = arith.mulf %parallel_loop3A_350, %parallel_loop3A_381 : vector<16xf32>
      %parallel_loop3A_383 = arith.addf %parallel_loop3A_380, %parallel_loop3A_382 : vector<16xf32>
      %parallel_loop3A_384 = arith.constant 1 : i32
      %parallel_loop3A_385 = arith.index_cast %parallel_loop3A_384 : i32 to index
      %parallel_loop3A_386 = arith.index_cast %parallel_loop3A_333 : i32 to index
      %parallel_loop3A_387 = tpu.vector_load %arg7[%parallel_loop3A_385, %parallel_loop3A_386] {strides = array<i32>} : memref<5x2048xf32, #tpu.memory_space<vmem>>, vector<16xf32>,
      %parallel_loop3A_388 = vector.bitcast %parallel_loop3A_387 : vector<16xf32> to vector<16xi32>
      %parallel_loop3A_389 = arith.constant 1060439283 : i32
      %parallel_loop3A_390 = vector.broadcast %parallel_loop3A_389 : i32 to vector<16xi32>
      %parallel_loop3A_391 = arith.subi %parallel_loop3A_388, %parallel_loop3A_390 : vector<16xi32>
      %parallel_loop3A_392 = arith.constant 23 : i32
      %parallel_loop3A_393 = vector.broadcast %parallel_loop3A_392 : i32 to vector<16xi32>
      %parallel_loop3A_394 = arith.shrsi %parallel_loop3A_391, %parallel_loop3A_393 : vector<16xi32>
      %parallel_loop3A_395 = arith.constant 23 : i32
      %parallel_loop3A_396 = vector.broadcast %parallel_loop3A_395 : i32 to vector<16xi32>
      %parallel_loop3A_397 = arith.shli %parallel_loop3A_394, %parallel_loop3A_396 : vector<16xi32>
      %parallel_loop3A_398 = arith.subi %parallel_loop3A_388, %parallel_loop3A_397 : vector<16xi32>
      %parallel_loop3A_399 = vector.bitcast %parallel_loop3A_398 : vector<16xi32> to vector<16xf32>
      %parallel_loop3A_400 = arith.sitofp %parallel_loop3A_394 : vector<16xi32> to vector<16xf32>
      %parallel_loop3A_401 = arith.constant 1.000000e+00 : f32
      %parallel_loop3A_402 = vector.broadcast %parallel_loop3A_401 : f32 to vector<16xf32>
      %parallel_loop3A_403 = arith.subf %parallel_loop3A_399, %parallel_loop3A_402 : vector<16xf32>
      %parallel_loop3A_404 = arith.mulf %parallel_loop3A_403, %parallel_loop3A_403 : vector<16xf32>
      %parallel_loop3A_405 = arith.constant 0.126447335 : f32
      %parallel_loop3A_406 = vector.broadcast %parallel_loop3A_405 : f32 to vector<16xf32>
      %parallel_loop3A_407 = arith.mulf %parallel_loop3A_406, %parallel_loop3A_403 : vector<16xf32>
      %parallel_loop3A_408 = arith.constant -0.182568833 : f32
      %parallel_loop3A_409 = vector.broadcast %parallel_loop3A_408 : f32 to vector<16xf32>
      %parallel_loop3A_410 = arith.addf %parallel_loop3A_407, %parallel_loop3A_409 : vector<16xf32>
      %parallel_loop3A_411 = arith.mulf %parallel_loop3A_410, %parallel_loop3A_403 : vector<16xf32>
      %parallel_loop3A_412 = arith.constant 0.202216655 : f32
      %parallel_loop3A_413 = vector.broadcast %parallel_loop3A_412 : f32 to vector<16xf32>
      %parallel_loop3A_414 = arith.addf %parallel_loop3A_411, %parallel_loop3A_413 : vector<16xf32>
      %parallel_loop3A_415 = arith.mulf %parallel_loop3A_414, %parallel_loop3A_403 : vector<16xf32>
      %parallel_loop3A_416 = arith.constant -0.249578759 : f32
      %parallel_loop3A_417 = vector.broadcast %parallel_loop3A_416 : f32 to vector<16xf32>
      %parallel_loop3A_418 = arith.addf %parallel_loop3A_415, %parallel_loop3A_417 : vector<16xf32>
      %parallel_loop3A_419 = arith.mulf %parallel_loop3A_418, %parallel_loop3A_403 : vector<16xf32>
      %parallel_loop3A_420 = arith.constant 0.333308816 : f32
      %parallel_loop3A_421 = vector.broadcast %parallel_loop3A_420 : f32 to vector<16xf32>
      %parallel_loop3A_422 = arith.addf %parallel_loop3A_419, %parallel_loop3A_421 : vector<16xf32>
      %parallel_loop3A_423 = arith.mulf %parallel_loop3A_403, %parallel_loop3A_422 : vector<16xf32>
      %parallel_loop3A_424 = arith.constant 5.000000e-01 : f32
      %parallel_loop3A_425 = vector.broadcast %parallel_loop3A_424 : f32 to vector<16xf32>
      %parallel_loop3A_426 = arith.subf %parallel_loop3A_423, %parallel_loop3A_425 : vector<16xf32>
      %parallel_loop3A_427 = arith.mulf %parallel_loop3A_404, %parallel_loop3A_426 : vector<16xf32>
      %parallel_loop3A_428 = arith.addf %parallel_loop3A_403, %parallel_loop3A_427 : vector<16xf32>
      %parallel_loop3A_429 = vector.broadcast %reduce_sum3A_103 : f32 to vector<16xf32>
      %parallel_loop3A_430 = arith.mulf %parallel_loop3A_428, %parallel_loop3A_429 : vector<16xf32>
      %parallel_loop3A_431 = vector.broadcast %reduce_sum3A_153 : f32 to vector<16xf32>
      %parallel_loop3A_432 = arith.mulf %parallel_loop3A_400, %parallel_loop3A_431 : vector<16xf32>
      %parallel_loop3A_433 = arith.addf %parallel_loop3A_430, %parallel_loop3A_432 : vector<16xf32>
      %parallel_loop3A_434 = arith.constant 2 : i32
      %parallel_loop3A_435 = arith.index_cast %parallel_loop3A_434 : i32 to index
      %parallel_loop3A_436 = arith.index_cast %parallel_loop3A_333 : i32 to index
      %parallel_loop3A_437 = tpu.vector_load %arg7[%parallel_loop3A_435, %parallel_loop3A_436] {strides = array<i32>} : memref<5x2048xf32, #tpu.memory_space<vmem>>, vector<16xf32>,
      %parallel_loop3A_438 = vector.bitcast %parallel_loop3A_437 : vector<16xf32> to vector<16xi32>
      %parallel_loop3A_439 = arith.constant 1060439283 : i32
      %parallel_loop3A_440 = vector.broadcast %parallel_loop3A_439 : i32 to vector<16xi32>
      %parallel_loop3A_441 = arith.subi %parallel_loop3A_438, %parallel_loop3A_440 : vector<16xi32>
      %parallel_loop3A_442 = arith.constant 23 : i32
      %parallel_loop3A_443 = vector.broadcast %parallel_loop3A_442 : i32 to vector<16xi32>
      %parallel_loop3A_444 = arith.shrsi %parallel_loop3A_441, %parallel_loop3A_443 : vector<16xi32>
      %parallel_loop3A_445 = arith.constant 23 : i32
      %parallel_loop3A_446 = vector.broadcast %parallel_loop3A_445 : i32 to vector<16xi32>
      %parallel_loop3A_447 = arith.shli %parallel_loop3A_444, %parallel_loop3A_446 : vector<16xi32>
      %parallel_loop3A_448 = arith.subi %parallel_loop3A_438, %parallel_loop3A_447 : vector<16xi32>
      %parallel_loop3A_449 = vector.bitcast %parallel_loop3A_448 : vector<16xi32> to vector<16xf32>
      %parallel_loop3A_450 = arith.sitofp %parallel_loop3A_444 : vector<16xi32> to vector<16xf32>
      %parallel_loop3A_451 = arith.constant 1.000000e+00 : f32
      %parallel_loop3A_452 = vector.broadcast %parallel_loop3A_451 : f32 to vector<16xf32>
      %parallel_loop3A_453 = arith.subf %parallel_loop3A_449, %parallel_loop3A_452 : vector<16xf32>
      %parallel_loop3A_454 = arith.mulf %parallel_loop3A_453, %parallel_loop3A_453 : vector<16xf32>
      %parallel_loop3A_455 = arith.constant 0.126447335 : f32
      %parallel_loop3A_456 = vector.broadcast %parallel_loop3A_455 : f32 to vector<16xf32>
      %parallel_loop3A_457 = arith.mulf %parallel_loop3A_456, %parallel_loop3A_453 : vector<16xf32>
      %parallel_loop3A_458 = arith.constant -0.182568833 : f32
      %parallel_loop3A_459 = vector.broadcast %parallel_loop3A_458 : f32 to vector<16xf32>
      %parallel_loop3A_460 = arith.addf %parallel_loop3A_457, %parallel_loop3A_459 : vector<16xf32>
      %parallel_loop3A_461 = arith.mulf %parallel_loop3A_460, %parallel_loop3A_453 : vector<16xf32>
      %parallel_loop3A_462 = arith.constant 0.202216655 : f32
      %parallel_loop3A_463 = vector.broadcast %parallel_loop3A_462 : f32 to vector<16xf32>
      %parallel_loop3A_464 = arith.addf %parallel_loop3A_461, %parallel_loop3A_463 : vector<16xf32>
      %parallel_loop3A_465 = arith.mulf %parallel_loop3A_464, %parallel_loop3A_453 : vector<16xf32>
      %parallel_loop3A_466 = arith.constant -0.249578759 : f32
      %parallel_loop3A_467 = vector.broadcast %parallel_loop3A_466 : f32 to vector<16xf32>
      %parallel_loop3A_468 = arith.addf %parallel_loop3A_465, %parallel_loop3A_467 : vector<16xf32>
      %parallel_loop3A_469 = arith.mulf %parallel_loop3A_468, %parallel_loop3A_453 : vector<16xf32>
      %parallel_loop3A_470 = arith.constant 0.333308816 : f32
      %parallel_loop3A_471 = vector.broadcast %parallel_loop3A_470 : f32 to vector<16xf32>
      %parallel_loop3A_472 = arith.addf %parallel_loop3A_469, %parallel_loop3A_471 : vector<16xf32>
      %parallel_loop3A_473 = arith.mulf %parallel_loop3A_453, %parallel_loop3A_472 : vector<16xf32>
      %parallel_loop3A_474 = arith.constant 5.000000e-01 : f32
      %parallel_loop3A_475 = vector.broadcast %parallel_loop3A_474 : f32 to vector<16xf32>
      %parallel_loop3A_476 = arith.subf %parallel_loop3A_473, %parallel_loop3A_475 : vector<16xf32>
      %parallel_loop3A_477 = arith.mulf %parallel_loop3A_454, %parallel_loop3A_476 : vector<16xf32>
      %parallel_loop3A_478 = arith.addf %parallel_loop3A_453, %parallel_loop3A_477 : vector<16xf32>
      %parallel_loop3A_479 = vector.broadcast %reduce_sum3A_113 : f32 to vector<16xf32>
      %parallel_loop3A_480 = arith.mulf %parallel_loop3A_478, %parallel_loop3A_479 : vector<16xf32>
      %parallel_loop3A_481 = vector.broadcast %reduce_sum3A_163 : f32 to vector<16xf32>
      %parallel_loop3A_482 = arith.mulf %parallel_loop3A_450, %parallel_loop3A_481 : vector<16xf32>
      %parallel_loop3A_483 = arith.addf %parallel_loop3A_480, %parallel_loop3A_482 : vector<16xf32>
      %parallel_loop3A_484 = arith.constant 3 : i32
      %parallel_loop3A_485 = arith.index_cast %parallel_loop3A_484 : i32 to index
      %parallel_loop3A_486 = arith.index_cast %parallel_loop3A_333 : i32 to index
      %parallel_loop3A_487 = tpu.vector_load %arg7[%parallel_loop3A_485, %parallel_loop3A_486] {strides = array<i32>} : memref<5x2048xf32, #tpu.memory_space<vmem>>, vector<16xf32>,
      %parallel_loop3A_488 = vector.bitcast %parallel_loop3A_487 : vector<16xf32> to vector<16xi32>
      %parallel_loop3A_489 = arith.constant 1060439283 : i32
      %parallel_loop3A_490 = vector.broadcast %parallel_loop3A_489 : i32 to vector<16xi32>
      %parallel_loop3A_491 = arith.subi %parallel_loop3A_488, %parallel_loop3A_490 : vector<16xi32>
      %parallel_loop3A_492 = arith.constant 23 : i32
      %parallel_loop3A_493 = vector.broadcast %parallel_loop3A_492 : i32 to vector<16xi32>
      %parallel_loop3A_494 = arith.shrsi %parallel_loop3A_491, %parallel_loop3A_493 : vector<16xi32>
      %parallel_loop3A_495 = arith.constant 23 : i32
      %parallel_loop3A_496 = vector.broadcast %parallel_loop3A_495 : i32 to vector<16xi32>
      %parallel_loop3A_497 = arith.shli %parallel_loop3A_494, %parallel_loop3A_496 : vector<16xi32>
      %parallel_loop3A_498 = arith.subi %parallel_loop3A_488, %parallel_loop3A_497 : vector<16xi32>
      %parallel_loop3A_499 = vector.bitcast %parallel_loop3A_498 : vector<16xi32> to vector<16xf32>
      %parallel_loop3A_500 = arith.sitofp %parallel_loop3A_494 : vector<16xi32> to vector<16xf32>
      %parallel_loop3A_501 = arith.constant 1.000000e+00 : f32
      %parallel_loop3A_502 = vector.broadcast %parallel_loop3A_501 : f32 to vector<16xf32>
      %parallel_loop3A_503 = arith.subf %parallel_loop3A_499, %parallel_loop3A_502 : vector<16xf32>
      %parallel_loop3A_504 = arith.mulf %parallel_loop3A_503, %parallel_loop3A_503 : vector<16xf32>
      %parallel_loop3A_505 = arith.constant 0.126447335 : f32
      %parallel_loop3A_506 = vector.broadcast %parallel_loop3A_505 : f32 to vector<16xf32>
      %parallel_loop3A_507 = arith.mulf %parallel_loop3A_506, %parallel_loop3A_503 : vector<16xf32>
      %parallel_loop3A_508 = arith.constant -0.182568833 : f32
      %parallel_loop3A_509 = vector.broadcast %parallel_loop3A_508 : f32 to vector<16xf32>
      %parallel_loop3A_510 = arith.addf %parallel_loop3A_507, %parallel_loop3A_509 : vector<16xf32>
      %parallel_loop3A_511 = arith.mulf %parallel_loop3A_510, %parallel_loop3A_503 : vector<16xf32>
      %parallel_loop3A_512 = arith.constant 0.202216655 : f32
      %parallel_loop3A_513 = vector.broadcast %parallel_loop3A_512 : f32 to vector<16xf32>
      %parallel_loop3A_514 = arith.addf %parallel_loop3A_511, %parallel_loop3A_513 : vector<16xf32>
      %parallel_loop3A_515 = arith.mulf %parallel_loop3A_514, %parallel_loop3A_503 : vector<16xf32>
      %parallel_loop3A_516 = arith.constant -0.249578759 : f32
      %parallel_loop3A_517 = vector.broadcast %parallel_loop3A_516 : f32 to vector<16xf32>
      %parallel_loop3A_518 = arith.addf %parallel_loop3A_515, %parallel_loop3A_517 : vector<16xf32>
      %parallel_loop3A_519 = arith.mulf %parallel_loop3A_518, %parallel_loop3A_503 : vector<16xf32>
      %parallel_loop3A_520 = arith.constant 0.333308816 : f32
      %parallel_loop3A_521 = vector.broadcast %parallel_loop3A_520 : f32 to vector<16xf32>
      %parallel_loop3A_522 = arith.addf %parallel_loop3A_519, %parallel_loop3A_521 : vector<16xf32>
      %parallel_loop3A_523 = arith.mulf %parallel_loop3A_503, %parallel_loop3A_522 : vector<16xf32>
      %parallel_loop3A_524 = arith.constant 5.000000e-01 : f32
      %parallel_loop3A_525 = vector.broadcast %parallel_loop3A_524 : f32 to vector<16xf32>
      %parallel_loop3A_526 = arith.subf %parallel_loop3A_523, %parallel_loop3A_525 : vector<16xf32>
      %parallel_loop3A_527 = arith.mulf %parallel_loop3A_504, %parallel_loop3A_526 : vector<16xf32>
      %parallel_loop3A_528 = arith.addf %parallel_loop3A_503, %parallel_loop3A_527 : vector<16xf32>
      %parallel_loop3A_529 = vector.broadcast %reduce_sum3A_123 : f32 to vector<16xf32>
      %parallel_loop3A_530 = arith.mulf %parallel_loop3A_528, %parallel_loop3A_529 : vector<16xf32>
      %parallel_loop3A_531 = vector.broadcast %reduce_sum3A_173 : f32 to vector<16xf32>
      %parallel_loop3A_532 = arith.mulf %parallel_loop3A_500, %parallel_loop3A_531 : vector<16xf32>
      %parallel_loop3A_533 = arith.addf %parallel_loop3A_530, %parallel_loop3A_532 : vector<16xf32>
      %parallel_loop3A_534 = arith.constant 4 : i32
      %parallel_loop3A_535 = arith.index_cast %parallel_loop3A_534 : i32 to index
      %parallel_loop3A_536 = arith.index_cast %parallel_loop3A_333 : i32 to index
      %parallel_loop3A_537 = tpu.vector_load %arg7[%parallel_loop3A_535, %parallel_loop3A_536] {strides = array<i32>} : memref<5x2048xf32, #tpu.memory_space<vmem>>, vector<16xf32>,
      %parallel_loop3A_538 = vector.bitcast %parallel_loop3A_537 : vector<16xf32> to vector<16xi32>
      %parallel_loop3A_539 = arith.constant 1060439283 : i32
      %parallel_loop3A_540 = vector.broadcast %parallel_loop3A_539 : i32 to vector<16xi32>
      %parallel_loop3A_541 = arith.subi %parallel_loop3A_538, %parallel_loop3A_540 : vector<16xi32>
      %parallel_loop3A_542 = arith.constant 23 : i32
      %parallel_loop3A_543 = vector.broadcast %parallel_loop3A_542 : i32 to vector<16xi32>
      %parallel_loop3A_544 = arith.shrsi %parallel_loop3A_541, %parallel_loop3A_543 : vector<16xi32>
      %parallel_loop3A_545 = arith.constant 23 : i32
      %parallel_loop3A_546 = vector.broadcast %parallel_loop3A_545 : i32 to vector<16xi32>
      %parallel_loop3A_547 = arith.shli %parallel_loop3A_544, %parallel_loop3A_546 : vector<16xi32>
      %parallel_loop3A_548 = arith.subi %parallel_loop3A_538, %parallel_loop3A_547 : vector<16xi32>
      %parallel_loop3A_549 = vector.bitcast %parallel_loop3A_548 : vector<16xi32> to vector<16xf32>
      %parallel_loop3A_550 = arith.sitofp %parallel_loop3A_544 : vector<16xi32> to vector<16xf32>
      %parallel_loop3A_551 = arith.constant 1.000000e+00 : f32
      %parallel_loop3A_552 = vector.broadcast %parallel_loop3A_551 : f32 to vector<16xf32>
      %parallel_loop3A_553 = arith.subf %parallel_loop3A_549, %parallel_loop3A_552 : vector<16xf32>
      %parallel_loop3A_554 = arith.mulf %parallel_loop3A_553, %parallel_loop3A_553 : vector<16xf32>
      %parallel_loop3A_555 = arith.constant 0.126447335 : f32
      %parallel_loop3A_556 = vector.broadcast %parallel_loop3A_555 : f32 to vector<16xf32>
      %parallel_loop3A_557 = arith.mulf %parallel_loop3A_556, %parallel_loop3A_553 : vector<16xf32>
      %parallel_loop3A_558 = arith.constant -0.182568833 : f32
      %parallel_loop3A_559 = vector.broadcast %parallel_loop3A_558 : f32 to vector<16xf32>
      %parallel_loop3A_560 = arith.addf %parallel_loop3A_557, %parallel_loop3A_559 : vector<16xf32>
      %parallel_loop3A_561 = arith.mulf %parallel_loop3A_560, %parallel_loop3A_553 : vector<16xf32>
      %parallel_loop3A_562 = arith.constant 0.202216655 : f32
      %parallel_loop3A_563 = vector.broadcast %parallel_loop3A_562 : f32 to vector<16xf32>
      %parallel_loop3A_564 = arith.addf %parallel_loop3A_561, %parallel_loop3A_563 : vector<16xf32>
      %parallel_loop3A_565 = arith.mulf %parallel_loop3A_564, %parallel_loop3A_553 : vector<16xf32>
      %parallel_loop3A_566 = arith.constant -0.249578759 : f32
      %parallel_loop3A_567 = vector.broadcast %parallel_loop3A_566 : f32 to vector<16xf32>
      %parallel_loop3A_568 = arith.addf %parallel_loop3A_565, %parallel_loop3A_567 : vector<16xf32>
      %parallel_loop3A_569 = arith.mulf %parallel_loop3A_568, %parallel_loop3A_553 : vector<16xf32>
      %parallel_loop3A_570 = arith.constant 0.333308816 : f32
      %parallel_loop3A_571 = vector.broadcast %parallel_loop3A_570 : f32 to vector<16xf32>
      %parallel_loop3A_572 = arith.addf %parallel_loop3A_569, %parallel_loop3A_571 : vector<16xf32>
      %parallel_loop3A_573 = arith.mulf %parallel_loop3A_553, %parallel_loop3A_572 : vector<16xf32>
      %parallel_loop3A_574 = arith.constant 5.000000e-01 : f32
      %parallel_loop3A_575 = vector.broadcast %parallel_loop3A_574 : f32 to vector<16xf32>
      %parallel_loop3A_576 = arith.subf %parallel_loop3A_573, %parallel_loop3A_575 : vector<16xf32>
      %parallel_loop3A_577 = arith.mulf %parallel_loop3A_554, %parallel_loop3A_576 : vector<16xf32>
      %parallel_loop3A_578 = arith.addf %parallel_loop3A_553, %parallel_loop3A_577 : vector<16xf32>
      %parallel_loop3A_579 = vector.broadcast %reduce_sum3A_133 : f32 to vector<16xf32>
      %parallel_loop3A_580 = arith.mulf %parallel_loop3A_578, %parallel_loop3A_579 : vector<16xf32>
      %parallel_loop3A_581 = vector.broadcast %reduce_sum3A_183 : f32 to vector<16xf32>
      %parallel_loop3A_582 = arith.mulf %parallel_loop3A_550, %parallel_loop3A_581 : vector<16xf32>
      %parallel_loop3A_583 = arith.addf %parallel_loop3A_580, %parallel_loop3A_582 : vector<16xf32>
      %parallel_loop3A_584 = arith.cmpf olt, %parallel_loop3A_433, %parallel_loop3A_383 : vector<16xf32>
      %parallel_loop3A_585 = arith.select %parallel_loop3A_584, %parallel_loop3A_433, %parallel_loop3A_383 : vector<16xi1>, vector<16xf32>
      %parallel_loop3A_586 = arith.select %parallel_loop3A_584, %broadcast_in_dim3A_237, %broadcast_in_dim3A_235 : vector<16xi1>, vector<16xf32>
      %parallel_loop3A_587 = vector.broadcast %reduce_sum3A_203 : f32 to vector<16xf32>
      %parallel_loop3A_588 = vector.broadcast %reduce_sum3A_193 : f32 to vector<16xf32>
      %parallel_loop3A_589 = arith.select %parallel_loop3A_584, %parallel_loop3A_587, %parallel_loop3A_588 : vector<16xi1>, vector<16xf32>
      %parallel_loop3A_590 = arith.cmpf olt, %parallel_loop3A_533, %parallel_loop3A_483 : vector<16xf32>
      %parallel_loop3A_591 = arith.select %parallel_loop3A_590, %parallel_loop3A_533, %parallel_loop3A_483 : vector<16xi1>, vector<16xf32>
      %parallel_loop3A_592 = arith.select %parallel_loop3A_590, %broadcast_in_dim3A_241, %broadcast_in_dim3A_239 : vector<16xi1>, vector<16xf32>
      %parallel_loop3A_593 = vector.broadcast %reduce_sum3A_223 : f32 to vector<16xf32>
      %parallel_loop3A_594 = vector.broadcast %reduce_sum3A_213 : f32 to vector<16xf32>
      %parallel_loop3A_595 = arith.select %parallel_loop3A_590, %parallel_loop3A_593, %parallel_loop3A_594 : vector<16xi1>, vector<16xf32>
      %parallel_loop3A_596 = arith.cmpf olt, %parallel_loop3A_591, %parallel_loop3A_585 : vector<16xf32>
      %parallel_loop3A_597 = arith.select %parallel_loop3A_596, %parallel_loop3A_591, %parallel_loop3A_585 : vector<16xi1>, vector<16xf32>
      %parallel_loop3A_598 = arith.select %parallel_loop3A_596, %parallel_loop3A_592, %parallel_loop3A_586 : vector<16xi1>, vector<16xf32>
      %parallel_loop3A_599 = arith.select %parallel_loop3A_596, %parallel_loop3A_595, %parallel_loop3A_589 : vector<16xi1>, vector<16xf32>
      %parallel_loop3A_600 = arith.cmpf olt, %parallel_loop3A_583, %parallel_loop3A_597 : vector<16xf32>
      %parallel_loop3A_601 = arith.select %parallel_loop3A_600, %broadcast_in_dim3A_243, %parallel_loop3A_598 : vector<16xi1>, vector<16xf32>
      %parallel_loop3A_602 = vector.broadcast %reduce_sum3A_233 : f32 to vector<16xf32>
      %parallel_loop3A_603 = arith.select %parallel_loop3A_600, %parallel_loop3A_602, %parallel_loop3A_599 : vector<16xi1>, vector<16xf32>
      %parallel_loop3A_604 = arith.constant 0 : i32
      %parallel_loop3A_605 = arith.index_cast %parallel_loop3A_604 : i32 to index
      %parallel_loop3A_606 = arith.index_cast %parallel_loop3A_333 : i32 to index
      %parallel_loop3A_607 = tpu.vector_load %arg9[%parallel_loop3A_605, %parallel_loop3A_606] {strides = array<i32>} : memref<5x2048xf32, #tpu.memory_space<vmem>>, vector<16xf32>,
      %parallel_loop3A_608 = arith.addf %parallel_loop3A_601, %parallel_loop3A_607 : vector<16xf32>
      %parallel_loop3A_609 = arith.constant 0 : i32
      %parallel_loop3A_610 = arith.index_cast %parallel_loop3A_609 : i32 to index
      %parallel_loop3A_611 = arith.index_cast %parallel_loop3A_333 : i32 to index
      %parallel_loop3A_612 = tpu.vector_load %arg11[%parallel_loop3A_610, %parallel_loop3A_611] {strides = array<i32>} : memref<6x2048xf32, #tpu.memory_space<vmem>>, vector<16xf32>,
      tpu.vector_store %arg11[%parallel_loop3A_610, %parallel_loop3A_611], %parallel_loop3A_608 {strides = array<i32>} : memref<6x2048xf32, #tpu.memory_space<vmem>>, vector<16xf32>,
      %parallel_loop3A_613 = arith.mulf %parallel_loop3A_607, %parallel_loop3A_607 : vector<16xf32>
      %parallel_loop3A_614 = arith.constant 1 : i32
      %parallel_loop3A_615 = arith.index_cast %parallel_loop3A_614 : i32 to index
      %parallel_loop3A_616 = arith.index_cast %parallel_loop3A_333 : i32 to index
      %parallel_loop3A_617 = tpu.vector_load %arg9[%parallel_loop3A_615, %parallel_loop3A_616] {strides = array<i32>} : memref<5x2048xf32, #tpu.memory_space<vmem>>, vector<16xf32>,
      %parallel_loop3A_618 = arith.addf %parallel_loop3A_601, %parallel_loop3A_617 : vector<16xf32>
      %parallel_loop3A_619 = arith.constant 1 : i32
      %parallel_loop3A_620 = arith.index_cast %parallel_loop3A_619 : i32 to index
      %parallel_loop3A_621 = arith.index_cast %parallel_loop3A_333 : i32 to index
      %parallel_loop3A_622 = tpu.vector_load %arg11[%parallel_loop3A_620, %parallel_loop3A_621] {strides = array<i32>} : memref<6x2048xf32, #tpu.memory_space<vmem>>, vector<16xf32>,
      tpu.vector_store %arg11[%parallel_loop3A_620, %parallel_loop3A_621], %parallel_loop3A_618 {strides = array<i32>} : memref<6x2048xf32, #tpu.memory_space<vmem>>, vector<16xf32>,
      %parallel_loop3A_623 = arith.mulf %parallel_loop3A_617, %parallel_loop3A_617 : vector<16xf32>
      %parallel_loop3A_624 = arith.addf %parallel_loop3A_613, %parallel_loop3A_623 : vector<16xf32>
      %parallel_loop3A_625 = arith.constant 2 : i32
      %parallel_loop3A_626 = arith.index_cast %parallel_loop3A_625 : i32 to index
      %parallel_loop3A_627 = arith.index_cast %parallel_loop3A_333 : i32 to index
      %parallel_loop3A_628 = tpu.vector_load %arg9[%parallel_loop3A_626, %parallel_loop3A_627] {strides = array<i32>} : memref<5x2048xf32, #tpu.memory_space<vmem>>, vector<16xf32>,
      %parallel_loop3A_629 = arith.addf %parallel_loop3A_601, %parallel_loop3A_628 : vector<16xf32>
      %parallel_loop3A_630 = arith.constant 2 : i32
      %parallel_loop3A_631 = arith.index_cast %parallel_loop3A_630 : i32 to index
      %parallel_loop3A_632 = arith.index_cast %parallel_loop3A_333 : i32 to index
      %parallel_loop3A_633 = tpu.vector_load %arg11[%parallel_loop3A_631, %parallel_loop3A_632] {strides = array<i32>} : memref<6x2048xf32, #tpu.memory_space<vmem>>, vector<16xf32>,
      tpu.vector_store %arg11[%parallel_loop3A_631, %parallel_loop3A_632], %parallel_loop3A_629 {strides = array<i32>} : memref<6x2048xf32, #tpu.memory_space<vmem>>, vector<16xf32>,
      %parallel_loop3A_634 = arith.mulf %parallel_loop3A_628, %parallel_loop3A_628 : vector<16xf32>
      %parallel_loop3A_635 = arith.addf %parallel_loop3A_624, %parallel_loop3A_634 : vector<16xf32>
      %parallel_loop3A_636 = arith.constant 3 : i32
      %parallel_loop3A_637 = arith.index_cast %parallel_loop3A_636 : i32 to index
      %parallel_loop3A_638 = arith.index_cast %parallel_loop3A_333 : i32 to index
      %parallel_loop3A_639 = tpu.vector_load %arg9[%parallel_loop3A_637, %parallel_loop3A_638] {strides = array<i32>} : memref<5x2048xf32, #tpu.memory_space<vmem>>, vector<16xf32>,
      %parallel_loop3A_640 = arith.addf %parallel_loop3A_601, %parallel_loop3A_639 : vector<16xf32>
      %parallel_loop3A_641 = arith.constant 3 : i32
      %parallel_loop3A_642 = arith.index_cast %parallel_loop3A_641 : i32 to index
      %parallel_loop3A_643 = arith.index_cast %parallel_loop3A_333 : i32 to index
      %parallel_loop3A_644 = tpu.vector_load %arg11[%parallel_loop3A_642, %parallel_loop3A_643] {strides = array<i32>} : memref<6x2048xf32, #tpu.memory_space<vmem>>, vector<16xf32>,
      tpu.vector_store %arg11[%parallel_loop3A_642, %parallel_loop3A_643], %parallel_loop3A_640 {strides = array<i32>} : memref<6x2048xf32, #tpu.memory_space<vmem>>, vector<16xf32>,
      %parallel_loop3A_645 = arith.mulf %parallel_loop3A_639, %parallel_loop3A_639 : vector<16xf32>
      %parallel_loop3A_646 = arith.addf %parallel_loop3A_635, %parallel_loop3A_645 : vector<16xf32>
      %parallel_loop3A_647 = arith.constant 4 : i32
      %parallel_loop3A_648 = arith.index_cast %parallel_loop3A_647 : i32 to index
      %parallel_loop3A_649 = arith.index_cast %parallel_loop3A_333 : i32 to index
      %parallel_loop3A_650 = tpu.vector_load %arg9[%parallel_loop3A_648, %parallel_loop3A_649] {strides = array<i32>} : memref<5x2048xf32, #tpu.memory_space<vmem>>, vector<16xf32>,
      %parallel_loop3A_651 = arith.addf %parallel_loop3A_601, %parallel_loop3A_650 : vector<16xf32>
      %parallel_loop3A_652 = arith.constant 4 : i32
      %parallel_loop3A_653 = arith.index_cast %parallel_loop3A_652 : i32 to index
      %parallel_loop3A_654 = arith.index_cast %parallel_loop3A_333 : i32 to index
      %parallel_loop3A_655 = tpu.vector_load %arg11[%parallel_loop3A_653, %parallel_loop3A_654] {strides = array<i32>} : memref<6x2048xf32, #tpu.memory_space<vmem>>, vector<16xf32>,
      tpu.vector_store %arg11[%parallel_loop3A_653, %parallel_loop3A_654], %parallel_loop3A_651 {strides = array<i32>} : memref<6x2048xf32, #tpu.memory_space<vmem>>, vector<16xf32>,
      %parallel_loop3A_656 = arith.mulf %parallel_loop3A_650, %parallel_loop3A_650 : vector<16xf32>
      %parallel_loop3A_657 = arith.addf %parallel_loop3A_646, %parallel_loop3A_656 : vector<16xf32>
      %parallel_loop3A_658 = arith.constant 5.000000e-01 : f32
      %parallel_loop3A_659 = vector.broadcast %parallel_loop3A_658 : f32 to vector<16xf32>
      %parallel_loop3A_660 = arith.mulf %parallel_loop3A_659, %parallel_loop3A_657 : vector<16xf32>
      %parallel_loop3A_661 = arith.subf %parallel_loop3A_603, %parallel_loop3A_660 : vector<16xf32>
      %parallel_loop3A_662 = arith.constant 5 : i32
      %parallel_loop3A_663 = arith.index_cast %parallel_loop3A_662 : i32 to index
      %parallel_loop3A_664 = arith.index_cast %parallel_loop3A_333 : i32 to index
      %parallel_loop3A_665 = tpu.vector_load %arg11[%parallel_loop3A_663, %parallel_loop3A_664] {strides = array<i32>} : memref<6x2048xf32, #tpu.memory_space<vmem>>, vector<16xf32>,
      tpu.vector_store %arg11[%parallel_loop3A_663, %parallel_loop3A_664], %parallel_loop3A_661 {strides = array<i32>} : memref<6x2048xf32, #tpu.memory_space<vmem>>, vector<16xf32>,
    } {sc.loop_unroll_factor = 8 : i64, sc.parallel_access}
    %add3A_315 = arith.constant 30720 : i32
    %add3A_316 = arith.addi %mul3A_2, %add3A_315 : i32
    %dma_start3A_317 = arith.constant 0 : i32
    %dma_start3A_318 = tpu.memref_slice %arg5[%dma_start3A_317, %add3A_316] : memref<6x1048576xf32, #tpu.memory_space<hbm>> -> memref<6x2048xf32, #tpu.memory_space<hbm>>
    %dma_start3A_319 = arith.constant 0 : i32
    %dma_start3A_320 = tpu.memref_slice %arg5[%dma_start3A_319, %add3A_316] : memref<6x1048576xf32, #tpu.memory_space<hbm>> -> memref<6x2048xf32, #tpu.memory_space<hbm>>
    tpu.enqueue_dma source(%arg11 : memref<6x2048xf32, #tpu.memory_space<vmem>>) target(%dma_start3A_320 : memref<6x2048xf32, #tpu.memory_space<hbm>>) target_semaphore(%arg16 : memref<!tpu.dma_semaphore, #tpu.memory_space<semaphore_mem>>)
    %dma_wait3A_321 = arith.constant 0 : i32
    %dma_wait3A_322 = arith.constant 0 : i32
    %dma_wait3A_323 = tpu.memref_slice %arg5[%dma_wait3A_321, %dma_wait3A_322] : memref<6x1048576xf32, #tpu.memory_space<hbm>> -> memref<6x2048xf32, #tpu.memory_space<hbm>>
    %dma_wait3A_324 = arith.constant 0 : i32
    %dma_wait3A_325 = arith.constant 0 : i32
    %dma_wait3A_326 = tpu.memref_slice %arg5[%dma_wait3A_324, %dma_wait3A_325] : memref<6x1048576xf32, #tpu.memory_space<hbm>> -> memref<6x2048xf32, #tpu.memory_space<hbm>>
    tpu.wait_dma2 semaphore(%arg15 : memref<!tpu.dma_semaphore, #tpu.memory_space<semaphore_mem>>) src(%arg10 : memref<6x2048xf32, #tpu.memory_space<vmem>>) dst(%dma_wait3A_326 : memref<6x2048xf32, #tpu.memory_space<hbm>>)
    %dma_wait3A_327 = arith.constant 0 : i32
    %dma_wait3A_328 = arith.constant 0 : i32
    %dma_wait3A_329 = tpu.memref_slice %arg5[%dma_wait3A_327, %dma_wait3A_328] : memref<6x1048576xf32, #tpu.memory_space<hbm>> -> memref<6x2048xf32, #tpu.memory_space<hbm>>
    %dma_wait3A_330 = arith.constant 0 : i32
    %dma_wait3A_331 = arith.constant 0 : i32
    %dma_wait3A_332 = tpu.memref_slice %arg5[%dma_wait3A_330, %dma_wait3A_331] : memref<6x1048576xf32, #tpu.memory_space<hbm>> -> memref<6x2048xf32, #tpu.memory_space<hbm>>
    tpu.wait_dma2 semaphore(%arg16 : memref<!tpu.dma_semaphore, #tpu.memory_space<semaphore_mem>>) src(%arg11 : memref<6x2048xf32, #tpu.memory_space<vmem>>) dst(%dma_wait3A_332 : memref<6x2048xf32, #tpu.memory_space<hbm>>)
    return
  }
}

</mosaic_0001>

<sc_bundles>
// kernel: _run.3.cloned.1.call-start
scs
__scs_entry_jumppad:
0x0: {  	(pc) =	sbr.rel $0x88, $3  }
0x1: {  	(tag) =	ssettag $0x0;
	lr =	simm.s32 $0x1  }
0x2: {  	[smem:$0x3F9E] =	sst lr;
	_ =	strace $0xD0000000  }
0x3: {  	_ = 	snop  }
0x4: {  	_ = 	snop  }
0x5: {  	_ = 	snop  }
0x6: {  	_ = 	snop  }
0x7: {  	_ = 	snop  }
__scs_overlays_trampoline_lowered:
0x8: {  	[smem:$0x3FAD] =	sst s0  }
0x9: {  	[smem:$0x3FAE] =	sst s1  }
0xa: {  	[smem:$0x3FAF] =	sst s2  }
0xb: {  	[smem:$0x3FB0] =	sst s3  }
0xc: {  	[smem:$0x3FB1] =	sst s4  }
0xd: {  	[smem:$0x3FB2] =	sst s5  }
0xe: {  	[smem:$0x3FB3] =	sst s6  }
0xf: {  	[smem:$0x3FB4] =	sst s7  }
0x10: {  	[smem:$0x3FB5] =	sst s8  }
0x11: {  	[smem:$0x3FB6] =	sst s9;
	s0 =	simm.s32 @!p0 $0x0  }
0x12: {  	s1 =	sld [smem:$0x3F9C];
	s0 =	simm.s32 @p0 $0x1  }
0x13: {  	[smem:$0x3FB7] =	sst s0;
	s0 =	simm.s32 @!p1 $0x0  }
0x14: {  	s2 =	sld [smem:$0x3F9B];
	s0 =	simm.s32 @p1 $0x1  }
0x15: {  	[smem:$0x3FB8] =	sst s0;
	s0 =	simm.s32 @!p2 $0x0  }
0x16: {  	s3 =	sld [smem:$0x3FDB];
	s0 =	simm.s32 @p2 $0x1  }
0x17: {  	s4 =	simm.s32 $0x1BF5;
	[smem:$0x3FBA] =	sst s0  }
0x18: {  	s0 =	sld [smem:$0x3F9D];
	_ =	swait.ge [sflag:s4], $0x0  }
0x19: {  	s7 =	sld [smem:$0x3F9E]  }
0x1a: {  	s8 =	sadd.s32 $0xFFFFE003, lr  }
0x1b: {  	s9 =	sadd.s32 $0xFFFFFEF7, lr;
	s5 =	simm.s32 $0xFFFFFFFF;
	p2 =	slt.u32 s8, $0xFFFFF086  }
0x1c: {  	p1 =	slt.u32 s9, $0xF7A;
	s5 =	simm.s32 @!p2 $0x0  }
0x1d: {  	s5 =	simm.s32 @p1 $0x1;
	p0 =	seq.s32 s7, s2  }
0x1e: {  	s7 =	smul.u32 @!p0 $0xF7A, s2;
	p2 =	seq.s32 @!p0 s5, $0x0  }
0x1f: {  	s9 =	smul.u32 $0xF7A, s1;
	s8 =	simm.s32 @!p0 $0x1BF5;
	p2 =	por !p2, p0  }
0x20: {  	[sflag:s8] =	ssyncset.s32 @!p0 $0xFFFFF086;
	s6 =	sadd.s32 @!p0 s3, s7;
	s7 =	simm.s32 @!p0 $0x108  }
0x21: {  	s3 =	sadd.s32 s3, s9;
	s6 =	sadd.s32 @!p0 $0x88, s6;
	s7 =	simm.s32 @p2 $0x1082  }
0x22: {  	[simem:s7], [sflag:s8] =	dma.local @!p0 [hbm:s6], $0xF7A  }
0x23: {  	s9 =	sor.u32 $0xD0000000, s2;
	s6 =	simm.s32 $0x108;
	_ =	swait.ge @!p0 [sflag:s8], $0x0  }
0x24: {  	s3 =	sadd.s32 $0x88, s3;
	s6 =	simm.s32 @!p1 $0x1082;
	[sflag:s4] =	ssyncset.s32 $0xFFFFF086  }
0x25: {  	[simem:s6], [sflag:s4] =	dma.local [hbm:s3], $0xF7A  }
0x26: {  	[smem:$0x3F9E] =	sst s1;
	(tag) =	ssettag s2;
	_ =	strace s9  }
0x27: {  	s1 =	sld [smem:$0x3FAE]  }
0x28: {  	s2 =	sld [smem:$0x3FAF]  }
0x29: {  	s4 =	sld [smem:$0x3FB1]  }
0x2a: {  	p0 =	seq.s32 s5, $0x0;
	s5 =	sld [smem:$0x3FB2]  }
0x2b: {  	s6 =	sld [smem:$0x3FB3]  }
0x2c: {  	s7 =	sld [smem:$0x3FB4]  }
0x2d: {  	s3 =	simm.s32 $0x108;
	s8 =	sld [smem:$0x3FB5]  }
0x2e: {  	s3 =	simm.s32 @!p0 $0x1082;
	s9 =	sld [smem:$0x3FB6]  }
0x2f: {  	lr =	sadd.s32 s0, s3;
	s0 =	sld [smem:$0x3FAD]  }
0x30: {  	s3 =	sld [smem:$0x3FB0]  }
0x31: {  	[smem:$0x3FB9] =	sst s10  }
0x32: {  	s10 =	sld [smem:$0x3FB7];
	_ =	sdelay $0x3  }
0x33: {  	p0 =	seq.s32 s10, $0x1;
	s10 =	sld [smem:$0x3FB9];
	_ =	sdelay $0x3  }
0x34: {  	[smem:$0x3FB9] =	sst s10  }
0x35: {  	s10 =	sld [smem:$0x3FB8];
	_ =	sdelay $0x3  }
0x36: {  	p1 =	seq.s32 s10, $0x1;
	s10 =	sld [smem:$0x3FB9];
	_ =	sdelay $0x3  }
0x37: {  	[smem:$0x3FB9] =	sst s10  }
0x38: {  	s10 =	sld [smem:$0x3FBA]  }
0x39: {  	_ = 	snop;
	(pc) =	sbr.ind lr, $3  }
0x3a: {  	_ = 	snop  }
0x3b: {  	_ = 	snop  }
0x3c: {  	p2 =	seq.s32 s10, $0x1;
	s10 =	sld [smem:$0x3FB9]  }
0x3d: {  	_ =	shalt  }
0x3e: {  	_ =	shalt  }
0x3f: {  	_ =	shalt  }
0x40: {  	_ =	shalt  }
0x41: {  	_ =	shalt  }
0x42: {  	_ =	shalt  }
0x43: {  	_ =	shalt  }
0x44: {  	_ =	shalt  }
0x45: {  	_ =	shalt  }
0x46: {  	_ =	shalt  }
0x47: {  	_ =	shalt  }
0x48: {  	_ =	shalt  }
0x49: {  	_ =	shalt  }
0x4a: {  	_ =	shalt  }
0x4b: {  	_ =	shalt  }
0x4c: {  	_ =	shalt  }
0x4d: {  	_ =	shalt  }
0x4e: {  	_ =	shalt  }
0x4f: {  	_ =	shalt  }
0x50: {  	_ =	shalt  }
0x51: {  	_ =	shalt  }
0x52: {  	_ =	shalt  }
0x53: {  	_ =	shalt  }
0x54: {  	_ =	shalt  }
0x55: {  	_ =	shalt  }
0x56: {  	_ =	shalt  }
0x57: {  	_ =	shalt  }
0x58: {  	_ =	shalt  }
0x59: {  	_ =	shalt  }
0x5a: {  	_ =	shalt  }
0x5b: {  	_ =	shalt  }
0x5c: {  	_ =	shalt  }
0x5d: {  	_ =	shalt  }
0x5e: {  	_ =	shalt  }
0x5f: {  	_ =	shalt  }
0x60: {  	_ =	shalt  }
0x61: {  	_ =	shalt  }
0x62: {  	_ =	shalt  }
0x63: {  	_ =	shalt  }
0x64: {  	_ =	shalt  }
0x65: {  	_ =	shalt  }
0x66: {  	_ =	shalt  }
0x67: {  	_ =	shalt  }
0x68: {  	_ =	shalt  }
0x69: {  	_ =	shalt  }
0x6a: {  	_ =	shalt  }
0x6b: {  	_ =	shalt  }
0x6c: {  	_ =	shalt  }
0x6d: {  	_ =	shalt  }
0x6e: {  	_ =	shalt  }
0x6f: {  	_ =	shalt  }
0x70: {  	_ =	shalt  }
0x71: {  	_ =	shalt  }
0x72: {  	_ =	shalt  }
0x73: {  	_ =	shalt  }
0x74: {  	_ =	shalt  }
0x75: {  	_ =	shalt  }
0x76: {  	_ =	shalt  }
0x77: {  	_ =	shalt  }
0x78: {  	_ =	shalt  }
0x79: {  	_ =	shalt  }
0x7a: {  	_ =	shalt  }
0x7b: {  	_ =	shalt  }
0x7c: {  	_ =	shalt  }
0x7d: {  	_ =	shalt  }
0x7e: {  	_ =	shalt  }
0x7f: {  	_ =	shalt  }
0x80: {  	_ =	shalt  }
0x81: {  	_ =	shalt  }
0x82: {  	_ =	shalt  }
0x83: {  	_ =	shalt  }
0x84: {  	_ =	shalt  }
0x85: {  	_ =	shalt  }
0x86: {  	_ =	shalt  }
0x87: {  	_ =	shalt  }
.Lfunc_end0:
.L_simem_size_0:
called_computation_lowered:
.L_overlay_start_0:
0x88: {  	s2 =	sld [smem:$0x3FD9]  }
0x89: {  	s3 =	sld [smem:$0x3FFE];
	_ =	sdelay $0x1  }
0x8a: {  	s1 =	srdreg.scid  }
0x8b: {  	s0 =	sand.u32 $0x1, s1  }
0x8c: {  	s18 =	sshll.u32 s0, $0xA;
	s2 =	sadd.s32 s3, s2  }
0x8d: {  	s2 =	sadd.s32 s2, s18  }
0x8e: {  	[smem:$0x3FC5] =	sst s2  }
0x8f: {  	_ = 	snop  }
0x90: {  	s2 =	sld [smem:$0x3FC9]  }
0x91: {  	s19 =	sld [smem:$0x3FC8]  }
0x92: {  	s4 =	sld [smem:$0x3FC7]  }
0x93: {  	s5 =	sld [smem:$0x3FD0];
	(tm) =	ssettm $0x1  }
0x94: {  	s6 =	sld [smem:$0x3FFB];
	_ =	sdelay $0x3  }
0x95: {  	_ =	strace s6  }
0x96: {  	s6 =	sld [smem:$0x3FFC];
	_ =	sdelay $0x3  }
0x97: {  	_ =	strace s6  }
0x98: {  	s6 =	sld [smem:$0x3FFD];
	_ =	sdelay $0x3  }
0x99: {  	_ =	strace s6  }
0x9a: {  	_ =	strace $0x8FFFFFFF  }
0x9b: {  	s20 =	sld [smem:$0x3FDB];
	_ =	sdelay $0x1  }
0x9c: {  	s7 =	simm.s32 $_scs_section_size  }
0x9d: {  	s8 =	simm.s32 $_size__tile_overlayer_lowered;
	s9 =	simm.s32 $_tile_overlayer_lowered  }
0x9e: {  	s23 =	simm.s32 $0x1BFF;
	s22 =	sshll.u32 s9, $0x1;
	s6 =	sadd.s32 s7, s20  }
0x9f: {  	s10 =	simm.s32 $0x0;
	s21 =	sshll.u32 s8, $0x1;
	s8 =	sadd.s32 s22, s6  }
0xa0: {  	[timem:s10], [sflag:s23] =	dma.local [hbm:s8], s21  }
0xa1: {  	_ =	swait.ge [sflag:s23], s21  }
0xa2: {  	s7 =	ssub.s32 $0x0, s21;
	[sflag:s23] =	ssyncset.done $0x0  }
0xa3: {  	[sflag:s23] =	ssyncadd.s32 s7;
	_ =	sdelay $0x1  }
0xa4: {  	s24 =	simm.s32 $0x1B8B  }
0xa5: {  	_ =	swait.ge [sflag:s24], $0x1  }
0xa6: {  	[sflag:s24] =	ssyncset.done $0x0  }
0xa7: {  	s25 =	simm.s32 $0x1B8E;
	[sflag:s24] =	ssyncadd.s32 $0xFFFFFFFF  }
0xa8: {  	s26 =	simm.s32 $execute0_lowered;
	[smem:$0x3FD2] =	sst s25  }
0xa9: {  	s7 =	sshll.u32 s26, $0x1;
	_ =	strace $0x80000046;
	[dreg:$0x1] =	wrdreg $0xFFFFFFFF  }
0xaa: {  	s28 =	simm.s32 $_size_execute0_lowered;
	s6 =	sadd.s32 s6, s7;
	[dreg:$0x0] =	wrdreg $0x0  }
0xab: {  	s7 =	sshll.u32 s28, $0x1;
	[dreg:$0x2] =	wrdreg s6  }
0xac: {  	[dreg:$0x3] =	wrdreg s7  }
0xad: {  	[dreg:$0x4] =	wrdreg $0xC0  }
0xae: {  	_ =	task [dreg:s10], $0x5FFFF  }
0xaf: {  	[dreg:$0x1] =	wrdreg $0xFFFFFFFF  }
0xb0: {  	[dreg:$0x0] =	wrdreg $0x60  }
0xb1: {  	[dreg:$0x2] =	wrdreg s2  }
0xb2: {  	[dreg:$0x3] =	wrdreg s19  }
0xb3: {  	[dreg:$0x4] =	wrdreg s4  }
0xb4: {  	[dreg:$0x5] =	wrdreg s5  }
0xb5: {  	[dreg:$0x6] =	wrdreg $0x9  }
0xb6: {  	_ =	task.clear_ibuf [dreg:s10], $0x7FFFF;
	_ =	strace $0x90000046  }
0xb7: {  	s29 =	simm.s32 $0x9;
	_ =	strace $0x80000048  }
0xb8: {  	_ =	swait.ge [sflag:s29], $0x1  }
0xb9: {  	[sflag:s29] =	ssyncadd.s32 $0xFFFFFFFF  }
0xba: {  	_ =	strace $0x90000048  }
0xbb: {  	_ =	sfence  }
0xbc: {  	s30 =	sld [smem:$0x0];
	_ =	sdelay $0x2  }
0xbd: {  	s31 =	sshll.u32 s1, $0xD;
	s1 =	sshrl.u32 s1, $0x2  }
0xbe: {  	s3 =	sand.u32 $0x4000, s31;
	s1 =	sadd.s32 s1, s30  }
0xbf: {  	s0 =	sor.u32 s3, s0;
	s1 =	sshll.u32 s1, $0x11  }
0xc0: {  	s0 =	sor.u32 s1, s0  }
0xc1: {  	s0 =	sadd.s32 $0x8F2B, s0  }
0xc2: {  	[sflag:s0] =	ssyncadd.remote.s32 $0x1  }
0xc3: {  	_ =	sfence.sel $0xFFFF  }
0xc4: {  	[dreg:$0x0] =	wrdreg $0xFFFFFFFF;
	(pc) =	sbr.abs _section_cstart, $3  }
0xc5: {  	[dreg:$0x1] =	wrdreg $0xFFFFFFFF  }
0xc6: {  	_ =	task.clear_ibuf [dreg:s10], $0x2FFFF;
	_ =	strace $0x9FFFFFFF  }
0xc7: {  	(tm) =	ssettm $0x7FFFFFFF  }
tec
execute0_lowered:
.L_overlay_start_1:
0x0: {  	(tag) =	ssettag $0x1  }
0x1: {  	s1 =	rddreg [dreg:$0x0]  }
0x2: {  	s2 =	rddreg [dreg:$0x1]  }
0x3: {  	s0 =	rddreg [dreg:$0x3];
	s5 =	simm.s32 $0x0  }
0x4: {  	s3 =	srdreg.scid;
	s6 =	stileid.u32;
	s17 =	simm.s32 $0x5  }
0x5: {  	s18 =	simm.s32 $0x8000;
	s19 =	simm.s32 $0x4000;
	s20 =	simm.s32 $0xC000  }
0x6: {  	s21 =	simm.s32 $0x1;
	s22 =	simm.s32 $0x10000;
	s23 =	simm.s32 $0x2  }
0x7: {  	s24 =	simm.s32 $0x14000;
	s25 =	simm.s32 $0x3;
	s26 =	simm.s32 $0x4  }
0x8: {  	s28 =	simm.s32 $0x0;
	[smem:$0x7FF] =	sst s5;
	s3 =	sand.u32 $0x1, s3  }
0x9: {  	s6 =	sshll.u32 s6, $0x10;
	s4 =	ssub.s32 $0x2, s3;
	s3 =	sshll.u32 s3, $0xF  }
0xa: {  	_ =	strace $0x80000047;
	s7 =	sshrl.u32 s4, $0x1;
	s3 =	sor.u32 s3, s6  }
0xb: {  	s4 =	ssub.s32 s4, s7;
	s6 =	sadd.s32 s1, s3;
	s9 =	sor.u32 $0x800, s3  }
0xc: {  	s7 =	sadd.s32 s2, s3;
	s10 =	sadd.s32 s0, s3;
	s11 =	sor.u32 $0x1000, s3  }
0xd: {  	vm0 =	vmmov $0x1f;
	vm1 =	vmmov $0x1;
	s12 =	sor.u32 $0x1800, s3;
	s8 =	sadd.s32 s1, s9;
	s9 =	sadd.s32 s2, s9  }
0xe: {  	vm5 =	vcmask $0xF14;
	v0 =	vimm.f32 $0.0e+00;
	v1 =	vimm.f32 $2.000000000e+00;
	s13 =	sadd.s32 $0x7000, s10;
	s14 =	sadd.s32 $0x7800, s10;
	s15 =	smax.u32 s4, $0x1  }
.LBB2_1:
0xf: {  	s0 =	rddreg [dreg:$0x2];
	s3 =	simm.s32 $0x18000  }
0x10: {  	[tilespmem:s3], [sflag:$0x5] =	stream.linear.gather [hbm4b:s0+s5], $0x5, $0x38;
	[tilespmem:$0x18080] =	vst v63  }
0x11: {  	_ =	swait.ge [sflag:s17], $0x5  }
0x12: {  	[sflag:s17] =	ssyncset.done $0x0  }
0x13: {  	[sflag:s17] =	ssyncadd.s32 $0xFFFFFFFB  }
0x14: {  	v2 =	vld [tilespmem:$0x18000];
	_ =	sdelay $0x4  }
0x15: {  	v3 =	vnsel vm0, $0xFF61B1E6, v2  }
0x16: {  	(xrf0) =	vmax.scan.msk.f32 $0xffff, v3;
	_ =	sdelay $0x5  }
0x17: {  	v3, _, _ =	vpop (xrf0)  }
0x18: {  	v3 =	vbroadcast v3, $0xF;
	_ =	sdelay $0x1  }
0x19: {  	v4 =	vsub.f32 v2, v3;
	_ =	sdelay $0x1  }
0x1a: {  	v4 =	vmul.f32 $1.442695020e+00, v4;
	_ =	sdelay $0x1  }
0x1b: {  	(erf) = vpow2.f32 v4;
	_ =	sdelay $0x8  }
0x1c: {  	v4 =	vpop (erf)  }
0x1d: {  	v4 =	vnsel vm0, $0x0, v4  }
0x1e: {  	(xrf2) =	vadd.scan.msk.f32 $0xffff, v4;
	_ =	sdelay $0x9  }
0x1f: {  	v4, _, _ =	vpop (xrf2)  }
0x20: {  	v4 =	vadd.f32 $0.0e+00, v4;
	_ =	sdelay $0x1  }
0x21: {  	v4 =	vbroadcast v4, $0xF;
	_ =	sdelay $0x1  }
0x22: {  	v5 =	vadd.s32 $0xC0CAFB0D, v4  }
0x23: {  	v6 =	vand.u32 $0xFF800000, v5  }
0x24: {  	v4 =	vsub.s32 v4, v6  }
0x25: {  	v4 =	vadd.f32 $-1.000000000e+00, v4;
	_ =	sdelay $0x1  }
0x26: {  	v6 =	vmul.f32 $1.264473350e-01, v4;
	_ =	sdelay $0x1  }
0x27: {  	v6 =	vadd.f32 $-1.825688330e-01, v6;
	_ =	sdelay $0x1  }
0x28: {  	v7 =	vsub.f32 $0.0e+00, v2;
	v6 =	vmul.f32 v6, v4;
	_ =	sdelay $0x1  }
0x29: {  	v7 =	vmul.f32 $1.442695020e+00, v7;
	v6 =	vadd.f32 $2.022166550e-01, v6;
	_ =	sdelay $0x1  }
0x2a: {  	(erf) = vpow2.f32 v7;
	v6 =	vmul.f32 v6, v4;
	_ =	sdelay $0x1  }
0x2b: {  	v6 =	vadd.f32 $-2.495787590e-01, v6;
	_ =	sdelay $0x1  }
0x2c: {  	v6 =	vmul.f32 v6, v4;
	_ =	sdelay $0x1  }
0x2d: {  	v6 =	vadd.f32 $3.333088160e-01, v6;
	_ =	sdelay $0x1  }
0x2e: {  	v6 =	vmul.f32 v6, v4  }
0x2f: {  	v7 =	vpop (erf)  }
0x30: {  	v7 =	vsub.f32 $0.0e+00, v7;
	v8 =	vmul.f32 v4, v4;
	v6 =	vadd.f32 $-5.000000000e-01, v6  }
0x31: {  	vm2 =	vcmask $0x308;
	v5 =	vshra.s32 v5, $0x17  }
0x32: {  	v5 =	vcvt.s32.f32 v5;
	v6 =	vmul.f32 v6, v8;
	v8 =	vnsel vm1, $0x0, v7  }
0x33: {  	vm3 =	vcmask $0x70C;
	vm4 =	vcmask $0xB10;
	(xrf2) =	vadd.scan.msk.f32 $0xffff, v8;
	v8 =	vsel vm2, $0x0, v7  }
0x34: {  	v5 =	vmul.f32 $6.931471820e-01, v5;
	v4 =	vadd.f32 v6, v4;
	(xrf2) =	vadd.scan.msk.f32 $0xffff, v8;
	v6 =	vsel vm3, $0x0, v7  }
0x35: {  	v2 =	vnsel vm0, $0x0, v2;
	v8 =	vmul.f32 $6.931471820e-01, v7;
	(xrf2) =	vadd.scan.msk.f32 $0xffff, v6;
	v6 =	vsel vm4, $0x0, v7  }
0x36: {  	v2 =	vsub.f32 v2, v3;
	v3 =	vsel vm5, $0x0, v7;
	v4 =	vadd.f32 v4, v5;
	(xrf2) =	vadd.scan.msk.f32 $0xffff, v6  }
0x37: {  	(xrf2) =	vadd.scan.msk.f32 $0xffff, v3;
	v3 =	vnsel vm1, $0x0, v8  }
0x38: {  	v2 =	vsub.f32 v2, v4;
	(xrf2) =	vadd.scan.msk.f32 $0xffff, v3;
	v3 =	vsel vm2, $0x0, v8  }
0x39: {  	(xrf2) =	vadd.scan.msk.f32 $0xffff, v3;
	v3 =	vsel vm3, $0x0, v8  }
0x3a: {  	v2 =	vadd.f32 $-4.594692710e+00, v2;
	(xrf2) =	vadd.scan.msk.f32 $0xffff, v3;
	v3 =	vsel vm4, $0x0, v8  }
0x3b: {  	(xrf2) =	vadd.scan.msk.f32 $0xffff, v3;
	v3 =	vsel vm5, $0x0, v8  }
0x3c: {  	(xrf2) =	vadd.scan.msk.f32 $0xffff, v3;
	v3 =	vnsel vm1, $0x0, v2  }
0x3d: {  	v4, _, _ =	vpop (xrf2);
	(xrf2) =	vadd.scan.msk.f32 $0xffff, v3;
	v3 =	vsel vm2, $0x0, v2  }
0x3e: {  	v5, _, _ =	vpop (xrf2);
	(xrf2) =	vadd.scan.msk.f32 $0xffff, v3;
	v3 =	vsel vm3, $0x0, v2  }
0x3f: {  	v6, _, _ =	vpop (xrf2);
	(xrf2) =	vadd.scan.msk.f32 $0xffff, v3;
	v3 =	vsel vm4, $0x0, v2  }
0x40: {  	v2 =	vsel vm5, $0x0, v2;
	v8, _, _ =	vpop (xrf2);
	(xrf2) =	vadd.scan.msk.f32 $0xffff, v3  }
0x41: {  	v10, _, _ =	vpop (xrf2);
	(xrf2) =	vadd.scan.msk.f32 $0xffff, v2  }
0x42: {  	v3, _, _ =	vpop (xrf2)  }
0x43: {  	v7, _, _ =	vpop (xrf2)  }
0x44: {  	v9, _, _ =	vpop (xrf2)  }
0x45: {  	v6 =	vbroadcast v6, $0xF;
	v11, _, _ =	vpop (xrf2)  }
0x46: {  	[tilespmem:s5], [sflag:$0x1] =	stream.linear.gather [hbm4b:s6+s5], $0x4000, $0x38;
	v2 =	vbroadcast v4, $0xF;
	v4 =	vbroadcast v5, $0xF;
	v12, _, _ =	vpop (xrf2);
	[tilespmem:$0x18080] =	vst v63  }
0x47: {  	v8 =	vbroadcast v8, $0xF;
	v10 =	vbroadcast v10, $0xF;
	v13, _, _ =	vpop (xrf2)  }
0x48: {  	[tilespmem:s18], [sflag:$0x1] =	stream.linear.gather [hbm4b:s7+s5], $0x4000, $0x38;
	v3 =	vbroadcast v3, $0xF;
	v5 =	vbroadcast v7, $0xF;
	v14, _, _ =	vpop (xrf2);
	[tilespmem:$0x18080] =	vst v63  }
0x49: {  	v7 =	vbroadcast v9, $0xF;
	v9 =	vbroadcast v11, $0xF;
	v15, _, _ =	vpop (xrf2)  }
0x4a: {  	[tilespmem:s19], [sflag:$0x2] =	stream.linear.gather [hbm4b:s8+s5], $0x4000, $0x38;
	v11 =	vbroadcast v12, $0xF;
	v13 =	vbroadcast v13, $0xF;
	v16, _, _ =	vpop (xrf2);
	[tilespmem:$0x18080] =	vst v63  }
0x4b: {  	s29 =	simm.s32 $0x0;
	v12 =	vbroadcast v14, $0xF;
	v15 =	vbroadcast v15, $0xF;
	v17, _, _ =	vpop (xrf2)  }
0x4c: {  	[tilespmem:s20], [sflag:$0x2] =	stream.linear.gather [hbm4b:s9+s5], $0x4000, $0x38;
	v14 =	vbroadcast v16, $0xF;
	v16 =	vbroadcast v17, $0xF;
	[tilespmem:$0x18080] =	vst v63  }
.LBB2_2:
0x4d: {  	_ =	swait.ge [sflag:s21], $0x4000  }
0x4e: {  	[sflag:s21] =	ssyncset.done $0x0  }
0x4f: {  	[sflag:s21] =	ssyncadd.s32 $0xFFFFC000  }
0x50: {  	_ =	swait.ge [sflag:s21], $0x4000  }
0x51: {  	p0 =	seq.s32 s29, $0x0;
	[sflag:s21] =	ssyncset.done $0x0  }
0x52: {  	s0 =	simm.s32 @!p0 $0x3;
	[sflag:s21] =	ssyncadd.s32 $0xFFFFC000  }
0x53: {  	s30 =	sshll.u32 s29, $0xC;
	_ =	swait.ge @!p0 [sflag:s0], $0x4000  }
0x54: {  	s31 =	simm.s32 $0xFFFFFF80;
	s4 =	simm.s32 $0x140;
	[sflag:s0] =	ssyncset.done @!p0 $0x0  }
0x55: {  	s3 =	simm.s32 $0x8140;
	[sflag:s0] =	ssyncadd.s32 @!p0 $0xFFFFC000;
	s0 =	simm.s32 $0x10180  }
.LBB2_3:
0x56: {  	v17 =	vld [tilespmem:s4+$0xFFFFFEC0]  }
0x57: {  	v19 =	vld [tilespmem:s4+$0xFFFFFF40]  }
0x58: {  	v22 =	vld [tilespmem:s4+$0xFFFFFFC0]  }
0x59: {  	v25 =	vld [tilespmem:s4+$0x40]  }
0x5a: {  	v57 =	vld [tilespmem:s4+$0xC0]  }
0x5b: {  	v43 =	vld [tilespmem:s4+$0xFFFFFF50];
	_ =	sdelay $0x3  }
0x5c: {  	v18 =	vadd.s32 $0xC0CAFB0D, v17;
	v21 =	vadd.s32 $0xC0CAFB0D, v19;
	v24 =	vadd.s32 $0xC0CAFB0D, v22  }
0x5d: {  	v28 =	vadd.s32 $0xC0CAFB0D, v25;
	v58 =	vadd.s32 $0xC0CAFB0D, v57;
	v49 =	vadd.s32 $0xC0CAFB0D, v43  }
0x5e: {  	v20 =	vand.u32 $0xFF800000, v18;
	v23 =	vand.u32 $0xFF800000, v21;
	v26 =	vand.u32 $0xFF800000, v24  }
0x5f: {  	v29 =	vand.u32 $0xFF800000, v28;
	v30 =	vand.u32 $0xFF800000, v58;
	v18 =	vshra.s32 v18, $0x17  }
0x60: {  	v21 =	vshra.s32 v21, $0x17;
	v24 =	vshra.s32 v24, $0x17;
	v44 =	vshra.s32 v28, $0x17  }
0x61: {  	v47 =	vshra.s32 v58, $0x17;
	v28 =	vshra.s32 v49, $0x17;
	v17 =	vsub.s32 v17, v20  }
0x62: {  	v19 =	vsub.s32 v19, v23;
	v22 =	vsub.s32 v22, v26;
	v17 =	vadd.f32 $-1.000000000e+00, v17  }
0x63: {  	v18 =	vcvt.s32.f32 v18;
	v21 =	vcvt.s32.f32 v21;
	v19 =	vadd.f32 $-1.000000000e+00, v19  }
0x64: {  	v25 =	vsub.s32 v25, v29;
	v24 =	vcvt.s32.f32 v24;
	v55 =	vmul.f32 $1.264473350e-01, v17  }
0x65: {  	v26 =	vsub.s32 v57, v30;
	v28 =	vcvt.s32.f32 v28;
	v56 =	vmul.f32 $1.264473350e-01, v19  }
0x66: {  	v22 =	vadd.f32 $-1.000000000e+00, v22;
	v18 =	vmul.f32 v18, v3;
	v20 =	vadd.f32 $-1.825688330e-01, v55  }
0x67: {  	v21 =	vmul.f32 v21, v5;
	v40 =	vmul.f32 v24, v7;
	v23 =	vadd.f32 $-1.825688330e-01, v56  }
0x68: {  	v25 =	vadd.f32 $-1.000000000e+00, v25;
	v27 =	vmul.f32 $1.264473350e-01, v22;
	v20 =	vmul.f32 v20, v17  }
0x69: {  	v26 =	vadd.f32 $-1.000000000e+00, v26;
	v28 =	vmul.f32 v28, v5;
	v23 =	vmul.f32 v23, v19  }
0x6a: {  	v31 =	vmul.f32 $1.264473350e-01, v25;
	v27 =	vadd.f32 $-1.825688330e-01, v27;
	v20 =	vadd.f32 $2.022166550e-01, v20  }
0x6b: {  	v59 =	vmul.f32 v17, v17;
	v32 =	vmul.f32 $1.264473350e-01, v26;
	v23 =	vadd.f32 $2.022166550e-01, v23  }
0x6c: {  	v50 =	vand.u32 $0xFF800000, v49;
	v27 =	vmul.f32 v27, v22;
	v20 =	vmul.f32 v20, v17  }
0x6d: {  	v52 =	vsub.s32 v43, v50;
	v63 =	vmul.f32 v19, v19;
	v23 =	vmul.f32 v23, v19  }
0x6e: {  	v35 =	vmul.f32 v22, v22;
	v27 =	vadd.f32 $2.022166550e-01, v27;
	v20 =	vadd.f32 $-2.495787590e-01, v20  }
0x6f: {  	v38 =	vmul.f32 v25, v25;
	v31 =	vadd.f32 $-1.825688330e-01, v31;
	v23 =	vadd.f32 $-2.495787590e-01, v23  }
0x70: {  	v36 =	vld [tilespmem:s4+$0xFFFFFED0];
	v60 =	vadd.f32 $-1.825688330e-01, v32;
	v27 =	vmul.f32 v27, v22;
	v20 =	vmul.f32 v20, v17  }
0x71: {  	v54 =	vadd.f32 $-1.000000000e+00, v52;
	v31 =	vmul.f32 v31, v25;
	v23 =	vmul.f32 v23, v19  }
0x72: {  	v62 =	vmul.f32 v60, v26;
	v27 =	vadd.f32 $-2.495787590e-01, v27;
	v20 =	vadd.f32 $3.333088160e-01, v20  }
0x73: {  	v42 =	vmul.f32 v26, v26;
	v31 =	vadd.f32 $2.022166550e-01, v31;
	v23 =	vadd.f32 $3.333088160e-01, v23  }
0x74: {  	v61 =	vmul.f32 v27, v22;
	v27 =	vadd.f32 $2.022166550e-01, v62;
	v20 =	vmul.f32 v20, v17  }
0x75: {  	v24 =	vadd.s32 $0xC0CAFB0D, v36;
	v31 =	vmul.f32 v31, v25;
	v23 =	vmul.f32 v23, v19  }
0x76: {  	v45 =	vand.u32 $0xFF800000, v24;
	v27 =	vmul.f32 v27, v26;
	v20 =	vadd.f32 $-5.000000000e-01, v20  }
0x77: {  	v53 =	vld [tilespmem:s4+$0xFFFFFFD0];
	v24 =	vshra.s32 v24, $0x17;
	v33 =	vadd.f32 $-2.495787590e-01, v31;
	v23 =	vadd.f32 $-5.000000000e-01, v23  }
0x78: {  	v57 =	vld [tilespmem:s4+$0x50];
	v24 =	vcvt.s32.f32 v24;
	v27 =	vadd.f32 $-2.495787590e-01, v27;
	v20 =	vmul.f32 v20, v59  }
0x79: {  	v46 =	vsub.s32 v36, v45;
	v34 =	vmul.f32 v33, v25;
	v23 =	vmul.f32 v23, v63  }
0x7a: {  	v27 =	vmul.f32 v27, v26;
	v17 =	vadd.f32 v20, v17;
	v20 =	vadd.f32 $3.333088160e-01, v61  }
0x7b: {  	v56 =	vmul.f32 $1.264473350e-01, v54;
	v59 =	vld [tilespmem:s4+$0xD0];
	v19 =	vadd.f32 v23, v19;
	v23 =	vadd.f32 $3.333088160e-01, v34  }
0x7c: {  	v24 =	vmul.f32 v24, v3;
	v60 =	vadd.s32 $0xC0CAFB0D, v53;
	v37 =	vadd.f32 $3.333088160e-01, v27  }
0x7d: {  	v62 =	vadd.s32 $0xC0CAFB0D, v57;
	v20 =	vmul.f32 v20, v22;
	v23 =	vmul.f32 v23, v25  }
0x7e: {  	v63 =	vand.u32 $0xFF800000, v62;
	v39 =	vmul.f32 v37, v26;
	v17 =	vmul.f32 v17, v2  }
0x7f: {  	v19 =	vmul.f32 v19, v4;
	v20 =	vadd.f32 $-5.000000000e-01, v20;
	v23 =	vadd.f32 $-5.000000000e-01, v23  }
0x80: {  	v61 =	vand.u32 $0xFF800000, v60;
	v36 =	vadd.s32 $0xC0CAFB0D, v59;
	v17 =	vadd.f32 v17, v18  }
0x81: {  	v19 =	vadd.f32 v19, v21;
	v20 =	vmul.f32 v20, v35;
	v41 =	vmul.f32 v23, v38  }
0x82: {  	v21 =	vcvt.s32.f32 v44;
	v44 =	vmul.f32 v54, v54;
	v23 =	vadd.f32 $-1.000000000e+00, v46  }
0x83: {  	vm6 =	vlt.f32 v19, v17;
	v20 =	vadd.f32 v20, v22;
	v22 =	vadd.f32 v41, v25  }
0x84: {  	v21 =	vmul.f32 v21, v9;
	v17 =	vsel vm6, v19, v17;
	v48 =	vmul.f32 $1.264473350e-01, v23  }
0x85: {  	v18 =	vmul.f32 v20, v6;
	v20 =	vadd.f32 $-5.000000000e-01, v39;
	v22 =	vmul.f32 v22, v8  }
0x86: {  	v25 =	vcvt.s32.f32 v47;
	v35 =	vmul.f32 v23, v23;
	v51 =	vadd.f32 $-1.825688330e-01, v48  }
0x87: {  	v18 =	vadd.f32 v18, v40;
	v20 =	vmul.f32 v20, v42;
	v21 =	vadd.f32 v22, v21  }
0x88: {  	v55 =	vsel vm6, $0x3F800000, v0;
	v25 =	vmul.f32 v25, v11;
	v19 =	vmul.f32 v51, v23  }
0x89: {  	v39 =	vand.u32 $0xFF800000, v36;
	v20 =	vadd.f32 v20, v26;
	vm3 =	vlt.f32 v21, v18  }
0x8a: {  	v37 =	vld [tilespmem:s3+$0xFFFFFEC0];
	v19 =	vadd.f32 $2.022166550e-01, v19;
	v26 =	vsub.s32 v57, v63;
	v18 =	vsel vm3, v21, v18  }
0x8b: {  	v58 =	vsel vm3, $0x40400000, v1;
	v26 =	vadd.f32 $-1.000000000e+00, v26;
	v21 =	vshra.s32 v60, $0x17  }
0x8c: {  	v20 =	vmul.f32 v20, v10;
	vm2 =	vlt.f32 v18, v17;
	v19 =	vmul.f32 v19, v23  }
0x8d: {  	v21 =	vcvt.s32.f32 v21;
	v17 =	vsel vm2, v18, v17;
	v18 =	vadd.f32 $-1.825688330e-01, v56  }
0x8e: {  	v22 =	vsel vm2, v58, v55;
	v42 =	vmul.f32 $1.264473350e-01, v26;
	v20 =	vadd.f32 v20, v25  }
0x8f: {  	v51 =	vmul.f32 v26, v26;
	v58 =	vmul.f32 v37, v37;
	v19 =	vadd.f32 $-2.495787590e-01, v19  }
0x90: {  	v21 =	vmul.f32 v21, v7;
	v32 =	vadd.f32 $-1.825688330e-01, v42;
	vm4 =	vlt.f32 v20, v17  }
0x91: {  	v17 =	vmul.f32 v18, v54;
	v18 =	vsub.s32 v53, v61;
	v19 =	vmul.f32 v19, v23  }
0x92: {  	v20 =	vshra.s32 v62, $0x17;
	v18 =	vadd.f32 $-1.000000000e+00, v18;
	v32 =	vmul.f32 v32, v26  }
0x93: {  	v20 =	vcvt.s32.f32 v20;
	v17 =	vadd.f32 $2.022166550e-01, v17;
	v19 =	vadd.f32 $3.333088160e-01, v19  }
0x94: {  	v62 =	vld [tilespmem:s4+$0xFFFFFF60];
	v38 =	vmul.f32 $1.264473350e-01, v18;
	v32 =	vadd.f32 $2.022166550e-01, v32;
	v49 =	vmul.f32 v18, v18  }
0x95: {  	v20 =	vmul.f32 v20, v9;
	v33 =	vmul.f32 v17, v54;
	v17 =	vsub.s32 v59, v39  }
0x96: {  	v19 =	vmul.f32 v19, v23;
	v40 =	vadd.f32 $-1.825688330e-01, v38;
	v30 =	vadd.f32 $-1.000000000e+00, v17  }
0x97: {  	v17 =	vsel vm4, $0x40800000, v22;
	v32 =	vmul.f32 v32, v26;
	v41 =	vadd.f32 $-2.495787590e-01, v33  }
0x98: {  	v34 =	vadd.f32 v17, v37;
	v19 =	vadd.f32 $-5.000000000e-01, v19;
	v27 =	vmul.f32 v40, v18  }
0x99: {  	v29 =	vadd.s32 $0xC0CAFB0D, v62;
	v43 =	vmul.f32 $1.264473350e-01, v30;
	v22 =	vmul.f32 v41, v54  }
0x9a: {  	v32 =	vadd.f32 $-2.495787590e-01, v32;
	v19 =	vmul.f32 v19, v35;
	[tilespmem:s0+$0xFFFFFE80] =	vst v34;
	v27 =	vadd.f32 $2.022166550e-01, v27  }
0x9b: {  	v52 =	vmul.f32 v30, v30;
	v33 =	vadd.f32 $-1.825688330e-01, v43;
	v47 =	vld [tilespmem:s3+$0xFFFFFF40];
	v22 =	vadd.f32 $3.333088160e-01, v22  }
0x9c: {  	v48 =	vmul.f32 v32, v26;
	v19 =	vadd.f32 v19, v23;
	v27 =	vmul.f32 v27, v18  }
0x9d: {  	v42 =	vld [tilespmem:s4+$0xFFFFFFE0];
	v37 =	vsel vm6, v12, v13;
	v33 =	vmul.f32 v33, v30;
	v22 =	vmul.f32 v22, v54  }
0x9e: {  	v25 =	vadd.f32 $3.333088160e-01, v48;
	v19 =	vmul.f32 v19, v2;
	v27 =	vadd.f32 $-2.495787590e-01, v27  }
0x9f: {  	v41 =	vsel vm3, v14, v15;
	v33 =	vadd.f32 $2.022166550e-01, v33;
	v22 =	vadd.f32 $-5.000000000e-01, v22  }
0xa0: {  	v25 =	vmul.f32 v25, v26;
	v50 =	vadd.f32 v17, v47;
	v19 =	vadd.f32 v19, v24  }
0xa1: {  	v24 =	vsel vm2, v41, v37;
	v45 =	vmul.f32 v27, v18;
	v46 =	vmul.f32 v33, v30  }
0xa2: {  	v25 =	vadd.f32 $-5.000000000e-01, v25;
	v33 =	vadd.s32 $0xC0CAFB0D, v42;
	v22 =	vmul.f32 v22, v44  }
0xa3: {  	v44 =	vand.u32 $0xFF800000, v29;
	v29 =	vshra.s32 v29, $0x17;
	v23 =	vadd.f32 $3.333088160e-01, v45  }
0xa4: {  	v27 =	vadd.f32 $-2.495787590e-01, v46;
	v25 =	vmul.f32 v25, v51;
	v46 =	vsub.s32 v62, v44  }
0xa5: {  	[tilespmem:s0+$0xFFFFFF00] =	vst v50;
	v51 =	vand.u32 $0xFF800000, v33;
	v29 =	vcvt.s32.f32 v29;
	v33 =	vshra.s32 v33, $0x17  }
0xa6: {  	v53 =	vld [tilespmem:s3+$0xFFFFFFC0];
	v22 =	vadd.f32 v22, v54;
	v54 =	vshra.s32 v36, $0x17;
	v33 =	vcvt.s32.f32 v33  }
0xa7: {  	v55 =	vld [tilespmem:s4+$0xFFFFFEE0];
	v32 =	vadd.f32 $-1.000000000e+00, v46;
	v23 =	vmul.f32 v23, v18;
	v27 =	vmul.f32 v27, v30  }
0xa8: {  	v25 =	vadd.f32 v25, v26;
	v26 =	vcvt.s32.f32 v54;
	v22 =	vmul.f32 v22, v4  }
0xa9: {  	v48 =	vmul.f32 $1.264473350e-01, v32;
	v33 =	vmul.f32 v33, v7;
	v27 =	vadd.f32 $3.333088160e-01, v27  }
0xaa: {  	v23 =	vadd.f32 $-5.000000000e-01, v23;
	v56 =	vmul.f32 v25, v8;
	v57 =	vmul.f32 v26, v11  }
0xab: {  	v22 =	vadd.f32 v22, v28;
	v59 =	vadd.f32 v17, v53;
	v27 =	vmul.f32 v27, v30  }
0xac: {  	v28 =	vadd.s32 $0xC0CAFB0D, v55;
	v39 =	vmul.f32 v53, v53;
	v23 =	vmul.f32 v23, v49  }
0xad: {  	v20 =	vadd.f32 v56, v20;
	v60 =	vand.u32 $0xFF800000, v28;
	[tilespmem:s0+$0xFFFFFF80] =	vst v59;
	v27 =	vadd.f32 $-5.000000000e-01, v27  }
0xae: {  	v28 =	vshra.s32 v28, $0x17;
	vm9 =	vlt.f32 v22, v19;
	v18 =	vadd.f32 v23, v18;
	v63 =	vld [tilespmem:s3+$0x40]  }
0xaf: {  	v28 =	vcvt.s32.f32 v28;
	v19 =	vsel vm9, v22, v19;
	v23 =	vmul.f32 v27, v52  }
0xb0: {  	v61 =	vsel vm9, $0x3F800000, v0;
	v18 =	vmul.f32 v18, v6;
	v52 =	vsub.s32 v42, v51  }
0xb1: {  	v22 =	vsub.s32 v55, v60;
	v54 =	vadd.f32 $-1.000000000e+00, v52;
	v23 =	vadd.f32 v23, v30  }
0xb2: {  	v28 =	vmul.f32 v28, v3;
	v18 =	vadd.f32 v18, v21;
	v30 =	vadd.f32 $-1.000000000e+00, v22  }
0xb3: {  	v49 =	vld [tilespmem:s4+$0x60];
	v21 =	vsel vm4, v16, v24;
	v43 =	vadd.f32 v17, v63;
	v26 =	vmul.f32 v63, v63  }
0xb4: {  	v56 =	vmul.f32 $1.264473350e-01, v54;
	v23 =	vmul.f32 v23, v10;
	vm7 =	vlt.f32 v20, v18  }
0xb5: {  	v38 =	vmul.f32 $1.264473350e-01, v30;
	v18 =	vsel vm7, v20, v18;
	v35 =	vsel vm7, $0x40400000, v1  }
0xb6: {  	[tilespmem:s0+$0x0] =	vst v43;
	v50 =	vsel vm7, v14, v15;
	v43 =	vmul.f32 v30, v30;
	v23 =	vadd.f32 v23, v57  }
0xb7: {  	vm8 =	vlt.f32 v18, v19;
	v22 =	vadd.f32 $-1.825688330e-01, v38;
	v38 =	vadd.f32 $-1.825688330e-01, v48  }
0xb8: {  	v20 =	vld [tilespmem:s3+$0xFFFFFED0];
	v57 =	vadd.s32 $0xC0CAFB0D, v49;
	v18 =	vsel vm8, v18, v19;
	v19 =	vmul.f32 v47, v47  }
0xb9: {  	v36 =	vsel vm8, v35, v61;
	v47 =	vsel vm9, v12, v13;
	vm10 =	vlt.f32 v23, v18  }
0xba: {  	v45 =	vmul.f32 v22, v30;
	v22 =	vld [tilespmem:s3+$0xC0];
	v25 =	vsel vm8, v50, v47;
	v55 =	vmul.f32 v38, v32  }
0xbb: {  	v47 =	vmul.f32 v32, v32;
	v18 =	vsel vm10, $0x40800000, v36;
	v19 =	vadd.f32 v19, v58;
	v36 =	vld [tilespmem:s4+$0xE0]  }
0xbc: {  	v50 =	vmul.f32 v29, v5;
	v38 =	vshra.s32 v57, $0x17;
	v35 =	vadd.f32 $2.022166550e-01, v55  }
0xbd: {  	v40 =	vadd.f32 v18, v20;
	v19 =	vadd.f32 v39, v19;
	v39 =	vand.u32 $0xFF800000, v57  }
0xbe: {  	v57 =	vcvt.s32.f32 v38;
	v27 =	vsub.s32 v49, v39;
	v35 =	vmul.f32 v35, v32  }
0xbf: {  	[tilespmem:s0+$0xFFFFFE90] =	vst v40;
	v49 =	vmul.f32 v54, v54;
	v24 =	vadd.f32 v26, v19;
	v19 =	vadd.f32 $2.022166550e-01, v45  }
0xc0: {  	v23 =	vld [tilespmem:s3+$0xFFFFFF50];
	v26 =	vmul.f32 v22, v22;
	v41 =	vadd.f32 $-1.000000000e+00, v27;
	v40 =	vadd.s32 $0xC0CAFB0D, v36  }
0xc1: {  	v35 =	vadd.f32 $-2.495787590e-01, v35;
	v19 =	vmul.f32 v19, v30;
	v58 =	vand.u32 $0xFF800000, v40  }
0xc2: {  	v63 =	vmul.f32 $1.264473350e-01, v41;
	v55 =	vmul.f32 v41, v41;
	v26 =	vadd.f32 v26, v24  }
0xc3: {  	v59 =	vsub.s32 v36, v58;
	v35 =	vmul.f32 v35, v32;
	v53 =	vadd.f32 $-2.495787590e-01, v19  }
0xc4: {  	v40 =	vshra.s32 v40, $0x17;
	v61 =	vadd.f32 $-1.000000000e+00, v59;
	v39 =	vadd.f32 $-1.825688330e-01, v63  }
0xc5: {  	v58 =	vld [tilespmem:s4+$0xFFFFFF70];
	v40 =	vcvt.s32.f32 v40;
	v37 =	vadd.f32 v18, v23;
	v35 =	vadd.f32 $3.333088160e-01, v35  }
0xc6: {  	v19 =	vsel vm10, v16, v25;
	v31 =	vmul.f32 v53, v30;
	v42 =	vmul.f32 $1.264473350e-01, v61  }
0xc7: {  	v39 =	vmul.f32 v39, v41;
	v53 =	vld [tilespmem:s4+$0xFFFFFEF0];
	[tilespmem:s0+$0xFFFFFF10] =	vst v37;
	v37 =	vadd.f32 $-1.825688330e-01, v56;
	v35 =	vmul.f32 v35, v32  }
0xc8: {  	v56 =	vmul.f32 v61, v61;
	v31 =	vadd.f32 $3.333088160e-01, v31;
	v42 =	vadd.f32 $-1.825688330e-01, v42  }
0xc9: {  	v63 =	vld [tilespmem:s4+$0xFFFFFFF0];
	v39 =	vadd.f32 $2.022166550e-01, v39;
	v60 =	vmul.f32 v37, v54;
	v35 =	vadd.f32 $-5.000000000e-01, v35  }
0xca: {  	v37 =	vadd.s32 $0xC0CAFB0D, v58;
	v31 =	vmul.f32 v31, v30;
	v42 =	vmul.f32 v42, v61  }
0xcb: {  	v25 =	vld [tilespmem:s3+$0xFFFFFFD0];
	v39 =	vmul.f32 v39, v41;
	v36 =	vadd.f32 $2.022166550e-01, v60;
	v35 =	vmul.f32 v35, v47  }
0xcc: {  	v38 =	vadd.s32 $0xC0CAFB0D, v53;
	v31 =	vadd.f32 $-5.000000000e-01, v31;
	v46 =	vadd.f32 $2.022166550e-01, v42  }
0xcd: {  	v39 =	vadd.f32 $-2.495787590e-01, v39;
	v59 =	vand.u32 $0xFF800000, v38;
	v36 =	vmul.f32 v36, v54  }
0xce: {  	v42 =	vadd.s32 $0xC0CAFB0D, v63;
	v38 =	vshra.s32 v38, $0x17;
	v32 =	vadd.f32 v35, v32  }
0xcf: {  	v38 =	vcvt.s32.f32 v38;
	v48 =	vmul.f32 v39, v41;
	v36 =	vadd.f32 $-2.495787590e-01, v36  }
0xd0: {  	v62 =	vadd.f32 v18, v25;
	v31 =	vmul.f32 v31, v43;
	v32 =	vmul.f32 v32, v4  }
0xd1: {  	v38 =	vmul.f32 v38, v3;
	v35 =	vadd.f32 $3.333088160e-01, v48;
	v45 =	vmul.f32 v36, v54  }
0xd2: {  	v30 =	vadd.f32 v31, v30;
	v36 =	vmul.f32 v46, v61;
	v51 =	vadd.f32 v32, v50  }
0xd3: {  	v52 =	vmul.f32 v35, v41;
	v35 =	vsub.s32 v53, v59;
	v31 =	vadd.f32 $3.333088160e-01, v45  }
0xd4: {  	v46 =	vand.u32 $0xFF800000, v37;
	v37 =	vshra.s32 v37, $0x17;
	v35 =	vadd.f32 $-1.000000000e+00, v35  }
0xd5: {  	v30 =	vmul.f32 v30, v2;
	v36 =	vadd.f32 $-2.495787590e-01, v36;
	v31 =	vmul.f32 v31, v54  }
0xd6: {  	[tilespmem:s0+$0xFFFFFF90] =	vst v62;
	v37 =	vcvt.s32.f32 v37;
	v45 =	vand.u32 $0xFF800000, v42;
	v62 =	vmul.f32 $1.264473350e-01, v35  }
0xd7: {  	v27 =	vld [tilespmem:s3+$0x50];
	v32 =	vadd.f32 $-5.000000000e-01, v52;
	v36 =	vmul.f32 v36, v61;
	v31 =	vadd.f32 $-5.000000000e-01, v31  }
0xd8: {  	v42 =	vshra.s32 v42, $0x17;
	v37 =	vmul.f32 v37, v5;
	v47 =	vadd.f32 $-1.825688330e-01, v62  }
0xd9: {  	v32 =	vmul.f32 v32, v55;
	v36 =	vadd.f32 $3.333088160e-01, v36;
	v31 =	vmul.f32 v31, v49  }
0xda: {  	v28 =	vadd.f32 v30, v28;
	v42 =	vcvt.s32.f32 v42;
	v30 =	vmul.f32 v47, v35  }
0xdb: {  	v32 =	vadd.f32 v32, v41;
	v31 =	vadd.f32 v31, v54;
	v54 =	vmul.f32 v36, v61  }
0xdc: {  	v29 =	vadd.f32 v18, v27;
	v42 =	vmul.f32 v42, v7;
	v30 =	vadd.f32 $2.022166550e-01, v30  }
0xdd: {  	v32 =	vmul.f32 v32, v8;
	v36 =	vmul.f32 v57, v9;
	v34 =	vadd.f32 $-5.000000000e-01, v54  }
0xde: {  	vm2 =	vlt.f32 v51, v28;
	v31 =	vmul.f32 v31, v6;
	v30 =	vmul.f32 v30, v35  }
0xdf: {  	v28 =	vsel vm2, v51, v28;
	v32 =	vadd.f32 v32, v36;
	v34 =	vmul.f32 v34, v56  }
0xe0: {  	v48 =	vsel vm2, $0x3F800000, v0;
	v31 =	vadd.f32 v31, v33;
	v30 =	vadd.f32 $-2.495787590e-01, v30  }
0xe1: {  	v49 =	vsel vm2, v12, v13;
	v34 =	vadd.f32 v34, v61;
	v61 =	vmul.f32 v40, v11  }
0xe2: {  	v52 =	vld [tilespmem:s4+$0x70];
	vm3 =	vlt.f32 v32, v31;
	v40 =	vsub.s32 v63, v45;
	v30 =	vmul.f32 v30, v35  }
0xe3: {  	v31 =	vsel vm3, v32, v31;
	v50 =	vsel vm3, $0x40400000, v1;
	v44 =	vsel vm3, v14, v15  }
0xe4: {  	v40 =	vadd.f32 $-1.000000000e+00, v40;
	v60 =	vmul.f32 v34, v10;
	v34 =	vsub.s32 v58, v46  }
0xe5: {  	vm2 =	vlt.f32 v31, v28;
	v30 =	vadd.f32 $3.333088160e-01, v30;
	v34 =	vadd.f32 $-1.000000000e+00, v34  }
0xe6: {  	v28 =	vsel vm2, v31, v28;
	v53 =	vsel vm2, v50, v48;
	v32 =	vsel vm2, v44, v49  }
0xe7: {  	v56 =	vmul.f32 $1.264473350e-01, v40;
	v44 =	vadd.s32 $0xC0CAFB0D, v52;
	v48 =	vmul.f32 v35, v35  }
0xe8: {  	v55 =	vld [tilespmem:s4+$0xF0];
	v33 =	vadd.f32 v60, v61;
	v58 =	vand.u32 $0xFF800000, v44;
	v51 =	vmul.f32 $1.264473350e-01, v34  }
0xe9: {  	v30 =	vmul.f32 v30, v35;
	v44 =	vshra.s32 v44, $0x17;
	v59 =	vadd.f32 $-1.825688330e-01, v56  }
0xea: {  	v60 =	vsub.s32 v52, v58;
	v50 =	vmul.f32 v34, v34;
	v41 =	vadd.f32 $-1.825688330e-01, v51  }
0xeb: {  	v44 =	vcvt.s32.f32 v44;
	vm2 =	vlt.f32 v33, v28;
	v36 =	vmul.f32 v59, v40  }
0xec: {  	v33 =	vadd.f32 $-1.000000000e+00, v60;
	v30 =	vadd.f32 $-5.000000000e-01, v30;
	v54 =	vmul.f32 v41, v34  }
0xed: {  	v28 =	vsel vm2, $0x40800000, v53;
	v41 =	vadd.s32 $0xC0CAFB0D, v55;
	v36 =	vadd.f32 $2.022166550e-01, v36  }
0xee: {  	v44 =	vmul.f32 v44, v9;
	v63 =	vand.u32 $0xFF800000, v41;
	v57 =	vadd.f32 $2.022166550e-01, v54  }
0xef: {  	v62 =	vmul.f32 $1.264473350e-01, v33;
	v39 =	vsub.s32 v55, v63;
	v36 =	vmul.f32 v36, v40  }
0xf0: {  	v30 =	vmul.f32 v30, v48;
	v39 =	vadd.f32 $-1.000000000e+00, v39;
	v61 =	vmul.f32 v57, v34  }
0xf1: {  	v60 =	vmul.f32 v33, v33;
	v43 =	vadd.f32 $-1.825688330e-01, v62;
	v36 =	vadd.f32 $-2.495787590e-01, v36  }
0xf2: {  	v30 =	vadd.f32 v30, v35;
	v46 =	vmul.f32 $1.264473350e-01, v39;
	v31 =	vadd.f32 $-2.495787590e-01, v61  }
0xf3: {  	v58 =	vld [tilespmem:s4+$0xFFFFFF00];
	v41 =	vshra.s32 v41, $0x17;
	v43 =	vmul.f32 v43, v33;
	v36 =	vmul.f32 v36, v40  }
0xf4: {  	v47 =	vmul.f32 v30, v2;
	v49 =	vadd.f32 $-1.825688330e-01, v46;
	v31 =	vmul.f32 v31, v34  }
0xf5: {  	v57 =	vmul.f32 v40, v40;
	v43 =	vadd.f32 $2.022166550e-01, v43;
	v52 =	vadd.f32 $3.333088160e-01, v36  }
0xf6: {  	v62 =	vmul.f32 v39, v39;
	v45 =	vmul.f32 v49, v39;
	v31 =	vadd.f32 $3.333088160e-01, v31  }
0xf7: {  	v38 =	vadd.f32 v47, v38;
	v43 =	vmul.f32 v43, v33;
	v30 =	vmul.f32 v52, v40  }
0xf8: {  	v46 =	vadd.s32 $0xC0CAFB0D, v58;
	v54 =	vadd.f32 $2.022166550e-01, v45;
	v31 =	vmul.f32 v31, v34  }
0xf9: {  	v48 =	vand.u32 $0xFF800000, v46;
	v46 =	vshra.s32 v46, $0x17;
	v30 =	vadd.f32 $-5.000000000e-01, v30  }
0xfa: {  	v53 =	vadd.f32 $-2.495787590e-01, v43;
	v56 =	vmul.f32 v54, v39;
	v51 =	vadd.f32 $-5.000000000e-01, v31;
	v31 =	vld [tilespmem:s3+$0xFFFFFEE0]  }
0xfb: {  	v61 =	vsub.s32 v58, v48;
	v46 =	vcvt.s32.f32 v46;
	v43 =	vmul.f32 v30, v57;
	v57 =	vld [tilespmem:s4+$0x80]  }
0xfc: {  	v52 =	vcvt.s32.f32 v41;
	v36 =	vadd.f32 $-2.495787590e-01, v56;
	v35 =	vmul.f32 v51, v50  }
0xfd: {  	v49 =	vld [tilespmem:s4+$0xFFFFFF80];
	v55 =	vmul.f32 v53, v33;
	v40 =	vadd.f32 v43, v40;
	v43 =	vadd.f32 $-1.000000000e+00, v61  }
0xfe: {  	v30 =	vsel vm2, v16, v32;
	v36 =	vmul.f32 v36, v39;
	v34 =	vadd.f32 v35, v34  }
0xff: {  	v35 =	vadd.f32 $3.333088160e-01, v55;
	v40 =	vmul.f32 v40, v6;
	v63 =	vmul.f32 $1.264473350e-01, v43  }
0x100: {  	v59 =	vadd.f32 v28, v31;
	v36 =	vadd.f32 $3.333088160e-01, v36;
	v48 =	vadd.s32 $0xC0CAFB0D, v57  }
0x101: {  	v34 =	vmul.f32 v34, v4;
	v35 =	vmul.f32 v35, v33;
	v51 =	vadd.f32 $-1.825688330e-01, v63  }
0x102: {  	v40 =	vadd.f32 v40, v42;
	v42 =	vadd.s32 $0xC0CAFB0D, v49;
	v36 =	vmul.f32 v36, v39  }
0x103: {  	v55 =	vand.u32 $0xFF800000, v42;
	v42 =	vshra.s32 v42, $0x17;
	v35 =	vadd.f32 $-5.000000000e-01, v35  }
0x104: {  	v34 =	vadd.f32 v34, v37;
	v54 =	vmul.f32 v51, v43;
	v37 =	vmul.f32 v52, v11  }
0x105: {  	[tilespmem:s0+$0xFFFFFEA0] =	vst v59;
	v56 =	vsub.s32 v49, v55;
	v42 =	vcvt.s32.f32 v42;
	v36 =	vadd.f32 $-5.000000000e-01, v36  }
0x106: {  	v32 =	vld [tilespmem:s3+$0xFFFFFF60];
	v52 =	vand.u32 $0xFF800000, v48;
	v35 =	vmul.f32 v35, v60;
	vm2 =	vlt.f32 v34, v38  }
0x107: {  	v53 =	vld [tilespmem:s4+$0x0];
	v41 =	vadd.f32 $2.022166550e-01, v54;
	v42 =	vmul.f32 v42, v5;
	v36 =	vmul.f32 v36, v62  }
0x108: {  	v34 =	vsel vm2, v34, v38;
	v45 =	vsel vm2, $0x3F800000, v0;
	v35 =	vadd.f32 v35, v33  }
0x109: {  	v62 =	vld [tilespmem:s4+$0x100];
	v38 =	vsub.s32 v57, v52;
	v41 =	vmul.f32 v41, v43;
	v36 =	vadd.f32 v36, v39  }
0x10a: {  	v47 =	vsel vm2, v12, v13;
	v38 =	vadd.f32 $-1.000000000e+00, v38;
	v35 =	vmul.f32 v35, v8  }
0x10b: {  	v33 =	vadd.f32 v28, v32;
	v41 =	vadd.f32 $-2.495787590e-01, v41;
	v36 =	vmul.f32 v36, v10  }
0x10c: {  	v54 =	vmul.f32 $1.264473350e-01, v38;
	v35 =	vadd.f32 v35, v44;
	v44 =	vadd.s32 $0xC0CAFB0D, v53  }
0x10d: {  	v36 =	vadd.f32 v36, v37;
	v37 =	vadd.f32 $-1.000000000e+00, v56;
	v58 =	vand.u32 $0xFF800000, v44  }
0x10e: {  	v60 =	vmul.f32 v41, v43;
	v55 =	vadd.s32 $0xC0CAFB0D, v62;
	v39 =	vsub.s32 v53, v58  }
0x10f: {  	vm3 =	vlt.f32 v35, v40;
	v59 =	vmul.f32 $1.264473350e-01, v37;
	v39 =	vadd.f32 $-1.000000000e+00, v39  }
0x110: {  	v54 =	vadd.f32 $-1.825688330e-01, v54;
	v35 =	vsel vm3, v35, v40;
	v40 =	vadd.f32 $3.333088160e-01, v60  }
0x111: {  	v56 =	vand.u32 $0xFF800000, v55;
	v61 =	vadd.f32 $-1.825688330e-01, v59;
	v51 =	vmul.f32 $1.264473350e-01, v39  }
0x112: {  	v44 =	vshra.s32 v44, $0x17;
	v53 =	vmul.f32 v43, v43;
	v40 =	vmul.f32 v40, v43  }
0x113: {  	v49 =	vsub.s32 v62, v56;
	v41 =	vmul.f32 v61, v37;
	v51 =	vadd.f32 $-1.825688330e-01, v51  }
0x114: {  	v63 =	vmul.f32 v54, v38;
	v49 =	vadd.f32 $-1.000000000e+00, v49;
	v40 =	vadd.f32 $-5.000000000e-01, v40  }
0x115: {  	v44 =	vcvt.s32.f32 v44;
	v41 =	vadd.f32 $2.022166550e-01, v41;
	v51 =	vmul.f32 v51, v39  }
0x116: {  	v56 =	vmul.f32 $1.264473350e-01, v49;
	v40 =	vmul.f32 v40, v53;
	v53 =	vadd.f32 $2.022166550e-01, v63  }
0x117: {  	v50 =	vsel vm3, $0x40400000, v1;
	v41 =	vmul.f32 v41, v37;
	v51 =	vadd.f32 $2.022166550e-01, v51  }
0x118: {  	v40 =	vadd.f32 v40, v43;
	v43 =	vadd.f32 $-1.825688330e-01, v56;
	v53 =	vmul.f32 v53, v38  }
0x119: {  	v52 =	vsel vm3, v14, v15;
	v41 =	vadd.f32 $-2.495787590e-01, v41;
	v51 =	vmul.f32 v51, v39  }
0x11a: {  	vm2 =	vlt.f32 v35, v34;
	v58 =	vmul.f32 v43, v49;
	v60 =	vadd.f32 $-2.495787590e-01, v53  }
0x11b: {  	v54 =	vsel vm2, v35, v34;
	v41 =	vmul.f32 v41, v37;
	v51 =	vadd.f32 $-2.495787590e-01, v51  }
0x11c: {  	v35 =	vsel vm2, v50, v45;
	v62 =	vadd.f32 $2.022166550e-01, v58;
	v63 =	vmul.f32 v60, v38  }
0x11d: {  	vm7 =	vlt.f32 v36, v54;
	v41 =	vadd.f32 $3.333088160e-01, v41;
	v51 =	vmul.f32 v51, v39  }
0x11e: {  	v61 =	vmul.f32 v37, v37;
	v56 =	vmul.f32 v62, v49;
	v45 =	vadd.f32 $3.333088160e-01, v63  }
0x11f: {  	v40 =	vmul.f32 v40, v2;
	v57 =	vmul.f32 v41, v37;
	v59 =	vadd.f32 $3.333088160e-01, v51  }
0x120: {  	v58 =	vld [tilespmem:s4+$0xFFFFFF10];
	v41 =	vmul.f32 v46, v3;
	v46 =	vadd.f32 $-2.495787590e-01, v56;
	v45 =	vmul.f32 v45, v38  }
0x121: {  	v63 =	vshra.s32 v48, $0x17;
	v56 =	vmul.f32 v49, v49;
	v43 =	vmul.f32 v59, v39  }
0x122: {  	v34 =	vadd.f32 $-5.000000000e-01, v57;
	v57 =	vmul.f32 v39, v39;
	v46 =	vmul.f32 v46, v49  }
0x123: {  	v53 =	vld [tilespmem:s4+$0xFFFFFF90];
	v59 =	vmul.f32 v38, v38;
	v45 =	vadd.f32 $-5.000000000e-01, v45;
	v40 =	vadd.f32 v40, v41  }
0x124: {  	v34 =	vmul.f32 v34, v61;
	v43 =	vadd.f32 $-5.000000000e-01, v43;
	v46 =	vadd.f32 $3.333088160e-01, v46  }
0x125: {  	v60 =	vmul.f32 v45, v59;
	v61 =	vmul.f32 v44, v7;
	v45 =	vadd.s32 $0xC0CAFB0D, v58  }
0x126: {  	v59 =	vshra.s32 v55, $0x17;
	v37 =	vadd.f32 v34, v37;
	v34 =	vsel vm2, v52, v47  }
0x127: {  	v43 =	vmul.f32 v43, v57;
	v62 =	vmul.f32 v46, v49;
	v38 =	vadd.f32 v60, v38  }
0x128: {  	v52 =	vand.u32 $0xFF800000, v45;
	v57 =	vcvt.s32.f32 v63;
	v47 =	vadd.s32 $0xC0CAFB0D, v53  }
0x129: {  	v41 =	vsub.s32 v58, v52;
	v37 =	vmul.f32 v37, v4;
	v39 =	vadd.f32 v43, v39  }
0x12a: {  	v44 =	vadd.f32 $-5.000000000e-01, v62;
	v41 =	vadd.f32 $-1.000000000e+00, v41;
	v62 =	vand.u32 $0xFF800000, v47  }
0x12b: {  	v38 =	vmul.f32 v38, v8;
	v47 =	vshra.s32 v47, $0x17;
	v46 =	vsub.s32 v53, v62  }
0x12c: {  	v63 =	vld [tilespmem:s4+$0x10];
	v39 =	vmul.f32 v39, v6;
	v37 =	vadd.f32 v37, v42;
	v58 =	vmul.f32 v44, v56  }
0x12d: {  	v42 =	vmul.f32 v57, v9;
	v60 =	vmul.f32 $1.264473350e-01, v41;
	v46 =	vadd.f32 $-1.000000000e+00, v46  }
0x12e: {  	v44 =	vcvt.s32.f32 v59;
	v39 =	vadd.f32 v39, v61;
	v43 =	vadd.f32 v58, v49  }
0x12f: {  	v59 =	vld [tilespmem:s4+$0x90];
	v38 =	vadd.f32 v38, v42;
	v61 =	vadd.f32 $-1.825688330e-01, v60;
	vm2 =	vlt.f32 v37, v40  }
0x130: {  	v44 =	vmul.f32 v44, v11;
	v56 =	vmul.f32 $1.264473350e-01, v46;
	v36 =	vsel vm2, v37, v40  }
0x131: {  	v57 =	vsel vm2, $0x3F800000, v0;
	v40 =	vadd.s32 $0xC0CAFB0D, v63;
	v43 =	vmul.f32 v43, v10  }
0x132: {  	v42 =	vmul.f32 v61, v41;
	vm3 =	vlt.f32 v38, v39;
	v58 =	vadd.f32 $-1.825688330e-01, v56  }
0x133: {  	v61 =	vand.u32 $0xFF800000, v40;
	v40 =	vshra.s32 v40, $0x17;
	v38 =	vsel vm3, v38, v39  }
0x134: {  	v60 =	vsel vm3, $0x40400000, v1;
	v48 =	vsub.s32 v63, v61;
	v50 =	vadd.s32 $0xC0CAFB0D, v59  }
0x135: {  	v61 =	vmul.f32 v41, v41;
	v40 =	vcvt.s32.f32 v40;
	v43 =	vadd.f32 v43, v44  }
0x136: {  	v55 =	vadd.f32 $2.022166550e-01, v42;
	v44 =	vsel vm2, v12, v13;
	vm2 =	vlt.f32 v38, v36  }
0x137: {  	v63 =	vld [tilespmem:s4+$0x110];
	v39 =	vmul.f32 v58, v46;
	v42 =	vadd.f32 $-1.000000000e+00, v48;
	v58 =	vand.u32 $0xFF800000, v50  }
0x138: {  	v38 =	vsel vm2, v38, v36;
	v49 =	vsub.s32 v59, v58;
	v40 =	vmul.f32 v40, v7  }
0x139: {  	v37 =	vmul.f32 v55, v41;
	v55 =	vshra.s32 v45, $0x17;
	v39 =	vadd.f32 $2.022166550e-01, v39  }
0x13a: {  	v49 =	vadd.f32 $-1.000000000e+00, v49;
	vm8 =	vlt.f32 v43, v38;
	v48 =	vcvt.s32.f32 v55  }
0x13b: {  	v55 =	vcvt.s32.f32 v47;
	v62 =	vadd.f32 $-2.495787590e-01, v37;
	v37 =	vsel vm2, v60, v57  }
0x13c: {  	v57 =	vmul.f32 $1.264473350e-01, v42;
	v39 =	vmul.f32 v39, v46;
	v52 =	vadd.s32 $0xC0CAFB0D, v63  }
0x13d: {  	v60 =	vmul.f32 $1.264473350e-01, v49;
	v59 =	vand.u32 $0xFF800000, v52;
	v48 =	vmul.f32 v48, v3  }
0x13e: {  	v38 =	vmul.f32 v55, v5;
	v56 =	vmul.f32 v62, v41;
	v36 =	vadd.f32 $-1.825688330e-01, v57  }
0x13f: {  	v39 =	vadd.f32 $-2.495787590e-01, v39;
	v51 =	vsub.s32 v63, v59;
	v53 =	vadd.f32 $-1.825688330e-01, v60  }
0x140: {  	v51 =	vadd.f32 $-1.000000000e+00, v51;
	v45 =	vadd.f32 $3.333088160e-01, v56;
	v36 =	vmul.f32 v36, v42  }
0x141: {  	v35 =	vsel vm7, $0x40800000, v35;
	v39 =	vmul.f32 v39, v46;
	v53 =	vmul.f32 v53, v49  }
0x142: {  	v62 =	vmul.f32 $1.264473350e-01, v51;
	v45 =	vmul.f32 v45, v41;
	v36 =	vadd.f32 $2.022166550e-01, v36  }
0x143: {  	v59 =	vmul.f32 v46, v46;
	v39 =	vadd.f32 $3.333088160e-01, v39;
	v53 =	vadd.f32 $2.022166550e-01, v53  }
0x144: {  	v58 =	vadd.f32 $-1.825688330e-01, v62;
	v45 =	vadd.f32 $-5.000000000e-01, v45;
	v36 =	vmul.f32 v36, v42  }
0x145: {  	v55 =	vshra.s32 v52, $0x17;
	v57 =	vld [tilespmem:s4+$0xFFFFFF20];
	v39 =	vmul.f32 v39, v46;
	v62 =	vmul.f32 v53, v49  }
0x146: {  	v63 =	vsel vm3, v14, v15;
	v54 =	vmul.f32 v58, v51;
	v45 =	vmul.f32 v45, v61  }
0x147: {  	v58 =	vmul.f32 v42, v42;
	v60 =	vadd.f32 $-2.495787590e-01, v36;
	v39 =	vadd.f32 $-5.000000000e-01, v39  }
0x148: {  	v36 =	vsel vm2, v63, v44;
	v63 =	vadd.f32 $2.022166550e-01, v54;
	v41 =	vadd.f32 v45, v41  }
0x149: {  	v61 =	vmul.f32 v60, v42;
	v39 =	vmul.f32 v39, v59;
	v45 =	vadd.f32 $-2.495787590e-01, v62  }
0x14a: {  	v47 =	vadd.s32 $0xC0CAFB0D, v57;
	v59 =	vmul.f32 v49, v49;
	v54 =	vmul.f32 v63, v51  }
0x14b: {  	v60 =	vand.u32 $0xFF800000, v47;
	v44 =	vadd.f32 $3.333088160e-01, v61;
	v45 =	vmul.f32 v45, v49  }
0x14c: {  	v41 =	vmul.f32 v41, v2;
	v39 =	vadd.f32 v39, v46;
	v46 =	vadd.f32 $-2.495787590e-01, v54  }
0x14d: {  	v54 =	vshra.s32 v50, $0x17;
	v56 =	vmul.f32 v44, v42;
	v45 =	vadd.f32 $3.333088160e-01, v45  }
0x14e: {  	v39 =	vmul.f32 v39, v4;
	v41 =	vadd.f32 v41, v48;
	v46 =	vmul.f32 v46, v51  }
0x14f: {  	v50 =	vld [tilespmem:s4+$0x20];
	v44 =	vsub.s32 v57, v60;
	v43 =	vadd.f32 $-5.000000000e-01, v56;
	v45 =	vmul.f32 v45, v49  }
0x150: {  	v62 =	vld [tilespmem:s4+$0xFFFFFFA0];
	v61 =	vmul.f32 v51, v51;
	v44 =	vadd.f32 $-1.000000000e+00, v44;
	v46 =	vadd.f32 $3.333088160e-01, v46  }
0x151: {  	v38 =	vadd.f32 v39, v38;
	v43 =	vmul.f32 v43, v58;
	v45 =	vadd.f32 $-5.000000000e-01, v45  }
0x152: {  	v37 =	vsel vm8, $0x40800000, v37;
	v53 =	vmul.f32 $1.264473350e-01, v44;
	v46 =	vmul.f32 v46, v51  }
0x153: {  	vm11 =	vlt.f32 v38, v41;
	v42 =	vadd.f32 v43, v42;
	v43 =	vmul.f32 v45, v59  }
0x154: {  	v48 =	vadd.s32 $0xC0CAFB0D, v50;
	v38 =	vsel vm11, v38, v41;
	v46 =	vadd.f32 $-5.000000000e-01, v46  }
0x155: {  	v42 =	vmul.f32 v42, v6;
	v43 =	vadd.f32 v43, v49;
	v49 =	vadd.s32 $0xC0CAFB0D, v62  }
0x156: {  	v45 =	vmul.f32 v46, v61;
	v46 =	vcvt.s32.f32 v55;
	v56 =	vand.u32 $0xFF800000, v49  }
0x157: {  	v63 =	vadd.f32 v42, v40;
	v42 =	vcvt.s32.f32 v54;
	v40 =	vadd.f32 $-1.825688330e-01, v53  }
0x158: {  	v43 =	vmul.f32 v43, v8;
	v57 =	vsub.s32 v62, v56;
	v62 =	vld [tilespmem:s4+$0x120];
	v45 =	vadd.f32 v45, v51  }
0x159: {  	v58 =	vsel vm11, $0x3F800000, v0;
	v42 =	vmul.f32 v42, v9;
	v40 =	vmul.f32 v40, v44  }
0x15a: {  	v60 =	vld [tilespmem:s4+$0xA0];
	v61 =	vand.u32 $0xFF800000, v48;
	v46 =	vmul.f32 v46, v11;
	v45 =	vmul.f32 v45, v10  }
0x15b: {  	v48 =	vshra.s32 v48, $0x17;
	v42 =	vadd.f32 v43, v42;
	v40 =	vadd.f32 $2.022166550e-01, v40  }
0x15c: {  	v48 =	vcvt.s32.f32 v48;
	v43 =	vadd.f32 $-1.000000000e+00, v57;
	v45 =	vadd.f32 v45, v46  }
0x15d: {  	v54 =	vadd.s32 $0xC0CAFB0D, v62;
	v40 =	vmul.f32 v40, v44;
	vm10 =	vlt.f32 v42, v63  }
0x15e: {  	v59 =	vmul.f32 $1.264473350e-01, v43;
	v39 =	vsel vm10, v42, v63;
	v63 =	vsel vm10, $0x40400000, v1  }
0x15f: {  	v42 =	vsub.s32 v50, v61;
	v50 =	vadd.s32 $0xC0CAFB0D, v60;
	v40 =	vadd.f32 $-2.495787590e-01, v40  }
0x160: {  	v46 =	vadd.f32 $-1.825688330e-01, v59;
	vm9 =	vlt.f32 v39, v38;
	v42 =	vadd.f32 $-1.000000000e+00, v42  }
0x161: {  	v59 =	vand.u32 $0xFF800000, v54;
	v39 =	vsel vm9, v39, v38;
	v38 =	vsel vm9, v63, v58  }
0x162: {  	v58 =	vand.u32 $0xFF800000, v50;
	v52 =	vsub.s32 v62, v59;
	v40 =	vmul.f32 v40, v44  }
0x163: {  	v50 =	vshra.s32 v50, $0x17;
	v56 =	vmul.f32 v46, v43;
	v57 =	vmul.f32 $1.264473350e-01, v42  }
0x164: {  	v51 =	vsub.s32 v60, v58;
	v52 =	vadd.f32 $-1.000000000e+00, v52;
	v60 =	vmul.f32 v44, v44  }
0x165: {  	v50 =	vcvt.s32.f32 v50;
	v40 =	vadd.f32 $3.333088160e-01, v40;
	v41 =	vadd.f32 $2.022166550e-01, v56  }
0x166: {  	v51 =	vadd.f32 $-1.000000000e+00, v51;
	v46 =	vadd.f32 $-1.825688330e-01, v57;
	v62 =	vmul.f32 $1.264473350e-01, v52  }
0x167: {  	v47 =	vshra.s32 v47, $0x17;
	v41 =	vmul.f32 v41, v43;
	v40 =	vmul.f32 v40, v44  }
0x168: {  	v61 =	vmul.f32 $1.264473350e-01, v51;
	v46 =	vmul.f32 v46, v42;
	v58 =	vadd.f32 $-1.825688330e-01, v62  }
0x169: {  	v62 =	vmul.f32 v43, v43;
	v41 =	vadd.f32 $-2.495787590e-01, v41;
	v40 =	vadd.f32 $-5.000000000e-01, v40  }
0x16a: {  	v55 =	vadd.f32 $-1.825688330e-01, v61;
	v61 =	vcvt.s32.f32 v47;
	v46 =	vadd.f32 $2.022166550e-01, v46  }
0x16b: {  	v49 =	vshra.s32 v49, $0x17;
	v63 =	vmul.f32 v41, v43;
	v40 =	vmul.f32 v40, v60  }
0x16c: {  	vm6 =	vlt.f32 v45, v39;
	v57 =	vmul.f32 v46, v42;
	v41 =	vmul.f32 v55, v51  }
0x16d: {  	v60 =	vmul.f32 v58, v52;
	v46 =	vmul.f32 v61, v3;
	v39 =	vadd.f32 $3.333088160e-01, v63  }
0x16e: {  	v58 =	vmul.f32 v42, v42;
	v59 =	vadd.f32 $-2.495787590e-01, v57;
	v41 =	vadd.f32 $2.022166550e-01, v41  }
0x16f: {  	v55 =	vmul.f32 v50, v9;
	v45 =	vadd.f32 $2.022166550e-01, v60;
	v63 =	vld [tilespmem:s4+$0xFFFFFF30];
	v39 =	vmul.f32 v39, v43  }
0x170: {  	v40 =	vadd.f32 v40, v44;
	v44 =	vmul.f32 v59, v42;
	v41 =	vmul.f32 v41, v51  }
0x171: {  	v57 =	vcvt.s32.f32 v49;
	v45 =	vmul.f32 v45, v52;
	v39 =	vadd.f32 $-5.000000000e-01, v39  }
0x172: {  	v40 =	vmul.f32 v40, v2;
	v44 =	vadd.f32 $3.333088160e-01, v44;
	v41 =	vadd.f32 $-2.495787590e-01, v41  }
0x173: {  	v47 =	vmul.f32 v57, v5;
	v45 =	vadd.f32 $-2.495787590e-01, v45;
	v39 =	vmul.f32 v39, v62  }
0x174: {  	v49 =	vadd.s32 $0xC0CAFB0D, v63;
	v44 =	vmul.f32 v44, v42;
	v41 =	vmul.f32 v41, v51  }
0x175: {  	v45 =	vmul.f32 v45, v52;
	v59 =	vand.u32 $0xFF800000, v49;
	v49 =	vshra.s32 v49, $0x17  }
0x176: {  	v61 =	vsub.s32 v63, v59;
	v63 =	vmul.f32 v51, v51;
	v41 =	vadd.f32 $3.333088160e-01, v41  }
0x177: {  	v49 =	vcvt.s32.f32 v49;
	v60 =	vadd.f32 $3.333088160e-01, v45;
	v45 =	vadd.f32 $-1.000000000e+00, v61  }
0x178: {  	v39 =	vadd.f32 v39, v43;
	v44 =	vadd.f32 $-5.000000000e-01, v44;
	v41 =	vmul.f32 v41, v51  }
0x179: {  	v40 =	vadd.f32 v40, v46;
	v49 =	vmul.f32 v49, v3;
	v57 =	vmul.f32 $1.264473350e-01, v45  }
0x17a: {  	v39 =	vmul.f32 v39, v4;
	v43 =	vmul.f32 v44, v58;
	v41 =	vadd.f32 $-5.000000000e-01, v41  }
0x17b: {  	v62 =	vmul.f32 v60, v52;
	v60 =	vmul.f32 v48, v7;
	v48 =	vld [tilespmem:s4+$0xB0];
	v59 =	vadd.f32 $-1.825688330e-01, v57  }
0x17c: {  	v61 =	vld [tilespmem:s4+$0xFFFFFFB0];
	v58 =	vmul.f32 v52, v52;
	v42 =	vadd.f32 v43, v42;
	v41 =	vmul.f32 v41, v63  }
0x17d: {  	v43 =	vadd.f32 $-5.000000000e-01, v62;
	v62 =	vshra.s32 v54, $0x17;
	v44 =	vmul.f32 v59, v45;
	v63 =	vld [tilespmem:s4+$0x30]  }
0x17e: {  	v39 =	vadd.f32 v39, v47;
	v42 =	vmul.f32 v42, v6;
	v41 =	vadd.f32 v41, v51  }
0x17f: {  	v43 =	vmul.f32 v43, v58;
	v51 =	vcvt.s32.f32 v62;
	v44 =	vadd.f32 $2.022166550e-01, v44  }
0x180: {  	vm14 =	vlt.f32 v39, v40;
	v54 =	vadd.s32 $0xC0CAFB0D, v48;
	v41 =	vmul.f32 v41, v8  }
0x181: {  	v56 =	vmul.f32 v51, v11;
	v44 =	vmul.f32 v44, v45;
	v51 =	vadd.s32 $0xC0CAFB0D, v61  }
0x182: {  	v42 =	vadd.f32 v42, v60;
	v57 =	vand.u32 $0xFF800000, v51;
	v47 =	vadd.s32 $0xC0CAFB0D, v63  }
0x183: {  	v41 =	vadd.f32 v41, v55;
	v44 =	vadd.f32 $-2.495787590e-01, v44;
	v46 =	vsub.s32 v61, v57  }
0x184: {  	v43 =	vadd.f32 v43, v52;
	v59 =	vand.u32 $0xFF800000, v47;
	v46 =	vadd.f32 $-1.000000000e+00, v46  }
0x185: {  	v58 =	vmul.f32 v44, v45;
	vm13 =	vlt.f32 v41, v42;
	v44 =	vsub.s32 v63, v59  }
0x186: {  	v60 =	vmul.f32 $1.264473350e-01, v46;
	v41 =	vsel vm13, v41, v42;
	v42 =	vadd.f32 $-1.000000000e+00, v44;
	v44 =	vld [tilespmem:s4+$0x130]  }
0x187: {  	v39 =	vsel vm14, v39, v40;
	v43 =	vmul.f32 v43, v10;
	v63 =	vand.u32 $0xFF800000, v54  }
0x188: {  	v48 =	vsub.s32 v48, v63;
	v50 =	vadd.f32 $-1.825688330e-01, v60;
	v61 =	vmul.f32 $1.264473350e-01, v42  }
0x189: {  	v62 =	vmul.f32 v45, v45;
	v40 =	vadd.f32 $3.333088160e-01, v58;
	v48 =	vadd.f32 $-1.000000000e+00, v48  }
0x18a: {  	v43 =	vadd.f32 v43, v56;
	v50 =	vmul.f32 v50, v46;
	v53 =	vadd.f32 $-1.825688330e-01, v61  }
0x18b: {  	v40 =	vmul.f32 v40, v45;
	v61 =	vmul.f32 $1.264473350e-01, v48;
	v56 =	vadd.s32 $0xC0CAFB0D, v44  }
0x18c: {  	v50 =	vadd.f32 $2.022166550e-01, v50;
	v53 =	vmul.f32 v53, v42;
	v60 =	vand.u32 $0xFF800000, v56  }
0x18d: {  	v40 =	vadd.f32 $-5.000000000e-01, v40;
	v55 =	vadd.f32 $-1.825688330e-01, v61;
	v44 =	vsub.s32 v44, v60  }
0x18e: {  	v50 =	vmul.f32 v50, v46;
	v53 =	vadd.f32 $2.022166550e-01, v53;
	v44 =	vadd.f32 $-1.000000000e+00, v44  }
0x18f: {  	vm12 =	vlt.f32 v41, v39;
	v40 =	vmul.f32 v40, v62;
	v61 =	vmul.f32 v55, v48  }
0x190: {  	v50 =	vadd.f32 $-2.495787590e-01, v50;
	v62 =	vmul.f32 v53, v42;
	v63 =	vmul.f32 $1.264473350e-01, v44  }
0x191: {  	v57 =	vsel vm12, v41, v39;
	v40 =	vadd.f32 v40, v45;
	v41 =	vadd.f32 $2.022166550e-01, v61  }
0x192: {  	v60 =	vmul.f32 v50, v46;
	v45 =	vadd.f32 $-2.495787590e-01, v62;
	v62 =	vadd.f32 $-1.825688330e-01, v63  }
0x193: {  	v52 =	vsel vm14, $0x3F800000, v0;
	v51 =	vshra.s32 v51, $0x17;
	v40 =	vmul.f32 v40, v2  }
0x194: {  	v58 =	vmul.f32 v41, v48;
	v39 =	vadd.f32 $3.333088160e-01, v60;
	v50 =	vmul.f32 v62, v44  }
0x195: {  	v51 =	vcvt.s32.f32 v51;
	v49 =	vadd.f32 v40, v49;
	v45 =	vmul.f32 v45, v42  }
0x196: {  	v40 =	vadd.f32 $-2.495787590e-01, v58;
	v39 =	vmul.f32 v39, v46;
	v60 =	vadd.f32 $2.022166550e-01, v50  }
0x197: {  	v61 =	vmul.f32 v46, v46;
	v63 =	vsel vm13, $0x40400000, v1;
	v59 =	vadd.f32 $3.333088160e-01, v45  }
0x198: {  	v50 =	vld [tilespmem:s3+$0xFFFFFEF0];
	v62 =	vmul.f32 v40, v48;
	v39 =	vadd.f32 $-5.000000000e-01, v39;
	v45 =	vmul.f32 v60, v44  }
0x199: {  	v47 =	vshra.s32 v47, $0x17;
	v52 =	vsel vm12, v63, v52;
	v41 =	vmul.f32 v59, v42  }
0x19a: {  	[tilespmem:s0+$0xFFFFFF20] =	vst v33;
	v33 =	vmul.f32 v39, v61;
	v45 =	vadd.f32 $-2.495787590e-01, v45;
	v39 =	vadd.f32 $3.333088160e-01, v62  }
0x19b: {  	v63 =	vmul.f32 v42, v42;
	v59 =	vmul.f32 v51, v5;
	v41 =	vadd.f32 $-5.000000000e-01, v41  }
0x19c: {  	vm2 =	vlt.f32 v43, v57;
	v58 =	vmul.f32 v45, v44;
	v39 =	vmul.f32 v39, v48  }
0x19d: {  	v55 =	vadd.f32 v35, v50;
	v33 =	vadd.f32 v33, v46;
	v40 =	vmul.f32 v41, v63  }
0x19e: {  	v60 =	vmul.f32 v48, v48;
	v41 =	vadd.f32 $3.333088160e-01, v58;
	v61 =	vadd.f32 $-5.000000000e-01, v39  }
0x19f: {  	v53 =	vld [tilespmem:s3+$0xFFFFFFE0];
	v62 =	vcvt.s32.f32 v47;
	[tilespmem:s0+$0xFFFFFEB0] =	vst v55;
	v33 =	vmul.f32 v33, v4;
	v40 =	vadd.f32 v40, v42  }
0x1a0: {  	v51 =	vld [tilespmem:s3+$0xFFFFFF70];
	v58 =	vshra.s32 v54, $0x17;
	v41 =	vmul.f32 v41, v44;
	v63 =	vmul.f32 v61, v60  }
0x1a1: {  	v42 =	vcvt.s32.f32 v58;
	v46 =	vadd.f32 v33, v59;
	v33 =	vmul.f32 v40, v6  }
0x1a2: {  	v47 =	vld [tilespmem:s3+$0xFFFFFF00];
	v59 =	vmul.f32 v44, v44;
	v60 =	vadd.f32 $-5.000000000e-01, v41;
	v40 =	vadd.f32 v63, v48  }
0x1a3: {  	v39 =	vsel vm7, v16, v34;
	v34 =	vmul.f32 v62, v7;
	v42 =	vmul.f32 v42, v9  }
0x1a4: {  	v45 =	vadd.f32 v28, v53;
	v61 =	vmul.f32 v60, v59;
	v63 =	vmul.f32 v40, v8  }
0x1a5: {  	v56 =	vshra.s32 v56, $0x17;
	v41 =	vld [tilespmem:s3+$0xFFFFFF10];
	v55 =	vadd.f32 v33, v34;
	v62 =	vadd.f32 v35, v51  }
0x1a6: {  	v60 =	vcvt.s32.f32 v56;
	v44 =	vadd.f32 v61, v44;
	v59 =	vadd.f32 v63, v42  }
0x1a7: {  	v58 =	vadd.f32 v37, v47;
	v33 =	vsel vm6, $0x40800000, v38;
	vm7 =	vlt.f32 v46, v49;
	v40 =	vld [tilespmem:s3+$0xFFFFFF20];
	[tilespmem:s0+$0xFFFFFF30] =	vst v62  }
0x1a8: {  	v42 =	vld [tilespmem:s3+$0xFFFFFFF0];
	v63 =	vmul.f32 v60, v11;
	v62 =	vmul.f32 v44, v10;
	vm15 =	vlt.f32 v59, v55  }
0x1a9: {  	[tilespmem:s0+$0xFFFFFEC0] =	vst v58;
	v34 =	vsel vm2, $0x40800000, v52;
	v38 =	vld [tilespmem:s3+$0xFFFFFF30];
	v46 =	vsel vm7, v46, v49;
	v56 =	vsel vm15, v59, v55  }
0x1aa: {  	[tilespmem:s0+$0xFFFFFFA0] =	vst v45;
	v61 =	vadd.f32 v33, v41;
	v44 =	vld [tilespmem:s3+$0xFFFFFF80];
	v43 =	vadd.f32 v62, v63;
	vm3 =	vlt.f32 v56, v46  }
0x1ab: {  	[tilespmem:s0+$0x10] =	vst v29;
	v48 =	vld [tilespmem:s3+$0x60];
	v58 =	vsel vm7, $0x3F800000, v0;
	v59 =	vsel vm15, $0x40400000, v1;
	v46 =	vsel vm3, v56, v46  }
0x1ac: {  	v52 =	vld [tilespmem:s3+$0xD0];
	v57 =	vadd.f32 v34, v40;
	[tilespmem:s0+$0xFFFFFED0] =	vst v61;
	v45 =	vsel vm3, v59, v58;
	vm4 =	vlt.f32 v43, v46  }
0x1ad: {  	v26 =	vmul.f32 $5.000000000e-01, v26;
	v60 =	vadd.f32 v35, v42;
	v46 =	vld [tilespmem:s3+$0xFFFFFF90];
	v24 =	vsel vm4, $0x40800000, v45  }
0x1ae: {  	v17 =	vadd.f32 v17, v22;
	v23 =	vmul.f32 v23, v23;
	[tilespmem:s0+$0xFFFFFEE0] =	vst v57;
	v63 =	vadd.f32 v24, v38  }
0x1af: {  	v21 =	vsub.f32 v21, v26;
	v31 =	vmul.f32 v31, v31;
	v61 =	vadd.f32 v37, v44;
	[tilespmem:s0+$0xFFFFFFB0] =	vst v60;
	v45 =	vld [tilespmem:s3+$0xFFFFFFA0]  }
0x1b0: {  	v32 =	vmul.f32 v32, v32;
	v62 =	vmul.f32 v20, v20;
	v57 =	vadd.f32 v28, v48;
	v54 =	vld [tilespmem:s3+$0x70];
	[tilespmem:s0+$0xFFFFFEF0] =	vst v63  }
0x1b1: {  	v29 =	vsel vm10, v14, v15;
	v18 =	vadd.f32 v18, v52;
	v40 =	vmul.f32 v40, v40;
	[tilespmem:s0+$0xFFFFFF40] =	vst v61;
	v43 =	vld [tilespmem:s3+$0xFFFFFFB0]  }
0x1b2: {  	v56 =	vmul.f32 v25, v25;
	v55 =	vadd.f32 v23, v62;
	[tilespmem:s0+$0x20] =	vst v57;
	v25 =	vld [tilespmem:s3+$0x0];
	v59 =	vadd.f32 v33, v46  }
0x1b3: {  	v20 =	vsel vm8, v16, v36;
	v36 =	vsel vm11, v12, v13;
	v58 =	vmul.f32 v27, v27;
	v49 =	vld [tilespmem:s3+$0xE0]  }
0x1b4: {  	v29 =	vsel vm9, v29, v36;
	v22 =	vadd.f32 v56, v55;
	v60 =	vadd.f32 v34, v45;
	[tilespmem:s0+$0xFFFFFF50] =	vst v59  }
0x1b5: {  	v62 =	vadd.f32 v32, v31;
	v63 =	vmul.f32 v53, v53;
	v61 =	vadd.f32 v35, v54;
	v53 =	vld [tilespmem:s3+$0x10]  }
0x1b6: {  	v23 =	vmul.f32 v52, v52;
	v22 =	vadd.f32 v58, v22;
	[tilespmem:s0+$0xFFFFFF60] =	vst v60;
	v60 =	vadd.f32 v24, v43  }
0x1b7: {  	v32 =	vsel vm14, v12, v13;
	v59 =	vmul.f32 v51, v51;
	v57 =	vadd.f32 v37, v25;
	[tilespmem:s0+$0x30] =	vst v61;
	v51 =	vld [tilespmem:s3+$0x20]  }
0x1b8: {  	v58 =	vmul.f32 v50, v50;
	v22 =	vadd.f32 v23, v22;
	v52 =	vmul.f32 v49, v49;
	v31 =	vld [tilespmem:s3+$0xF0];
	[tilespmem:s0+$0xFFFFFF70] =	vst v60  }
0x1b9: {  	v54 =	vmul.f32 v54, v54;
	v61 =	vadd.f32 v63, v62;
	v62 =	vmul.f32 v48, v48;
	[tilespmem:s0+$0xFFFFFFC0] =	vst v57;
	v48 =	vld [tilespmem:s3+$0x30]  }
0x1ba: {  	v26 =	vadd.f32 v59, v58;
	v63 =	vmul.f32 v42, v42;
	v42 =	vld [tilespmem:s3+$0x80];
	v55 =	vadd.f32 v33, v53  }
0x1bb: {  	v22 =	vmul.f32 $5.000000000e-01, v22;
	v58 =	vmul.f32 v47, v47;
	v23 =	vadd.f32 v62, v61  }
0x1bc: {  	v59 =	vmul.f32 v44, v44;
	v26 =	vadd.f32 v63, v26;
	v56 =	vadd.f32 v34, v51;
	[tilespmem:s0+$0xFFFFFFD0] =	vst v55  }
0x1bd: {  	v25 =	vmul.f32 v25, v25;
	v19 =	vsub.f32 v19, v22;
	v23 =	vadd.f32 v52, v23;
	v47 =	vld [tilespmem:s3+$0x90]  }
0x1be: {  	v26 =	vadd.f32 v54, v26;
	v57 =	vmul.f32 v31, v31;
	[tilespmem:s0+$0xFFFFFFE0] =	vst v56;
	v61 =	vadd.f32 v24, v48  }
0x1bf: {  	v22 =	vadd.f32 v28, v49;
	v23 =	vmul.f32 $5.000000000e-01, v23;
	v60 =	vadd.f32 v37, v42;
	v28 =	vld [tilespmem:s3+$0xA0]  }
0x1c0: {  	v62 =	vadd.f32 v59, v58;
	v59 =	vmul.f32 v45, v45;
	v26 =	vadd.f32 v57, v26;
	[tilespmem:s0+$0xFFFFFFF0] =	vst v61  }
0x1c1: {  	v45 =	vmul.f32 v38, v38;
	v23 =	vsub.f32 v30, v23;
	v30 =	vadd.f32 v35, v31;
	[tilespmem:s0+$0x40] =	vst v60;
	v35 =	vld [tilespmem:s3+$0xB0]  }
0x1c2: {  	v52 =	vmul.f32 v46, v46;
	v46 =	vmul.f32 v43, v43;
	v63 =	vld [tilespmem:s3+$0x100];
	v54 =	vadd.f32 v33, v47  }
0x1c3: {  	v50 =	vmul.f32 v41, v41;
	[tilespmem:s0+$0x110] =	vst v19;
	v25 =	vadd.f32 v25, v62;
	v26 =	vmul.f32 $5.000000000e-01, v26  }
0x1c4: {  	v19 =	vadd.f32 v46, v45;
	v49 =	vmul.f32 v42, v42;
	v56 =	vadd.f32 v34, v28;
	[tilespmem:s0+$0x50] =	vst v54  }
0x1c5: {  	v58 =	vmul.f32 v53, v53;
	v57 =	vadd.f32 v52, v50;
	v26 =	vsub.f32 v39, v26;
	v39 =	vld [tilespmem:s3+$0x110]  }
0x1c6: {  	v55 =	vsel vm13, v14, v15;
	v25 =	vadd.f32 v49, v25;
	[tilespmem:s0+$0x60] =	vst v56;
	v60 =	vadd.f32 v24, v35  }
0x1c7: {  	[tilespmem:s0+$0x80] =	vst v17;
	v27 =	vadd.f32 v58, v57;
	v61 =	vadd.f32 v59, v40;
	v17 =	vmul.f32 v63, v63;
	v31 =	vld [tilespmem:s3+$0x120]  }
0x1c8: {  	v62 =	vmul.f32 v47, v47;
	v37 =	vadd.f32 v37, v63;
	v63 =	vmul.f32 v51, v51;
	[tilespmem:s0+$0x70] =	vst v60  }
0x1c9: {  	[tilespmem:s0+$0x100] =	vst v21;
	v47 =	vmul.f32 v28, v28;
	v51 =	vmul.f32 v48, v48;
	v17 =	vadd.f32 v17, v25;
	v49 =	vld [tilespmem:s3+$0x130]  }
0x1ca: {  	[tilespmem:s0+$0x90] =	vst v18;
	v18 =	vadd.f32 v62, v27;
	v21 =	vadd.f32 v63, v61;
	v50 =	vmul.f32 v39, v39  }
0x1cb: {  	[tilespmem:s0+$0xA0] =	vst v22;
	v53 =	vmul.f32 v35, v35;
	v19 =	vadd.f32 v51, v19;
	v17 =	vmul.f32 $5.000000000e-01, v17  }
0x1cc: {  	[tilespmem:s0+$0x120] =	vst v23;
	v21 =	vadd.f32 v47, v21;
	v52 =	vmul.f32 v31, v31;
	v18 =	vadd.f32 v50, v18  }
0x1cd: {  	[tilespmem:s0+$0xB0] =	vst v30;
	v54 =	vsel vm12, v55, v32;
	v19 =	vadd.f32 v53, v19;
	v17 =	vsub.f32 v20, v17  }
0x1ce: {  	[tilespmem:s0+$0x130] =	vst v26;
	v55 =	vadd.f32 v52, v21;
	v18 =	vmul.f32 $5.000000000e-01, v18;
	v56 =	vmul.f32 v49, v49  }
0x1cf: {  	v57 =	vsel vm6, v16, v29;
	v58 =	vsel vm2, v16, v54;
	[tilespmem:s0+$0xC0] =	vst v37;
	v59 =	vadd.f32 v33, v39  }
0x1d0: {  	s31 =	sadd.s32 $0x80, s31;
	[tilespmem:s0+$0x140] =	vst v17;
	v17 =	vsub.f32 v57, v18;
	v18 =	vadd.f32 v56, v19;
	v19 =	vmul.f32 $5.000000000e-01, v55  }
0x1d1: {  	p1 =	slt.u32 s31, $0x780;
	v61 =	vsel vm15, v14, v15;
	v60 =	vsel vm7, v12, v13;
	v62 =	vadd.f32 v34, v31;
	[tilespmem:s0+$0xD0] =	vst v59  }
.Ltmp0:
0x1d2: {  	v20 =	vsel vm3, v61, v60;
	[tilespmem:s0+$0x150] =	vst v17;
	v17 =	vsub.f32 v58, v19;
	v18 =	vmul.f32 $5.000000000e-01, v18;
	(pc) =	sbr.rel @p1 .LBB2_3-.Ltmp0, $4  }
0x1d3: {  	[tilespmem:s0+$0xE0] =	vst v62;
	v63 =	vadd.f32 v24, v49;
	v19 =	vsel vm4, v16, v20  }
0x1d4: {  	[tilespmem:s0+$0x160] =	vst v17;
	v17 =	vsub.f32 v19, v18  }
0x1d5: {  	[tilespmem:s0+$0xF0] =	vst v63  }
0x1d6: {  	s4 =	sadd.s32 $0x400, s4;
	s3 =	sadd.s32 $0x400, s3;
	[tilespmem:s0+$0x170] =	vst v17;
	s0 =	sadd.s32 $0x400, s0  }
0x1d7: {  	s31 =	sadd.s32 s30, s10;
	s0 =	sadd.s32 s30, s11  }
0x1d8: {  	[hbm4b:s31+s5] =	stream.linear.scatter [tilespmem:s22], [sflag:$0x3], $0x4000, $0x38;
	[tilespmem:$0x18080] =	vst v63  }
0x1d9: {  	s3 =	sadd.s32 s1, s0  }
0x1da: {  	[tilespmem:s5], [sflag:$0x1] =	stream.linear.gather [hbm4b:s3+s5], $0x4000, $0x38;
	[tilespmem:$0x18080] =	vst v63  }
0x1db: {  	s0 =	sadd.s32 s2, s0  }
0x1dc: {  	[tilespmem:s18], [sflag:$0x1] =	stream.linear.gather [hbm4b:s0+s5], $0x4000, $0x38;
	[tilespmem:$0x18080] =	vst v63  }
0x1dd: {  	_ =	swait.ge [sflag:s23], $0x4000  }
0x1de: {  	[sflag:s23] =	ssyncset.done $0x0  }
0x1df: {  	[sflag:s23] =	ssyncadd.s32 $0xFFFFC000  }
0x1e0: {  	_ =	swait.ge [sflag:s23], $0x4000  }
0x1e1: {  	[sflag:s23] =	ssyncset.done $0x0  }
0x1e2: {  	s0 =	simm.s32 @!p0 $0x4;
	[sflag:s23] =	ssyncadd.s32 $0xFFFFC000  }
0x1e3: {  	_ =	swait.ge @!p0 [sflag:s0], $0x4000  }
0x1e4: {  	s4 =	simm.s32 $0x14180;
	s16 =	simm.s32 $0xC140;
	[sflag:s0] =	ssyncset.done @!p0 $0x0  }
0x1e5: {  	s3 =	simm.s32 $0x4140;
	[sflag:s0] =	ssyncadd.s32 @!p0 $0xFFFFC000;
	s0 =	simm.s32 $0xFFFFFF80  }
.LBB2_5:
0x1e6: {  	v17 =	vld [tilespmem:s3+$0xFFFFFEC0]  }
0x1e7: {  	v19 =	vld [tilespmem:s3+$0xFFFFFF40]  }
0x1e8: {  	v22 =	vld [tilespmem:s3+$0xFFFFFFC0]  }
0x1e9: {  	v25 =	vld [tilespmem:s3+$0x40]  }
0x1ea: {  	v57 =	vld [tilespmem:s3+$0xC0]  }
0x1eb: {  	v43 =	vld [tilespmem:s3+$0xFFFFFF50];
	_ =	sdelay $0x3  }
0x1ec: {  	v18 =	vadd.s32 $0xC0CAFB0D, v17;
	v21 =	vadd.s32 $0xC0CAFB0D, v19;
	v24 =	vadd.s32 $0xC0CAFB0D, v22  }
0x1ed: {  	v28 =	vadd.s32 $0xC0CAFB0D, v25;
	v58 =	vadd.s32 $0xC0CAFB0D, v57;
	v49 =	vadd.s32 $0xC0CAFB0D, v43  }
0x1ee: {  	v20 =	vand.u32 $0xFF800000, v18;
	v23 =	vand.u32 $0xFF800000, v21;
	v26 =	vand.u32 $0xFF800000, v24  }
0x1ef: {  	v29 =	vand.u32 $0xFF800000, v28;
	v30 =	vand.u32 $0xFF800000, v58;
	v18 =	vshra.s32 v18, $0x17  }
0x1f0: {  	v21 =	vshra.s32 v21, $0x17;
	v24 =	vshra.s32 v24, $0x17;
	v44 =	vshra.s32 v28, $0x17  }
0x1f1: {  	v47 =	vshra.s32 v58, $0x17;
	v28 =	vshra.s32 v49, $0x17;
	v17 =	vsub.s32 v17, v20  }
0x1f2: {  	v19 =	vsub.s32 v19, v23;
	v22 =	vsub.s32 v22, v26;
	v17 =	vadd.f32 $-1.000000000e+00, v17  }
0x1f3: {  	v18 =	vcvt.s32.f32 v18;
	v21 =	vcvt.s32.f32 v21;
	v19 =	vadd.f32 $-1.000000000e+00, v19  }
0x1f4: {  	v25 =	vsub.s32 v25, v29;
	v24 =	vcvt.s32.f32 v24;
	v55 =	vmul.f32 $1.264473350e-01, v17  }
0x1f5: {  	v26 =	vsub.s32 v57, v30;
	v28 =	vcvt.s32.f32 v28;
	v56 =	vmul.f32 $1.264473350e-01, v19  }
0x1f6: {  	v22 =	vadd.f32 $-1.000000000e+00, v22;
	v18 =	vmul.f32 v18, v3;
	v20 =	vadd.f32 $-1.825688330e-01, v55  }
0x1f7: {  	v21 =	vmul.f32 v21, v5;
	v40 =	vmul.f32 v24, v7;
	v23 =	vadd.f32 $-1.825688330e-01, v56  }
0x1f8: {  	v25 =	vadd.f32 $-1.000000000e+00, v25;
	v27 =	vmul.f32 $1.264473350e-01, v22;
	v20 =	vmul.f32 v20, v17  }
0x1f9: {  	v26 =	vadd.f32 $-1.000000000e+00, v26;
	v28 =	vmul.f32 v28, v5;
	v23 =	vmul.f32 v23, v19  }
0x1fa: {  	v31 =	vmul.f32 $1.264473350e-01, v25;
	v27 =	vadd.f32 $-1.825688330e-01, v27;
	v20 =	vadd.f32 $2.022166550e-01, v20  }
0x1fb: {  	v59 =	vmul.f32 v17, v17;
	v32 =	vmul.f32 $1.264473350e-01, v26;
	v23 =	vadd.f32 $2.022166550e-01, v23  }
0x1fc: {  	v50 =	vand.u32 $0xFF800000, v49;
	v27 =	vmul.f32 v27, v22;
	v20 =	vmul.f32 v20, v17  }
0x1fd: {  	v52 =	vsub.s32 v43, v50;
	v63 =	vmul.f32 v19, v19;
	v23 =	vmul.f32 v23, v19  }
0x1fe: {  	v35 =	vmul.f32 v22, v22;
	v27 =	vadd.f32 $2.022166550e-01, v27;
	v20 =	vadd.f32 $-2.495787590e-01, v20  }
0x1ff: {  	v38 =	vmul.f32 v25, v25;
	v31 =	vadd.f32 $-1.825688330e-01, v31;
	v23 =	vadd.f32 $-2.495787590e-01, v23  }
0x200: {  	v36 =	vld [tilespmem:s3+$0xFFFFFED0];
	v60 =	vadd.f32 $-1.825688330e-01, v32;
	v27 =	vmul.f32 v27, v22;
	v20 =	vmul.f32 v20, v17  }
0x201: {  	v54 =	vadd.f32 $-1.000000000e+00, v52;
	v31 =	vmul.f32 v31, v25;
	v23 =	vmul.f32 v23, v19  }
0x202: {  	v62 =	vmul.f32 v60, v26;
	v27 =	vadd.f32 $-2.495787590e-01, v27;
	v20 =	vadd.f32 $3.333088160e-01, v20  }
0x203: {  	v42 =	vmul.f32 v26, v26;
	v31 =	vadd.f32 $2.022166550e-01, v31;
	v23 =	vadd.f32 $3.333088160e-01, v23  }
0x204: {  	v61 =	vmul.f32 v27, v22;
	v27 =	vadd.f32 $2.022166550e-01, v62;
	v20 =	vmul.f32 v20, v17  }
0x205: {  	v24 =	vadd.s32 $0xC0CAFB0D, v36;
	v31 =	vmul.f32 v31, v25;
	v23 =	vmul.f32 v23, v19  }
0x206: {  	v45 =	vand.u32 $0xFF800000, v24;
	v27 =	vmul.f32 v27, v26;
	v20 =	vadd.f32 $-5.000000000e-01, v20  }
0x207: {  	v53 =	vld [tilespmem:s3+$0xFFFFFFD0];
	v24 =	vshra.s32 v24, $0x17;
	v33 =	vadd.f32 $-2.495787590e-01, v31;
	v23 =	vadd.f32 $-5.000000000e-01, v23  }
0x208: {  	v57 =	vld [tilespmem:s3+$0x50];
	v24 =	vcvt.s32.f32 v24;
	v27 =	vadd.f32 $-2.495787590e-01, v27;
	v20 =	vmul.f32 v20, v59  }
0x209: {  	v46 =	vsub.s32 v36, v45;
	v34 =	vmul.f32 v33, v25;
	v23 =	vmul.f32 v23, v63  }
0x20a: {  	v27 =	vmul.f32 v27, v26;
	v17 =	vadd.f32 v20, v17;
	v20 =	vadd.f32 $3.333088160e-01, v61  }
0x20b: {  	v56 =	vmul.f32 $1.264473350e-01, v54;
	v59 =	vld [tilespmem:s3+$0xD0];
	v19 =	vadd.f32 v23, v19;
	v23 =	vadd.f32 $3.333088160e-01, v34  }
0x20c: {  	v24 =	vmul.f32 v24, v3;
	v60 =	vadd.s32 $0xC0CAFB0D, v53;
	v37 =	vadd.f32 $3.333088160e-01, v27  }
0x20d: {  	v62 =	vadd.s32 $0xC0CAFB0D, v57;
	v20 =	vmul.f32 v20, v22;
	v23 =	vmul.f32 v23, v25  }
0x20e: {  	v63 =	vand.u32 $0xFF800000, v62;
	v39 =	vmul.f32 v37, v26;
	v17 =	vmul.f32 v17, v2  }
0x20f: {  	v19 =	vmul.f32 v19, v4;
	v20 =	vadd.f32 $-5.000000000e-01, v20;
	v23 =	vadd.f32 $-5.000000000e-01, v23  }
0x210: {  	v61 =	vand.u32 $0xFF800000, v60;
	v36 =	vadd.s32 $0xC0CAFB0D, v59;
	v17 =	vadd.f32 v17, v18  }
0x211: {  	v19 =	vadd.f32 v19, v21;
	v20 =	vmul.f32 v20, v35;
	v41 =	vmul.f32 v23, v38  }
0x212: {  	v21 =	vcvt.s32.f32 v44;
	v44 =	vmul.f32 v54, v54;
	v23 =	vadd.f32 $-1.000000000e+00, v46  }
0x213: {  	vm6 =	vlt.f32 v19, v17;
	v20 =	vadd.f32 v20, v22;
	v22 =	vadd.f32 v41, v25  }
0x214: {  	v21 =	vmul.f32 v21, v9;
	v17 =	vsel vm6, v19, v17;
	v48 =	vmul.f32 $1.264473350e-01, v23  }
0x215: {  	v18 =	vmul.f32 v20, v6;
	v20 =	vadd.f32 $-5.000000000e-01, v39;
	v22 =	vmul.f32 v22, v8  }
0x216: {  	v25 =	vcvt.s32.f32 v47;
	v35 =	vmul.f32 v23, v23;
	v51 =	vadd.f32 $-1.825688330e-01, v48  }
0x217: {  	v18 =	vadd.f32 v18, v40;
	v20 =	vmul.f32 v20, v42;
	v21 =	vadd.f32 v22, v21  }
0x218: {  	v55 =	vsel vm6, $0x3F800000, v0;
	v25 =	vmul.f32 v25, v11;
	v19 =	vmul.f32 v51, v23  }
0x219: {  	v39 =	vand.u32 $0xFF800000, v36;
	v20 =	vadd.f32 v20, v26;
	vm3 =	vlt.f32 v21, v18  }
0x21a: {  	v37 =	vld [tilespmem:s16+$0xFFFFFEC0];
	v19 =	vadd.f32 $2.022166550e-01, v19;
	v26 =	vsub.s32 v57, v63;
	v18 =	vsel vm3, v21, v18  }
0x21b: {  	v58 =	vsel vm3, $0x40400000, v1;
	v26 =	vadd.f32 $-1.000000000e+00, v26;
	v21 =	vshra.s32 v60, $0x17  }
0x21c: {  	v20 =	vmul.f32 v20, v10;
	vm2 =	vlt.f32 v18, v17;
	v19 =	vmul.f32 v19, v23  }
0x21d: {  	v21 =	vcvt.s32.f32 v21;
	v17 =	vsel vm2, v18, v17;
	v18 =	vadd.f32 $-1.825688330e-01, v56  }
0x21e: {  	v22 =	vsel vm2, v58, v55;
	v42 =	vmul.f32 $1.264473350e-01, v26;
	v20 =	vadd.f32 v20, v25  }
0x21f: {  	v51 =	vmul.f32 v26, v26;
	v58 =	vmul.f32 v37, v37;
	v19 =	vadd.f32 $-2.495787590e-01, v19  }
0x220: {  	v21 =	vmul.f32 v21, v7;
	v32 =	vadd.f32 $-1.825688330e-01, v42;
	vm4 =	vlt.f32 v20, v17  }
0x221: {  	v17 =	vmul.f32 v18, v54;
	v18 =	vsub.s32 v53, v61;
	v19 =	vmul.f32 v19, v23  }
0x222: {  	v20 =	vshra.s32 v62, $0x17;
	v18 =	vadd.f32 $-1.000000000e+00, v18;
	v32 =	vmul.f32 v32, v26  }
0x223: {  	v20 =	vcvt.s32.f32 v20;
	v17 =	vadd.f32 $2.022166550e-01, v17;
	v19 =	vadd.f32 $3.333088160e-01, v19  }
0x224: {  	v62 =	vld [tilespmem:s3+$0xFFFFFF60];
	v38 =	vmul.f32 $1.264473350e-01, v18;
	v32 =	vadd.f32 $2.022166550e-01, v32;
	v49 =	vmul.f32 v18, v18  }
0x225: {  	v20 =	vmul.f32 v20, v9;
	v33 =	vmul.f32 v17, v54;
	v17 =	vsub.s32 v59, v39  }
0x226: {  	v19 =	vmul.f32 v19, v23;
	v40 =	vadd.f32 $-1.825688330e-01, v38;
	v30 =	vadd.f32 $-1.000000000e+00, v17  }
0x227: {  	v17 =	vsel vm4, $0x40800000, v22;
	v32 =	vmul.f32 v32, v26;
	v41 =	vadd.f32 $-2.495787590e-01, v33  }
0x228: {  	v34 =	vadd.f32 v17, v37;
	v19 =	vadd.f32 $-5.000000000e-01, v19;
	v27 =	vmul.f32 v40, v18  }
0x229: {  	v29 =	vadd.s32 $0xC0CAFB0D, v62;
	v43 =	vmul.f32 $1.264473350e-01, v30;
	v22 =	vmul.f32 v41, v54  }
0x22a: {  	v32 =	vadd.f32 $-2.495787590e-01, v32;
	v19 =	vmul.f32 v19, v35;
	[tilespmem:s4+$0xFFFFFE80] =	vst v34;
	v27 =	vadd.f32 $2.022166550e-01, v27  }
0x22b: {  	v52 =	vmul.f32 v30, v30;
	v33 =	vadd.f32 $-1.825688330e-01, v43;
	v47 =	vld [tilespmem:s16+$0xFFFFFF40];
	v22 =	vadd.f32 $3.333088160e-01, v22  }
0x22c: {  	v48 =	vmul.f32 v32, v26;
	v19 =	vadd.f32 v19, v23;
	v27 =	vmul.f32 v27, v18  }
0x22d: {  	v42 =	vld [tilespmem:s3+$0xFFFFFFE0];
	v37 =	vsel vm6, v12, v13;
	v33 =	vmul.f32 v33, v30;
	v22 =	vmul.f32 v22, v54  }
0x22e: {  	v25 =	vadd.f32 $3.333088160e-01, v48;
	v19 =	vmul.f32 v19, v2;
	v27 =	vadd.f32 $-2.495787590e-01, v27  }
0x22f: {  	v41 =	vsel vm3, v14, v15;
	v33 =	vadd.f32 $2.022166550e-01, v33;
	v22 =	vadd.f32 $-5.000000000e-01, v22  }
0x230: {  	v25 =	vmul.f32 v25, v26;
	v50 =	vadd.f32 v17, v47;
	v19 =	vadd.f32 v19, v24  }
0x231: {  	v24 =	vsel vm2, v41, v37;
	v45 =	vmul.f32 v27, v18;
	v46 =	vmul.f32 v33, v30  }
0x232: {  	v25 =	vadd.f32 $-5.000000000e-01, v25;
	v33 =	vadd.s32 $0xC0CAFB0D, v42;
	v22 =	vmul.f32 v22, v44  }
0x233: {  	v44 =	vand.u32 $0xFF800000, v29;
	v29 =	vshra.s32 v29, $0x17;
	v23 =	vadd.f32 $3.333088160e-01, v45  }
0x234: {  	v27 =	vadd.f32 $-2.495787590e-01, v46;
	v25 =	vmul.f32 v25, v51;
	v46 =	vsub.s32 v62, v44  }
0x235: {  	[tilespmem:s4+$0xFFFFFF00] =	vst v50;
	v51 =	vand.u32 $0xFF800000, v33;
	v29 =	vcvt.s32.f32 v29;
	v33 =	vshra.s32 v33, $0x17  }
0x236: {  	v53 =	vld [tilespmem:s16+$0xFFFFFFC0];
	v22 =	vadd.f32 v22, v54;
	v54 =	vshra.s32 v36, $0x17;
	v33 =	vcvt.s32.f32 v33  }
0x237: {  	v55 =	vld [tilespmem:s3+$0xFFFFFEE0];
	v32 =	vadd.f32 $-1.000000000e+00, v46;
	v23 =	vmul.f32 v23, v18;
	v27 =	vmul.f32 v27, v30  }
0x238: {  	v25 =	vadd.f32 v25, v26;
	v26 =	vcvt.s32.f32 v54;
	v22 =	vmul.f32 v22, v4  }
0x239: {  	v48 =	vmul.f32 $1.264473350e-01, v32;
	v33 =	vmul.f32 v33, v7;
	v27 =	vadd.f32 $3.333088160e-01, v27  }
0x23a: {  	v23 =	vadd.f32 $-5.000000000e-01, v23;
	v56 =	vmul.f32 v25, v8;
	v57 =	vmul.f32 v26, v11  }
0x23b: {  	v22 =	vadd.f32 v22, v28;
	v59 =	vadd.f32 v17, v53;
	v27 =	vmul.f32 v27, v30  }
0x23c: {  	v28 =	vadd.s32 $0xC0CAFB0D, v55;
	v39 =	vmul.f32 v53, v53;
	v23 =	vmul.f32 v23, v49  }
0x23d: {  	v20 =	vadd.f32 v56, v20;
	v60 =	vand.u32 $0xFF800000, v28;
	[tilespmem:s4+$0xFFFFFF80] =	vst v59;
	v27 =	vadd.f32 $-5.000000000e-01, v27  }
0x23e: {  	v28 =	vshra.s32 v28, $0x17;
	vm9 =	vlt.f32 v22, v19;
	v18 =	vadd.f32 v23, v18;
	v63 =	vld [tilespmem:s16+$0x40]  }
0x23f: {  	v28 =	vcvt.s32.f32 v28;
	v19 =	vsel vm9, v22, v19;
	v23 =	vmul.f32 v27, v52  }
0x240: {  	v61 =	vsel vm9, $0x3F800000, v0;
	v18 =	vmul.f32 v18, v6;
	v52 =	vsub.s32 v42, v51  }
0x241: {  	v22 =	vsub.s32 v55, v60;
	v54 =	vadd.f32 $-1.000000000e+00, v52;
	v23 =	vadd.f32 v23, v30  }
0x242: {  	v28 =	vmul.f32 v28, v3;
	v18 =	vadd.f32 v18, v21;
	v30 =	vadd.f32 $-1.000000000e+00, v22  }
0x243: {  	v49 =	vld [tilespmem:s3+$0x60];
	v21 =	vsel vm4, v16, v24;
	v43 =	vadd.f32 v17, v63;
	v26 =	vmul.f32 v63, v63  }
0x244: {  	v56 =	vmul.f32 $1.264473350e-01, v54;
	v23 =	vmul.f32 v23, v10;
	vm7 =	vlt.f32 v20, v18  }
0x245: {  	v38 =	vmul.f32 $1.264473350e-01, v30;
	v18 =	vsel vm7, v20, v18;
	v35 =	vsel vm7, $0x40400000, v1  }
0x246: {  	[tilespmem:s4+$0x0] =	vst v43;
	v50 =	vsel vm7, v14, v15;
	v43 =	vmul.f32 v30, v30;
	v23 =	vadd.f32 v23, v57  }
0x247: {  	vm8 =	vlt.f32 v18, v19;
	v22 =	vadd.f32 $-1.825688330e-01, v38;
	v38 =	vadd.f32 $-1.825688330e-01, v48  }
0x248: {  	v20 =	vld [tilespmem:s16+$0xFFFFFED0];
	v57 =	vadd.s32 $0xC0CAFB0D, v49;
	v18 =	vsel vm8, v18, v19;
	v19 =	vmul.f32 v47, v47  }
0x249: {  	v36 =	vsel vm8, v35, v61;
	v47 =	vsel vm9, v12, v13;
	vm10 =	vlt.f32 v23, v18  }
0x24a: {  	v45 =	vmul.f32 v22, v30;
	v22 =	vld [tilespmem:s16+$0xC0];
	v25 =	vsel vm8, v50, v47;
	v55 =	vmul.f32 v38, v32  }
0x24b: {  	v47 =	vmul.f32 v32, v32;
	v18 =	vsel vm10, $0x40800000, v36;
	v19 =	vadd.f32 v19, v58;
	v36 =	vld [tilespmem:s3+$0xE0]  }
0x24c: {  	v50 =	vmul.f32 v29, v5;
	v38 =	vshra.s32 v57, $0x17;
	v35 =	vadd.f32 $2.022166550e-01, v55  }
0x24d: {  	v40 =	vadd.f32 v18, v20;
	v19 =	vadd.f32 v39, v19;
	v39 =	vand.u32 $0xFF800000, v57  }
0x24e: {  	v57 =	vcvt.s32.f32 v38;
	v27 =	vsub.s32 v49, v39;
	v35 =	vmul.f32 v35, v32  }
0x24f: {  	[tilespmem:s4+$0xFFFFFE90] =	vst v40;
	v49 =	vmul.f32 v54, v54;
	v24 =	vadd.f32 v26, v19;
	v19 =	vadd.f32 $2.022166550e-01, v45  }
0x250: {  	v23 =	vld [tilespmem:s16+$0xFFFFFF50];
	v26 =	vmul.f32 v22, v22;
	v41 =	vadd.f32 $-1.000000000e+00, v27;
	v40 =	vadd.s32 $0xC0CAFB0D, v36  }
0x251: {  	v35 =	vadd.f32 $-2.495787590e-01, v35;
	v19 =	vmul.f32 v19, v30;
	v58 =	vand.u32 $0xFF800000, v40  }
0x252: {  	v63 =	vmul.f32 $1.264473350e-01, v41;
	v55 =	vmul.f32 v41, v41;
	v26 =	vadd.f32 v26, v24  }
0x253: {  	v59 =	vsub.s32 v36, v58;
	v35 =	vmul.f32 v35, v32;
	v53 =	vadd.f32 $-2.495787590e-01, v19  }
0x254: {  	v40 =	vshra.s32 v40, $0x17;
	v61 =	vadd.f32 $-1.000000000e+00, v59;
	v39 =	vadd.f32 $-1.825688330e-01, v63  }
0x255: {  	v58 =	vld [tilespmem:s3+$0xFFFFFF70];
	v40 =	vcvt.s32.f32 v40;
	v37 =	vadd.f32 v18, v23;
	v35 =	vadd.f32 $3.333088160e-01, v35  }
0x256: {  	v19 =	vsel vm10, v16, v25;
	v31 =	vmul.f32 v53, v30;
	v42 =	vmul.f32 $1.264473350e-01, v61  }
0x257: {  	v39 =	vmul.f32 v39, v41;
	v53 =	vld [tilespmem:s3+$0xFFFFFEF0];
	[tilespmem:s4+$0xFFFFFF10] =	vst v37;
	v37 =	vadd.f32 $-1.825688330e-01, v56;
	v35 =	vmul.f32 v35, v32  }
0x258: {  	v56 =	vmul.f32 v61, v61;
	v31 =	vadd.f32 $3.333088160e-01, v31;
	v42 =	vadd.f32 $-1.825688330e-01, v42  }
0x259: {  	v63 =	vld [tilespmem:s3+$0xFFFFFFF0];
	v39 =	vadd.f32 $2.022166550e-01, v39;
	v60 =	vmul.f32 v37, v54;
	v35 =	vadd.f32 $-5.000000000e-01, v35  }
0x25a: {  	v37 =	vadd.s32 $0xC0CAFB0D, v58;
	v31 =	vmul.f32 v31, v30;
	v42 =	vmul.f32 v42, v61  }
0x25b: {  	v25 =	vld [tilespmem:s16+$0xFFFFFFD0];
	v39 =	vmul.f32 v39, v41;
	v36 =	vadd.f32 $2.022166550e-01, v60;
	v35 =	vmul.f32 v35, v47  }
0x25c: {  	v38 =	vadd.s32 $0xC0CAFB0D, v53;
	v31 =	vadd.f32 $-5.000000000e-01, v31;
	v46 =	vadd.f32 $2.022166550e-01, v42  }
0x25d: {  	v39 =	vadd.f32 $-2.495787590e-01, v39;
	v59 =	vand.u32 $0xFF800000, v38;
	v36 =	vmul.f32 v36, v54  }
0x25e: {  	v42 =	vadd.s32 $0xC0CAFB0D, v63;
	v38 =	vshra.s32 v38, $0x17;
	v32 =	vadd.f32 v35, v32  }
0x25f: {  	v38 =	vcvt.s32.f32 v38;
	v48 =	vmul.f32 v39, v41;
	v36 =	vadd.f32 $-2.495787590e-01, v36  }
0x260: {  	v62 =	vadd.f32 v18, v25;
	v31 =	vmul.f32 v31, v43;
	v32 =	vmul.f32 v32, v4  }
0x261: {  	v38 =	vmul.f32 v38, v3;
	v35 =	vadd.f32 $3.333088160e-01, v48;
	v45 =	vmul.f32 v36, v54  }
0x262: {  	v30 =	vadd.f32 v31, v30;
	v36 =	vmul.f32 v46, v61;
	v51 =	vadd.f32 v32, v50  }
0x263: {  	v52 =	vmul.f32 v35, v41;
	v35 =	vsub.s32 v53, v59;
	v31 =	vadd.f32 $3.333088160e-01, v45  }
0x264: {  	v46 =	vand.u32 $0xFF800000, v37;
	v37 =	vshra.s32 v37, $0x17;
	v35 =	vadd.f32 $-1.000000000e+00, v35  }
0x265: {  	v30 =	vmul.f32 v30, v2;
	v36 =	vadd.f32 $-2.495787590e-01, v36;
	v31 =	vmul.f32 v31, v54  }
0x266: {  	[tilespmem:s4+$0xFFFFFF90] =	vst v62;
	v37 =	vcvt.s32.f32 v37;
	v45 =	vand.u32 $0xFF800000, v42;
	v62 =	vmul.f32 $1.264473350e-01, v35  }
0x267: {  	v27 =	vld [tilespmem:s16+$0x50];
	v32 =	vadd.f32 $-5.000000000e-01, v52;
	v36 =	vmul.f32 v36, v61;
	v31 =	vadd.f32 $-5.000000000e-01, v31  }
0x268: {  	v42 =	vshra.s32 v42, $0x17;
	v37 =	vmul.f32 v37, v5;
	v47 =	vadd.f32 $-1.825688330e-01, v62  }
0x269: {  	v32 =	vmul.f32 v32, v55;
	v36 =	vadd.f32 $3.333088160e-01, v36;
	v31 =	vmul.f32 v31, v49  }
0x26a: {  	v28 =	vadd.f32 v30, v28;
	v42 =	vcvt.s32.f32 v42;
	v30 =	vmul.f32 v47, v35  }
0x26b: {  	v32 =	vadd.f32 v32, v41;
	v31 =	vadd.f32 v31, v54;
	v54 =	vmul.f32 v36, v61  }
0x26c: {  	v29 =	vadd.f32 v18, v27;
	v42 =	vmul.f32 v42, v7;
	v30 =	vadd.f32 $2.022166550e-01, v30  }
0x26d: {  	v32 =	vmul.f32 v32, v8;
	v36 =	vmul.f32 v57, v9;
	v34 =	vadd.f32 $-5.000000000e-01, v54  }
0x26e: {  	vm2 =	vlt.f32 v51, v28;
	v31 =	vmul.f32 v31, v6;
	v30 =	vmul.f32 v30, v35  }
0x26f: {  	v28 =	vsel vm2, v51, v28;
	v32 =	vadd.f32 v32, v36;
	v34 =	vmul.f32 v34, v56  }
0x270: {  	v48 =	vsel vm2, $0x3F800000, v0;
	v31 =	vadd.f32 v31, v33;
	v30 =	vadd.f32 $-2.495787590e-01, v30  }
0x271: {  	v49 =	vsel vm2, v12, v13;
	v34 =	vadd.f32 v34, v61;
	v61 =	vmul.f32 v40, v11  }
0x272: {  	v52 =	vld [tilespmem:s3+$0x70];
	vm3 =	vlt.f32 v32, v31;
	v40 =	vsub.s32 v63, v45;
	v30 =	vmul.f32 v30, v35  }
0x273: {  	v31 =	vsel vm3, v32, v31;
	v50 =	vsel vm3, $0x40400000, v1;
	v44 =	vsel vm3, v14, v15  }
0x274: {  	v40 =	vadd.f32 $-1.000000000e+00, v40;
	v60 =	vmul.f32 v34, v10;
	v34 =	vsub.s32 v58, v46  }
0x275: {  	vm2 =	vlt.f32 v31, v28;
	v30 =	vadd.f32 $3.333088160e-01, v30;
	v34 =	vadd.f32 $-1.000000000e+00, v34  }
0x276: {  	v28 =	vsel vm2, v31, v28;
	v53 =	vsel vm2, v50, v48;
	v32 =	vsel vm2, v44, v49  }
0x277: {  	v56 =	vmul.f32 $1.264473350e-01, v40;
	v44 =	vadd.s32 $0xC0CAFB0D, v52;
	v48 =	vmul.f32 v35, v35  }
0x278: {  	v55 =	vld [tilespmem:s3+$0xF0];
	v33 =	vadd.f32 v60, v61;
	v58 =	vand.u32 $0xFF800000, v44;
	v51 =	vmul.f32 $1.264473350e-01, v34  }
0x279: {  	v30 =	vmul.f32 v30, v35;
	v44 =	vshra.s32 v44, $0x17;
	v59 =	vadd.f32 $-1.825688330e-01, v56  }
0x27a: {  	v60 =	vsub.s32 v52, v58;
	v50 =	vmul.f32 v34, v34;
	v41 =	vadd.f32 $-1.825688330e-01, v51  }
0x27b: {  	v44 =	vcvt.s32.f32 v44;
	vm2 =	vlt.f32 v33, v28;
	v36 =	vmul.f32 v59, v40  }
0x27c: {  	v33 =	vadd.f32 $-1.000000000e+00, v60;
	v30 =	vadd.f32 $-5.000000000e-01, v30;
	v54 =	vmul.f32 v41, v34  }
0x27d: {  	v28 =	vsel vm2, $0x40800000, v53;
	v41 =	vadd.s32 $0xC0CAFB0D, v55;
	v36 =	vadd.f32 $2.022166550e-01, v36  }
0x27e: {  	v44 =	vmul.f32 v44, v9;
	v63 =	vand.u32 $0xFF800000, v41;
	v57 =	vadd.f32 $2.022166550e-01, v54  }
0x27f: {  	v62 =	vmul.f32 $1.264473350e-01, v33;
	v39 =	vsub.s32 v55, v63;
	v36 =	vmul.f32 v36, v40  }
0x280: {  	v30 =	vmul.f32 v30, v48;
	v39 =	vadd.f32 $-1.000000000e+00, v39;
	v61 =	vmul.f32 v57, v34  }
0x281: {  	v60 =	vmul.f32 v33, v33;
	v43 =	vadd.f32 $-1.825688330e-01, v62;
	v36 =	vadd.f32 $-2.495787590e-01, v36  }
0x282: {  	v30 =	vadd.f32 v30, v35;
	v46 =	vmul.f32 $1.264473350e-01, v39;
	v31 =	vadd.f32 $-2.495787590e-01, v61  }
0x283: {  	v58 =	vld [tilespmem:s3+$0xFFFFFF00];
	v41 =	vshra.s32 v41, $0x17;
	v43 =	vmul.f32 v43, v33;
	v36 =	vmul.f32 v36, v40  }
0x284: {  	v47 =	vmul.f32 v30, v2;
	v49 =	vadd.f32 $-1.825688330e-01, v46;
	v31 =	vmul.f32 v31, v34  }
0x285: {  	v57 =	vmul.f32 v40, v40;
	v43 =	vadd.f32 $2.022166550e-01, v43;
	v52 =	vadd.f32 $3.333088160e-01, v36  }
0x286: {  	v62 =	vmul.f32 v39, v39;
	v45 =	vmul.f32 v49, v39;
	v31 =	vadd.f32 $3.333088160e-01, v31  }
0x287: {  	v38 =	vadd.f32 v47, v38;
	v43 =	vmul.f32 v43, v33;
	v30 =	vmul.f32 v52, v40  }
0x288: {  	v46 =	vadd.s32 $0xC0CAFB0D, v58;
	v54 =	vadd.f32 $2.022166550e-01, v45;
	v31 =	vmul.f32 v31, v34  }
0x289: {  	v48 =	vand.u32 $0xFF800000, v46;
	v46 =	vshra.s32 v46, $0x17;
	v30 =	vadd.f32 $-5.000000000e-01, v30  }
0x28a: {  	v53 =	vadd.f32 $-2.495787590e-01, v43;
	v56 =	vmul.f32 v54, v39;
	v51 =	vadd.f32 $-5.000000000e-01, v31;
	v31 =	vld [tilespmem:s16+$0xFFFFFEE0]  }
0x28b: {  	v61 =	vsub.s32 v58, v48;
	v46 =	vcvt.s32.f32 v46;
	v43 =	vmul.f32 v30, v57;
	v57 =	vld [tilespmem:s3+$0x80]  }
0x28c: {  	v52 =	vcvt.s32.f32 v41;
	v36 =	vadd.f32 $-2.495787590e-01, v56;
	v35 =	vmul.f32 v51, v50  }
0x28d: {  	v49 =	vld [tilespmem:s3+$0xFFFFFF80];
	v55 =	vmul.f32 v53, v33;
	v40 =	vadd.f32 v43, v40;
	v43 =	vadd.f32 $-1.000000000e+00, v61  }
0x28e: {  	v30 =	vsel vm2, v16, v32;
	v36 =	vmul.f32 v36, v39;
	v34 =	vadd.f32 v35, v34  }
0x28f: {  	v35 =	vadd.f32 $3.333088160e-01, v55;
	v40 =	vmul.f32 v40, v6;
	v63 =	vmul.f32 $1.264473350e-01, v43  }
0x290: {  	v59 =	vadd.f32 v28, v31;
	v36 =	vadd.f32 $3.333088160e-01, v36;
	v48 =	vadd.s32 $0xC0CAFB0D, v57  }
0x291: {  	v34 =	vmul.f32 v34, v4;
	v35 =	vmul.f32 v35, v33;
	v51 =	vadd.f32 $-1.825688330e-01, v63  }
0x292: {  	v40 =	vadd.f32 v40, v42;
	v42 =	vadd.s32 $0xC0CAFB0D, v49;
	v36 =	vmul.f32 v36, v39  }
0x293: {  	v55 =	vand.u32 $0xFF800000, v42;
	v42 =	vshra.s32 v42, $0x17;
	v35 =	vadd.f32 $-5.000000000e-01, v35  }
0x294: {  	v34 =	vadd.f32 v34, v37;
	v54 =	vmul.f32 v51, v43;
	v37 =	vmul.f32 v52, v11  }
0x295: {  	[tilespmem:s4+$0xFFFFFEA0] =	vst v59;
	v56 =	vsub.s32 v49, v55;
	v42 =	vcvt.s32.f32 v42;
	v36 =	vadd.f32 $-5.000000000e-01, v36  }
0x296: {  	v32 =	vld [tilespmem:s16+$0xFFFFFF60];
	v52 =	vand.u32 $0xFF800000, v48;
	v35 =	vmul.f32 v35, v60;
	vm2 =	vlt.f32 v34, v38  }
0x297: {  	v53 =	vld [tilespmem:s3+$0x0];
	v41 =	vadd.f32 $2.022166550e-01, v54;
	v42 =	vmul.f32 v42, v5;
	v36 =	vmul.f32 v36, v62  }
0x298: {  	v34 =	vsel vm2, v34, v38;
	v45 =	vsel vm2, $0x3F800000, v0;
	v35 =	vadd.f32 v35, v33  }
0x299: {  	v62 =	vld [tilespmem:s3+$0x100];
	v38 =	vsub.s32 v57, v52;
	v41 =	vmul.f32 v41, v43;
	v36 =	vadd.f32 v36, v39  }
0x29a: {  	v47 =	vsel vm2, v12, v13;
	v38 =	vadd.f32 $-1.000000000e+00, v38;
	v35 =	vmul.f32 v35, v8  }
0x29b: {  	v33 =	vadd.f32 v28, v32;
	v41 =	vadd.f32 $-2.495787590e-01, v41;
	v36 =	vmul.f32 v36, v10  }
0x29c: {  	v54 =	vmul.f32 $1.264473350e-01, v38;
	v35 =	vadd.f32 v35, v44;
	v44 =	vadd.s32 $0xC0CAFB0D, v53  }
0x29d: {  	v36 =	vadd.f32 v36, v37;
	v37 =	vadd.f32 $-1.000000000e+00, v56;
	v58 =	vand.u32 $0xFF800000, v44  }
0x29e: {  	v60 =	vmul.f32 v41, v43;
	v55 =	vadd.s32 $0xC0CAFB0D, v62;
	v39 =	vsub.s32 v53, v58  }
0x29f: {  	vm3 =	vlt.f32 v35, v40;
	v59 =	vmul.f32 $1.264473350e-01, v37;
	v39 =	vadd.f32 $-1.000000000e+00, v39  }
0x2a0: {  	v54 =	vadd.f32 $-1.825688330e-01, v54;
	v35 =	vsel vm3, v35, v40;
	v40 =	vadd.f32 $3.333088160e-01, v60  }
0x2a1: {  	v56 =	vand.u32 $0xFF800000, v55;
	v61 =	vadd.f32 $-1.825688330e-01, v59;
	v51 =	vmul.f32 $1.264473350e-01, v39  }
0x2a2: {  	v44 =	vshra.s32 v44, $0x17;
	v53 =	vmul.f32 v43, v43;
	v40 =	vmul.f32 v40, v43  }
0x2a3: {  	v49 =	vsub.s32 v62, v56;
	v41 =	vmul.f32 v61, v37;
	v51 =	vadd.f32 $-1.825688330e-01, v51  }
0x2a4: {  	v63 =	vmul.f32 v54, v38;
	v49 =	vadd.f32 $-1.000000000e+00, v49;
	v40 =	vadd.f32 $-5.000000000e-01, v40  }
0x2a5: {  	v44 =	vcvt.s32.f32 v44;
	v41 =	vadd.f32 $2.022166550e-01, v41;
	v51 =	vmul.f32 v51, v39  }
0x2a6: {  	v56 =	vmul.f32 $1.264473350e-01, v49;
	v40 =	vmul.f32 v40, v53;
	v53 =	vadd.f32 $2.022166550e-01, v63  }
0x2a7: {  	v50 =	vsel vm3, $0x40400000, v1;
	v41 =	vmul.f32 v41, v37;
	v51 =	vadd.f32 $2.022166550e-01, v51  }
0x2a8: {  	v40 =	vadd.f32 v40, v43;
	v43 =	vadd.f32 $-1.825688330e-01, v56;
	v53 =	vmul.f32 v53, v38  }
0x2a9: {  	v52 =	vsel vm3, v14, v15;
	v41 =	vadd.f32 $-2.495787590e-01, v41;
	v51 =	vmul.f32 v51, v39  }
0x2aa: {  	vm2 =	vlt.f32 v35, v34;
	v58 =	vmul.f32 v43, v49;
	v60 =	vadd.f32 $-2.495787590e-01, v53  }
0x2ab: {  	v54 =	vsel vm2, v35, v34;
	v41 =	vmul.f32 v41, v37;
	v51 =	vadd.f32 $-2.495787590e-01, v51  }
0x2ac: {  	v35 =	vsel vm2, v50, v45;
	v62 =	vadd.f32 $2.022166550e-01, v58;
	v63 =	vmul.f32 v60, v38  }
0x2ad: {  	vm7 =	vlt.f32 v36, v54;
	v41 =	vadd.f32 $3.333088160e-01, v41;
	v51 =	vmul.f32 v51, v39  }
0x2ae: {  	v61 =	vmul.f32 v37, v37;
	v56 =	vmul.f32 v62, v49;
	v45 =	vadd.f32 $3.333088160e-01, v63  }
0x2af: {  	v40 =	vmul.f32 v40, v2;
	v57 =	vmul.f32 v41, v37;
	v59 =	vadd.f32 $3.333088160e-01, v51  }
0x2b0: {  	v58 =	vld [tilespmem:s3+$0xFFFFFF10];
	v41 =	vmul.f32 v46, v3;
	v46 =	vadd.f32 $-2.495787590e-01, v56;
	v45 =	vmul.f32 v45, v38  }
0x2b1: {  	v63 =	vshra.s32 v48, $0x17;
	v56 =	vmul.f32 v49, v49;
	v43 =	vmul.f32 v59, v39  }
0x2b2: {  	v34 =	vadd.f32 $-5.000000000e-01, v57;
	v57 =	vmul.f32 v39, v39;
	v46 =	vmul.f32 v46, v49  }
0x2b3: {  	v53 =	vld [tilespmem:s3+$0xFFFFFF90];
	v59 =	vmul.f32 v38, v38;
	v45 =	vadd.f32 $-5.000000000e-01, v45;
	v40 =	vadd.f32 v40, v41  }
0x2b4: {  	v34 =	vmul.f32 v34, v61;
	v43 =	vadd.f32 $-5.000000000e-01, v43;
	v46 =	vadd.f32 $3.333088160e-01, v46  }
0x2b5: {  	v60 =	vmul.f32 v45, v59;
	v61 =	vmul.f32 v44, v7;
	v45 =	vadd.s32 $0xC0CAFB0D, v58  }
0x2b6: {  	v59 =	vshra.s32 v55, $0x17;
	v37 =	vadd.f32 v34, v37;
	v34 =	vsel vm2, v52, v47  }
0x2b7: {  	v43 =	vmul.f32 v43, v57;
	v62 =	vmul.f32 v46, v49;
	v38 =	vadd.f32 v60, v38  }
0x2b8: {  	v52 =	vand.u32 $0xFF800000, v45;
	v57 =	vcvt.s32.f32 v63;
	v47 =	vadd.s32 $0xC0CAFB0D, v53  }
0x2b9: {  	v41 =	vsub.s32 v58, v52;
	v37 =	vmul.f32 v37, v4;
	v39 =	vadd.f32 v43, v39  }
0x2ba: {  	v44 =	vadd.f32 $-5.000000000e-01, v62;
	v41 =	vadd.f32 $-1.000000000e+00, v41;
	v62 =	vand.u32 $0xFF800000, v47  }
0x2bb: {  	v38 =	vmul.f32 v38, v8;
	v47 =	vshra.s32 v47, $0x17;
	v46 =	vsub.s32 v53, v62  }
0x2bc: {  	v63 =	vld [tilespmem:s3+$0x10];
	v39 =	vmul.f32 v39, v6;
	v37 =	vadd.f32 v37, v42;
	v58 =	vmul.f32 v44, v56  }
0x2bd: {  	v42 =	vmul.f32 v57, v9;
	v60 =	vmul.f32 $1.264473350e-01, v41;
	v46 =	vadd.f32 $-1.000000000e+00, v46  }
0x2be: {  	v44 =	vcvt.s32.f32 v59;
	v39 =	vadd.f32 v39, v61;
	v43 =	vadd.f32 v58, v49  }
0x2bf: {  	v59 =	vld [tilespmem:s3+$0x90];
	v38 =	vadd.f32 v38, v42;
	v61 =	vadd.f32 $-1.825688330e-01, v60;
	vm2 =	vlt.f32 v37, v40  }
0x2c0: {  	v44 =	vmul.f32 v44, v11;
	v56 =	vmul.f32 $1.264473350e-01, v46;
	v36 =	vsel vm2, v37, v40  }
0x2c1: {  	v57 =	vsel vm2, $0x3F800000, v0;
	v40 =	vadd.s32 $0xC0CAFB0D, v63;
	v43 =	vmul.f32 v43, v10  }
0x2c2: {  	v42 =	vmul.f32 v61, v41;
	vm3 =	vlt.f32 v38, v39;
	v58 =	vadd.f32 $-1.825688330e-01, v56  }
0x2c3: {  	v61 =	vand.u32 $0xFF800000, v40;
	v40 =	vshra.s32 v40, $0x17;
	v38 =	vsel vm3, v38, v39  }
0x2c4: {  	v60 =	vsel vm3, $0x40400000, v1;
	v48 =	vsub.s32 v63, v61;
	v50 =	vadd.s32 $0xC0CAFB0D, v59  }
0x2c5: {  	v61 =	vmul.f32 v41, v41;
	v40 =	vcvt.s32.f32 v40;
	v43 =	vadd.f32 v43, v44  }
0x2c6: {  	v55 =	vadd.f32 $2.022166550e-01, v42;
	v44 =	vsel vm2, v12, v13;
	vm2 =	vlt.f32 v38, v36  }
0x2c7: {  	v63 =	vld [tilespmem:s3+$0x110];
	v39 =	vmul.f32 v58, v46;
	v42 =	vadd.f32 $-1.000000000e+00, v48;
	v58 =	vand.u32 $0xFF800000, v50  }
0x2c8: {  	v38 =	vsel vm2, v38, v36;
	v49 =	vsub.s32 v59, v58;
	v40 =	vmul.f32 v40, v7  }
0x2c9: {  	v37 =	vmul.f32 v55, v41;
	v55 =	vshra.s32 v45, $0x17;
	v39 =	vadd.f32 $2.022166550e-01, v39  }
0x2ca: {  	v49 =	vadd.f32 $-1.000000000e+00, v49;
	vm8 =	vlt.f32 v43, v38;
	v48 =	vcvt.s32.f32 v55  }
0x2cb: {  	v55 =	vcvt.s32.f32 v47;
	v62 =	vadd.f32 $-2.495787590e-01, v37;
	v37 =	vsel vm2, v60, v57  }
0x2cc: {  	v57 =	vmul.f32 $1.264473350e-01, v42;
	v39 =	vmul.f32 v39, v46;
	v52 =	vadd.s32 $0xC0CAFB0D, v63  }
0x2cd: {  	v60 =	vmul.f32 $1.264473350e-01, v49;
	v59 =	vand.u32 $0xFF800000, v52;
	v48 =	vmul.f32 v48, v3  }
0x2ce: {  	v38 =	vmul.f32 v55, v5;
	v56 =	vmul.f32 v62, v41;
	v36 =	vadd.f32 $-1.825688330e-01, v57  }
0x2cf: {  	v39 =	vadd.f32 $-2.495787590e-01, v39;
	v51 =	vsub.s32 v63, v59;
	v53 =	vadd.f32 $-1.825688330e-01, v60  }
0x2d0: {  	v51 =	vadd.f32 $-1.000000000e+00, v51;
	v45 =	vadd.f32 $3.333088160e-01, v56;
	v36 =	vmul.f32 v36, v42  }
0x2d1: {  	v35 =	vsel vm7, $0x40800000, v35;
	v39 =	vmul.f32 v39, v46;
	v53 =	vmul.f32 v53, v49  }
0x2d2: {  	v62 =	vmul.f32 $1.264473350e-01, v51;
	v45 =	vmul.f32 v45, v41;
	v36 =	vadd.f32 $2.022166550e-01, v36  }
0x2d3: {  	v59 =	vmul.f32 v46, v46;
	v39 =	vadd.f32 $3.333088160e-01, v39;
	v53 =	vadd.f32 $2.022166550e-01, v53  }
0x2d4: {  	v58 =	vadd.f32 $-1.825688330e-01, v62;
	v45 =	vadd.f32 $-5.000000000e-01, v45;
	v36 =	vmul.f32 v36, v42  }
0x2d5: {  	v55 =	vshra.s32 v52, $0x17;
	v57 =	vld [tilespmem:s3+$0xFFFFFF20];
	v39 =	vmul.f32 v39, v46;
	v62 =	vmul.f32 v53, v49  }
0x2d6: {  	v63 =	vsel vm3, v14, v15;
	v54 =	vmul.f32 v58, v51;
	v45 =	vmul.f32 v45, v61  }
0x2d7: {  	v58 =	vmul.f32 v42, v42;
	v60 =	vadd.f32 $-2.495787590e-01, v36;
	v39 =	vadd.f32 $-5.000000000e-01, v39  }
0x2d8: {  	v36 =	vsel vm2, v63, v44;
	v63 =	vadd.f32 $2.022166550e-01, v54;
	v41 =	vadd.f32 v45, v41  }
0x2d9: {  	v61 =	vmul.f32 v60, v42;
	v39 =	vmul.f32 v39, v59;
	v45 =	vadd.f32 $-2.495787590e-01, v62  }
0x2da: {  	v47 =	vadd.s32 $0xC0CAFB0D, v57;
	v59 =	vmul.f32 v49, v49;
	v54 =	vmul.f32 v63, v51  }
0x2db: {  	v60 =	vand.u32 $0xFF800000, v47;
	v44 =	vadd.f32 $3.333088160e-01, v61;
	v45 =	vmul.f32 v45, v49  }
0x2dc: {  	v41 =	vmul.f32 v41, v2;
	v39 =	vadd.f32 v39, v46;
	v46 =	vadd.f32 $-2.495787590e-01, v54  }
0x2dd: {  	v54 =	vshra.s32 v50, $0x17;
	v56 =	vmul.f32 v44, v42;
	v45 =	vadd.f32 $3.333088160e-01, v45  }
0x2de: {  	v39 =	vmul.f32 v39, v4;
	v41 =	vadd.f32 v41, v48;
	v46 =	vmul.f32 v46, v51  }
0x2df: {  	v50 =	vld [tilespmem:s3+$0x20];
	v44 =	vsub.s32 v57, v60;
	v43 =	vadd.f32 $-5.000000000e-01, v56;
	v45 =	vmul.f32 v45, v49  }
0x2e0: {  	v62 =	vld [tilespmem:s3+$0xFFFFFFA0];
	v61 =	vmul.f32 v51, v51;
	v44 =	vadd.f32 $-1.000000000e+00, v44;
	v46 =	vadd.f32 $3.333088160e-01, v46  }
0x2e1: {  	v38 =	vadd.f32 v39, v38;
	v43 =	vmul.f32 v43, v58;
	v45 =	vadd.f32 $-5.000000000e-01, v45  }
0x2e2: {  	v37 =	vsel vm8, $0x40800000, v37;
	v53 =	vmul.f32 $1.264473350e-01, v44;
	v46 =	vmul.f32 v46, v51  }
0x2e3: {  	vm11 =	vlt.f32 v38, v41;
	v42 =	vadd.f32 v43, v42;
	v43 =	vmul.f32 v45, v59  }
0x2e4: {  	v48 =	vadd.s32 $0xC0CAFB0D, v50;
	v38 =	vsel vm11, v38, v41;
	v46 =	vadd.f32 $-5.000000000e-01, v46  }
0x2e5: {  	v42 =	vmul.f32 v42, v6;
	v43 =	vadd.f32 v43, v49;
	v49 =	vadd.s32 $0xC0CAFB0D, v62  }
0x2e6: {  	v45 =	vmul.f32 v46, v61;
	v46 =	vcvt.s32.f32 v55;
	v56 =	vand.u32 $0xFF800000, v49  }
0x2e7: {  	v63 =	vadd.f32 v42, v40;
	v42 =	vcvt.s32.f32 v54;
	v40 =	vadd.f32 $-1.825688330e-01, v53  }
0x2e8: {  	v43 =	vmul.f32 v43, v8;
	v57 =	vsub.s32 v62, v56;
	v62 =	vld [tilespmem:s3+$0x120];
	v45 =	vadd.f32 v45, v51  }
0x2e9: {  	v58 =	vsel vm11, $0x3F800000, v0;
	v42 =	vmul.f32 v42, v9;
	v40 =	vmul.f32 v40, v44  }
0x2ea: {  	v60 =	vld [tilespmem:s3+$0xA0];
	v61 =	vand.u32 $0xFF800000, v48;
	v46 =	vmul.f32 v46, v11;
	v45 =	vmul.f32 v45, v10  }
0x2eb: {  	v48 =	vshra.s32 v48, $0x17;
	v42 =	vadd.f32 v43, v42;
	v40 =	vadd.f32 $2.022166550e-01, v40  }
0x2ec: {  	v48 =	vcvt.s32.f32 v48;
	v43 =	vadd.f32 $-1.000000000e+00, v57;
	v45 =	vadd.f32 v45, v46  }
0x2ed: {  	v54 =	vadd.s32 $0xC0CAFB0D, v62;
	v40 =	vmul.f32 v40, v44;
	vm10 =	vlt.f32 v42, v63  }
0x2ee: {  	v59 =	vmul.f32 $1.264473350e-01, v43;
	v39 =	vsel vm10, v42, v63;
	v63 =	vsel vm10, $0x40400000, v1  }
0x2ef: {  	v42 =	vsub.s32 v50, v61;
	v50 =	vadd.s32 $0xC0CAFB0D, v60;
	v40 =	vadd.f32 $-2.495787590e-01, v40  }
0x2f0: {  	v46 =	vadd.f32 $-1.825688330e-01, v59;
	vm9 =	vlt.f32 v39, v38;
	v42 =	vadd.f32 $-1.000000000e+00, v42  }
0x2f1: {  	v59 =	vand.u32 $0xFF800000, v54;
	v39 =	vsel vm9, v39, v38;
	v38 =	vsel vm9, v63, v58  }
0x2f2: {  	v58 =	vand.u32 $0xFF800000, v50;
	v52 =	vsub.s32 v62, v59;
	v40 =	vmul.f32 v40, v44  }
0x2f3: {  	v50 =	vshra.s32 v50, $0x17;
	v56 =	vmul.f32 v46, v43;
	v57 =	vmul.f32 $1.264473350e-01, v42  }
0x2f4: {  	v51 =	vsub.s32 v60, v58;
	v52 =	vadd.f32 $-1.000000000e+00, v52;
	v60 =	vmul.f32 v44, v44  }
0x2f5: {  	v50 =	vcvt.s32.f32 v50;
	v40 =	vadd.f32 $3.333088160e-01, v40;
	v41 =	vadd.f32 $2.022166550e-01, v56  }
0x2f6: {  	v51 =	vadd.f32 $-1.000000000e+00, v51;
	v46 =	vadd.f32 $-1.825688330e-01, v57;
	v62 =	vmul.f32 $1.264473350e-01, v52  }
0x2f7: {  	v47 =	vshra.s32 v47, $0x17;
	v41 =	vmul.f32 v41, v43;
	v40 =	vmul.f32 v40, v44  }
0x2f8: {  	v61 =	vmul.f32 $1.264473350e-01, v51;
	v46 =	vmul.f32 v46, v42;
	v58 =	vadd.f32 $-1.825688330e-01, v62  }
0x2f9: {  	v62 =	vmul.f32 v43, v43;
	v41 =	vadd.f32 $-2.495787590e-01, v41;
	v40 =	vadd.f32 $-5.000000000e-01, v40  }
0x2fa: {  	v55 =	vadd.f32 $-1.825688330e-01, v61;
	v61 =	vcvt.s32.f32 v47;
	v46 =	vadd.f32 $2.022166550e-01, v46  }
0x2fb: {  	v49 =	vshra.s32 v49, $0x17;
	v63 =	vmul.f32 v41, v43;
	v40 =	vmul.f32 v40, v60  }
0x2fc: {  	vm6 =	vlt.f32 v45, v39;
	v57 =	vmul.f32 v46, v42;
	v41 =	vmul.f32 v55, v51  }
0x2fd: {  	v60 =	vmul.f32 v58, v52;
	v46 =	vmul.f32 v61, v3;
	v39 =	vadd.f32 $3.333088160e-01, v63  }
0x2fe: {  	v58 =	vmul.f32 v42, v42;
	v59 =	vadd.f32 $-2.495787590e-01, v57;
	v41 =	vadd.f32 $2.022166550e-01, v41  }
0x2ff: {  	v55 =	vmul.f32 v50, v9;
	v45 =	vadd.f32 $2.022166550e-01, v60;
	v63 =	vld [tilespmem:s3+$0xFFFFFF30];
	v39 =	vmul.f32 v39, v43  }
0x300: {  	v40 =	vadd.f32 v40, v44;
	v44 =	vmul.f32 v59, v42;
	v41 =	vmul.f32 v41, v51  }
0x301: {  	v57 =	vcvt.s32.f32 v49;
	v45 =	vmul.f32 v45, v52;
	v39 =	vadd.f32 $-5.000000000e-01, v39  }
0x302: {  	v40 =	vmul.f32 v40, v2;
	v44 =	vadd.f32 $3.333088160e-01, v44;
	v41 =	vadd.f32 $-2.495787590e-01, v41  }
0x303: {  	v47 =	vmul.f32 v57, v5;
	v45 =	vadd.f32 $-2.495787590e-01, v45;
	v39 =	vmul.f32 v39, v62  }
0x304: {  	v49 =	vadd.s32 $0xC0CAFB0D, v63;
	v44 =	vmul.f32 v44, v42;
	v41 =	vmul.f32 v41, v51  }
0x305: {  	v45 =	vmul.f32 v45, v52;
	v59 =	vand.u32 $0xFF800000, v49;
	v49 =	vshra.s32 v49, $0x17  }
0x306: {  	v61 =	vsub.s32 v63, v59;
	v63 =	vmul.f32 v51, v51;
	v41 =	vadd.f32 $3.333088160e-01, v41  }
0x307: {  	v49 =	vcvt.s32.f32 v49;
	v60 =	vadd.f32 $3.333088160e-01, v45;
	v45 =	vadd.f32 $-1.000000000e+00, v61  }
0x308: {  	v39 =	vadd.f32 v39, v43;
	v44 =	vadd.f32 $-5.000000000e-01, v44;
	v41 =	vmul.f32 v41, v51  }
0x309: {  	v40 =	vadd.f32 v40, v46;
	v49 =	vmul.f32 v49, v3;
	v57 =	vmul.f32 $1.264473350e-01, v45  }
0x30a: {  	v39 =	vmul.f32 v39, v4;
	v43 =	vmul.f32 v44, v58;
	v41 =	vadd.f32 $-5.000000000e-01, v41  }
0x30b: {  	v62 =	vmul.f32 v60, v52;
	v60 =	vmul.f32 v48, v7;
	v48 =	vld [tilespmem:s3+$0xB0];
	v59 =	vadd.f32 $-1.825688330e-01, v57  }
0x30c: {  	v61 =	vld [tilespmem:s3+$0xFFFFFFB0];
	v58 =	vmul.f32 v52, v52;
	v42 =	vadd.f32 v43, v42;
	v41 =	vmul.f32 v41, v63  }
0x30d: {  	v43 =	vadd.f32 $-5.000000000e-01, v62;
	v62 =	vshra.s32 v54, $0x17;
	v44 =	vmul.f32 v59, v45;
	v63 =	vld [tilespmem:s3+$0x30]  }
0x30e: {  	v39 =	vadd.f32 v39, v47;
	v42 =	vmul.f32 v42, v6;
	v41 =	vadd.f32 v41, v51  }
0x30f: {  	v43 =	vmul.f32 v43, v58;
	v51 =	vcvt.s32.f32 v62;
	v44 =	vadd.f32 $2.022166550e-01, v44  }
0x310: {  	vm14 =	vlt.f32 v39, v40;
	v54 =	vadd.s32 $0xC0CAFB0D, v48;
	v41 =	vmul.f32 v41, v8  }
0x311: {  	v56 =	vmul.f32 v51, v11;
	v44 =	vmul.f32 v44, v45;
	v51 =	vadd.s32 $0xC0CAFB0D, v61  }
0x312: {  	v42 =	vadd.f32 v42, v60;
	v57 =	vand.u32 $0xFF800000, v51;
	v47 =	vadd.s32 $0xC0CAFB0D, v63  }
0x313: {  	v41 =	vadd.f32 v41, v55;
	v44 =	vadd.f32 $-2.495787590e-01, v44;
	v46 =	vsub.s32 v61, v57  }
0x314: {  	v43 =	vadd.f32 v43, v52;
	v59 =	vand.u32 $0xFF800000, v47;
	v46 =	vadd.f32 $-1.000000000e+00, v46  }
0x315: {  	v58 =	vmul.f32 v44, v45;
	vm13 =	vlt.f32 v41, v42;
	v44 =	vsub.s32 v63, v59  }
0x316: {  	v60 =	vmul.f32 $1.264473350e-01, v46;
	v41 =	vsel vm13, v41, v42;
	v42 =	vadd.f32 $-1.000000000e+00, v44;
	v44 =	vld [tilespmem:s3+$0x130]  }
0x317: {  	v39 =	vsel vm14, v39, v40;
	v43 =	vmul.f32 v43, v10;
	v63 =	vand.u32 $0xFF800000, v54  }
0x318: {  	v48 =	vsub.s32 v48, v63;
	v50 =	vadd.f32 $-1.825688330e-01, v60;
	v61 =	vmul.f32 $1.264473350e-01, v42  }
0x319: {  	v62 =	vmul.f32 v45, v45;
	v40 =	vadd.f32 $3.333088160e-01, v58;
	v48 =	vadd.f32 $-1.000000000e+00, v48  }
0x31a: {  	v43 =	vadd.f32 v43, v56;
	v50 =	vmul.f32 v50, v46;
	v53 =	vadd.f32 $-1.825688330e-01, v61  }
0x31b: {  	v40 =	vmul.f32 v40, v45;
	v61 =	vmul.f32 $1.264473350e-01, v48;
	v56 =	vadd.s32 $0xC0CAFB0D, v44  }
0x31c: {  	v50 =	vadd.f32 $2.022166550e-01, v50;
	v53 =	vmul.f32 v53, v42;
	v60 =	vand.u32 $0xFF800000, v56  }
0x31d: {  	v40 =	vadd.f32 $-5.000000000e-01, v40;
	v55 =	vadd.f32 $-1.825688330e-01, v61;
	v44 =	vsub.s32 v44, v60  }
0x31e: {  	v50 =	vmul.f32 v50, v46;
	v53 =	vadd.f32 $2.022166550e-01, v53;
	v44 =	vadd.f32 $-1.000000000e+00, v44  }
0x31f: {  	vm12 =	vlt.f32 v41, v39;
	v40 =	vmul.f32 v40, v62;
	v61 =	vmul.f32 v55, v48  }
0x320: {  	v50 =	vadd.f32 $-2.495787590e-01, v50;
	v62 =	vmul.f32 v53, v42;
	v63 =	vmul.f32 $1.264473350e-01, v44  }
0x321: {  	v57 =	vsel vm12, v41, v39;
	v40 =	vadd.f32 v40, v45;
	v41 =	vadd.f32 $2.022166550e-01, v61  }
0x322: {  	v60 =	vmul.f32 v50, v46;
	v45 =	vadd.f32 $-2.495787590e-01, v62;
	v62 =	vadd.f32 $-1.825688330e-01, v63  }
0x323: {  	v52 =	vsel vm14, $0x3F800000, v0;
	v51 =	vshra.s32 v51, $0x17;
	v40 =	vmul.f32 v40, v2  }
0x324: {  	v58 =	vmul.f32 v41, v48;
	v39 =	vadd.f32 $3.333088160e-01, v60;
	v50 =	vmul.f32 v62, v44  }
0x325: {  	v51 =	vcvt.s32.f32 v51;
	v49 =	vadd.f32 v40, v49;
	v45 =	vmul.f32 v45, v42  }
0x326: {  	v40 =	vadd.f32 $-2.495787590e-01, v58;
	v39 =	vmul.f32 v39, v46;
	v60 =	vadd.f32 $2.022166550e-01, v50  }
0x327: {  	v61 =	vmul.f32 v46, v46;
	v63 =	vsel vm13, $0x40400000, v1;
	v59 =	vadd.f32 $3.333088160e-01, v45  }
0x328: {  	v50 =	vld [tilespmem:s16+$0xFFFFFEF0];
	v62 =	vmul.f32 v40, v48;
	v39 =	vadd.f32 $-5.000000000e-01, v39;
	v45 =	vmul.f32 v60, v44  }
0x329: {  	v47 =	vshra.s32 v47, $0x17;
	v52 =	vsel vm12, v63, v52;
	v41 =	vmul.f32 v59, v42  }
0x32a: {  	[tilespmem:s4+$0xFFFFFF20] =	vst v33;
	v33 =	vmul.f32 v39, v61;
	v45 =	vadd.f32 $-2.495787590e-01, v45;
	v39 =	vadd.f32 $3.333088160e-01, v62  }
0x32b: {  	v63 =	vmul.f32 v42, v42;
	v59 =	vmul.f32 v51, v5;
	v41 =	vadd.f32 $-5.000000000e-01, v41  }
0x32c: {  	vm2 =	vlt.f32 v43, v57;
	v58 =	vmul.f32 v45, v44;
	v39 =	vmul.f32 v39, v48  }
0x32d: {  	v55 =	vadd.f32 v35, v50;
	v33 =	vadd.f32 v33, v46;
	v40 =	vmul.f32 v41, v63  }
0x32e: {  	v60 =	vmul.f32 v48, v48;
	v41 =	vadd.f32 $3.333088160e-01, v58;
	v61 =	vadd.f32 $-5.000000000e-01, v39  }
0x32f: {  	v53 =	vld [tilespmem:s16+$0xFFFFFFE0];
	v62 =	vcvt.s32.f32 v47;
	[tilespmem:s4+$0xFFFFFEB0] =	vst v55;
	v33 =	vmul.f32 v33, v4;
	v40 =	vadd.f32 v40, v42  }
0x330: {  	v51 =	vld [tilespmem:s16+$0xFFFFFF70];
	v58 =	vshra.s32 v54, $0x17;
	v41 =	vmul.f32 v41, v44;
	v63 =	vmul.f32 v61, v60  }
0x331: {  	v42 =	vcvt.s32.f32 v58;
	v46 =	vadd.f32 v33, v59;
	v33 =	vmul.f32 v40, v6  }
0x332: {  	v47 =	vld [tilespmem:s16+$0xFFFFFF00];
	v59 =	vmul.f32 v44, v44;
	v60 =	vadd.f32 $-5.000000000e-01, v41;
	v40 =	vadd.f32 v63, v48  }
0x333: {  	v39 =	vsel vm7, v16, v34;
	v34 =	vmul.f32 v62, v7;
	v42 =	vmul.f32 v42, v9  }
0x334: {  	v45 =	vadd.f32 v28, v53;
	v61 =	vmul.f32 v60, v59;
	v63 =	vmul.f32 v40, v8  }
0x335: {  	v56 =	vshra.s32 v56, $0x17;
	v41 =	vld [tilespmem:s16+$0xFFFFFF10];
	v55 =	vadd.f32 v33, v34;
	v62 =	vadd.f32 v35, v51  }
0x336: {  	v60 =	vcvt.s32.f32 v56;
	v44 =	vadd.f32 v61, v44;
	v59 =	vadd.f32 v63, v42  }
0x337: {  	v58 =	vadd.f32 v37, v47;
	v33 =	vsel vm6, $0x40800000, v38;
	vm7 =	vlt.f32 v46, v49;
	v40 =	vld [tilespmem:s16+$0xFFFFFF20];
	[tilespmem:s4+$0xFFFFFF30] =	vst v62  }
0x338: {  	v42 =	vld [tilespmem:s16+$0xFFFFFFF0];
	v63 =	vmul.f32 v60, v11;
	v62 =	vmul.f32 v44, v10;
	vm15 =	vlt.f32 v59, v55  }
0x339: {  	[tilespmem:s4+$0xFFFFFEC0] =	vst v58;
	v34 =	vsel vm2, $0x40800000, v52;
	v38 =	vld [tilespmem:s16+$0xFFFFFF30];
	v46 =	vsel vm7, v46, v49;
	v56 =	vsel vm15, v59, v55  }
0x33a: {  	[tilespmem:s4+$0xFFFFFFA0] =	vst v45;
	v61 =	vadd.f32 v33, v41;
	v44 =	vld [tilespmem:s16+$0xFFFFFF80];
	v43 =	vadd.f32 v62, v63;
	vm3 =	vlt.f32 v56, v46  }
0x33b: {  	[tilespmem:s4+$0x10] =	vst v29;
	v48 =	vld [tilespmem:s16+$0x60];
	v58 =	vsel vm7, $0x3F800000, v0;
	v59 =	vsel vm15, $0x40400000, v1;
	v46 =	vsel vm3, v56, v46  }
0x33c: {  	v52 =	vld [tilespmem:s16+$0xD0];
	v57 =	vadd.f32 v34, v40;
	[tilespmem:s4+$0xFFFFFED0] =	vst v61;
	v45 =	vsel vm3, v59, v58;
	vm4 =	vlt.f32 v43, v46  }
0x33d: {  	v26 =	vmul.f32 $5.000000000e-01, v26;
	v60 =	vadd.f32 v35, v42;
	v46 =	vld [tilespmem:s16+$0xFFFFFF90];
	v24 =	vsel vm4, $0x40800000, v45  }
0x33e: {  	v17 =	vadd.f32 v17, v22;
	v23 =	vmul.f32 v23, v23;
	[tilespmem:s4+$0xFFFFFEE0] =	vst v57;
	v63 =	vadd.f32 v24, v38  }
0x33f: {  	v21 =	vsub.f32 v21, v26;
	v31 =	vmul.f32 v31, v31;
	v61 =	vadd.f32 v37, v44;
	[tilespmem:s4+$0xFFFFFFB0] =	vst v60;
	v45 =	vld [tilespmem:s16+$0xFFFFFFA0]  }
0x340: {  	v32 =	vmul.f32 v32, v32;
	v62 =	vmul.f32 v20, v20;
	v57 =	vadd.f32 v28, v48;
	v54 =	vld [tilespmem:s16+$0x70];
	[tilespmem:s4+$0xFFFFFEF0] =	vst v63  }
0x341: {  	v29 =	vsel vm10, v14, v15;
	v18 =	vadd.f32 v18, v52;
	v40 =	vmul.f32 v40, v40;
	[tilespmem:s4+$0xFFFFFF40] =	vst v61;
	v43 =	vld [tilespmem:s16+$0xFFFFFFB0]  }
0x342: {  	v56 =	vmul.f32 v25, v25;
	v55 =	vadd.f32 v23, v62;
	[tilespmem:s4+$0x20] =	vst v57;
	v25 =	vld [tilespmem:s16+$0x0];
	v59 =	vadd.f32 v33, v46  }
0x343: {  	v20 =	vsel vm8, v16, v36;
	v36 =	vsel vm11, v12, v13;
	v58 =	vmul.f32 v27, v27;
	v49 =	vld [tilespmem:s16+$0xE0]  }
0x344: {  	v29 =	vsel vm9, v29, v36;
	v22 =	vadd.f32 v56, v55;
	v60 =	vadd.f32 v34, v45;
	[tilespmem:s4+$0xFFFFFF50] =	vst v59  }
0x345: {  	v62 =	vadd.f32 v32, v31;
	v63 =	vmul.f32 v53, v53;
	v61 =	vadd.f32 v35, v54;
	v53 =	vld [tilespmem:s16+$0x10]  }
0x346: {  	v23 =	vmul.f32 v52, v52;
	v22 =	vadd.f32 v58, v22;
	[tilespmem:s4+$0xFFFFFF60] =	vst v60;
	v60 =	vadd.f32 v24, v43  }
0x347: {  	v32 =	vsel vm14, v12, v13;
	v59 =	vmul.f32 v51, v51;
	v57 =	vadd.f32 v37, v25;
	[tilespmem:s4+$0x30] =	vst v61;
	v51 =	vld [tilespmem:s16+$0x20]  }
0x348: {  	v58 =	vmul.f32 v50, v50;
	v22 =	vadd.f32 v23, v22;
	v52 =	vmul.f32 v49, v49;
	v31 =	vld [tilespmem:s16+$0xF0];
	[tilespmem:s4+$0xFFFFFF70] =	vst v60  }
0x349: {  	v54 =	vmul.f32 v54, v54;
	v61 =	vadd.f32 v63, v62;
	v62 =	vmul.f32 v48, v48;
	[tilespmem:s4+$0xFFFFFFC0] =	vst v57;
	v48 =	vld [tilespmem:s16+$0x30]  }
0x34a: {  	v26 =	vadd.f32 v59, v58;
	v63 =	vmul.f32 v42, v42;
	v42 =	vld [tilespmem:s16+$0x80];
	v55 =	vadd.f32 v33, v53  }
0x34b: {  	v22 =	vmul.f32 $5.000000000e-01, v22;
	v58 =	vmul.f32 v47, v47;
	v23 =	vadd.f32 v62, v61  }
0x34c: {  	v59 =	vmul.f32 v44, v44;
	v26 =	vadd.f32 v63, v26;
	v56 =	vadd.f32 v34, v51;
	[tilespmem:s4+$0xFFFFFFD0] =	vst v55  }
0x34d: {  	v25 =	vmul.f32 v25, v25;
	v19 =	vsub.f32 v19, v22;
	v23 =	vadd.f32 v52, v23;
	v47 =	vld [tilespmem:s16+$0x90]  }
0x34e: {  	v26 =	vadd.f32 v54, v26;
	v57 =	vmul.f32 v31, v31;
	[tilespmem:s4+$0xFFFFFFE0] =	vst v56;
	v61 =	vadd.f32 v24, v48  }
0x34f: {  	v22 =	vadd.f32 v28, v49;
	v23 =	vmul.f32 $5.000000000e-01, v23;
	v60 =	vadd.f32 v37, v42;
	v28 =	vld [tilespmem:s16+$0xA0]  }
0x350: {  	v62 =	vadd.f32 v59, v58;
	v59 =	vmul.f32 v45, v45;
	v26 =	vadd.f32 v57, v26;
	[tilespmem:s4+$0xFFFFFFF0] =	vst v61  }
0x351: {  	v45 =	vmul.f32 v38, v38;
	v23 =	vsub.f32 v30, v23;
	v30 =	vadd.f32 v35, v31;
	[tilespmem:s4+$0x40] =	vst v60;
	v35 =	vld [tilespmem:s16+$0xB0]  }
0x352: {  	v52 =	vmul.f32 v46, v46;
	v46 =	vmul.f32 v43, v43;
	v63 =	vld [tilespmem:s16+$0x100];
	v54 =	vadd.f32 v33, v47  }
0x353: {  	v50 =	vmul.f32 v41, v41;
	[tilespmem:s4+$0x110] =	vst v19;
	v25 =	vadd.f32 v25, v62;
	v26 =	vmul.f32 $5.000000000e-01, v26  }
0x354: {  	v19 =	vadd.f32 v46, v45;
	v49 =	vmul.f32 v42, v42;
	v56 =	vadd.f32 v34, v28;
	[tilespmem:s4+$0x50] =	vst v54  }
0x355: {  	v58 =	vmul.f32 v53, v53;
	v57 =	vadd.f32 v52, v50;
	v26 =	vsub.f32 v39, v26;
	v39 =	vld [tilespmem:s16+$0x110]  }
0x356: {  	v55 =	vsel vm13, v14, v15;
	v25 =	vadd.f32 v49, v25;
	[tilespmem:s4+$0x60] =	vst v56;
	v60 =	vadd.f32 v24, v35  }
0x357: {  	[tilespmem:s4+$0x80] =	vst v17;
	v27 =	vadd.f32 v58, v57;
	v61 =	vadd.f32 v59, v40;
	v17 =	vmul.f32 v63, v63;
	v31 =	vld [tilespmem:s16+$0x120]  }
0x358: {  	v62 =	vmul.f32 v47, v47;
	v37 =	vadd.f32 v37, v63;
	v63 =	vmul.f32 v51, v51;
	[tilespmem:s4+$0x70] =	vst v60  }
0x359: {  	[tilespmem:s4+$0x100] =	vst v21;
	v47 =	vmul.f32 v28, v28;
	v51 =	vmul.f32 v48, v48;
	v17 =	vadd.f32 v17, v25;
	v49 =	vld [tilespmem:s16+$0x130]  }
0x35a: {  	[tilespmem:s4+$0x90] =	vst v18;
	v18 =	vadd.f32 v62, v27;
	v21 =	vadd.f32 v63, v61;
	v50 =	vmul.f32 v39, v39  }
0x35b: {  	[tilespmem:s4+$0xA0] =	vst v22;
	v53 =	vmul.f32 v35, v35;
	v19 =	vadd.f32 v51, v19;
	v17 =	vmul.f32 $5.000000000e-01, v17  }
0x35c: {  	[tilespmem:s4+$0x120] =	vst v23;
	v21 =	vadd.f32 v47, v21;
	v52 =	vmul.f32 v31, v31;
	v18 =	vadd.f32 v50, v18  }
0x35d: {  	[tilespmem:s4+$0xB0] =	vst v30;
	v54 =	vsel vm12, v55, v32;
	v19 =	vadd.f32 v53, v19;
	v17 =	vsub.f32 v20, v17  }
0x35e: {  	[tilespmem:s4+$0x130] =	vst v26;
	v55 =	vadd.f32 v52, v21;
	v18 =	vmul.f32 $5.000000000e-01, v18;
	v56 =	vmul.f32 v49, v49  }
0x35f: {  	v57 =	vsel vm6, v16, v29;
	v58 =	vsel vm2, v16, v54;
	[tilespmem:s4+$0xC0] =	vst v37;
	v59 =	vadd.f32 v33, v39  }
0x360: {  	s0 =	sadd.s32 $0x80, s0;
	[tilespmem:s4+$0x140] =	vst v17;
	v17 =	vsub.f32 v57, v18;
	v18 =	vadd.f32 v56, v19;
	v19 =	vmul.f32 $5.000000000e-01, v55  }
0x361: {  	p0 =	slt.u32 s0, $0x780;
	v61 =	vsel vm15, v14, v15;
	v60 =	vsel vm7, v12, v13;
	v62 =	vadd.f32 v34, v31;
	[tilespmem:s4+$0xD0] =	vst v59  }
.Ltmp1:
0x362: {  	v20 =	vsel vm3, v61, v60;
	[tilespmem:s4+$0x150] =	vst v17;
	v17 =	vsub.f32 v58, v19;
	v18 =	vmul.f32 $5.000000000e-01, v18;
	(pc) =	sbr.rel @p0 .LBB2_5-.Ltmp1, $4  }
0x363: {  	[tilespmem:s4+$0xE0] =	vst v62;
	v63 =	vadd.f32 v24, v49;
	v19 =	vsel vm4, v16, v20  }
0x364: {  	[tilespmem:s4+$0x160] =	vst v17;
	v17 =	vsub.f32 v19, v18  }
0x365: {  	[tilespmem:s4+$0xF0] =	vst v63  }
0x366: {  	s3 =	sadd.s32 $0x400, s3;
	s16 =	sadd.s32 $0x400, s16;
	[tilespmem:s4+$0x170] =	vst v17;
	s4 =	sadd.s32 $0x400, s4  }
0x367: {  	s0 =	sadd.s32 $0x800, s31;
	s29 =	sadd.s32 $0x1, s29  }
0x368: {  	[hbm4b:s0+s5] =	stream.linear.scatter [tilespmem:s24], [sflag:$0x4], $0x4000, $0x38;
	[tilespmem:$0x18080] =	vst v63  }
0x369: {  	p0 =	sne.s32 s29, $0x7  }
.Ltmp2:
0x36a: {  	s31 =	sadd.s32 s30, s12;
	(pc) =	sbr.rel @p0 .LBB2_2-.Ltmp2, $4  }
0x36b: {  	s3 =	sadd.s32 s1, s31  }
0x36c: {  	[tilespmem:s19], [sflag:$0x2] =	stream.linear.gather [hbm4b:s3+s5], $0x4000, $0x38;
	[tilespmem:$0x18080] =	vst v63  }
0x36d: {  	s0 =	sadd.s32 s2, s31  }
0x36e: {  	[tilespmem:s20], [sflag:$0x2] =	stream.linear.gather [hbm4b:s0+s5], $0x4000, $0x38;
	[tilespmem:$0x18080] =	vst v63  }
0x36f: {  	_ =	swait.ge [sflag:s21], $0x4000  }
0x370: {  	[sflag:s21] =	ssyncset.done $0x0  }
0x371: {  	[sflag:s21] =	ssyncadd.s32 $0xFFFFC000  }
0x372: {  	_ =	swait.ge [sflag:s21], $0x4000  }
0x373: {  	[sflag:s21] =	ssyncset.done $0x0  }
0x374: {  	[sflag:s21] =	ssyncadd.s32 $0xFFFFC000  }
0x375: {  	_ =	swait.ge [sflag:s25], $0x4000  }
0x376: {  	s0 =	simm.s32 $0xFFFFFF80;
	s4 =	simm.s32 $0x10180;
	[sflag:s25] =	ssyncset.done $0x0  }
0x377: {  	s3 =	simm.s32 $0x140;
	s16 =	simm.s32 $0x8140;
	[sflag:s25] =	ssyncadd.s32 $0xFFFFC000  }
.LBB2_8:
0x378: {  	v17 =	vld [tilespmem:s3+$0xFFFFFEC0]  }
0x379: {  	v19 =	vld [tilespmem:s3+$0xFFFFFF40]  }
0x37a: {  	v22 =	vld [tilespmem:s3+$0xFFFFFFC0]  }
0x37b: {  	v25 =	vld [tilespmem:s3+$0x40]  }
0x37c: {  	v57 =	vld [tilespmem:s3+$0xC0]  }
0x37d: {  	v43 =	vld [tilespmem:s3+$0xFFFFFF50];
	_ =	sdelay $0x3  }
0x37e: {  	v18 =	vadd.s32 $0xC0CAFB0D, v17;
	v21 =	vadd.s32 $0xC0CAFB0D, v19;
	v24 =	vadd.s32 $0xC0CAFB0D, v22  }
0x37f: {  	v28 =	vadd.s32 $0xC0CAFB0D, v25;
	v58 =	vadd.s32 $0xC0CAFB0D, v57;
	v49 =	vadd.s32 $0xC0CAFB0D, v43  }
0x380: {  	v20 =	vand.u32 $0xFF800000, v18;
	v23 =	vand.u32 $0xFF800000, v21;
	v26 =	vand.u32 $0xFF800000, v24  }
0x381: {  	v29 =	vand.u32 $0xFF800000, v28;
	v30 =	vand.u32 $0xFF800000, v58;
	v18 =	vshra.s32 v18, $0x17  }
0x382: {  	v21 =	vshra.s32 v21, $0x17;
	v24 =	vshra.s32 v24, $0x17;
	v44 =	vshra.s32 v28, $0x17  }
0x383: {  	v47 =	vshra.s32 v58, $0x17;
	v28 =	vshra.s32 v49, $0x17;
	v17 =	vsub.s32 v17, v20  }
0x384: {  	v19 =	vsub.s32 v19, v23;
	v22 =	vsub.s32 v22, v26;
	v17 =	vadd.f32 $-1.000000000e+00, v17  }
0x385: {  	v18 =	vcvt.s32.f32 v18;
	v21 =	vcvt.s32.f32 v21;
	v19 =	vadd.f32 $-1.000000000e+00, v19  }
0x386: {  	v25 =	vsub.s32 v25, v29;
	v24 =	vcvt.s32.f32 v24;
	v55 =	vmul.f32 $1.264473350e-01, v17  }
0x387: {  	v26 =	vsub.s32 v57, v30;
	v28 =	vcvt.s32.f32 v28;
	v56 =	vmul.f32 $1.264473350e-01, v19  }
0x388: {  	v22 =	vadd.f32 $-1.000000000e+00, v22;
	v18 =	vmul.f32 v18, v3;
	v20 =	vadd.f32 $-1.825688330e-01, v55  }
0x389: {  	v21 =	vmul.f32 v21, v5;
	v40 =	vmul.f32 v24, v7;
	v23 =	vadd.f32 $-1.825688330e-01, v56  }
0x38a: {  	v25 =	vadd.f32 $-1.000000000e+00, v25;
	v27 =	vmul.f32 $1.264473350e-01, v22;
	v20 =	vmul.f32 v20, v17  }
0x38b: {  	v26 =	vadd.f32 $-1.000000000e+00, v26;
	v28 =	vmul.f32 v28, v5;
	v23 =	vmul.f32 v23, v19  }
0x38c: {  	v31 =	vmul.f32 $1.264473350e-01, v25;
	v27 =	vadd.f32 $-1.825688330e-01, v27;
	v20 =	vadd.f32 $2.022166550e-01, v20  }
0x38d: {  	v59 =	vmul.f32 v17, v17;
	v32 =	vmul.f32 $1.264473350e-01, v26;
	v23 =	vadd.f32 $2.022166550e-01, v23  }
0x38e: {  	v50 =	vand.u32 $0xFF800000, v49;
	v27 =	vmul.f32 v27, v22;
	v20 =	vmul.f32 v20, v17  }
0x38f: {  	v52 =	vsub.s32 v43, v50;
	v63 =	vmul.f32 v19, v19;
	v23 =	vmul.f32 v23, v19  }
0x390: {  	v35 =	vmul.f32 v22, v22;
	v27 =	vadd.f32 $2.022166550e-01, v27;
	v20 =	vadd.f32 $-2.495787590e-01, v20  }
0x391: {  	v38 =	vmul.f32 v25, v25;
	v31 =	vadd.f32 $-1.825688330e-01, v31;
	v23 =	vadd.f32 $-2.495787590e-01, v23  }
0x392: {  	v36 =	vld [tilespmem:s3+$0xFFFFFED0];
	v60 =	vadd.f32 $-1.825688330e-01, v32;
	v27 =	vmul.f32 v27, v22;
	v20 =	vmul.f32 v20, v17  }
0x393: {  	v54 =	vadd.f32 $-1.000000000e+00, v52;
	v31 =	vmul.f32 v31, v25;
	v23 =	vmul.f32 v23, v19  }
0x394: {  	v62 =	vmul.f32 v60, v26;
	v27 =	vadd.f32 $-2.495787590e-01, v27;
	v20 =	vadd.f32 $3.333088160e-01, v20  }
0x395: {  	v42 =	vmul.f32 v26, v26;
	v31 =	vadd.f32 $2.022166550e-01, v31;
	v23 =	vadd.f32 $3.333088160e-01, v23  }
0x396: {  	v61 =	vmul.f32 v27, v22;
	v27 =	vadd.f32 $2.022166550e-01, v62;
	v20 =	vmul.f32 v20, v17  }
0x397: {  	v24 =	vadd.s32 $0xC0CAFB0D, v36;
	v31 =	vmul.f32 v31, v25;
	v23 =	vmul.f32 v23, v19  }
0x398: {  	v45 =	vand.u32 $0xFF800000, v24;
	v27 =	vmul.f32 v27, v26;
	v20 =	vadd.f32 $-5.000000000e-01, v20  }
0x399: {  	v53 =	vld [tilespmem:s3+$0xFFFFFFD0];
	v24 =	vshra.s32 v24, $0x17;
	v33 =	vadd.f32 $-2.495787590e-01, v31;
	v23 =	vadd.f32 $-5.000000000e-01, v23  }
0x39a: {  	v57 =	vld [tilespmem:s3+$0x50];
	v24 =	vcvt.s32.f32 v24;
	v27 =	vadd.f32 $-2.495787590e-01, v27;
	v20 =	vmul.f32 v20, v59  }
0x39b: {  	v46 =	vsub.s32 v36, v45;
	v34 =	vmul.f32 v33, v25;
	v23 =	vmul.f32 v23, v63  }
0x39c: {  	v27 =	vmul.f32 v27, v26;
	v17 =	vadd.f32 v20, v17;
	v20 =	vadd.f32 $3.333088160e-01, v61  }
0x39d: {  	v56 =	vmul.f32 $1.264473350e-01, v54;
	v59 =	vld [tilespmem:s3+$0xD0];
	v19 =	vadd.f32 v23, v19;
	v23 =	vadd.f32 $3.333088160e-01, v34  }
0x39e: {  	v24 =	vmul.f32 v24, v3;
	v60 =	vadd.s32 $0xC0CAFB0D, v53;
	v37 =	vadd.f32 $3.333088160e-01, v27  }
0x39f: {  	v62 =	vadd.s32 $0xC0CAFB0D, v57;
	v20 =	vmul.f32 v20, v22;
	v23 =	vmul.f32 v23, v25  }
0x3a0: {  	v63 =	vand.u32 $0xFF800000, v62;
	v39 =	vmul.f32 v37, v26;
	v17 =	vmul.f32 v17, v2  }
0x3a1: {  	v19 =	vmul.f32 v19, v4;
	v20 =	vadd.f32 $-5.000000000e-01, v20;
	v23 =	vadd.f32 $-5.000000000e-01, v23  }
0x3a2: {  	v61 =	vand.u32 $0xFF800000, v60;
	v36 =	vadd.s32 $0xC0CAFB0D, v59;
	v17 =	vadd.f32 v17, v18  }
0x3a3: {  	v19 =	vadd.f32 v19, v21;
	v20 =	vmul.f32 v20, v35;
	v41 =	vmul.f32 v23, v38  }
0x3a4: {  	v21 =	vcvt.s32.f32 v44;
	v44 =	vmul.f32 v54, v54;
	v23 =	vadd.f32 $-1.000000000e+00, v46  }
0x3a5: {  	vm6 =	vlt.f32 v19, v17;
	v20 =	vadd.f32 v20, v22;
	v22 =	vadd.f32 v41, v25  }
0x3a6: {  	v21 =	vmul.f32 v21, v9;
	v17 =	vsel vm6, v19, v17;
	v48 =	vmul.f32 $1.264473350e-01, v23  }
0x3a7: {  	v18 =	vmul.f32 v20, v6;
	v20 =	vadd.f32 $-5.000000000e-01, v39;
	v22 =	vmul.f32 v22, v8  }
0x3a8: {  	v25 =	vcvt.s32.f32 v47;
	v35 =	vmul.f32 v23, v23;
	v51 =	vadd.f32 $-1.825688330e-01, v48  }
0x3a9: {  	v18 =	vadd.f32 v18, v40;
	v20 =	vmul.f32 v20, v42;
	v21 =	vadd.f32 v22, v21  }
0x3aa: {  	v55 =	vsel vm6, $0x3F800000, v0;
	v25 =	vmul.f32 v25, v11;
	v19 =	vmul.f32 v51, v23  }
0x3ab: {  	v39 =	vand.u32 $0xFF800000, v36;
	v20 =	vadd.f32 v20, v26;
	vm3 =	vlt.f32 v21, v18  }
0x3ac: {  	v37 =	vld [tilespmem:s16+$0xFFFFFEC0];
	v19 =	vadd.f32 $2.022166550e-01, v19;
	v26 =	vsub.s32 v57, v63;
	v18 =	vsel vm3, v21, v18  }
0x3ad: {  	v58 =	vsel vm3, $0x40400000, v1;
	v26 =	vadd.f32 $-1.000000000e+00, v26;
	v21 =	vshra.s32 v60, $0x17  }
0x3ae: {  	v20 =	vmul.f32 v20, v10;
	vm2 =	vlt.f32 v18, v17;
	v19 =	vmul.f32 v19, v23  }
0x3af: {  	v21 =	vcvt.s32.f32 v21;
	v17 =	vsel vm2, v18, v17;
	v18 =	vadd.f32 $-1.825688330e-01, v56  }
0x3b0: {  	v22 =	vsel vm2, v58, v55;
	v42 =	vmul.f32 $1.264473350e-01, v26;
	v20 =	vadd.f32 v20, v25  }
0x3b1: {  	v51 =	vmul.f32 v26, v26;
	v58 =	vmul.f32 v37, v37;
	v19 =	vadd.f32 $-2.495787590e-01, v19  }
0x3b2: {  	v21 =	vmul.f32 v21, v7;
	v32 =	vadd.f32 $-1.825688330e-01, v42;
	vm4 =	vlt.f32 v20, v17  }
0x3b3: {  	v17 =	vmul.f32 v18, v54;
	v18 =	vsub.s32 v53, v61;
	v19 =	vmul.f32 v19, v23  }
0x3b4: {  	v20 =	vshra.s32 v62, $0x17;
	v18 =	vadd.f32 $-1.000000000e+00, v18;
	v32 =	vmul.f32 v32, v26  }
0x3b5: {  	v20 =	vcvt.s32.f32 v20;
	v17 =	vadd.f32 $2.022166550e-01, v17;
	v19 =	vadd.f32 $3.333088160e-01, v19  }
0x3b6: {  	v62 =	vld [tilespmem:s3+$0xFFFFFF60];
	v38 =	vmul.f32 $1.264473350e-01, v18;
	v32 =	vadd.f32 $2.022166550e-01, v32;
	v49 =	vmul.f32 v18, v18  }
0x3b7: {  	v20 =	vmul.f32 v20, v9;
	v33 =	vmul.f32 v17, v54;
	v17 =	vsub.s32 v59, v39  }
0x3b8: {  	v19 =	vmul.f32 v19, v23;
	v40 =	vadd.f32 $-1.825688330e-01, v38;
	v30 =	vadd.f32 $-1.000000000e+00, v17  }
0x3b9: {  	v17 =	vsel vm4, $0x40800000, v22;
	v32 =	vmul.f32 v32, v26;
	v41 =	vadd.f32 $-2.495787590e-01, v33  }
0x3ba: {  	v34 =	vadd.f32 v17, v37;
	v19 =	vadd.f32 $-5.000000000e-01, v19;
	v27 =	vmul.f32 v40, v18  }
0x3bb: {  	v29 =	vadd.s32 $0xC0CAFB0D, v62;
	v43 =	vmul.f32 $1.264473350e-01, v30;
	v22 =	vmul.f32 v41, v54  }
0x3bc: {  	v32 =	vadd.f32 $-2.495787590e-01, v32;
	v19 =	vmul.f32 v19, v35;
	[tilespmem:s4+$0xFFFFFE80] =	vst v34;
	v27 =	vadd.f32 $2.022166550e-01, v27  }
0x3bd: {  	v52 =	vmul.f32 v30, v30;
	v33 =	vadd.f32 $-1.825688330e-01, v43;
	v47 =	vld [tilespmem:s16+$0xFFFFFF40];
	v22 =	vadd.f32 $3.333088160e-01, v22  }
0x3be: {  	v48 =	vmul.f32 v32, v26;
	v19 =	vadd.f32 v19, v23;
	v27 =	vmul.f32 v27, v18  }
0x3bf: {  	v42 =	vld [tilespmem:s3+$0xFFFFFFE0];
	v37 =	vsel vm6, v12, v13;
	v33 =	vmul.f32 v33, v30;
	v22 =	vmul.f32 v22, v54  }
0x3c0: {  	v25 =	vadd.f32 $3.333088160e-01, v48;
	v19 =	vmul.f32 v19, v2;
	v27 =	vadd.f32 $-2.495787590e-01, v27  }
0x3c1: {  	v41 =	vsel vm3, v14, v15;
	v33 =	vadd.f32 $2.022166550e-01, v33;
	v22 =	vadd.f32 $-5.000000000e-01, v22  }
0x3c2: {  	v25 =	vmul.f32 v25, v26;
	v50 =	vadd.f32 v17, v47;
	v19 =	vadd.f32 v19, v24  }
0x3c3: {  	v24 =	vsel vm2, v41, v37;
	v45 =	vmul.f32 v27, v18;
	v46 =	vmul.f32 v33, v30  }
0x3c4: {  	v25 =	vadd.f32 $-5.000000000e-01, v25;
	v33 =	vadd.s32 $0xC0CAFB0D, v42;
	v22 =	vmul.f32 v22, v44  }
0x3c5: {  	v44 =	vand.u32 $0xFF800000, v29;
	v29 =	vshra.s32 v29, $0x17;
	v23 =	vadd.f32 $3.333088160e-01, v45  }
0x3c6: {  	v27 =	vadd.f32 $-2.495787590e-01, v46;
	v25 =	vmul.f32 v25, v51;
	v46 =	vsub.s32 v62, v44  }
0x3c7: {  	[tilespmem:s4+$0xFFFFFF00] =	vst v50;
	v51 =	vand.u32 $0xFF800000, v33;
	v29 =	vcvt.s32.f32 v29;
	v33 =	vshra.s32 v33, $0x17  }
0x3c8: {  	v53 =	vld [tilespmem:s16+$0xFFFFFFC0];
	v22 =	vadd.f32 v22, v54;
	v54 =	vshra.s32 v36, $0x17;
	v33 =	vcvt.s32.f32 v33  }
0x3c9: {  	v55 =	vld [tilespmem:s3+$0xFFFFFEE0];
	v32 =	vadd.f32 $-1.000000000e+00, v46;
	v23 =	vmul.f32 v23, v18;
	v27 =	vmul.f32 v27, v30  }
0x3ca: {  	v25 =	vadd.f32 v25, v26;
	v26 =	vcvt.s32.f32 v54;
	v22 =	vmul.f32 v22, v4  }
0x3cb: {  	v48 =	vmul.f32 $1.264473350e-01, v32;
	v33 =	vmul.f32 v33, v7;
	v27 =	vadd.f32 $3.333088160e-01, v27  }
0x3cc: {  	v23 =	vadd.f32 $-5.000000000e-01, v23;
	v56 =	vmul.f32 v25, v8;
	v57 =	vmul.f32 v26, v11  }
0x3cd: {  	v22 =	vadd.f32 v22, v28;
	v59 =	vadd.f32 v17, v53;
	v27 =	vmul.f32 v27, v30  }
0x3ce: {  	v28 =	vadd.s32 $0xC0CAFB0D, v55;
	v39 =	vmul.f32 v53, v53;
	v23 =	vmul.f32 v23, v49  }
0x3cf: {  	v20 =	vadd.f32 v56, v20;
	v60 =	vand.u32 $0xFF800000, v28;
	[tilespmem:s4+$0xFFFFFF80] =	vst v59;
	v27 =	vadd.f32 $-5.000000000e-01, v27  }
0x3d0: {  	v28 =	vshra.s32 v28, $0x17;
	vm9 =	vlt.f32 v22, v19;
	v18 =	vadd.f32 v23, v18;
	v63 =	vld [tilespmem:s16+$0x40]  }
0x3d1: {  	v28 =	vcvt.s32.f32 v28;
	v19 =	vsel vm9, v22, v19;
	v23 =	vmul.f32 v27, v52  }
0x3d2: {  	v61 =	vsel vm9, $0x3F800000, v0;
	v18 =	vmul.f32 v18, v6;
	v52 =	vsub.s32 v42, v51  }
0x3d3: {  	v22 =	vsub.s32 v55, v60;
	v54 =	vadd.f32 $-1.000000000e+00, v52;
	v23 =	vadd.f32 v23, v30  }
0x3d4: {  	v28 =	vmul.f32 v28, v3;
	v18 =	vadd.f32 v18, v21;
	v30 =	vadd.f32 $-1.000000000e+00, v22  }
0x3d5: {  	v49 =	vld [tilespmem:s3+$0x60];
	v21 =	vsel vm4, v16, v24;
	v43 =	vadd.f32 v17, v63;
	v26 =	vmul.f32 v63, v63  }
0x3d6: {  	v56 =	vmul.f32 $1.264473350e-01, v54;
	v23 =	vmul.f32 v23, v10;
	vm7 =	vlt.f32 v20, v18  }
0x3d7: {  	v38 =	vmul.f32 $1.264473350e-01, v30;
	v18 =	vsel vm7, v20, v18;
	v35 =	vsel vm7, $0x40400000, v1  }
0x3d8: {  	[tilespmem:s4+$0x0] =	vst v43;
	v50 =	vsel vm7, v14, v15;
	v43 =	vmul.f32 v30, v30;
	v23 =	vadd.f32 v23, v57  }
0x3d9: {  	vm8 =	vlt.f32 v18, v19;
	v22 =	vadd.f32 $-1.825688330e-01, v38;
	v38 =	vadd.f32 $-1.825688330e-01, v48  }
0x3da: {  	v20 =	vld [tilespmem:s16+$0xFFFFFED0];
	v57 =	vadd.s32 $0xC0CAFB0D, v49;
	v18 =	vsel vm8, v18, v19;
	v19 =	vmul.f32 v47, v47  }
0x3db: {  	v36 =	vsel vm8, v35, v61;
	v47 =	vsel vm9, v12, v13;
	vm10 =	vlt.f32 v23, v18  }
0x3dc: {  	v45 =	vmul.f32 v22, v30;
	v22 =	vld [tilespmem:s16+$0xC0];
	v25 =	vsel vm8, v50, v47;
	v55 =	vmul.f32 v38, v32  }
0x3dd: {  	v47 =	vmul.f32 v32, v32;
	v18 =	vsel vm10, $0x40800000, v36;
	v19 =	vadd.f32 v19, v58;
	v36 =	vld [tilespmem:s3+$0xE0]  }
0x3de: {  	v50 =	vmul.f32 v29, v5;
	v38 =	vshra.s32 v57, $0x17;
	v35 =	vadd.f32 $2.022166550e-01, v55  }
0x3df: {  	v40 =	vadd.f32 v18, v20;
	v19 =	vadd.f32 v39, v19;
	v39 =	vand.u32 $0xFF800000, v57  }
0x3e0: {  	v57 =	vcvt.s32.f32 v38;
	v27 =	vsub.s32 v49, v39;
	v35 =	vmul.f32 v35, v32  }
0x3e1: {  	[tilespmem:s4+$0xFFFFFE90] =	vst v40;
	v49 =	vmul.f32 v54, v54;
	v24 =	vadd.f32 v26, v19;
	v19 =	vadd.f32 $2.022166550e-01, v45  }
0x3e2: {  	v23 =	vld [tilespmem:s16+$0xFFFFFF50];
	v26 =	vmul.f32 v22, v22;
	v41 =	vadd.f32 $-1.000000000e+00, v27;
	v40 =	vadd.s32 $0xC0CAFB0D, v36  }
0x3e3: {  	v35 =	vadd.f32 $-2.495787590e-01, v35;
	v19 =	vmul.f32 v19, v30;
	v58 =	vand.u32 $0xFF800000, v40  }
0x3e4: {  	v63 =	vmul.f32 $1.264473350e-01, v41;
	v55 =	vmul.f32 v41, v41;
	v26 =	vadd.f32 v26, v24  }
0x3e5: {  	v59 =	vsub.s32 v36, v58;
	v35 =	vmul.f32 v35, v32;
	v53 =	vadd.f32 $-2.495787590e-01, v19  }
0x3e6: {  	v40 =	vshra.s32 v40, $0x17;
	v61 =	vadd.f32 $-1.000000000e+00, v59;
	v39 =	vadd.f32 $-1.825688330e-01, v63  }
0x3e7: {  	v58 =	vld [tilespmem:s3+$0xFFFFFF70];
	v40 =	vcvt.s32.f32 v40;
	v37 =	vadd.f32 v18, v23;
	v35 =	vadd.f32 $3.333088160e-01, v35  }
0x3e8: {  	v19 =	vsel vm10, v16, v25;
	v31 =	vmul.f32 v53, v30;
	v42 =	vmul.f32 $1.264473350e-01, v61  }
0x3e9: {  	v39 =	vmul.f32 v39, v41;
	v53 =	vld [tilespmem:s3+$0xFFFFFEF0];
	[tilespmem:s4+$0xFFFFFF10] =	vst v37;
	v37 =	vadd.f32 $-1.825688330e-01, v56;
	v35 =	vmul.f32 v35, v32  }
0x3ea: {  	v56 =	vmul.f32 v61, v61;
	v31 =	vadd.f32 $3.333088160e-01, v31;
	v42 =	vadd.f32 $-1.825688330e-01, v42  }
0x3eb: {  	v63 =	vld [tilespmem:s3+$0xFFFFFFF0];
	v39 =	vadd.f32 $2.022166550e-01, v39;
	v60 =	vmul.f32 v37, v54;
	v35 =	vadd.f32 $-5.000000000e-01, v35  }
0x3ec: {  	v37 =	vadd.s32 $0xC0CAFB0D, v58;
	v31 =	vmul.f32 v31, v30;
	v42 =	vmul.f32 v42, v61  }
0x3ed: {  	v25 =	vld [tilespmem:s16+$0xFFFFFFD0];
	v39 =	vmul.f32 v39, v41;
	v36 =	vadd.f32 $2.022166550e-01, v60;
	v35 =	vmul.f32 v35, v47  }
0x3ee: {  	v38 =	vadd.s32 $0xC0CAFB0D, v53;
	v31 =	vadd.f32 $-5.000000000e-01, v31;
	v46 =	vadd.f32 $2.022166550e-01, v42  }
0x3ef: {  	v39 =	vadd.f32 $-2.495787590e-01, v39;
	v59 =	vand.u32 $0xFF800000, v38;
	v36 =	vmul.f32 v36, v54  }
0x3f0: {  	v42 =	vadd.s32 $0xC0CAFB0D, v63;
	v38 =	vshra.s32 v38, $0x17;
	v32 =	vadd.f32 v35, v32  }
0x3f1: {  	v38 =	vcvt.s32.f32 v38;
	v48 =	vmul.f32 v39, v41;
	v36 =	vadd.f32 $-2.495787590e-01, v36  }
0x3f2: {  	v62 =	vadd.f32 v18, v25;
	v31 =	vmul.f32 v31, v43;
	v32 =	vmul.f32 v32, v4  }
0x3f3: {  	v38 =	vmul.f32 v38, v3;
	v35 =	vadd.f32 $3.333088160e-01, v48;
	v45 =	vmul.f32 v36, v54  }
0x3f4: {  	v30 =	vadd.f32 v31, v30;
	v36 =	vmul.f32 v46, v61;
	v51 =	vadd.f32 v32, v50  }
0x3f5: {  	v52 =	vmul.f32 v35, v41;
	v35 =	vsub.s32 v53, v59;
	v31 =	vadd.f32 $3.333088160e-01, v45  }
0x3f6: {  	v46 =	vand.u32 $0xFF800000, v37;
	v37 =	vshra.s32 v37, $0x17;
	v35 =	vadd.f32 $-1.000000000e+00, v35  }
0x3f7: {  	v30 =	vmul.f32 v30, v2;
	v36 =	vadd.f32 $-2.495787590e-01, v36;
	v31 =	vmul.f32 v31, v54  }
0x3f8: {  	[tilespmem:s4+$0xFFFFFF90] =	vst v62;
	v37 =	vcvt.s32.f32 v37;
	v45 =	vand.u32 $0xFF800000, v42;
	v62 =	vmul.f32 $1.264473350e-01, v35  }
0x3f9: {  	v27 =	vld [tilespmem:s16+$0x50];
	v32 =	vadd.f32 $-5.000000000e-01, v52;
	v36 =	vmul.f32 v36, v61;
	v31 =	vadd.f32 $-5.000000000e-01, v31  }
0x3fa: {  	v42 =	vshra.s32 v42, $0x17;
	v37 =	vmul.f32 v37, v5;
	v47 =	vadd.f32 $-1.825688330e-01, v62  }
0x3fb: {  	v32 =	vmul.f32 v32, v55;
	v36 =	vadd.f32 $3.333088160e-01, v36;
	v31 =	vmul.f32 v31, v49  }
0x3fc: {  	v28 =	vadd.f32 v30, v28;
	v42 =	vcvt.s32.f32 v42;
	v30 =	vmul.f32 v47, v35  }
0x3fd: {  	v32 =	vadd.f32 v32, v41;
	v31 =	vadd.f32 v31, v54;
	v54 =	vmul.f32 v36, v61  }
0x3fe: {  	v29 =	vadd.f32 v18, v27;
	v42 =	vmul.f32 v42, v7;
	v30 =	vadd.f32 $2.022166550e-01, v30  }
0x3ff: {  	v32 =	vmul.f32 v32, v8;
	v36 =	vmul.f32 v57, v9;
	v34 =	vadd.f32 $-5.000000000e-01, v54  }
0x400: {  	vm2 =	vlt.f32 v51, v28;
	v31 =	vmul.f32 v31, v6;
	v30 =	vmul.f32 v30, v35  }
0x401: {  	v28 =	vsel vm2, v51, v28;
	v32 =	vadd.f32 v32, v36;
	v34 =	vmul.f32 v34, v56  }
0x402: {  	v48 =	vsel vm2, $0x3F800000, v0;
	v31 =	vadd.f32 v31, v33;
	v30 =	vadd.f32 $-2.495787590e-01, v30  }
0x403: {  	v49 =	vsel vm2, v12, v13;
	v34 =	vadd.f32 v34, v61;
	v61 =	vmul.f32 v40, v11  }
0x404: {  	v52 =	vld [tilespmem:s3+$0x70];
	vm3 =	vlt.f32 v32, v31;
	v40 =	vsub.s32 v63, v45;
	v30 =	vmul.f32 v30, v35  }
0x405: {  	v31 =	vsel vm3, v32, v31;
	v50 =	vsel vm3, $0x40400000, v1;
	v44 =	vsel vm3, v14, v15  }
0x406: {  	v40 =	vadd.f32 $-1.000000000e+00, v40;
	v60 =	vmul.f32 v34, v10;
	v34 =	vsub.s32 v58, v46  }
0x407: {  	vm2 =	vlt.f32 v31, v28;
	v30 =	vadd.f32 $3.333088160e-01, v30;
	v34 =	vadd.f32 $-1.000000000e+00, v34  }
0x408: {  	v28 =	vsel vm2, v31, v28;
	v53 =	vsel vm2, v50, v48;
	v32 =	vsel vm2, v44, v49  }
0x409: {  	v56 =	vmul.f32 $1.264473350e-01, v40;
	v44 =	vadd.s32 $0xC0CAFB0D, v52;
	v48 =	vmul.f32 v35, v35  }
0x40a: {  	v55 =	vld [tilespmem:s3+$0xF0];
	v33 =	vadd.f32 v60, v61;
	v58 =	vand.u32 $0xFF800000, v44;
	v51 =	vmul.f32 $1.264473350e-01, v34  }
0x40b: {  	v30 =	vmul.f32 v30, v35;
	v44 =	vshra.s32 v44, $0x17;
	v59 =	vadd.f32 $-1.825688330e-01, v56  }
0x40c: {  	v60 =	vsub.s32 v52, v58;
	v50 =	vmul.f32 v34, v34;
	v41 =	vadd.f32 $-1.825688330e-01, v51  }
0x40d: {  	v44 =	vcvt.s32.f32 v44;
	vm2 =	vlt.f32 v33, v28;
	v36 =	vmul.f32 v59, v40  }
0x40e: {  	v33 =	vadd.f32 $-1.000000000e+00, v60;
	v30 =	vadd.f32 $-5.000000000e-01, v30;
	v54 =	vmul.f32 v41, v34  }
0x40f: {  	v28 =	vsel vm2, $0x40800000, v53;
	v41 =	vadd.s32 $0xC0CAFB0D, v55;
	v36 =	vadd.f32 $2.022166550e-01, v36  }
0x410: {  	v44 =	vmul.f32 v44, v9;
	v63 =	vand.u32 $0xFF800000, v41;
	v57 =	vadd.f32 $2.022166550e-01, v54  }
0x411: {  	v62 =	vmul.f32 $1.264473350e-01, v33;
	v39 =	vsub.s32 v55, v63;
	v36 =	vmul.f32 v36, v40  }
0x412: {  	v30 =	vmul.f32 v30, v48;
	v39 =	vadd.f32 $-1.000000000e+00, v39;
	v61 =	vmul.f32 v57, v34  }
0x413: {  	v60 =	vmul.f32 v33, v33;
	v43 =	vadd.f32 $-1.825688330e-01, v62;
	v36 =	vadd.f32 $-2.495787590e-01, v36  }
0x414: {  	v30 =	vadd.f32 v30, v35;
	v46 =	vmul.f32 $1.264473350e-01, v39;
	v31 =	vadd.f32 $-2.495787590e-01, v61  }
0x415: {  	v58 =	vld [tilespmem:s3+$0xFFFFFF00];
	v41 =	vshra.s32 v41, $0x17;
	v43 =	vmul.f32 v43, v33;
	v36 =	vmul.f32 v36, v40  }
0x416: {  	v47 =	vmul.f32 v30, v2;
	v49 =	vadd.f32 $-1.825688330e-01, v46;
	v31 =	vmul.f32 v31, v34  }
0x417: {  	v57 =	vmul.f32 v40, v40;
	v43 =	vadd.f32 $2.022166550e-01, v43;
	v52 =	vadd.f32 $3.333088160e-01, v36  }
0x418: {  	v62 =	vmul.f32 v39, v39;
	v45 =	vmul.f32 v49, v39;
	v31 =	vadd.f32 $3.333088160e-01, v31  }
0x419: {  	v38 =	vadd.f32 v47, v38;
	v43 =	vmul.f32 v43, v33;
	v30 =	vmul.f32 v52, v40  }
0x41a: {  	v46 =	vadd.s32 $0xC0CAFB0D, v58;
	v54 =	vadd.f32 $2.022166550e-01, v45;
	v31 =	vmul.f32 v31, v34  }
0x41b: {  	v48 =	vand.u32 $0xFF800000, v46;
	v46 =	vshra.s32 v46, $0x17;
	v30 =	vadd.f32 $-5.000000000e-01, v30  }
0x41c: {  	v53 =	vadd.f32 $-2.495787590e-01, v43;
	v56 =	vmul.f32 v54, v39;
	v51 =	vadd.f32 $-5.000000000e-01, v31;
	v31 =	vld [tilespmem:s16+$0xFFFFFEE0]  }
0x41d: {  	v61 =	vsub.s32 v58, v48;
	v46 =	vcvt.s32.f32 v46;
	v43 =	vmul.f32 v30, v57;
	v57 =	vld [tilespmem:s3+$0x80]  }
0x41e: {  	v52 =	vcvt.s32.f32 v41;
	v36 =	vadd.f32 $-2.495787590e-01, v56;
	v35 =	vmul.f32 v51, v50  }
0x41f: {  	v49 =	vld [tilespmem:s3+$0xFFFFFF80];
	v55 =	vmul.f32 v53, v33;
	v40 =	vadd.f32 v43, v40;
	v43 =	vadd.f32 $-1.000000000e+00, v61  }
0x420: {  	v30 =	vsel vm2, v16, v32;
	v36 =	vmul.f32 v36, v39;
	v34 =	vadd.f32 v35, v34  }
0x421: {  	v35 =	vadd.f32 $3.333088160e-01, v55;
	v40 =	vmul.f32 v40, v6;
	v63 =	vmul.f32 $1.264473350e-01, v43  }
0x422: {  	v59 =	vadd.f32 v28, v31;
	v36 =	vadd.f32 $3.333088160e-01, v36;
	v48 =	vadd.s32 $0xC0CAFB0D, v57  }
0x423: {  	v34 =	vmul.f32 v34, v4;
	v35 =	vmul.f32 v35, v33;
	v51 =	vadd.f32 $-1.825688330e-01, v63  }
0x424: {  	v40 =	vadd.f32 v40, v42;
	v42 =	vadd.s32 $0xC0CAFB0D, v49;
	v36 =	vmul.f32 v36, v39  }
0x425: {  	v55 =	vand.u32 $0xFF800000, v42;
	v42 =	vshra.s32 v42, $0x17;
	v35 =	vadd.f32 $-5.000000000e-01, v35  }
0x426: {  	v34 =	vadd.f32 v34, v37;
	v54 =	vmul.f32 v51, v43;
	v37 =	vmul.f32 v52, v11  }
0x427: {  	[tilespmem:s4+$0xFFFFFEA0] =	vst v59;
	v56 =	vsub.s32 v49, v55;
	v42 =	vcvt.s32.f32 v42;
	v36 =	vadd.f32 $-5.000000000e-01, v36  }
0x428: {  	v32 =	vld [tilespmem:s16+$0xFFFFFF60];
	v52 =	vand.u32 $0xFF800000, v48;
	v35 =	vmul.f32 v35, v60;
	vm2 =	vlt.f32 v34, v38  }
0x429: {  	v53 =	vld [tilespmem:s3+$0x0];
	v41 =	vadd.f32 $2.022166550e-01, v54;
	v42 =	vmul.f32 v42, v5;
	v36 =	vmul.f32 v36, v62  }
0x42a: {  	v34 =	vsel vm2, v34, v38;
	v45 =	vsel vm2, $0x3F800000, v0;
	v35 =	vadd.f32 v35, v33  }
0x42b: {  	v62 =	vld [tilespmem:s3+$0x100];
	v38 =	vsub.s32 v57, v52;
	v41 =	vmul.f32 v41, v43;
	v36 =	vadd.f32 v36, v39  }
0x42c: {  	v47 =	vsel vm2, v12, v13;
	v38 =	vadd.f32 $-1.000000000e+00, v38;
	v35 =	vmul.f32 v35, v8  }
0x42d: {  	v33 =	vadd.f32 v28, v32;
	v41 =	vadd.f32 $-2.495787590e-01, v41;
	v36 =	vmul.f32 v36, v10  }
0x42e: {  	v54 =	vmul.f32 $1.264473350e-01, v38;
	v35 =	vadd.f32 v35, v44;
	v44 =	vadd.s32 $0xC0CAFB0D, v53  }
0x42f: {  	v36 =	vadd.f32 v36, v37;
	v37 =	vadd.f32 $-1.000000000e+00, v56;
	v58 =	vand.u32 $0xFF800000, v44  }
0x430: {  	v60 =	vmul.f32 v41, v43;
	v55 =	vadd.s32 $0xC0CAFB0D, v62;
	v39 =	vsub.s32 v53, v58  }
0x431: {  	vm3 =	vlt.f32 v35, v40;
	v59 =	vmul.f32 $1.264473350e-01, v37;
	v39 =	vadd.f32 $-1.000000000e+00, v39  }
0x432: {  	v54 =	vadd.f32 $-1.825688330e-01, v54;
	v35 =	vsel vm3, v35, v40;
	v40 =	vadd.f32 $3.333088160e-01, v60  }
0x433: {  	v56 =	vand.u32 $0xFF800000, v55;
	v61 =	vadd.f32 $-1.825688330e-01, v59;
	v51 =	vmul.f32 $1.264473350e-01, v39  }
0x434: {  	v44 =	vshra.s32 v44, $0x17;
	v53 =	vmul.f32 v43, v43;
	v40 =	vmul.f32 v40, v43  }
0x435: {  	v49 =	vsub.s32 v62, v56;
	v41 =	vmul.f32 v61, v37;
	v51 =	vadd.f32 $-1.825688330e-01, v51  }
0x436: {  	v63 =	vmul.f32 v54, v38;
	v49 =	vadd.f32 $-1.000000000e+00, v49;
	v40 =	vadd.f32 $-5.000000000e-01, v40  }
0x437: {  	v44 =	vcvt.s32.f32 v44;
	v41 =	vadd.f32 $2.022166550e-01, v41;
	v51 =	vmul.f32 v51, v39  }
0x438: {  	v56 =	vmul.f32 $1.264473350e-01, v49;
	v40 =	vmul.f32 v40, v53;
	v53 =	vadd.f32 $2.022166550e-01, v63  }
0x439: {  	v50 =	vsel vm3, $0x40400000, v1;
	v41 =	vmul.f32 v41, v37;
	v51 =	vadd.f32 $2.022166550e-01, v51  }
0x43a: {  	v40 =	vadd.f32 v40, v43;
	v43 =	vadd.f32 $-1.825688330e-01, v56;
	v53 =	vmul.f32 v53, v38  }
0x43b: {  	v52 =	vsel vm3, v14, v15;
	v41 =	vadd.f32 $-2.495787590e-01, v41;
	v51 =	vmul.f32 v51, v39  }
0x43c: {  	vm2 =	vlt.f32 v35, v34;
	v58 =	vmul.f32 v43, v49;
	v60 =	vadd.f32 $-2.495787590e-01, v53  }
0x43d: {  	v54 =	vsel vm2, v35, v34;
	v41 =	vmul.f32 v41, v37;
	v51 =	vadd.f32 $-2.495787590e-01, v51  }
0x43e: {  	v35 =	vsel vm2, v50, v45;
	v62 =	vadd.f32 $2.022166550e-01, v58;
	v63 =	vmul.f32 v60, v38  }
0x43f: {  	vm7 =	vlt.f32 v36, v54;
	v41 =	vadd.f32 $3.333088160e-01, v41;
	v51 =	vmul.f32 v51, v39  }
0x440: {  	v61 =	vmul.f32 v37, v37;
	v56 =	vmul.f32 v62, v49;
	v45 =	vadd.f32 $3.333088160e-01, v63  }
0x441: {  	v40 =	vmul.f32 v40, v2;
	v57 =	vmul.f32 v41, v37;
	v59 =	vadd.f32 $3.333088160e-01, v51  }
0x442: {  	v58 =	vld [tilespmem:s3+$0xFFFFFF10];
	v41 =	vmul.f32 v46, v3;
	v46 =	vadd.f32 $-2.495787590e-01, v56;
	v45 =	vmul.f32 v45, v38  }
0x443: {  	v63 =	vshra.s32 v48, $0x17;
	v56 =	vmul.f32 v49, v49;
	v43 =	vmul.f32 v59, v39  }
0x444: {  	v34 =	vadd.f32 $-5.000000000e-01, v57;
	v57 =	vmul.f32 v39, v39;
	v46 =	vmul.f32 v46, v49  }
0x445: {  	v53 =	vld [tilespmem:s3+$0xFFFFFF90];
	v59 =	vmul.f32 v38, v38;
	v45 =	vadd.f32 $-5.000000000e-01, v45;
	v40 =	vadd.f32 v40, v41  }
0x446: {  	v34 =	vmul.f32 v34, v61;
	v43 =	vadd.f32 $-5.000000000e-01, v43;
	v46 =	vadd.f32 $3.333088160e-01, v46  }
0x447: {  	v60 =	vmul.f32 v45, v59;
	v61 =	vmul.f32 v44, v7;
	v45 =	vadd.s32 $0xC0CAFB0D, v58  }
0x448: {  	v59 =	vshra.s32 v55, $0x17;
	v37 =	vadd.f32 v34, v37;
	v34 =	vsel vm2, v52, v47  }
0x449: {  	v43 =	vmul.f32 v43, v57;
	v62 =	vmul.f32 v46, v49;
	v38 =	vadd.f32 v60, v38  }
0x44a: {  	v52 =	vand.u32 $0xFF800000, v45;
	v57 =	vcvt.s32.f32 v63;
	v47 =	vadd.s32 $0xC0CAFB0D, v53  }
0x44b: {  	v41 =	vsub.s32 v58, v52;
	v37 =	vmul.f32 v37, v4;
	v39 =	vadd.f32 v43, v39  }
0x44c: {  	v44 =	vadd.f32 $-5.000000000e-01, v62;
	v41 =	vadd.f32 $-1.000000000e+00, v41;
	v62 =	vand.u32 $0xFF800000, v47  }
0x44d: {  	v38 =	vmul.f32 v38, v8;
	v47 =	vshra.s32 v47, $0x17;
	v46 =	vsub.s32 v53, v62  }
0x44e: {  	v63 =	vld [tilespmem:s3+$0x10];
	v39 =	vmul.f32 v39, v6;
	v37 =	vadd.f32 v37, v42;
	v58 =	vmul.f32 v44, v56  }
0x44f: {  	v42 =	vmul.f32 v57, v9;
	v60 =	vmul.f32 $1.264473350e-01, v41;
	v46 =	vadd.f32 $-1.000000000e+00, v46  }
0x450: {  	v44 =	vcvt.s32.f32 v59;
	v39 =	vadd.f32 v39, v61;
	v43 =	vadd.f32 v58, v49  }
0x451: {  	v59 =	vld [tilespmem:s3+$0x90];
	v38 =	vadd.f32 v38, v42;
	v61 =	vadd.f32 $-1.825688330e-01, v60;
	vm2 =	vlt.f32 v37, v40  }
0x452: {  	v44 =	vmul.f32 v44, v11;
	v56 =	vmul.f32 $1.264473350e-01, v46;
	v36 =	vsel vm2, v37, v40  }
0x453: {  	v57 =	vsel vm2, $0x3F800000, v0;
	v40 =	vadd.s32 $0xC0CAFB0D, v63;
	v43 =	vmul.f32 v43, v10  }
0x454: {  	v42 =	vmul.f32 v61, v41;
	vm3 =	vlt.f32 v38, v39;
	v58 =	vadd.f32 $-1.825688330e-01, v56  }
0x455: {  	v61 =	vand.u32 $0xFF800000, v40;
	v40 =	vshra.s32 v40, $0x17;
	v38 =	vsel vm3, v38, v39  }
0x456: {  	v60 =	vsel vm3, $0x40400000, v1;
	v48 =	vsub.s32 v63, v61;
	v50 =	vadd.s32 $0xC0CAFB0D, v59  }
0x457: {  	v61 =	vmul.f32 v41, v41;
	v40 =	vcvt.s32.f32 v40;
	v43 =	vadd.f32 v43, v44  }
0x458: {  	v55 =	vadd.f32 $2.022166550e-01, v42;
	v44 =	vsel vm2, v12, v13;
	vm2 =	vlt.f32 v38, v36  }
0x459: {  	v63 =	vld [tilespmem:s3+$0x110];
	v39 =	vmul.f32 v58, v46;
	v42 =	vadd.f32 $-1.000000000e+00, v48;
	v58 =	vand.u32 $0xFF800000, v50  }
0x45a: {  	v38 =	vsel vm2, v38, v36;
	v49 =	vsub.s32 v59, v58;
	v40 =	vmul.f32 v40, v7  }
0x45b: {  	v37 =	vmul.f32 v55, v41;
	v55 =	vshra.s32 v45, $0x17;
	v39 =	vadd.f32 $2.022166550e-01, v39  }
0x45c: {  	v49 =	vadd.f32 $-1.000000000e+00, v49;
	vm8 =	vlt.f32 v43, v38;
	v48 =	vcvt.s32.f32 v55  }
0x45d: {  	v55 =	vcvt.s32.f32 v47;
	v62 =	vadd.f32 $-2.495787590e-01, v37;
	v37 =	vsel vm2, v60, v57  }
0x45e: {  	v57 =	vmul.f32 $1.264473350e-01, v42;
	v39 =	vmul.f32 v39, v46;
	v52 =	vadd.s32 $0xC0CAFB0D, v63  }
0x45f: {  	v60 =	vmul.f32 $1.264473350e-01, v49;
	v59 =	vand.u32 $0xFF800000, v52;
	v48 =	vmul.f32 v48, v3  }
0x460: {  	v38 =	vmul.f32 v55, v5;
	v56 =	vmul.f32 v62, v41;
	v36 =	vadd.f32 $-1.825688330e-01, v57  }
0x461: {  	v39 =	vadd.f32 $-2.495787590e-01, v39;
	v51 =	vsub.s32 v63, v59;
	v53 =	vadd.f32 $-1.825688330e-01, v60  }
0x462: {  	v51 =	vadd.f32 $-1.000000000e+00, v51;
	v45 =	vadd.f32 $3.333088160e-01, v56;
	v36 =	vmul.f32 v36, v42  }
0x463: {  	v35 =	vsel vm7, $0x40800000, v35;
	v39 =	vmul.f32 v39, v46;
	v53 =	vmul.f32 v53, v49  }
0x464: {  	v62 =	vmul.f32 $1.264473350e-01, v51;
	v45 =	vmul.f32 v45, v41;
	v36 =	vadd.f32 $2.022166550e-01, v36  }
0x465: {  	v59 =	vmul.f32 v46, v46;
	v39 =	vadd.f32 $3.333088160e-01, v39;
	v53 =	vadd.f32 $2.022166550e-01, v53  }
0x466: {  	v58 =	vadd.f32 $-1.825688330e-01, v62;
	v45 =	vadd.f32 $-5.000000000e-01, v45;
	v36 =	vmul.f32 v36, v42  }
0x467: {  	v55 =	vshra.s32 v52, $0x17;
	v57 =	vld [tilespmem:s3+$0xFFFFFF20];
	v39 =	vmul.f32 v39, v46;
	v62 =	vmul.f32 v53, v49  }
0x468: {  	v63 =	vsel vm3, v14, v15;
	v54 =	vmul.f32 v58, v51;
	v45 =	vmul.f32 v45, v61  }
0x469: {  	v58 =	vmul.f32 v42, v42;
	v60 =	vadd.f32 $-2.495787590e-01, v36;
	v39 =	vadd.f32 $-5.000000000e-01, v39  }
0x46a: {  	v36 =	vsel vm2, v63, v44;
	v63 =	vadd.f32 $2.022166550e-01, v54;
	v41 =	vadd.f32 v45, v41  }
0x46b: {  	v61 =	vmul.f32 v60, v42;
	v39 =	vmul.f32 v39, v59;
	v45 =	vadd.f32 $-2.495787590e-01, v62  }
0x46c: {  	v47 =	vadd.s32 $0xC0CAFB0D, v57;
	v59 =	vmul.f32 v49, v49;
	v54 =	vmul.f32 v63, v51  }
0x46d: {  	v60 =	vand.u32 $0xFF800000, v47;
	v44 =	vadd.f32 $3.333088160e-01, v61;
	v45 =	vmul.f32 v45, v49  }
0x46e: {  	v41 =	vmul.f32 v41, v2;
	v39 =	vadd.f32 v39, v46;
	v46 =	vadd.f32 $-2.495787590e-01, v54  }
0x46f: {  	v54 =	vshra.s32 v50, $0x17;
	v56 =	vmul.f32 v44, v42;
	v45 =	vadd.f32 $3.333088160e-01, v45  }
0x470: {  	v39 =	vmul.f32 v39, v4;
	v41 =	vadd.f32 v41, v48;
	v46 =	vmul.f32 v46, v51  }
0x471: {  	v50 =	vld [tilespmem:s3+$0x20];
	v44 =	vsub.s32 v57, v60;
	v43 =	vadd.f32 $-5.000000000e-01, v56;
	v45 =	vmul.f32 v45, v49  }
0x472: {  	v62 =	vld [tilespmem:s3+$0xFFFFFFA0];
	v61 =	vmul.f32 v51, v51;
	v44 =	vadd.f32 $-1.000000000e+00, v44;
	v46 =	vadd.f32 $3.333088160e-01, v46  }
0x473: {  	v38 =	vadd.f32 v39, v38;
	v43 =	vmul.f32 v43, v58;
	v45 =	vadd.f32 $-5.000000000e-01, v45  }
0x474: {  	v37 =	vsel vm8, $0x40800000, v37;
	v53 =	vmul.f32 $1.264473350e-01, v44;
	v46 =	vmul.f32 v46, v51  }
0x475: {  	vm11 =	vlt.f32 v38, v41;
	v42 =	vadd.f32 v43, v42;
	v43 =	vmul.f32 v45, v59  }
0x476: {  	v48 =	vadd.s32 $0xC0CAFB0D, v50;
	v38 =	vsel vm11, v38, v41;
	v46 =	vadd.f32 $-5.000000000e-01, v46  }
0x477: {  	v42 =	vmul.f32 v42, v6;
	v43 =	vadd.f32 v43, v49;
	v49 =	vadd.s32 $0xC0CAFB0D, v62  }
0x478: {  	v45 =	vmul.f32 v46, v61;
	v46 =	vcvt.s32.f32 v55;
	v56 =	vand.u32 $0xFF800000, v49  }
0x479: {  	v63 =	vadd.f32 v42, v40;
	v42 =	vcvt.s32.f32 v54;
	v40 =	vadd.f32 $-1.825688330e-01, v53  }
0x47a: {  	v43 =	vmul.f32 v43, v8;
	v57 =	vsub.s32 v62, v56;
	v62 =	vld [tilespmem:s3+$0x120];
	v45 =	vadd.f32 v45, v51  }
0x47b: {  	v58 =	vsel vm11, $0x3F800000, v0;
	v42 =	vmul.f32 v42, v9;
	v40 =	vmul.f32 v40, v44  }
0x47c: {  	v60 =	vld [tilespmem:s3+$0xA0];
	v61 =	vand.u32 $0xFF800000, v48;
	v46 =	vmul.f32 v46, v11;
	v45 =	vmul.f32 v45, v10  }
0x47d: {  	v48 =	vshra.s32 v48, $0x17;
	v42 =	vadd.f32 v43, v42;
	v40 =	vadd.f32 $2.022166550e-01, v40  }
0x47e: {  	v48 =	vcvt.s32.f32 v48;
	v43 =	vadd.f32 $-1.000000000e+00, v57;
	v45 =	vadd.f32 v45, v46  }
0x47f: {  	v54 =	vadd.s32 $0xC0CAFB0D, v62;
	v40 =	vmul.f32 v40, v44;
	vm10 =	vlt.f32 v42, v63  }
0x480: {  	v59 =	vmul.f32 $1.264473350e-01, v43;
	v39 =	vsel vm10, v42, v63;
	v63 =	vsel vm10, $0x40400000, v1  }
0x481: {  	v42 =	vsub.s32 v50, v61;
	v50 =	vadd.s32 $0xC0CAFB0D, v60;
	v40 =	vadd.f32 $-2.495787590e-01, v40  }
0x482: {  	v46 =	vadd.f32 $-1.825688330e-01, v59;
	vm9 =	vlt.f32 v39, v38;
	v42 =	vadd.f32 $-1.000000000e+00, v42  }
0x483: {  	v59 =	vand.u32 $0xFF800000, v54;
	v39 =	vsel vm9, v39, v38;
	v38 =	vsel vm9, v63, v58  }
0x484: {  	v58 =	vand.u32 $0xFF800000, v50;
	v52 =	vsub.s32 v62, v59;
	v40 =	vmul.f32 v40, v44  }
0x485: {  	v50 =	vshra.s32 v50, $0x17;
	v56 =	vmul.f32 v46, v43;
	v57 =	vmul.f32 $1.264473350e-01, v42  }
0x486: {  	v51 =	vsub.s32 v60, v58;
	v52 =	vadd.f32 $-1.000000000e+00, v52;
	v60 =	vmul.f32 v44, v44  }
0x487: {  	v50 =	vcvt.s32.f32 v50;
	v40 =	vadd.f32 $3.333088160e-01, v40;
	v41 =	vadd.f32 $2.022166550e-01, v56  }
0x488: {  	v51 =	vadd.f32 $-1.000000000e+00, v51;
	v46 =	vadd.f32 $-1.825688330e-01, v57;
	v62 =	vmul.f32 $1.264473350e-01, v52  }
0x489: {  	v47 =	vshra.s32 v47, $0x17;
	v41 =	vmul.f32 v41, v43;
	v40 =	vmul.f32 v40, v44  }
0x48a: {  	v61 =	vmul.f32 $1.264473350e-01, v51;
	v46 =	vmul.f32 v46, v42;
	v58 =	vadd.f32 $-1.825688330e-01, v62  }
0x48b: {  	v62 =	vmul.f32 v43, v43;
	v41 =	vadd.f32 $-2.495787590e-01, v41;
	v40 =	vadd.f32 $-5.000000000e-01, v40  }
0x48c: {  	v55 =	vadd.f32 $-1.825688330e-01, v61;
	v61 =	vcvt.s32.f32 v47;
	v46 =	vadd.f32 $2.022166550e-01, v46  }
0x48d: {  	v49 =	vshra.s32 v49, $0x17;
	v63 =	vmul.f32 v41, v43;
	v40 =	vmul.f32 v40, v60  }
0x48e: {  	vm6 =	vlt.f32 v45, v39;
	v57 =	vmul.f32 v46, v42;
	v41 =	vmul.f32 v55, v51  }
0x48f: {  	v60 =	vmul.f32 v58, v52;
	v46 =	vmul.f32 v61, v3;
	v39 =	vadd.f32 $3.333088160e-01, v63  }
0x490: {  	v58 =	vmul.f32 v42, v42;
	v59 =	vadd.f32 $-2.495787590e-01, v57;
	v41 =	vadd.f32 $2.022166550e-01, v41  }
0x491: {  	v55 =	vmul.f32 v50, v9;
	v45 =	vadd.f32 $2.022166550e-01, v60;
	v63 =	vld [tilespmem:s3+$0xFFFFFF30];
	v39 =	vmul.f32 v39, v43  }
0x492: {  	v40 =	vadd.f32 v40, v44;
	v44 =	vmul.f32 v59, v42;
	v41 =	vmul.f32 v41, v51  }
0x493: {  	v57 =	vcvt.s32.f32 v49;
	v45 =	vmul.f32 v45, v52;
	v39 =	vadd.f32 $-5.000000000e-01, v39  }
0x494: {  	v40 =	vmul.f32 v40, v2;
	v44 =	vadd.f32 $3.333088160e-01, v44;
	v41 =	vadd.f32 $-2.495787590e-01, v41  }
0x495: {  	v47 =	vmul.f32 v57, v5;
	v45 =	vadd.f32 $-2.495787590e-01, v45;
	v39 =	vmul.f32 v39, v62  }
0x496: {  	v49 =	vadd.s32 $0xC0CAFB0D, v63;
	v44 =	vmul.f32 v44, v42;
	v41 =	vmul.f32 v41, v51  }
0x497: {  	v45 =	vmul.f32 v45, v52;
	v59 =	vand.u32 $0xFF800000, v49;
	v49 =	vshra.s32 v49, $0x17  }
0x498: {  	v61 =	vsub.s32 v63, v59;
	v63 =	vmul.f32 v51, v51;
	v41 =	vadd.f32 $3.333088160e-01, v41  }
0x499: {  	v49 =	vcvt.s32.f32 v49;
	v60 =	vadd.f32 $3.333088160e-01, v45;
	v45 =	vadd.f32 $-1.000000000e+00, v61  }
0x49a: {  	v39 =	vadd.f32 v39, v43;
	v44 =	vadd.f32 $-5.000000000e-01, v44;
	v41 =	vmul.f32 v41, v51  }
0x49b: {  	v40 =	vadd.f32 v40, v46;
	v49 =	vmul.f32 v49, v3;
	v57 =	vmul.f32 $1.264473350e-01, v45  }
0x49c: {  	v39 =	vmul.f32 v39, v4;
	v43 =	vmul.f32 v44, v58;
	v41 =	vadd.f32 $-5.000000000e-01, v41  }
0x49d: {  	v62 =	vmul.f32 v60, v52;
	v60 =	vmul.f32 v48, v7;
	v48 =	vld [tilespmem:s3+$0xB0];
	v59 =	vadd.f32 $-1.825688330e-01, v57  }
0x49e: {  	v61 =	vld [tilespmem:s3+$0xFFFFFFB0];
	v58 =	vmul.f32 v52, v52;
	v42 =	vadd.f32 v43, v42;
	v41 =	vmul.f32 v41, v63  }
0x49f: {  	v43 =	vadd.f32 $-5.000000000e-01, v62;
	v62 =	vshra.s32 v54, $0x17;
	v44 =	vmul.f32 v59, v45;
	v63 =	vld [tilespmem:s3+$0x30]  }
0x4a0: {  	v39 =	vadd.f32 v39, v47;
	v42 =	vmul.f32 v42, v6;
	v41 =	vadd.f32 v41, v51  }
0x4a1: {  	v43 =	vmul.f32 v43, v58;
	v51 =	vcvt.s32.f32 v62;
	v44 =	vadd.f32 $2.022166550e-01, v44  }
0x4a2: {  	vm14 =	vlt.f32 v39, v40;
	v54 =	vadd.s32 $0xC0CAFB0D, v48;
	v41 =	vmul.f32 v41, v8  }
0x4a3: {  	v56 =	vmul.f32 v51, v11;
	v44 =	vmul.f32 v44, v45;
	v51 =	vadd.s32 $0xC0CAFB0D, v61  }
0x4a4: {  	v42 =	vadd.f32 v42, v60;
	v57 =	vand.u32 $0xFF800000, v51;
	v47 =	vadd.s32 $0xC0CAFB0D, v63  }
0x4a5: {  	v41 =	vadd.f32 v41, v55;
	v44 =	vadd.f32 $-2.495787590e-01, v44;
	v46 =	vsub.s32 v61, v57  }
0x4a6: {  	v43 =	vadd.f32 v43, v52;
	v59 =	vand.u32 $0xFF800000, v47;
	v46 =	vadd.f32 $-1.000000000e+00, v46  }
0x4a7: {  	v58 =	vmul.f32 v44, v45;
	vm13 =	vlt.f32 v41, v42;
	v44 =	vsub.s32 v63, v59  }
0x4a8: {  	v60 =	vmul.f32 $1.264473350e-01, v46;
	v41 =	vsel vm13, v41, v42;
	v42 =	vadd.f32 $-1.000000000e+00, v44;
	v44 =	vld [tilespmem:s3+$0x130]  }
0x4a9: {  	v39 =	vsel vm14, v39, v40;
	v43 =	vmul.f32 v43, v10;
	v63 =	vand.u32 $0xFF800000, v54  }
0x4aa: {  	v48 =	vsub.s32 v48, v63;
	v50 =	vadd.f32 $-1.825688330e-01, v60;
	v61 =	vmul.f32 $1.264473350e-01, v42  }
0x4ab: {  	v62 =	vmul.f32 v45, v45;
	v40 =	vadd.f32 $3.333088160e-01, v58;
	v48 =	vadd.f32 $-1.000000000e+00, v48  }
0x4ac: {  	v43 =	vadd.f32 v43, v56;
	v50 =	vmul.f32 v50, v46;
	v53 =	vadd.f32 $-1.825688330e-01, v61  }
0x4ad: {  	v40 =	vmul.f32 v40, v45;
	v61 =	vmul.f32 $1.264473350e-01, v48;
	v56 =	vadd.s32 $0xC0CAFB0D, v44  }
0x4ae: {  	v50 =	vadd.f32 $2.022166550e-01, v50;
	v53 =	vmul.f32 v53, v42;
	v60 =	vand.u32 $0xFF800000, v56  }
0x4af: {  	v40 =	vadd.f32 $-5.000000000e-01, v40;
	v55 =	vadd.f32 $-1.825688330e-01, v61;
	v44 =	vsub.s32 v44, v60  }
0x4b0: {  	v50 =	vmul.f32 v50, v46;
	v53 =	vadd.f32 $2.022166550e-01, v53;
	v44 =	vadd.f32 $-1.000000000e+00, v44  }
0x4b1: {  	vm12 =	vlt.f32 v41, v39;
	v40 =	vmul.f32 v40, v62;
	v61 =	vmul.f32 v55, v48  }
0x4b2: {  	v50 =	vadd.f32 $-2.495787590e-01, v50;
	v62 =	vmul.f32 v53, v42;
	v63 =	vmul.f32 $1.264473350e-01, v44  }
0x4b3: {  	v57 =	vsel vm12, v41, v39;
	v40 =	vadd.f32 v40, v45;
	v41 =	vadd.f32 $2.022166550e-01, v61  }
0x4b4: {  	v60 =	vmul.f32 v50, v46;
	v45 =	vadd.f32 $-2.495787590e-01, v62;
	v62 =	vadd.f32 $-1.825688330e-01, v63  }
0x4b5: {  	v52 =	vsel vm14, $0x3F800000, v0;
	v51 =	vshra.s32 v51, $0x17;
	v40 =	vmul.f32 v40, v2  }
0x4b6: {  	v58 =	vmul.f32 v41, v48;
	v39 =	vadd.f32 $3.333088160e-01, v60;
	v50 =	vmul.f32 v62, v44  }
0x4b7: {  	v51 =	vcvt.s32.f32 v51;
	v49 =	vadd.f32 v40, v49;
	v45 =	vmul.f32 v45, v42  }
0x4b8: {  	v40 =	vadd.f32 $-2.495787590e-01, v58;
	v39 =	vmul.f32 v39, v46;
	v60 =	vadd.f32 $2.022166550e-01, v50  }
0x4b9: {  	v61 =	vmul.f32 v46, v46;
	v63 =	vsel vm13, $0x40400000, v1;
	v59 =	vadd.f32 $3.333088160e-01, v45  }
0x4ba: {  	v50 =	vld [tilespmem:s16+$0xFFFFFEF0];
	v62 =	vmul.f32 v40, v48;
	v39 =	vadd.f32 $-5.000000000e-01, v39;
	v45 =	vmul.f32 v60, v44  }
0x4bb: {  	v47 =	vshra.s32 v47, $0x17;
	v52 =	vsel vm12, v63, v52;
	v41 =	vmul.f32 v59, v42  }
0x4bc: {  	[tilespmem:s4+$0xFFFFFF20] =	vst v33;
	v33 =	vmul.f32 v39, v61;
	v45 =	vadd.f32 $-2.495787590e-01, v45;
	v39 =	vadd.f32 $3.333088160e-01, v62  }
0x4bd: {  	v63 =	vmul.f32 v42, v42;
	v59 =	vmul.f32 v51, v5;
	v41 =	vadd.f32 $-5.000000000e-01, v41  }
0x4be: {  	vm2 =	vlt.f32 v43, v57;
	v58 =	vmul.f32 v45, v44;
	v39 =	vmul.f32 v39, v48  }
0x4bf: {  	v55 =	vadd.f32 v35, v50;
	v33 =	vadd.f32 v33, v46;
	v40 =	vmul.f32 v41, v63  }
0x4c0: {  	v60 =	vmul.f32 v48, v48;
	v41 =	vadd.f32 $3.333088160e-01, v58;
	v61 =	vadd.f32 $-5.000000000e-01, v39  }
0x4c1: {  	v53 =	vld [tilespmem:s16+$0xFFFFFFE0];
	v62 =	vcvt.s32.f32 v47;
	[tilespmem:s4+$0xFFFFFEB0] =	vst v55;
	v33 =	vmul.f32 v33, v4;
	v40 =	vadd.f32 v40, v42  }
0x4c2: {  	v51 =	vld [tilespmem:s16+$0xFFFFFF70];
	v58 =	vshra.s32 v54, $0x17;
	v41 =	vmul.f32 v41, v44;
	v63 =	vmul.f32 v61, v60  }
0x4c3: {  	v42 =	vcvt.s32.f32 v58;
	v46 =	vadd.f32 v33, v59;
	v33 =	vmul.f32 v40, v6  }
0x4c4: {  	v47 =	vld [tilespmem:s16+$0xFFFFFF00];
	v59 =	vmul.f32 v44, v44;
	v60 =	vadd.f32 $-5.000000000e-01, v41;
	v40 =	vadd.f32 v63, v48  }
0x4c5: {  	v39 =	vsel vm7, v16, v34;
	v34 =	vmul.f32 v62, v7;
	v42 =	vmul.f32 v42, v9  }
0x4c6: {  	v45 =	vadd.f32 v28, v53;
	v61 =	vmul.f32 v60, v59;
	v63 =	vmul.f32 v40, v8  }
0x4c7: {  	v56 =	vshra.s32 v56, $0x17;
	v41 =	vld [tilespmem:s16+$0xFFFFFF10];
	v55 =	vadd.f32 v33, v34;
	v62 =	vadd.f32 v35, v51  }
0x4c8: {  	v60 =	vcvt.s32.f32 v56;
	v44 =	vadd.f32 v61, v44;
	v59 =	vadd.f32 v63, v42  }
0x4c9: {  	v58 =	vadd.f32 v37, v47;
	v33 =	vsel vm6, $0x40800000, v38;
	vm7 =	vlt.f32 v46, v49;
	v40 =	vld [tilespmem:s16+$0xFFFFFF20];
	[tilespmem:s4+$0xFFFFFF30] =	vst v62  }
0x4ca: {  	v42 =	vld [tilespmem:s16+$0xFFFFFFF0];
	v63 =	vmul.f32 v60, v11;
	v62 =	vmul.f32 v44, v10;
	vm15 =	vlt.f32 v59, v55  }
0x4cb: {  	[tilespmem:s4+$0xFFFFFEC0] =	vst v58;
	v34 =	vsel vm2, $0x40800000, v52;
	v38 =	vld [tilespmem:s16+$0xFFFFFF30];
	v46 =	vsel vm7, v46, v49;
	v56 =	vsel vm15, v59, v55  }
0x4cc: {  	[tilespmem:s4+$0xFFFFFFA0] =	vst v45;
	v61 =	vadd.f32 v33, v41;
	v44 =	vld [tilespmem:s16+$0xFFFFFF80];
	v43 =	vadd.f32 v62, v63;
	vm3 =	vlt.f32 v56, v46  }
0x4cd: {  	[tilespmem:s4+$0x10] =	vst v29;
	v48 =	vld [tilespmem:s16+$0x60];
	v58 =	vsel vm7, $0x3F800000, v0;
	v59 =	vsel vm15, $0x40400000, v1;
	v46 =	vsel vm3, v56, v46  }
0x4ce: {  	v52 =	vld [tilespmem:s16+$0xD0];
	v57 =	vadd.f32 v34, v40;
	[tilespmem:s4+$0xFFFFFED0] =	vst v61;
	v45 =	vsel vm3, v59, v58;
	vm4 =	vlt.f32 v43, v46  }
0x4cf: {  	v26 =	vmul.f32 $5.000000000e-01, v26;
	v60 =	vadd.f32 v35, v42;
	v46 =	vld [tilespmem:s16+$0xFFFFFF90];
	v24 =	vsel vm4, $0x40800000, v45  }
0x4d0: {  	v17 =	vadd.f32 v17, v22;
	v23 =	vmul.f32 v23, v23;
	[tilespmem:s4+$0xFFFFFEE0] =	vst v57;
	v63 =	vadd.f32 v24, v38  }
0x4d1: {  	v21 =	vsub.f32 v21, v26;
	v31 =	vmul.f32 v31, v31;
	v61 =	vadd.f32 v37, v44;
	[tilespmem:s4+$0xFFFFFFB0] =	vst v60;
	v45 =	vld [tilespmem:s16+$0xFFFFFFA0]  }
0x4d2: {  	v32 =	vmul.f32 v32, v32;
	v62 =	vmul.f32 v20, v20;
	v57 =	vadd.f32 v28, v48;
	v54 =	vld [tilespmem:s16+$0x70];
	[tilespmem:s4+$0xFFFFFEF0] =	vst v63  }
0x4d3: {  	v29 =	vsel vm10, v14, v15;
	v18 =	vadd.f32 v18, v52;
	v40 =	vmul.f32 v40, v40;
	[tilespmem:s4+$0xFFFFFF40] =	vst v61;
	v43 =	vld [tilespmem:s16+$0xFFFFFFB0]  }
0x4d4: {  	v56 =	vmul.f32 v25, v25;
	v55 =	vadd.f32 v23, v62;
	[tilespmem:s4+$0x20] =	vst v57;
	v25 =	vld [tilespmem:s16+$0x0];
	v59 =	vadd.f32 v33, v46  }
0x4d5: {  	v20 =	vsel vm8, v16, v36;
	v36 =	vsel vm11, v12, v13;
	v58 =	vmul.f32 v27, v27;
	v49 =	vld [tilespmem:s16+$0xE0]  }
0x4d6: {  	v29 =	vsel vm9, v29, v36;
	v22 =	vadd.f32 v56, v55;
	v60 =	vadd.f32 v34, v45;
	[tilespmem:s4+$0xFFFFFF50] =	vst v59  }
0x4d7: {  	v62 =	vadd.f32 v32, v31;
	v63 =	vmul.f32 v53, v53;
	v61 =	vadd.f32 v35, v54;
	v53 =	vld [tilespmem:s16+$0x10]  }
0x4d8: {  	v23 =	vmul.f32 v52, v52;
	v22 =	vadd.f32 v58, v22;
	[tilespmem:s4+$0xFFFFFF60] =	vst v60;
	v60 =	vadd.f32 v24, v43  }
0x4d9: {  	v32 =	vsel vm14, v12, v13;
	v59 =	vmul.f32 v51, v51;
	v57 =	vadd.f32 v37, v25;
	[tilespmem:s4+$0x30] =	vst v61;
	v51 =	vld [tilespmem:s16+$0x20]  }
0x4da: {  	v58 =	vmul.f32 v50, v50;
	v22 =	vadd.f32 v23, v22;
	v52 =	vmul.f32 v49, v49;
	v31 =	vld [tilespmem:s16+$0xF0];
	[tilespmem:s4+$0xFFFFFF70] =	vst v60  }
0x4db: {  	v54 =	vmul.f32 v54, v54;
	v61 =	vadd.f32 v63, v62;
	v62 =	vmul.f32 v48, v48;
	[tilespmem:s4+$0xFFFFFFC0] =	vst v57;
	v48 =	vld [tilespmem:s16+$0x30]  }
0x4dc: {  	v26 =	vadd.f32 v59, v58;
	v63 =	vmul.f32 v42, v42;
	v42 =	vld [tilespmem:s16+$0x80];
	v55 =	vadd.f32 v33, v53  }
0x4dd: {  	v22 =	vmul.f32 $5.000000000e-01, v22;
	v58 =	vmul.f32 v47, v47;
	v23 =	vadd.f32 v62, v61  }
0x4de: {  	v59 =	vmul.f32 v44, v44;
	v26 =	vadd.f32 v63, v26;
	v56 =	vadd.f32 v34, v51;
	[tilespmem:s4+$0xFFFFFFD0] =	vst v55  }
0x4df: {  	v25 =	vmul.f32 v25, v25;
	v19 =	vsub.f32 v19, v22;
	v23 =	vadd.f32 v52, v23;
	v47 =	vld [tilespmem:s16+$0x90]  }
0x4e0: {  	v26 =	vadd.f32 v54, v26;
	v57 =	vmul.f32 v31, v31;
	[tilespmem:s4+$0xFFFFFFE0] =	vst v56;
	v61 =	vadd.f32 v24, v48  }
0x4e1: {  	v22 =	vadd.f32 v28, v49;
	v23 =	vmul.f32 $5.000000000e-01, v23;
	v60 =	vadd.f32 v37, v42;
	v28 =	vld [tilespmem:s16+$0xA0]  }
0x4e2: {  	v62 =	vadd.f32 v59, v58;
	v59 =	vmul.f32 v45, v45;
	v26 =	vadd.f32 v57, v26;
	[tilespmem:s4+$0xFFFFFFF0] =	vst v61  }
0x4e3: {  	v45 =	vmul.f32 v38, v38;
	v23 =	vsub.f32 v30, v23;
	v30 =	vadd.f32 v35, v31;
	[tilespmem:s4+$0x40] =	vst v60;
	v35 =	vld [tilespmem:s16+$0xB0]  }
0x4e4: {  	v52 =	vmul.f32 v46, v46;
	v46 =	vmul.f32 v43, v43;
	v63 =	vld [tilespmem:s16+$0x100];
	v54 =	vadd.f32 v33, v47  }
0x4e5: {  	v50 =	vmul.f32 v41, v41;
	[tilespmem:s4+$0x110] =	vst v19;
	v25 =	vadd.f32 v25, v62;
	v26 =	vmul.f32 $5.000000000e-01, v26  }
0x4e6: {  	v19 =	vadd.f32 v46, v45;
	v49 =	vmul.f32 v42, v42;
	v56 =	vadd.f32 v34, v28;
	[tilespmem:s4+$0x50] =	vst v54  }
0x4e7: {  	v58 =	vmul.f32 v53, v53;
	v57 =	vadd.f32 v52, v50;
	v26 =	vsub.f32 v39, v26;
	v39 =	vld [tilespmem:s16+$0x110]  }
0x4e8: {  	v55 =	vsel vm13, v14, v15;
	v25 =	vadd.f32 v49, v25;
	[tilespmem:s4+$0x60] =	vst v56;
	v60 =	vadd.f32 v24, v35  }
0x4e9: {  	[tilespmem:s4+$0x80] =	vst v17;
	v27 =	vadd.f32 v58, v57;
	v61 =	vadd.f32 v59, v40;
	v17 =	vmul.f32 v63, v63;
	v31 =	vld [tilespmem:s16+$0x120]  }
0x4ea: {  	v62 =	vmul.f32 v47, v47;
	v37 =	vadd.f32 v37, v63;
	v63 =	vmul.f32 v51, v51;
	[tilespmem:s4+$0x70] =	vst v60  }
0x4eb: {  	[tilespmem:s4+$0x100] =	vst v21;
	v47 =	vmul.f32 v28, v28;
	v51 =	vmul.f32 v48, v48;
	v17 =	vadd.f32 v17, v25;
	v49 =	vld [tilespmem:s16+$0x130]  }
0x4ec: {  	[tilespmem:s4+$0x90] =	vst v18;
	v18 =	vadd.f32 v62, v27;
	v21 =	vadd.f32 v63, v61;
	v50 =	vmul.f32 v39, v39  }
0x4ed: {  	[tilespmem:s4+$0xA0] =	vst v22;
	v53 =	vmul.f32 v35, v35;
	v19 =	vadd.f32 v51, v19;
	v17 =	vmul.f32 $5.000000000e-01, v17  }
0x4ee: {  	[tilespmem:s4+$0x120] =	vst v23;
	v21 =	vadd.f32 v47, v21;
	v52 =	vmul.f32 v31, v31;
	v18 =	vadd.f32 v50, v18  }
0x4ef: {  	[tilespmem:s4+$0xB0] =	vst v30;
	v54 =	vsel vm12, v55, v32;
	v19 =	vadd.f32 v53, v19;
	v17 =	vsub.f32 v20, v17  }
0x4f0: {  	[tilespmem:s4+$0x130] =	vst v26;
	v55 =	vadd.f32 v52, v21;
	v18 =	vmul.f32 $5.000000000e-01, v18;
	v56 =	vmul.f32 v49, v49  }
0x4f1: {  	v57 =	vsel vm6, v16, v29;
	v58 =	vsel vm2, v16, v54;
	[tilespmem:s4+$0xC0] =	vst v37;
	v59 =	vadd.f32 v33, v39  }
0x4f2: {  	s0 =	sadd.s32 $0x80, s0;
	[tilespmem:s4+$0x140] =	vst v17;
	v17 =	vsub.f32 v57, v18;
	v18 =	vadd.f32 v56, v19;
	v19 =	vmul.f32 $5.000000000e-01, v55  }
0x4f3: {  	p0 =	slt.u32 s0, $0x780;
	v61 =	vsel vm15, v14, v15;
	v60 =	vsel vm7, v12, v13;
	v62 =	vadd.f32 v34, v31;
	[tilespmem:s4+$0xD0] =	vst v59  }
.Ltmp3:
0x4f4: {  	v20 =	vsel vm3, v61, v60;
	[tilespmem:s4+$0x150] =	vst v17;
	v17 =	vsub.f32 v58, v19;
	v18 =	vmul.f32 $5.000000000e-01, v18;
	(pc) =	sbr.rel @p0 .LBB2_8-.Ltmp3, $4  }
0x4f5: {  	[tilespmem:s4+$0xE0] =	vst v62;
	v63 =	vadd.f32 v24, v49;
	v19 =	vsel vm4, v16, v20  }
0x4f6: {  	[tilespmem:s4+$0x160] =	vst v17;
	v17 =	vsub.f32 v19, v18  }
0x4f7: {  	[tilespmem:s4+$0xF0] =	vst v63  }
0x4f8: {  	s3 =	sadd.s32 $0x400, s3;
	s16 =	sadd.s32 $0x400, s16;
	[tilespmem:s4+$0x170] =	vst v17;
	s4 =	sadd.s32 $0x400, s4  }
0x4f9: {  	[hbm4b:s13+s5] =	stream.linear.scatter [tilespmem:s22], [sflag:$0x3], $0x4000, $0x38;
	[tilespmem:$0x18080] =	vst v63  }
0x4fa: {  	_ =	swait.ge [sflag:s23], $0x4000  }
0x4fb: {  	[sflag:s23] =	ssyncset.done $0x0  }
0x4fc: {  	[sflag:s23] =	ssyncadd.s32 $0xFFFFC000  }
0x4fd: {  	_ =	swait.ge [sflag:s23], $0x4000  }
0x4fe: {  	[sflag:s23] =	ssyncset.done $0x0  }
0x4ff: {  	[sflag:s23] =	ssyncadd.s32 $0xFFFFC000  }
0x500: {  	_ =	swait.ge [sflag:s26], $0x4000  }
0x501: {  	s0 =	simm.s32 $0xFFFFFF80;
	s4 =	simm.s32 $0x14180;
	[sflag:s26] =	ssyncset.done $0x0  }
0x502: {  	s3 =	simm.s32 $0x4140;
	s16 =	simm.s32 $0xC140;
	[sflag:s26] =	ssyncadd.s32 $0xFFFFC000  }
.LBB2_10:
0x503: {  	v17 =	vld [tilespmem:s3+$0xFFFFFEC0]  }
0x504: {  	v19 =	vld [tilespmem:s3+$0xFFFFFF40]  }
0x505: {  	v22 =	vld [tilespmem:s3+$0xFFFFFFC0]  }
0x506: {  	v25 =	vld [tilespmem:s3+$0x40]  }
0x507: {  	v57 =	vld [tilespmem:s3+$0xC0]  }
0x508: {  	v43 =	vld [tilespmem:s3+$0xFFFFFF50];
	_ =	sdelay $0x3  }
0x509: {  	v18 =	vadd.s32 $0xC0CAFB0D, v17;
	v21 =	vadd.s32 $0xC0CAFB0D, v19;
	v24 =	vadd.s32 $0xC0CAFB0D, v22  }
0x50a: {  	v28 =	vadd.s32 $0xC0CAFB0D, v25;
	v58 =	vadd.s32 $0xC0CAFB0D, v57;
	v49 =	vadd.s32 $0xC0CAFB0D, v43  }
0x50b: {  	v20 =	vand.u32 $0xFF800000, v18;
	v23 =	vand.u32 $0xFF800000, v21;
	v26 =	vand.u32 $0xFF800000, v24  }
0x50c: {  	v29 =	vand.u32 $0xFF800000, v28;
	v30 =	vand.u32 $0xFF800000, v58;
	v18 =	vshra.s32 v18, $0x17  }
0x50d: {  	v21 =	vshra.s32 v21, $0x17;
	v24 =	vshra.s32 v24, $0x17;
	v44 =	vshra.s32 v28, $0x17  }
0x50e: {  	v47 =	vshra.s32 v58, $0x17;
	v28 =	vshra.s32 v49, $0x17;
	v17 =	vsub.s32 v17, v20  }
0x50f: {  	v19 =	vsub.s32 v19, v23;
	v22 =	vsub.s32 v22, v26;
	v17 =	vadd.f32 $-1.000000000e+00, v17  }
0x510: {  	v18 =	vcvt.s32.f32 v18;
	v21 =	vcvt.s32.f32 v21;
	v19 =	vadd.f32 $-1.000000000e+00, v19  }
0x511: {  	v25 =	vsub.s32 v25, v29;
	v24 =	vcvt.s32.f32 v24;
	v55 =	vmul.f32 $1.264473350e-01, v17  }
0x512: {  	v26 =	vsub.s32 v57, v30;
	v28 =	vcvt.s32.f32 v28;
	v56 =	vmul.f32 $1.264473350e-01, v19  }
0x513: {  	v22 =	vadd.f32 $-1.000000000e+00, v22;
	v18 =	vmul.f32 v18, v3;
	v20 =	vadd.f32 $-1.825688330e-01, v55  }
0x514: {  	v21 =	vmul.f32 v21, v5;
	v40 =	vmul.f32 v24, v7;
	v23 =	vadd.f32 $-1.825688330e-01, v56  }
0x515: {  	v25 =	vadd.f32 $-1.000000000e+00, v25;
	v27 =	vmul.f32 $1.264473350e-01, v22;
	v20 =	vmul.f32 v20, v17  }
0x516: {  	v26 =	vadd.f32 $-1.000000000e+00, v26;
	v28 =	vmul.f32 v28, v5;
	v23 =	vmul.f32 v23, v19  }
0x517: {  	v31 =	vmul.f32 $1.264473350e-01, v25;
	v27 =	vadd.f32 $-1.825688330e-01, v27;
	v20 =	vadd.f32 $2.022166550e-01, v20  }
0x518: {  	v59 =	vmul.f32 v17, v17;
	v32 =	vmul.f32 $1.264473350e-01, v26;
	v23 =	vadd.f32 $2.022166550e-01, v23  }
0x519: {  	v50 =	vand.u32 $0xFF800000, v49;
	v27 =	vmul.f32 v27, v22;
	v20 =	vmul.f32 v20, v17  }
0x51a: {  	v52 =	vsub.s32 v43, v50;
	v63 =	vmul.f32 v19, v19;
	v23 =	vmul.f32 v23, v19  }
0x51b: {  	v35 =	vmul.f32 v22, v22;
	v27 =	vadd.f32 $2.022166550e-01, v27;
	v20 =	vadd.f32 $-2.495787590e-01, v20  }
0x51c: {  	v38 =	vmul.f32 v25, v25;
	v31 =	vadd.f32 $-1.825688330e-01, v31;
	v23 =	vadd.f32 $-2.495787590e-01, v23  }
0x51d: {  	v36 =	vld [tilespmem:s3+$0xFFFFFED0];
	v60 =	vadd.f32 $-1.825688330e-01, v32;
	v27 =	vmul.f32 v27, v22;
	v20 =	vmul.f32 v20, v17  }
0x51e: {  	v54 =	vadd.f32 $-1.000000000e+00, v52;
	v31 =	vmul.f32 v31, v25;
	v23 =	vmul.f32 v23, v19  }
0x51f: {  	v62 =	vmul.f32 v60, v26;
	v27 =	vadd.f32 $-2.495787590e-01, v27;
	v20 =	vadd.f32 $3.333088160e-01, v20  }
0x520: {  	v42 =	vmul.f32 v26, v26;
	v31 =	vadd.f32 $2.022166550e-01, v31;
	v23 =	vadd.f32 $3.333088160e-01, v23  }
0x521: {  	v61 =	vmul.f32 v27, v22;
	v27 =	vadd.f32 $2.022166550e-01, v62;
	v20 =	vmul.f32 v20, v17  }
0x522: {  	v24 =	vadd.s32 $0xC0CAFB0D, v36;
	v31 =	vmul.f32 v31, v25;
	v23 =	vmul.f32 v23, v19  }
0x523: {  	v45 =	vand.u32 $0xFF800000, v24;
	v27 =	vmul.f32 v27, v26;
	v20 =	vadd.f32 $-5.000000000e-01, v20  }
0x524: {  	v53 =	vld [tilespmem:s3+$0xFFFFFFD0];
	v24 =	vshra.s32 v24, $0x17;
	v33 =	vadd.f32 $-2.495787590e-01, v31;
	v23 =	vadd.f32 $-5.000000000e-01, v23  }
0x525: {  	v57 =	vld [tilespmem:s3+$0x50];
	v24 =	vcvt.s32.f32 v24;
	v27 =	vadd.f32 $-2.495787590e-01, v27;
	v20 =	vmul.f32 v20, v59  }
0x526: {  	v46 =	vsub.s32 v36, v45;
	v34 =	vmul.f32 v33, v25;
	v23 =	vmul.f32 v23, v63  }
0x527: {  	v27 =	vmul.f32 v27, v26;
	v17 =	vadd.f32 v20, v17;
	v20 =	vadd.f32 $3.333088160e-01, v61  }
0x528: {  	v56 =	vmul.f32 $1.264473350e-01, v54;
	v59 =	vld [tilespmem:s3+$0xD0];
	v19 =	vadd.f32 v23, v19;
	v23 =	vadd.f32 $3.333088160e-01, v34  }
0x529: {  	v24 =	vmul.f32 v24, v3;
	v60 =	vadd.s32 $0xC0CAFB0D, v53;
	v37 =	vadd.f32 $3.333088160e-01, v27  }
0x52a: {  	v62 =	vadd.s32 $0xC0CAFB0D, v57;
	v20 =	vmul.f32 v20, v22;
	v23 =	vmul.f32 v23, v25  }
0x52b: {  	v63 =	vand.u32 $0xFF800000, v62;
	v39 =	vmul.f32 v37, v26;
	v17 =	vmul.f32 v17, v2  }
0x52c: {  	v19 =	vmul.f32 v19, v4;
	v20 =	vadd.f32 $-5.000000000e-01, v20;
	v23 =	vadd.f32 $-5.000000000e-01, v23  }
0x52d: {  	v61 =	vand.u32 $0xFF800000, v60;
	v36 =	vadd.s32 $0xC0CAFB0D, v59;
	v17 =	vadd.f32 v17, v18  }
0x52e: {  	v19 =	vadd.f32 v19, v21;
	v20 =	vmul.f32 v20, v35;
	v41 =	vmul.f32 v23, v38  }
0x52f: {  	v21 =	vcvt.s32.f32 v44;
	v44 =	vmul.f32 v54, v54;
	v23 =	vadd.f32 $-1.000000000e+00, v46  }
0x530: {  	vm6 =	vlt.f32 v19, v17;
	v20 =	vadd.f32 v20, v22;
	v22 =	vadd.f32 v41, v25  }
0x531: {  	v21 =	vmul.f32 v21, v9;
	v17 =	vsel vm6, v19, v17;
	v48 =	vmul.f32 $1.264473350e-01, v23  }
0x532: {  	v18 =	vmul.f32 v20, v6;
	v20 =	vadd.f32 $-5.000000000e-01, v39;
	v22 =	vmul.f32 v22, v8  }
0x533: {  	v25 =	vcvt.s32.f32 v47;
	v35 =	vmul.f32 v23, v23;
	v51 =	vadd.f32 $-1.825688330e-01, v48  }
0x534: {  	v18 =	vadd.f32 v18, v40;
	v20 =	vmul.f32 v20, v42;
	v21 =	vadd.f32 v22, v21  }
0x535: {  	v55 =	vsel vm6, $0x3F800000, v0;
	v25 =	vmul.f32 v25, v11;
	v19 =	vmul.f32 v51, v23  }
0x536: {  	v39 =	vand.u32 $0xFF800000, v36;
	v20 =	vadd.f32 v20, v26;
	vm3 =	vlt.f32 v21, v18  }
0x537: {  	v37 =	vld [tilespmem:s16+$0xFFFFFEC0];
	v19 =	vadd.f32 $2.022166550e-01, v19;
	v26 =	vsub.s32 v57, v63;
	v18 =	vsel vm3, v21, v18  }
0x538: {  	v58 =	vsel vm3, $0x40400000, v1;
	v26 =	vadd.f32 $-1.000000000e+00, v26;
	v21 =	vshra.s32 v60, $0x17  }
0x539: {  	v20 =	vmul.f32 v20, v10;
	vm2 =	vlt.f32 v18, v17;
	v19 =	vmul.f32 v19, v23  }
0x53a: {  	v21 =	vcvt.s32.f32 v21;
	v17 =	vsel vm2, v18, v17;
	v18 =	vadd.f32 $-1.825688330e-01, v56  }
0x53b: {  	v22 =	vsel vm2, v58, v55;
	v42 =	vmul.f32 $1.264473350e-01, v26;
	v20 =	vadd.f32 v20, v25  }
0x53c: {  	v51 =	vmul.f32 v26, v26;
	v58 =	vmul.f32 v37, v37;
	v19 =	vadd.f32 $-2.495787590e-01, v19  }
0x53d: {  	v21 =	vmul.f32 v21, v7;
	v32 =	vadd.f32 $-1.825688330e-01, v42;
	vm4 =	vlt.f32 v20, v17  }
0x53e: {  	v17 =	vmul.f32 v18, v54;
	v18 =	vsub.s32 v53, v61;
	v19 =	vmul.f32 v19, v23  }
0x53f: {  	v20 =	vshra.s32 v62, $0x17;
	v18 =	vadd.f32 $-1.000000000e+00, v18;
	v32 =	vmul.f32 v32, v26  }
0x540: {  	v20 =	vcvt.s32.f32 v20;
	v17 =	vadd.f32 $2.022166550e-01, v17;
	v19 =	vadd.f32 $3.333088160e-01, v19  }
0x541: {  	v62 =	vld [tilespmem:s3+$0xFFFFFF60];
	v38 =	vmul.f32 $1.264473350e-01, v18;
	v32 =	vadd.f32 $2.022166550e-01, v32;
	v49 =	vmul.f32 v18, v18  }
0x542: {  	v20 =	vmul.f32 v20, v9;
	v33 =	vmul.f32 v17, v54;
	v17 =	vsub.s32 v59, v39  }
0x543: {  	v19 =	vmul.f32 v19, v23;
	v40 =	vadd.f32 $-1.825688330e-01, v38;
	v30 =	vadd.f32 $-1.000000000e+00, v17  }
0x544: {  	v17 =	vsel vm4, $0x40800000, v22;
	v32 =	vmul.f32 v32, v26;
	v41 =	vadd.f32 $-2.495787590e-01, v33  }
0x545: {  	v34 =	vadd.f32 v17, v37;
	v19 =	vadd.f32 $-5.000000000e-01, v19;
	v27 =	vmul.f32 v40, v18  }
0x546: {  	v29 =	vadd.s32 $0xC0CAFB0D, v62;
	v43 =	vmul.f32 $1.264473350e-01, v30;
	v22 =	vmul.f32 v41, v54  }
0x547: {  	v32 =	vadd.f32 $-2.495787590e-01, v32;
	v19 =	vmul.f32 v19, v35;
	[tilespmem:s4+$0xFFFFFE80] =	vst v34;
	v27 =	vadd.f32 $2.022166550e-01, v27  }
0x548: {  	v52 =	vmul.f32 v30, v30;
	v33 =	vadd.f32 $-1.825688330e-01, v43;
	v47 =	vld [tilespmem:s16+$0xFFFFFF40];
	v22 =	vadd.f32 $3.333088160e-01, v22  }
0x549: {  	v48 =	vmul.f32 v32, v26;
	v19 =	vadd.f32 v19, v23;
	v27 =	vmul.f32 v27, v18  }
0x54a: {  	v42 =	vld [tilespmem:s3+$0xFFFFFFE0];
	v37 =	vsel vm6, v12, v13;
	v33 =	vmul.f32 v33, v30;
	v22 =	vmul.f32 v22, v54  }
0x54b: {  	v25 =	vadd.f32 $3.333088160e-01, v48;
	v19 =	vmul.f32 v19, v2;
	v27 =	vadd.f32 $-2.495787590e-01, v27  }
0x54c: {  	v41 =	vsel vm3, v14, v15;
	v33 =	vadd.f32 $2.022166550e-01, v33;
	v22 =	vadd.f32 $-5.000000000e-01, v22  }
0x54d: {  	v25 =	vmul.f32 v25, v26;
	v50 =	vadd.f32 v17, v47;
	v19 =	vadd.f32 v19, v24  }
0x54e: {  	v24 =	vsel vm2, v41, v37;
	v45 =	vmul.f32 v27, v18;
	v46 =	vmul.f32 v33, v30  }
0x54f: {  	v25 =	vadd.f32 $-5.000000000e-01, v25;
	v33 =	vadd.s32 $0xC0CAFB0D, v42;
	v22 =	vmul.f32 v22, v44  }
0x550: {  	v44 =	vand.u32 $0xFF800000, v29;
	v29 =	vshra.s32 v29, $0x17;
	v23 =	vadd.f32 $3.333088160e-01, v45  }
0x551: {  	v27 =	vadd.f32 $-2.495787590e-01, v46;
	v25 =	vmul.f32 v25, v51;
	v46 =	vsub.s32 v62, v44  }
0x552: {  	[tilespmem:s4+$0xFFFFFF00] =	vst v50;
	v51 =	vand.u32 $0xFF800000, v33;
	v29 =	vcvt.s32.f32 v29;
	v33 =	vshra.s32 v33, $0x17  }
0x553: {  	v53 =	vld [tilespmem:s16+$0xFFFFFFC0];
	v22 =	vadd.f32 v22, v54;
	v54 =	vshra.s32 v36, $0x17;
	v33 =	vcvt.s32.f32 v33  }
0x554: {  	v55 =	vld [tilespmem:s3+$0xFFFFFEE0];
	v32 =	vadd.f32 $-1.000000000e+00, v46;
	v23 =	vmul.f32 v23, v18;
	v27 =	vmul.f32 v27, v30  }
0x555: {  	v25 =	vadd.f32 v25, v26;
	v26 =	vcvt.s32.f32 v54;
	v22 =	vmul.f32 v22, v4  }
0x556: {  	v48 =	vmul.f32 $1.264473350e-01, v32;
	v33 =	vmul.f32 v33, v7;
	v27 =	vadd.f32 $3.333088160e-01, v27  }
0x557: {  	v23 =	vadd.f32 $-5.000000000e-01, v23;
	v56 =	vmul.f32 v25, v8;
	v57 =	vmul.f32 v26, v11  }
0x558: {  	v22 =	vadd.f32 v22, v28;
	v59 =	vadd.f32 v17, v53;
	v27 =	vmul.f32 v27, v30  }
0x559: {  	v28 =	vadd.s32 $0xC0CAFB0D, v55;
	v39 =	vmul.f32 v53, v53;
	v23 =	vmul.f32 v23, v49  }
0x55a: {  	v20 =	vadd.f32 v56, v20;
	v60 =	vand.u32 $0xFF800000, v28;
	[tilespmem:s4+$0xFFFFFF80] =	vst v59;
	v27 =	vadd.f32 $-5.000000000e-01, v27  }
0x55b: {  	v28 =	vshra.s32 v28, $0x17;
	vm9 =	vlt.f32 v22, v19;
	v18 =	vadd.f32 v23, v18;
	v63 =	vld [tilespmem:s16+$0x40]  }
0x55c: {  	v28 =	vcvt.s32.f32 v28;
	v19 =	vsel vm9, v22, v19;
	v23 =	vmul.f32 v27, v52  }
0x55d: {  	v61 =	vsel vm9, $0x3F800000, v0;
	v18 =	vmul.f32 v18, v6;
	v52 =	vsub.s32 v42, v51  }
0x55e: {  	v22 =	vsub.s32 v55, v60;
	v54 =	vadd.f32 $-1.000000000e+00, v52;
	v23 =	vadd.f32 v23, v30  }
0x55f: {  	v28 =	vmul.f32 v28, v3;
	v18 =	vadd.f32 v18, v21;
	v30 =	vadd.f32 $-1.000000000e+00, v22  }
0x560: {  	v49 =	vld [tilespmem:s3+$0x60];
	v21 =	vsel vm4, v16, v24;
	v43 =	vadd.f32 v17, v63;
	v26 =	vmul.f32 v63, v63  }
0x561: {  	v56 =	vmul.f32 $1.264473350e-01, v54;
	v23 =	vmul.f32 v23, v10;
	vm7 =	vlt.f32 v20, v18  }
0x562: {  	v38 =	vmul.f32 $1.264473350e-01, v30;
	v18 =	vsel vm7, v20, v18;
	v35 =	vsel vm7, $0x40400000, v1  }
0x563: {  	[tilespmem:s4+$0x0] =	vst v43;
	v50 =	vsel vm7, v14, v15;
	v43 =	vmul.f32 v30, v30;
	v23 =	vadd.f32 v23, v57  }
0x564: {  	vm8 =	vlt.f32 v18, v19;
	v22 =	vadd.f32 $-1.825688330e-01, v38;
	v38 =	vadd.f32 $-1.825688330e-01, v48  }
0x565: {  	v20 =	vld [tilespmem:s16+$0xFFFFFED0];
	v57 =	vadd.s32 $0xC0CAFB0D, v49;
	v18 =	vsel vm8, v18, v19;
	v19 =	vmul.f32 v47, v47  }
0x566: {  	v36 =	vsel vm8, v35, v61;
	v47 =	vsel vm9, v12, v13;
	vm10 =	vlt.f32 v23, v18  }
0x567: {  	v45 =	vmul.f32 v22, v30;
	v22 =	vld [tilespmem:s16+$0xC0];
	v25 =	vsel vm8, v50, v47;
	v55 =	vmul.f32 v38, v32  }
0x568: {  	v47 =	vmul.f32 v32, v32;
	v18 =	vsel vm10, $0x40800000, v36;
	v19 =	vadd.f32 v19, v58;
	v36 =	vld [tilespmem:s3+$0xE0]  }
0x569: {  	v50 =	vmul.f32 v29, v5;
	v38 =	vshra.s32 v57, $0x17;
	v35 =	vadd.f32 $2.022166550e-01, v55  }
0x56a: {  	v40 =	vadd.f32 v18, v20;
	v19 =	vadd.f32 v39, v19;
	v39 =	vand.u32 $0xFF800000, v57  }
0x56b: {  	v57 =	vcvt.s32.f32 v38;
	v27 =	vsub.s32 v49, v39;
	v35 =	vmul.f32 v35, v32  }
0x56c: {  	[tilespmem:s4+$0xFFFFFE90] =	vst v40;
	v49 =	vmul.f32 v54, v54;
	v24 =	vadd.f32 v26, v19;
	v19 =	vadd.f32 $2.022166550e-01, v45  }
0x56d: {  	v23 =	vld [tilespmem:s16+$0xFFFFFF50];
	v26 =	vmul.f32 v22, v22;
	v41 =	vadd.f32 $-1.000000000e+00, v27;
	v40 =	vadd.s32 $0xC0CAFB0D, v36  }
0x56e: {  	v35 =	vadd.f32 $-2.495787590e-01, v35;
	v19 =	vmul.f32 v19, v30;
	v58 =	vand.u32 $0xFF800000, v40  }
0x56f: {  	v63 =	vmul.f32 $1.264473350e-01, v41;
	v55 =	vmul.f32 v41, v41;
	v26 =	vadd.f32 v26, v24  }
0x570: {  	v59 =	vsub.s32 v36, v58;
	v35 =	vmul.f32 v35, v32;
	v53 =	vadd.f32 $-2.495787590e-01, v19  }
0x571: {  	v40 =	vshra.s32 v40, $0x17;
	v61 =	vadd.f32 $-1.000000000e+00, v59;
	v39 =	vadd.f32 $-1.825688330e-01, v63  }
0x572: {  	v58 =	vld [tilespmem:s3+$0xFFFFFF70];
	v40 =	vcvt.s32.f32 v40;
	v37 =	vadd.f32 v18, v23;
	v35 =	vadd.f32 $3.333088160e-01, v35  }
0x573: {  	v19 =	vsel vm10, v16, v25;
	v31 =	vmul.f32 v53, v30;
	v42 =	vmul.f32 $1.264473350e-01, v61  }
0x574: {  	v39 =	vmul.f32 v39, v41;
	v53 =	vld [tilespmem:s3+$0xFFFFFEF0];
	[tilespmem:s4+$0xFFFFFF10] =	vst v37;
	v37 =	vadd.f32 $-1.825688330e-01, v56;
	v35 =	vmul.f32 v35, v32  }
0x575: {  	v56 =	vmul.f32 v61, v61;
	v31 =	vadd.f32 $3.333088160e-01, v31;
	v42 =	vadd.f32 $-1.825688330e-01, v42  }
0x576: {  	v63 =	vld [tilespmem:s3+$0xFFFFFFF0];
	v39 =	vadd.f32 $2.022166550e-01, v39;
	v60 =	vmul.f32 v37, v54;
	v35 =	vadd.f32 $-5.000000000e-01, v35  }
0x577: {  	v37 =	vadd.s32 $0xC0CAFB0D, v58;
	v31 =	vmul.f32 v31, v30;
	v42 =	vmul.f32 v42, v61  }
0x578: {  	v25 =	vld [tilespmem:s16+$0xFFFFFFD0];
	v39 =	vmul.f32 v39, v41;
	v36 =	vadd.f32 $2.022166550e-01, v60;
	v35 =	vmul.f32 v35, v47  }
0x579: {  	v38 =	vadd.s32 $0xC0CAFB0D, v53;
	v31 =	vadd.f32 $-5.000000000e-01, v31;
	v46 =	vadd.f32 $2.022166550e-01, v42  }
0x57a: {  	v39 =	vadd.f32 $-2.495787590e-01, v39;
	v59 =	vand.u32 $0xFF800000, v38;
	v36 =	vmul.f32 v36, v54  }
0x57b: {  	v42 =	vadd.s32 $0xC0CAFB0D, v63;
	v38 =	vshra.s32 v38, $0x17;
	v32 =	vadd.f32 v35, v32  }
0x57c: {  	v38 =	vcvt.s32.f32 v38;
	v48 =	vmul.f32 v39, v41;
	v36 =	vadd.f32 $-2.495787590e-01, v36  }
0x57d: {  	v62 =	vadd.f32 v18, v25;
	v31 =	vmul.f32 v31, v43;
	v32 =	vmul.f32 v32, v4  }
0x57e: {  	v38 =	vmul.f32 v38, v3;
	v35 =	vadd.f32 $3.333088160e-01, v48;
	v45 =	vmul.f32 v36, v54  }
0x57f: {  	v30 =	vadd.f32 v31, v30;
	v36 =	vmul.f32 v46, v61;
	v51 =	vadd.f32 v32, v50  }
0x580: {  	v52 =	vmul.f32 v35, v41;
	v35 =	vsub.s32 v53, v59;
	v31 =	vadd.f32 $3.333088160e-01, v45  }
0x581: {  	v46 =	vand.u32 $0xFF800000, v37;
	v37 =	vshra.s32 v37, $0x17;
	v35 =	vadd.f32 $-1.000000000e+00, v35  }
0x582: {  	v30 =	vmul.f32 v30, v2;
	v36 =	vadd.f32 $-2.495787590e-01, v36;
	v31 =	vmul.f32 v31, v54  }
0x583: {  	[tilespmem:s4+$0xFFFFFF90] =	vst v62;
	v37 =	vcvt.s32.f32 v37;
	v45 =	vand.u32 $0xFF800000, v42;
	v62 =	vmul.f32 $1.264473350e-01, v35  }
0x584: {  	v27 =	vld [tilespmem:s16+$0x50];
	v32 =	vadd.f32 $-5.000000000e-01, v52;
	v36 =	vmul.f32 v36, v61;
	v31 =	vadd.f32 $-5.000000000e-01, v31  }
0x585: {  	v42 =	vshra.s32 v42, $0x17;
	v37 =	vmul.f32 v37, v5;
	v47 =	vadd.f32 $-1.825688330e-01, v62  }
0x586: {  	v32 =	vmul.f32 v32, v55;
	v36 =	vadd.f32 $3.333088160e-01, v36;
	v31 =	vmul.f32 v31, v49  }
0x587: {  	v28 =	vadd.f32 v30, v28;
	v42 =	vcvt.s32.f32 v42;
	v30 =	vmul.f32 v47, v35  }
0x588: {  	v32 =	vadd.f32 v32, v41;
	v31 =	vadd.f32 v31, v54;
	v54 =	vmul.f32 v36, v61  }
0x589: {  	v29 =	vadd.f32 v18, v27;
	v42 =	vmul.f32 v42, v7;
	v30 =	vadd.f32 $2.022166550e-01, v30  }
0x58a: {  	v32 =	vmul.f32 v32, v8;
	v36 =	vmul.f32 v57, v9;
	v34 =	vadd.f32 $-5.000000000e-01, v54  }
0x58b: {  	vm2 =	vlt.f32 v51, v28;
	v31 =	vmul.f32 v31, v6;
	v30 =	vmul.f32 v30, v35  }
0x58c: {  	v28 =	vsel vm2, v51, v28;
	v32 =	vadd.f32 v32, v36;
	v34 =	vmul.f32 v34, v56  }
0x58d: {  	v48 =	vsel vm2, $0x3F800000, v0;
	v31 =	vadd.f32 v31, v33;
	v30 =	vadd.f32 $-2.495787590e-01, v30  }
0x58e: {  	v49 =	vsel vm2, v12, v13;
	v34 =	vadd.f32 v34, v61;
	v61 =	vmul.f32 v40, v11  }
0x58f: {  	v52 =	vld [tilespmem:s3+$0x70];
	vm3 =	vlt.f32 v32, v31;
	v40 =	vsub.s32 v63, v45;
	v30 =	vmul.f32 v30, v35  }
0x590: {  	v31 =	vsel vm3, v32, v31;
	v50 =	vsel vm3, $0x40400000, v1;
	v44 =	vsel vm3, v14, v15  }
0x591: {  	v40 =	vadd.f32 $-1.000000000e+00, v40;
	v60 =	vmul.f32 v34, v10;
	v34 =	vsub.s32 v58, v46  }
0x592: {  	vm2 =	vlt.f32 v31, v28;
	v30 =	vadd.f32 $3.333088160e-01, v30;
	v34 =	vadd.f32 $-1.000000000e+00, v34  }
0x593: {  	v28 =	vsel vm2, v31, v28;
	v53 =	vsel vm2, v50, v48;
	v32 =	vsel vm2, v44, v49  }
0x594: {  	v56 =	vmul.f32 $1.264473350e-01, v40;
	v44 =	vadd.s32 $0xC0CAFB0D, v52;
	v48 =	vmul.f32 v35, v35  }
0x595: {  	v55 =	vld [tilespmem:s3+$0xF0];
	v33 =	vadd.f32 v60, v61;
	v58 =	vand.u32 $0xFF800000, v44;
	v51 =	vmul.f32 $1.264473350e-01, v34  }
0x596: {  	v30 =	vmul.f32 v30, v35;
	v44 =	vshra.s32 v44, $0x17;
	v59 =	vadd.f32 $-1.825688330e-01, v56  }
0x597: {  	v60 =	vsub.s32 v52, v58;
	v50 =	vmul.f32 v34, v34;
	v41 =	vadd.f32 $-1.825688330e-01, v51  }
0x598: {  	v44 =	vcvt.s32.f32 v44;
	vm2 =	vlt.f32 v33, v28;
	v36 =	vmul.f32 v59, v40  }
0x599: {  	v33 =	vadd.f32 $-1.000000000e+00, v60;
	v30 =	vadd.f32 $-5.000000000e-01, v30;
	v54 =	vmul.f32 v41, v34  }
0x59a: {  	v28 =	vsel vm2, $0x40800000, v53;
	v41 =	vadd.s32 $0xC0CAFB0D, v55;
	v36 =	vadd.f32 $2.022166550e-01, v36  }
0x59b: {  	v44 =	vmul.f32 v44, v9;
	v63 =	vand.u32 $0xFF800000, v41;
	v57 =	vadd.f32 $2.022166550e-01, v54  }
0x59c: {  	v62 =	vmul.f32 $1.264473350e-01, v33;
	v39 =	vsub.s32 v55, v63;
	v36 =	vmul.f32 v36, v40  }
0x59d: {  	v30 =	vmul.f32 v30, v48;
	v39 =	vadd.f32 $-1.000000000e+00, v39;
	v61 =	vmul.f32 v57, v34  }
0x59e: {  	v60 =	vmul.f32 v33, v33;
	v43 =	vadd.f32 $-1.825688330e-01, v62;
	v36 =	vadd.f32 $-2.495787590e-01, v36  }
0x59f: {  	v30 =	vadd.f32 v30, v35;
	v46 =	vmul.f32 $1.264473350e-01, v39;
	v31 =	vadd.f32 $-2.495787590e-01, v61  }
0x5a0: {  	v58 =	vld [tilespmem:s3+$0xFFFFFF00];
	v41 =	vshra.s32 v41, $0x17;
	v43 =	vmul.f32 v43, v33;
	v36 =	vmul.f32 v36, v40  }
0x5a1: {  	v47 =	vmul.f32 v30, v2;
	v49 =	vadd.f32 $-1.825688330e-01, v46;
	v31 =	vmul.f32 v31, v34  }
0x5a2: {  	v57 =	vmul.f32 v40, v40;
	v43 =	vadd.f32 $2.022166550e-01, v43;
	v52 =	vadd.f32 $3.333088160e-01, v36  }
0x5a3: {  	v62 =	vmul.f32 v39, v39;
	v45 =	vmul.f32 v49, v39;
	v31 =	vadd.f32 $3.333088160e-01, v31  }
0x5a4: {  	v38 =	vadd.f32 v47, v38;
	v43 =	vmul.f32 v43, v33;
	v30 =	vmul.f32 v52, v40  }
0x5a5: {  	v46 =	vadd.s32 $0xC0CAFB0D, v58;
	v54 =	vadd.f32 $2.022166550e-01, v45;
	v31 =	vmul.f32 v31, v34  }
0x5a6: {  	v48 =	vand.u32 $0xFF800000, v46;
	v46 =	vshra.s32 v46, $0x17;
	v30 =	vadd.f32 $-5.000000000e-01, v30  }
0x5a7: {  	v53 =	vadd.f32 $-2.495787590e-01, v43;
	v56 =	vmul.f32 v54, v39;
	v51 =	vadd.f32 $-5.000000000e-01, v31;
	v31 =	vld [tilespmem:s16+$0xFFFFFEE0]  }
0x5a8: {  	v61 =	vsub.s32 v58, v48;
	v46 =	vcvt.s32.f32 v46;
	v43 =	vmul.f32 v30, v57;
	v57 =	vld [tilespmem:s3+$0x80]  }
0x5a9: {  	v52 =	vcvt.s32.f32 v41;
	v36 =	vadd.f32 $-2.495787590e-01, v56;
	v35 =	vmul.f32 v51, v50  }
0x5aa: {  	v49 =	vld [tilespmem:s3+$0xFFFFFF80];
	v55 =	vmul.f32 v53, v33;
	v40 =	vadd.f32 v43, v40;
	v43 =	vadd.f32 $-1.000000000e+00, v61  }
0x5ab: {  	v30 =	vsel vm2, v16, v32;
	v36 =	vmul.f32 v36, v39;
	v34 =	vadd.f32 v35, v34  }
0x5ac: {  	v35 =	vadd.f32 $3.333088160e-01, v55;
	v40 =	vmul.f32 v40, v6;
	v63 =	vmul.f32 $1.264473350e-01, v43  }
0x5ad: {  	v59 =	vadd.f32 v28, v31;
	v36 =	vadd.f32 $3.333088160e-01, v36;
	v48 =	vadd.s32 $0xC0CAFB0D, v57  }
0x5ae: {  	v34 =	vmul.f32 v34, v4;
	v35 =	vmul.f32 v35, v33;
	v51 =	vadd.f32 $-1.825688330e-01, v63  }
0x5af: {  	v40 =	vadd.f32 v40, v42;
	v42 =	vadd.s32 $0xC0CAFB0D, v49;
	v36 =	vmul.f32 v36, v39  }
0x5b0: {  	v55 =	vand.u32 $0xFF800000, v42;
	v42 =	vshra.s32 v42, $0x17;
	v35 =	vadd.f32 $-5.000000000e-01, v35  }
0x5b1: {  	v34 =	vadd.f32 v34, v37;
	v54 =	vmul.f32 v51, v43;
	v37 =	vmul.f32 v52, v11  }
0x5b2: {  	[tilespmem:s4+$0xFFFFFEA0] =	vst v59;
	v56 =	vsub.s32 v49, v55;
	v42 =	vcvt.s32.f32 v42;
	v36 =	vadd.f32 $-5.000000000e-01, v36  }
0x5b3: {  	v32 =	vld [tilespmem:s16+$0xFFFFFF60];
	v52 =	vand.u32 $0xFF800000, v48;
	v35 =	vmul.f32 v35, v60;
	vm2 =	vlt.f32 v34, v38  }
0x5b4: {  	v53 =	vld [tilespmem:s3+$0x0];
	v41 =	vadd.f32 $2.022166550e-01, v54;
	v42 =	vmul.f32 v42, v5;
	v36 =	vmul.f32 v36, v62  }
0x5b5: {  	v34 =	vsel vm2, v34, v38;
	v45 =	vsel vm2, $0x3F800000, v0;
	v35 =	vadd.f32 v35, v33  }
0x5b6: {  	v62 =	vld [tilespmem:s3+$0x100];
	v38 =	vsub.s32 v57, v52;
	v41 =	vmul.f32 v41, v43;
	v36 =	vadd.f32 v36, v39  }
0x5b7: {  	v47 =	vsel vm2, v12, v13;
	v38 =	vadd.f32 $-1.000000000e+00, v38;
	v35 =	vmul.f32 v35, v8  }
0x5b8: {  	v33 =	vadd.f32 v28, v32;
	v41 =	vadd.f32 $-2.495787590e-01, v41;
	v36 =	vmul.f32 v36, v10  }
0x5b9: {  	v54 =	vmul.f32 $1.264473350e-01, v38;
	v35 =	vadd.f32 v35, v44;
	v44 =	vadd.s32 $0xC0CAFB0D, v53  }
0x5ba: {  	v36 =	vadd.f32 v36, v37;
	v37 =	vadd.f32 $-1.000000000e+00, v56;
	v58 =	vand.u32 $0xFF800000, v44  }
0x5bb: {  	v60 =	vmul.f32 v41, v43;
	v55 =	vadd.s32 $0xC0CAFB0D, v62;
	v39 =	vsub.s32 v53, v58  }
0x5bc: {  	vm3 =	vlt.f32 v35, v40;
	v59 =	vmul.f32 $1.264473350e-01, v37;
	v39 =	vadd.f32 $-1.000000000e+00, v39  }
0x5bd: {  	v54 =	vadd.f32 $-1.825688330e-01, v54;
	v35 =	vsel vm3, v35, v40;
	v40 =	vadd.f32 $3.333088160e-01, v60  }
0x5be: {  	v56 =	vand.u32 $0xFF800000, v55;
	v61 =	vadd.f32 $-1.825688330e-01, v59;
	v51 =	vmul.f32 $1.264473350e-01, v39  }
0x5bf: {  	v44 =	vshra.s32 v44, $0x17;
	v53 =	vmul.f32 v43, v43;
	v40 =	vmul.f32 v40, v43  }
0x5c0: {  	v49 =	vsub.s32 v62, v56;
	v41 =	vmul.f32 v61, v37;
	v51 =	vadd.f32 $-1.825688330e-01, v51  }
0x5c1: {  	v63 =	vmul.f32 v54, v38;
	v49 =	vadd.f32 $-1.000000000e+00, v49;
	v40 =	vadd.f32 $-5.000000000e-01, v40  }
0x5c2: {  	v44 =	vcvt.s32.f32 v44;
	v41 =	vadd.f32 $2.022166550e-01, v41;
	v51 =	vmul.f32 v51, v39  }
0x5c3: {  	v56 =	vmul.f32 $1.264473350e-01, v49;
	v40 =	vmul.f32 v40, v53;
	v53 =	vadd.f32 $2.022166550e-01, v63  }
0x5c4: {  	v50 =	vsel vm3, $0x40400000, v1;
	v41 =	vmul.f32 v41, v37;
	v51 =	vadd.f32 $2.022166550e-01, v51  }
0x5c5: {  	v40 =	vadd.f32 v40, v43;
	v43 =	vadd.f32 $-1.825688330e-01, v56;
	v53 =	vmul.f32 v53, v38  }
0x5c6: {  	v52 =	vsel vm3, v14, v15;
	v41 =	vadd.f32 $-2.495787590e-01, v41;
	v51 =	vmul.f32 v51, v39  }
0x5c7: {  	vm2 =	vlt.f32 v35, v34;
	v58 =	vmul.f32 v43, v49;
	v60 =	vadd.f32 $-2.495787590e-01, v53  }
0x5c8: {  	v54 =	vsel vm2, v35, v34;
	v41 =	vmul.f32 v41, v37;
	v51 =	vadd.f32 $-2.495787590e-01, v51  }
0x5c9: {  	v35 =	vsel vm2, v50, v45;
	v62 =	vadd.f32 $2.022166550e-01, v58;
	v63 =	vmul.f32 v60, v38  }
0x5ca: {  	vm7 =	vlt.f32 v36, v54;
	v41 =	vadd.f32 $3.333088160e-01, v41;
	v51 =	vmul.f32 v51, v39  }
0x5cb: {  	v61 =	vmul.f32 v37, v37;
	v56 =	vmul.f32 v62, v49;
	v45 =	vadd.f32 $3.333088160e-01, v63  }
0x5cc: {  	v40 =	vmul.f32 v40, v2;
	v57 =	vmul.f32 v41, v37;
	v59 =	vadd.f32 $3.333088160e-01, v51  }
0x5cd: {  	v58 =	vld [tilespmem:s3+$0xFFFFFF10];
	v41 =	vmul.f32 v46, v3;
	v46 =	vadd.f32 $-2.495787590e-01, v56;
	v45 =	vmul.f32 v45, v38  }
0x5ce: {  	v63 =	vshra.s32 v48, $0x17;
	v56 =	vmul.f32 v49, v49;
	v43 =	vmul.f32 v59, v39  }
0x5cf: {  	v34 =	vadd.f32 $-5.000000000e-01, v57;
	v57 =	vmul.f32 v39, v39;
	v46 =	vmul.f32 v46, v49  }
0x5d0: {  	v53 =	vld [tilespmem:s3+$0xFFFFFF90];
	v59 =	vmul.f32 v38, v38;
	v45 =	vadd.f32 $-5.000000000e-01, v45;
	v40 =	vadd.f32 v40, v41  }
0x5d1: {  	v34 =	vmul.f32 v34, v61;
	v43 =	vadd.f32 $-5.000000000e-01, v43;
	v46 =	vadd.f32 $3.333088160e-01, v46  }
0x5d2: {  	v60 =	vmul.f32 v45, v59;
	v61 =	vmul.f32 v44, v7;
	v45 =	vadd.s32 $0xC0CAFB0D, v58  }
0x5d3: {  	v59 =	vshra.s32 v55, $0x17;
	v37 =	vadd.f32 v34, v37;
	v34 =	vsel vm2, v52, v47  }
0x5d4: {  	v43 =	vmul.f32 v43, v57;
	v62 =	vmul.f32 v46, v49;
	v38 =	vadd.f32 v60, v38  }
0x5d5: {  	v52 =	vand.u32 $0xFF800000, v45;
	v57 =	vcvt.s32.f32 v63;
	v47 =	vadd.s32 $0xC0CAFB0D, v53  }
0x5d6: {  	v41 =	vsub.s32 v58, v52;
	v37 =	vmul.f32 v37, v4;
	v39 =	vadd.f32 v43, v39  }
0x5d7: {  	v44 =	vadd.f32 $-5.000000000e-01, v62;
	v41 =	vadd.f32 $-1.000000000e+00, v41;
	v62 =	vand.u32 $0xFF800000, v47  }
0x5d8: {  	v38 =	vmul.f32 v38, v8;
	v47 =	vshra.s32 v47, $0x17;
	v46 =	vsub.s32 v53, v62  }
0x5d9: {  	v63 =	vld [tilespmem:s3+$0x10];
	v39 =	vmul.f32 v39, v6;
	v37 =	vadd.f32 v37, v42;
	v58 =	vmul.f32 v44, v56  }
0x5da: {  	v42 =	vmul.f32 v57, v9;
	v60 =	vmul.f32 $1.264473350e-01, v41;
	v46 =	vadd.f32 $-1.000000000e+00, v46  }
0x5db: {  	v44 =	vcvt.s32.f32 v59;
	v39 =	vadd.f32 v39, v61;
	v43 =	vadd.f32 v58, v49  }
0x5dc: {  	v59 =	vld [tilespmem:s3+$0x90];
	v38 =	vadd.f32 v38, v42;
	v61 =	vadd.f32 $-1.825688330e-01, v60;
	vm2 =	vlt.f32 v37, v40  }
0x5dd: {  	v44 =	vmul.f32 v44, v11;
	v56 =	vmul.f32 $1.264473350e-01, v46;
	v36 =	vsel vm2, v37, v40  }
0x5de: {  	v57 =	vsel vm2, $0x3F800000, v0;
	v40 =	vadd.s32 $0xC0CAFB0D, v63;
	v43 =	vmul.f32 v43, v10  }
0x5df: {  	v42 =	vmul.f32 v61, v41;
	vm3 =	vlt.f32 v38, v39;
	v58 =	vadd.f32 $-1.825688330e-01, v56  }
0x5e0: {  	v61 =	vand.u32 $0xFF800000, v40;
	v40 =	vshra.s32 v40, $0x17;
	v38 =	vsel vm3, v38, v39  }
0x5e1: {  	v60 =	vsel vm3, $0x40400000, v1;
	v48 =	vsub.s32 v63, v61;
	v50 =	vadd.s32 $0xC0CAFB0D, v59  }
0x5e2: {  	v61 =	vmul.f32 v41, v41;
	v40 =	vcvt.s32.f32 v40;
	v43 =	vadd.f32 v43, v44  }
0x5e3: {  	v55 =	vadd.f32 $2.022166550e-01, v42;
	v44 =	vsel vm2, v12, v13;
	vm2 =	vlt.f32 v38, v36  }
0x5e4: {  	v63 =	vld [tilespmem:s3+$0x110];
	v39 =	vmul.f32 v58, v46;
	v42 =	vadd.f32 $-1.000000000e+00, v48;
	v58 =	vand.u32 $0xFF800000, v50  }
0x5e5: {  	v38 =	vsel vm2, v38, v36;
	v49 =	vsub.s32 v59, v58;
	v40 =	vmul.f32 v40, v7  }
0x5e6: {  	v37 =	vmul.f32 v55, v41;
	v55 =	vshra.s32 v45, $0x17;
	v39 =	vadd.f32 $2.022166550e-01, v39  }
0x5e7: {  	v49 =	vadd.f32 $-1.000000000e+00, v49;
	vm8 =	vlt.f32 v43, v38;
	v48 =	vcvt.s32.f32 v55  }
0x5e8: {  	v55 =	vcvt.s32.f32 v47;
	v62 =	vadd.f32 $-2.495787590e-01, v37;
	v37 =	vsel vm2, v60, v57  }
0x5e9: {  	v57 =	vmul.f32 $1.264473350e-01, v42;
	v39 =	vmul.f32 v39, v46;
	v52 =	vadd.s32 $0xC0CAFB0D, v63  }
0x5ea: {  	v60 =	vmul.f32 $1.264473350e-01, v49;
	v59 =	vand.u32 $0xFF800000, v52;
	v48 =	vmul.f32 v48, v3  }
0x5eb: {  	v38 =	vmul.f32 v55, v5;
	v56 =	vmul.f32 v62, v41;
	v36 =	vadd.f32 $-1.825688330e-01, v57  }
0x5ec: {  	v39 =	vadd.f32 $-2.495787590e-01, v39;
	v51 =	vsub.s32 v63, v59;
	v53 =	vadd.f32 $-1.825688330e-01, v60  }
0x5ed: {  	v51 =	vadd.f32 $-1.000000000e+00, v51;
	v45 =	vadd.f32 $3.333088160e-01, v56;
	v36 =	vmul.f32 v36, v42  }
0x5ee: {  	v35 =	vsel vm7, $0x40800000, v35;
	v39 =	vmul.f32 v39, v46;
	v53 =	vmul.f32 v53, v49  }
0x5ef: {  	v62 =	vmul.f32 $1.264473350e-01, v51;
	v45 =	vmul.f32 v45, v41;
	v36 =	vadd.f32 $2.022166550e-01, v36  }
0x5f0: {  	v59 =	vmul.f32 v46, v46;
	v39 =	vadd.f32 $3.333088160e-01, v39;
	v53 =	vadd.f32 $2.022166550e-01, v53  }
0x5f1: {  	v58 =	vadd.f32 $-1.825688330e-01, v62;
	v45 =	vadd.f32 $-5.000000000e-01, v45;
	v36 =	vmul.f32 v36, v42  }
0x5f2: {  	v55 =	vshra.s32 v52, $0x17;
	v57 =	vld [tilespmem:s3+$0xFFFFFF20];
	v39 =	vmul.f32 v39, v46;
	v62 =	vmul.f32 v53, v49  }
0x5f3: {  	v63 =	vsel vm3, v14, v15;
	v54 =	vmul.f32 v58, v51;
	v45 =	vmul.f32 v45, v61  }
0x5f4: {  	v58 =	vmul.f32 v42, v42;
	v60 =	vadd.f32 $-2.495787590e-01, v36;
	v39 =	vadd.f32 $-5.000000000e-01, v39  }
0x5f5: {  	v36 =	vsel vm2, v63, v44;
	v63 =	vadd.f32 $2.022166550e-01, v54;
	v41 =	vadd.f32 v45, v41  }
0x5f6: {  	v61 =	vmul.f32 v60, v42;
	v39 =	vmul.f32 v39, v59;
	v45 =	vadd.f32 $-2.495787590e-01, v62  }
0x5f7: {  	v47 =	vadd.s32 $0xC0CAFB0D, v57;
	v59 =	vmul.f32 v49, v49;
	v54 =	vmul.f32 v63, v51  }
0x5f8: {  	v60 =	vand.u32 $0xFF800000, v47;
	v44 =	vadd.f32 $3.333088160e-01, v61;
	v45 =	vmul.f32 v45, v49  }
0x5f9: {  	v41 =	vmul.f32 v41, v2;
	v39 =	vadd.f32 v39, v46;
	v46 =	vadd.f32 $-2.495787590e-01, v54  }
0x5fa: {  	v54 =	vshra.s32 v50, $0x17;
	v56 =	vmul.f32 v44, v42;
	v45 =	vadd.f32 $3.333088160e-01, v45  }
0x5fb: {  	v39 =	vmul.f32 v39, v4;
	v41 =	vadd.f32 v41, v48;
	v46 =	vmul.f32 v46, v51  }
0x5fc: {  	v50 =	vld [tilespmem:s3+$0x20];
	v44 =	vsub.s32 v57, v60;
	v43 =	vadd.f32 $-5.000000000e-01, v56;
	v45 =	vmul.f32 v45, v49  }
0x5fd: {  	v62 =	vld [tilespmem:s3+$0xFFFFFFA0];
	v61 =	vmul.f32 v51, v51;
	v44 =	vadd.f32 $-1.000000000e+00, v44;
	v46 =	vadd.f32 $3.333088160e-01, v46  }
0x5fe: {  	v38 =	vadd.f32 v39, v38;
	v43 =	vmul.f32 v43, v58;
	v45 =	vadd.f32 $-5.000000000e-01, v45  }
0x5ff: {  	v37 =	vsel vm8, $0x40800000, v37;
	v53 =	vmul.f32 $1.264473350e-01, v44;
	v46 =	vmul.f32 v46, v51  }
0x600: {  	vm11 =	vlt.f32 v38, v41;
	v42 =	vadd.f32 v43, v42;
	v43 =	vmul.f32 v45, v59  }
0x601: {  	v48 =	vadd.s32 $0xC0CAFB0D, v50;
	v38 =	vsel vm11, v38, v41;
	v46 =	vadd.f32 $-5.000000000e-01, v46  }
0x602: {  	v42 =	vmul.f32 v42, v6;
	v43 =	vadd.f32 v43, v49;
	v49 =	vadd.s32 $0xC0CAFB0D, v62  }
0x603: {  	v45 =	vmul.f32 v46, v61;
	v46 =	vcvt.s32.f32 v55;
	v56 =	vand.u32 $0xFF800000, v49  }
0x604: {  	v63 =	vadd.f32 v42, v40;
	v42 =	vcvt.s32.f32 v54;
	v40 =	vadd.f32 $-1.825688330e-01, v53  }
0x605: {  	v43 =	vmul.f32 v43, v8;
	v57 =	vsub.s32 v62, v56;
	v62 =	vld [tilespmem:s3+$0x120];
	v45 =	vadd.f32 v45, v51  }
0x606: {  	v58 =	vsel vm11, $0x3F800000, v0;
	v42 =	vmul.f32 v42, v9;
	v40 =	vmul.f32 v40, v44  }
0x607: {  	v60 =	vld [tilespmem:s3+$0xA0];
	v61 =	vand.u32 $0xFF800000, v48;
	v46 =	vmul.f32 v46, v11;
	v45 =	vmul.f32 v45, v10  }
0x608: {  	v48 =	vshra.s32 v48, $0x17;
	v42 =	vadd.f32 v43, v42;
	v40 =	vadd.f32 $2.022166550e-01, v40  }
0x609: {  	v48 =	vcvt.s32.f32 v48;
	v43 =	vadd.f32 $-1.000000000e+00, v57;
	v45 =	vadd.f32 v45, v46  }
0x60a: {  	v54 =	vadd.s32 $0xC0CAFB0D, v62;
	v40 =	vmul.f32 v40, v44;
	vm10 =	vlt.f32 v42, v63  }
0x60b: {  	v59 =	vmul.f32 $1.264473350e-01, v43;
	v39 =	vsel vm10, v42, v63;
	v63 =	vsel vm10, $0x40400000, v1  }
0x60c: {  	v42 =	vsub.s32 v50, v61;
	v50 =	vadd.s32 $0xC0CAFB0D, v60;
	v40 =	vadd.f32 $-2.495787590e-01, v40  }
0x60d: {  	v46 =	vadd.f32 $-1.825688330e-01, v59;
	vm9 =	vlt.f32 v39, v38;
	v42 =	vadd.f32 $-1.000000000e+00, v42  }
0x60e: {  	v59 =	vand.u32 $0xFF800000, v54;
	v39 =	vsel vm9, v39, v38;
	v38 =	vsel vm9, v63, v58  }
0x60f: {  	v58 =	vand.u32 $0xFF800000, v50;
	v52 =	vsub.s32 v62, v59;
	v40 =	vmul.f32 v40, v44  }
0x610: {  	v50 =	vshra.s32 v50, $0x17;
	v56 =	vmul.f32 v46, v43;
	v57 =	vmul.f32 $1.264473350e-01, v42  }
0x611: {  	v51 =	vsub.s32 v60, v58;
	v52 =	vadd.f32 $-1.000000000e+00, v52;
	v60 =	vmul.f32 v44, v44  }
0x612: {  	v50 =	vcvt.s32.f32 v50;
	v40 =	vadd.f32 $3.333088160e-01, v40;
	v41 =	vadd.f32 $2.022166550e-01, v56  }
0x613: {  	v51 =	vadd.f32 $-1.000000000e+00, v51;
	v46 =	vadd.f32 $-1.825688330e-01, v57;
	v62 =	vmul.f32 $1.264473350e-01, v52  }
0x614: {  	v47 =	vshra.s32 v47, $0x17;
	v41 =	vmul.f32 v41, v43;
	v40 =	vmul.f32 v40, v44  }
0x615: {  	v61 =	vmul.f32 $1.264473350e-01, v51;
	v46 =	vmul.f32 v46, v42;
	v58 =	vadd.f32 $-1.825688330e-01, v62  }
0x616: {  	v62 =	vmul.f32 v43, v43;
	v41 =	vadd.f32 $-2.495787590e-01, v41;
	v40 =	vadd.f32 $-5.000000000e-01, v40  }
0x617: {  	v55 =	vadd.f32 $-1.825688330e-01, v61;
	v61 =	vcvt.s32.f32 v47;
	v46 =	vadd.f32 $2.022166550e-01, v46  }
0x618: {  	v49 =	vshra.s32 v49, $0x17;
	v63 =	vmul.f32 v41, v43;
	v40 =	vmul.f32 v40, v60  }
0x619: {  	vm6 =	vlt.f32 v45, v39;
	v57 =	vmul.f32 v46, v42;
	v41 =	vmul.f32 v55, v51  }
0x61a: {  	v60 =	vmul.f32 v58, v52;
	v46 =	vmul.f32 v61, v3;
	v39 =	vadd.f32 $3.333088160e-01, v63  }
0x61b: {  	v58 =	vmul.f32 v42, v42;
	v59 =	vadd.f32 $-2.495787590e-01, v57;
	v41 =	vadd.f32 $2.022166550e-01, v41  }
0x61c: {  	v55 =	vmul.f32 v50, v9;
	v45 =	vadd.f32 $2.022166550e-01, v60;
	v63 =	vld [tilespmem:s3+$0xFFFFFF30];
	v39 =	vmul.f32 v39, v43  }
0x61d: {  	v40 =	vadd.f32 v40, v44;
	v44 =	vmul.f32 v59, v42;
	v41 =	vmul.f32 v41, v51  }
0x61e: {  	v57 =	vcvt.s32.f32 v49;
	v45 =	vmul.f32 v45, v52;
	v39 =	vadd.f32 $-5.000000000e-01, v39  }
0x61f: {  	v40 =	vmul.f32 v40, v2;
	v44 =	vadd.f32 $3.333088160e-01, v44;
	v41 =	vadd.f32 $-2.495787590e-01, v41  }
0x620: {  	v47 =	vmul.f32 v57, v5;
	v45 =	vadd.f32 $-2.495787590e-01, v45;
	v39 =	vmul.f32 v39, v62  }
0x621: {  	v49 =	vadd.s32 $0xC0CAFB0D, v63;
	v44 =	vmul.f32 v44, v42;
	v41 =	vmul.f32 v41, v51  }
0x622: {  	v45 =	vmul.f32 v45, v52;
	v59 =	vand.u32 $0xFF800000, v49;
	v49 =	vshra.s32 v49, $0x17  }
0x623: {  	v61 =	vsub.s32 v63, v59;
	v63 =	vmul.f32 v51, v51;
	v41 =	vadd.f32 $3.333088160e-01, v41  }
0x624: {  	v49 =	vcvt.s32.f32 v49;
	v60 =	vadd.f32 $3.333088160e-01, v45;
	v45 =	vadd.f32 $-1.000000000e+00, v61  }
0x625: {  	v39 =	vadd.f32 v39, v43;
	v44 =	vadd.f32 $-5.000000000e-01, v44;
	v41 =	vmul.f32 v41, v51  }
0x626: {  	v40 =	vadd.f32 v40, v46;
	v49 =	vmul.f32 v49, v3;
	v57 =	vmul.f32 $1.264473350e-01, v45  }
0x627: {  	v39 =	vmul.f32 v39, v4;
	v43 =	vmul.f32 v44, v58;
	v41 =	vadd.f32 $-5.000000000e-01, v41  }
0x628: {  	v62 =	vmul.f32 v60, v52;
	v60 =	vmul.f32 v48, v7;
	v48 =	vld [tilespmem:s3+$0xB0];
	v59 =	vadd.f32 $-1.825688330e-01, v57  }
0x629: {  	v61 =	vld [tilespmem:s3+$0xFFFFFFB0];
	v58 =	vmul.f32 v52, v52;
	v42 =	vadd.f32 v43, v42;
	v41 =	vmul.f32 v41, v63  }
0x62a: {  	v43 =	vadd.f32 $-5.000000000e-01, v62;
	v62 =	vshra.s32 v54, $0x17;
	v44 =	vmul.f32 v59, v45;
	v63 =	vld [tilespmem:s3+$0x30]  }
0x62b: {  	v39 =	vadd.f32 v39, v47;
	v42 =	vmul.f32 v42, v6;
	v41 =	vadd.f32 v41, v51  }
0x62c: {  	v43 =	vmul.f32 v43, v58;
	v51 =	vcvt.s32.f32 v62;
	v44 =	vadd.f32 $2.022166550e-01, v44  }
0x62d: {  	vm14 =	vlt.f32 v39, v40;
	v54 =	vadd.s32 $0xC0CAFB0D, v48;
	v41 =	vmul.f32 v41, v8  }
0x62e: {  	v56 =	vmul.f32 v51, v11;
	v44 =	vmul.f32 v44, v45;
	v51 =	vadd.s32 $0xC0CAFB0D, v61  }
0x62f: {  	v42 =	vadd.f32 v42, v60;
	v57 =	vand.u32 $0xFF800000, v51;
	v47 =	vadd.s32 $0xC0CAFB0D, v63  }
0x630: {  	v41 =	vadd.f32 v41, v55;
	v44 =	vadd.f32 $-2.495787590e-01, v44;
	v46 =	vsub.s32 v61, v57  }
0x631: {  	v43 =	vadd.f32 v43, v52;
	v59 =	vand.u32 $0xFF800000, v47;
	v46 =	vadd.f32 $-1.000000000e+00, v46  }
0x632: {  	v58 =	vmul.f32 v44, v45;
	vm13 =	vlt.f32 v41, v42;
	v44 =	vsub.s32 v63, v59  }
0x633: {  	v60 =	vmul.f32 $1.264473350e-01, v46;
	v41 =	vsel vm13, v41, v42;
	v42 =	vadd.f32 $-1.000000000e+00, v44;
	v44 =	vld [tilespmem:s3+$0x130]  }
0x634: {  	v39 =	vsel vm14, v39, v40;
	v43 =	vmul.f32 v43, v10;
	v63 =	vand.u32 $0xFF800000, v54  }
0x635: {  	v48 =	vsub.s32 v48, v63;
	v50 =	vadd.f32 $-1.825688330e-01, v60;
	v61 =	vmul.f32 $1.264473350e-01, v42  }
0x636: {  	v62 =	vmul.f32 v45, v45;
	v40 =	vadd.f32 $3.333088160e-01, v58;
	v48 =	vadd.f32 $-1.000000000e+00, v48  }
0x637: {  	v43 =	vadd.f32 v43, v56;
	v50 =	vmul.f32 v50, v46;
	v53 =	vadd.f32 $-1.825688330e-01, v61  }
0x638: {  	v40 =	vmul.f32 v40, v45;
	v61 =	vmul.f32 $1.264473350e-01, v48;
	v56 =	vadd.s32 $0xC0CAFB0D, v44  }
0x639: {  	v50 =	vadd.f32 $2.022166550e-01, v50;
	v53 =	vmul.f32 v53, v42;
	v60 =	vand.u32 $0xFF800000, v56  }
0x63a: {  	v40 =	vadd.f32 $-5.000000000e-01, v40;
	v55 =	vadd.f32 $-1.825688330e-01, v61;
	v44 =	vsub.s32 v44, v60  }
0x63b: {  	v50 =	vmul.f32 v50, v46;
	v53 =	vadd.f32 $2.022166550e-01, v53;
	v44 =	vadd.f32 $-1.000000000e+00, v44  }
0x63c: {  	vm12 =	vlt.f32 v41, v39;
	v40 =	vmul.f32 v40, v62;
	v61 =	vmul.f32 v55, v48  }
0x63d: {  	v50 =	vadd.f32 $-2.495787590e-01, v50;
	v62 =	vmul.f32 v53, v42;
	v63 =	vmul.f32 $1.264473350e-01, v44  }
0x63e: {  	v57 =	vsel vm12, v41, v39;
	v40 =	vadd.f32 v40, v45;
	v41 =	vadd.f32 $2.022166550e-01, v61  }
0x63f: {  	v60 =	vmul.f32 v50, v46;
	v45 =	vadd.f32 $-2.495787590e-01, v62;
	v62 =	vadd.f32 $-1.825688330e-01, v63  }
0x640: {  	v52 =	vsel vm14, $0x3F800000, v0;
	v51 =	vshra.s32 v51, $0x17;
	v40 =	vmul.f32 v40, v2  }
0x641: {  	v58 =	vmul.f32 v41, v48;
	v39 =	vadd.f32 $3.333088160e-01, v60;
	v50 =	vmul.f32 v62, v44  }
0x642: {  	v51 =	vcvt.s32.f32 v51;
	v49 =	vadd.f32 v40, v49;
	v45 =	vmul.f32 v45, v42  }
0x643: {  	v40 =	vadd.f32 $-2.495787590e-01, v58;
	v39 =	vmul.f32 v39, v46;
	v60 =	vadd.f32 $2.022166550e-01, v50  }
0x644: {  	v61 =	vmul.f32 v46, v46;
	v63 =	vsel vm13, $0x40400000, v1;
	v59 =	vadd.f32 $3.333088160e-01, v45  }
0x645: {  	v50 =	vld [tilespmem:s16+$0xFFFFFEF0];
	v62 =	vmul.f32 v40, v48;
	v39 =	vadd.f32 $-5.000000000e-01, v39;
	v45 =	vmul.f32 v60, v44  }
0x646: {  	v47 =	vshra.s32 v47, $0x17;
	v52 =	vsel vm12, v63, v52;
	v41 =	vmul.f32 v59, v42  }
0x647: {  	[tilespmem:s4+$0xFFFFFF20] =	vst v33;
	v33 =	vmul.f32 v39, v61;
	v45 =	vadd.f32 $-2.495787590e-01, v45;
	v39 =	vadd.f32 $3.333088160e-01, v62  }
0x648: {  	v63 =	vmul.f32 v42, v42;
	v59 =	vmul.f32 v51, v5;
	v41 =	vadd.f32 $-5.000000000e-01, v41  }
0x649: {  	vm2 =	vlt.f32 v43, v57;
	v58 =	vmul.f32 v45, v44;
	v39 =	vmul.f32 v39, v48  }
0x64a: {  	v55 =	vadd.f32 v35, v50;
	v33 =	vadd.f32 v33, v46;
	v40 =	vmul.f32 v41, v63  }
0x64b: {  	v60 =	vmul.f32 v48, v48;
	v41 =	vadd.f32 $3.333088160e-01, v58;
	v61 =	vadd.f32 $-5.000000000e-01, v39  }
0x64c: {  	v53 =	vld [tilespmem:s16+$0xFFFFFFE0];
	v62 =	vcvt.s32.f32 v47;
	[tilespmem:s4+$0xFFFFFEB0] =	vst v55;
	v33 =	vmul.f32 v33, v4;
	v40 =	vadd.f32 v40, v42  }
0x64d: {  	v51 =	vld [tilespmem:s16+$0xFFFFFF70];
	v58 =	vshra.s32 v54, $0x17;
	v41 =	vmul.f32 v41, v44;
	v63 =	vmul.f32 v61, v60  }
0x64e: {  	v42 =	vcvt.s32.f32 v58;
	v46 =	vadd.f32 v33, v59;
	v33 =	vmul.f32 v40, v6  }
0x64f: {  	v47 =	vld [tilespmem:s16+$0xFFFFFF00];
	v59 =	vmul.f32 v44, v44;
	v60 =	vadd.f32 $-5.000000000e-01, v41;
	v40 =	vadd.f32 v63, v48  }
0x650: {  	v39 =	vsel vm7, v16, v34;
	v34 =	vmul.f32 v62, v7;
	v42 =	vmul.f32 v42, v9  }
0x651: {  	v45 =	vadd.f32 v28, v53;
	v61 =	vmul.f32 v60, v59;
	v63 =	vmul.f32 v40, v8  }
0x652: {  	v56 =	vshra.s32 v56, $0x17;
	v41 =	vld [tilespmem:s16+$0xFFFFFF10];
	v55 =	vadd.f32 v33, v34;
	v62 =	vadd.f32 v35, v51  }
0x653: {  	v60 =	vcvt.s32.f32 v56;
	v44 =	vadd.f32 v61, v44;
	v59 =	vadd.f32 v63, v42  }
0x654: {  	v58 =	vadd.f32 v37, v47;
	v33 =	vsel vm6, $0x40800000, v38;
	vm7 =	vlt.f32 v46, v49;
	v40 =	vld [tilespmem:s16+$0xFFFFFF20];
	[tilespmem:s4+$0xFFFFFF30] =	vst v62  }
0x655: {  	v42 =	vld [tilespmem:s16+$0xFFFFFFF0];
	v63 =	vmul.f32 v60, v11;
	v62 =	vmul.f32 v44, v10;
	vm15 =	vlt.f32 v59, v55  }
0x656: {  	[tilespmem:s4+$0xFFFFFEC0] =	vst v58;
	v34 =	vsel vm2, $0x40800000, v52;
	v38 =	vld [tilespmem:s16+$0xFFFFFF30];
	v46 =	vsel vm7, v46, v49;
	v56 =	vsel vm15, v59, v55  }
0x657: {  	[tilespmem:s4+$0xFFFFFFA0] =	vst v45;
	v61 =	vadd.f32 v33, v41;
	v44 =	vld [tilespmem:s16+$0xFFFFFF80];
	v43 =	vadd.f32 v62, v63;
	vm3 =	vlt.f32 v56, v46  }
0x658: {  	[tilespmem:s4+$0x10] =	vst v29;
	v48 =	vld [tilespmem:s16+$0x60];
	v58 =	vsel vm7, $0x3F800000, v0;
	v59 =	vsel vm15, $0x40400000, v1;
	v46 =	vsel vm3, v56, v46  }
0x659: {  	v52 =	vld [tilespmem:s16+$0xD0];
	v57 =	vadd.f32 v34, v40;
	[tilespmem:s4+$0xFFFFFED0] =	vst v61;
	v45 =	vsel vm3, v59, v58;
	vm4 =	vlt.f32 v43, v46  }
0x65a: {  	v26 =	vmul.f32 $5.000000000e-01, v26;
	v60 =	vadd.f32 v35, v42;
	v46 =	vld [tilespmem:s16+$0xFFFFFF90];
	v24 =	vsel vm4, $0x40800000, v45  }
0x65b: {  	v17 =	vadd.f32 v17, v22;
	v23 =	vmul.f32 v23, v23;
	[tilespmem:s4+$0xFFFFFEE0] =	vst v57;
	v63 =	vadd.f32 v24, v38  }
0x65c: {  	v21 =	vsub.f32 v21, v26;
	v31 =	vmul.f32 v31, v31;
	v61 =	vadd.f32 v37, v44;
	[tilespmem:s4+$0xFFFFFFB0] =	vst v60;
	v45 =	vld [tilespmem:s16+$0xFFFFFFA0]  }
0x65d: {  	v32 =	vmul.f32 v32, v32;
	v62 =	vmul.f32 v20, v20;
	v57 =	vadd.f32 v28, v48;
	v54 =	vld [tilespmem:s16+$0x70];
	[tilespmem:s4+$0xFFFFFEF0] =	vst v63  }
0x65e: {  	v29 =	vsel vm10, v14, v15;
	v18 =	vadd.f32 v18, v52;
	v40 =	vmul.f32 v40, v40;
	[tilespmem:s4+$0xFFFFFF40] =	vst v61;
	v43 =	vld [tilespmem:s16+$0xFFFFFFB0]  }
0x65f: {  	v56 =	vmul.f32 v25, v25;
	v55 =	vadd.f32 v23, v62;
	[tilespmem:s4+$0x20] =	vst v57;
	v25 =	vld [tilespmem:s16+$0x0];
	v59 =	vadd.f32 v33, v46  }
0x660: {  	v20 =	vsel vm8, v16, v36;
	v36 =	vsel vm11, v12, v13;
	v58 =	vmul.f32 v27, v27;
	v49 =	vld [tilespmem:s16+$0xE0]  }
0x661: {  	v29 =	vsel vm9, v29, v36;
	v22 =	vadd.f32 v56, v55;
	v60 =	vadd.f32 v34, v45;
	[tilespmem:s4+$0xFFFFFF50] =	vst v59  }
0x662: {  	v62 =	vadd.f32 v32, v31;
	v63 =	vmul.f32 v53, v53;
	v61 =	vadd.f32 v35, v54;
	v53 =	vld [tilespmem:s16+$0x10]  }
0x663: {  	v23 =	vmul.f32 v52, v52;
	v22 =	vadd.f32 v58, v22;
	[tilespmem:s4+$0xFFFFFF60] =	vst v60;
	v60 =	vadd.f32 v24, v43  }
0x664: {  	v32 =	vsel vm14, v12, v13;
	v59 =	vmul.f32 v51, v51;
	v57 =	vadd.f32 v37, v25;
	[tilespmem:s4+$0x30] =	vst v61;
	v51 =	vld [tilespmem:s16+$0x20]  }
0x665: {  	v58 =	vmul.f32 v50, v50;
	v22 =	vadd.f32 v23, v22;
	v52 =	vmul.f32 v49, v49;
	v31 =	vld [tilespmem:s16+$0xF0];
	[tilespmem:s4+$0xFFFFFF70] =	vst v60  }
0x666: {  	v54 =	vmul.f32 v54, v54;
	v61 =	vadd.f32 v63, v62;
	v62 =	vmul.f32 v48, v48;
	[tilespmem:s4+$0xFFFFFFC0] =	vst v57;
	v48 =	vld [tilespmem:s16+$0x30]  }
0x667: {  	v26 =	vadd.f32 v59, v58;
	v63 =	vmul.f32 v42, v42;
	v42 =	vld [tilespmem:s16+$0x80];
	v55 =	vadd.f32 v33, v53  }
0x668: {  	v22 =	vmul.f32 $5.000000000e-01, v22;
	v58 =	vmul.f32 v47, v47;
	v23 =	vadd.f32 v62, v61  }
0x669: {  	v59 =	vmul.f32 v44, v44;
	v26 =	vadd.f32 v63, v26;
	v56 =	vadd.f32 v34, v51;
	[tilespmem:s4+$0xFFFFFFD0] =	vst v55  }
0x66a: {  	v25 =	vmul.f32 v25, v25;
	v19 =	vsub.f32 v19, v22;
	v23 =	vadd.f32 v52, v23;
	v47 =	vld [tilespmem:s16+$0x90]  }
0x66b: {  	v26 =	vadd.f32 v54, v26;
	v57 =	vmul.f32 v31, v31;
	[tilespmem:s4+$0xFFFFFFE0] =	vst v56;
	v61 =	vadd.f32 v24, v48  }
0x66c: {  	v22 =	vadd.f32 v28, v49;
	v23 =	vmul.f32 $5.000000000e-01, v23;
	v60 =	vadd.f32 v37, v42;
	v28 =	vld [tilespmem:s16+$0xA0]  }
0x66d: {  	v62 =	vadd.f32 v59, v58;
	v59 =	vmul.f32 v45, v45;
	v26 =	vadd.f32 v57, v26;
	[tilespmem:s4+$0xFFFFFFF0] =	vst v61  }
0x66e: {  	v45 =	vmul.f32 v38, v38;
	v23 =	vsub.f32 v30, v23;
	v30 =	vadd.f32 v35, v31;
	[tilespmem:s4+$0x40] =	vst v60;
	v35 =	vld [tilespmem:s16+$0xB0]  }
0x66f: {  	v52 =	vmul.f32 v46, v46;
	v46 =	vmul.f32 v43, v43;
	v63 =	vld [tilespmem:s16+$0x100];
	v54 =	vadd.f32 v33, v47  }
0x670: {  	v50 =	vmul.f32 v41, v41;
	[tilespmem:s4+$0x110] =	vst v19;
	v25 =	vadd.f32 v25, v62;
	v26 =	vmul.f32 $5.000000000e-01, v26  }
0x671: {  	v19 =	vadd.f32 v46, v45;
	v49 =	vmul.f32 v42, v42;
	v56 =	vadd.f32 v34, v28;
	[tilespmem:s4+$0x50] =	vst v54  }
0x672: {  	v58 =	vmul.f32 v53, v53;
	v57 =	vadd.f32 v52, v50;
	v26 =	vsub.f32 v39, v26;
	v39 =	vld [tilespmem:s16+$0x110]  }
0x673: {  	v55 =	vsel vm13, v14, v15;
	v25 =	vadd.f32 v49, v25;
	[tilespmem:s4+$0x60] =	vst v56;
	v60 =	vadd.f32 v24, v35  }
0x674: {  	[tilespmem:s4+$0x80] =	vst v17;
	v27 =	vadd.f32 v58, v57;
	v61 =	vadd.f32 v59, v40;
	v17 =	vmul.f32 v63, v63;
	v31 =	vld [tilespmem:s16+$0x120]  }
0x675: {  	v62 =	vmul.f32 v47, v47;
	v37 =	vadd.f32 v37, v63;
	v63 =	vmul.f32 v51, v51;
	[tilespmem:s4+$0x70] =	vst v60  }
0x676: {  	[tilespmem:s4+$0x100] =	vst v21;
	v47 =	vmul.f32 v28, v28;
	v51 =	vmul.f32 v48, v48;
	v17 =	vadd.f32 v17, v25;
	v49 =	vld [tilespmem:s16+$0x130]  }
0x677: {  	[tilespmem:s4+$0x90] =	vst v18;
	v18 =	vadd.f32 v62, v27;
	v21 =	vadd.f32 v63, v61;
	v50 =	vmul.f32 v39, v39  }
0x678: {  	[tilespmem:s4+$0xA0] =	vst v22;
	v53 =	vmul.f32 v35, v35;
	v19 =	vadd.f32 v51, v19;
	v17 =	vmul.f32 $5.000000000e-01, v17  }
0x679: {  	[tilespmem:s4+$0x120] =	vst v23;
	v21 =	vadd.f32 v47, v21;
	v52 =	vmul.f32 v31, v31;
	v18 =	vadd.f32 v50, v18  }
0x67a: {  	[tilespmem:s4+$0xB0] =	vst v30;
	v54 =	vsel vm12, v55, v32;
	v19 =	vadd.f32 v53, v19;
	v17 =	vsub.f32 v20, v17  }
0x67b: {  	[tilespmem:s4+$0x130] =	vst v26;
	v55 =	vadd.f32 v52, v21;
	v18 =	vmul.f32 $5.000000000e-01, v18;
	v56 =	vmul.f32 v49, v49  }
0x67c: {  	v57 =	vsel vm6, v16, v29;
	v58 =	vsel vm2, v16, v54;
	[tilespmem:s4+$0xC0] =	vst v37;
	v59 =	vadd.f32 v33, v39  }
0x67d: {  	s0 =	sadd.s32 $0x80, s0;
	[tilespmem:s4+$0x140] =	vst v17;
	v17 =	vsub.f32 v57, v18;
	v18 =	vadd.f32 v56, v19;
	v19 =	vmul.f32 $5.000000000e-01, v55  }
0x67e: {  	p0 =	slt.u32 s0, $0x780;
	v61 =	vsel vm15, v14, v15;
	v60 =	vsel vm7, v12, v13;
	v62 =	vadd.f32 v34, v31;
	[tilespmem:s4+$0xD0] =	vst v59  }
.Ltmp4:
0x67f: {  	v20 =	vsel vm3, v61, v60;
	[tilespmem:s4+$0x150] =	vst v17;
	v17 =	vsub.f32 v58, v19;
	v18 =	vmul.f32 $5.000000000e-01, v18;
	(pc) =	sbr.rel @p0 .LBB2_10-.Ltmp4, $4  }
0x680: {  	[tilespmem:s4+$0xE0] =	vst v62;
	v63 =	vadd.f32 v24, v49;
	v19 =	vsel vm4, v16, v20  }
0x681: {  	[tilespmem:s4+$0x160] =	vst v17;
	v17 =	vsub.f32 v19, v18  }
0x682: {  	[tilespmem:s4+$0xF0] =	vst v63  }
0x683: {  	s3 =	sadd.s32 $0x400, s3;
	s16 =	sadd.s32 $0x400, s16;
	[tilespmem:s4+$0x170] =	vst v17;
	s4 =	sadd.s32 $0x400, s4  }
0x684: {  	[hbm4b:s14+s5] =	stream.linear.scatter [tilespmem:s24], [sflag:$0x4], $0x4000, $0x38;
	[tilespmem:$0x18080] =	vst v63  }
0x685: {  	s28 =	sadd.s32 $0x1, s28  }
0x686: {  	_ =	swait.ge [sflag:s25], $0x4000;
	p0 =	sne.s32 s28, s15  }
.Ltmp5:
0x687: {  	[sflag:s25] =	ssyncset.done $0x0;
	(pc) =	sbr.rel @p0 .LBB2_1-.Ltmp5, $4  }
0x688: {  	[sflag:s25] =	ssyncadd.s32 $0xFFFFC000  }
0x689: {  	_ =	swait.ge [sflag:s26], $0x4000  }
0x68a: {  	[sflag:s26] =	ssyncset.done $0x0  }
0x68b: {  	[sflag:s26] =	ssyncadd.s32 $0xFFFFC000  }
0x68c: {  	_ =	sfence.sel $0x180000  }
0x68d: {  	[bflag:$0x0] =	sbarrier.arrive $0xFFFF  }
0x68e: {  	_ =	strace $0x90000047  }
0x68f: {  	s0 =	stileid.u32;
	[bflag:$0x2] =	sbarrier.arrive $0xFFFF  }
0x690: {  	p0 =	sne.s32 s0, $0x0;
	s0 =	rddreg [dreg:$0x4]  }
0x691: {  	s0 =	sadd.s32 @!p0 $0x100000, s0  }
0x692: {  	[sflag:s0] =	ssyncadd.tile.s32 @!p0 $0x1;
	_ =	shalt  }
.Lfunc_end2:
_tile_overlayer_lowered:
.L_overlay_start_2:
0x693: {  	(tag) =	ssettag $0x2  }
0x694: {  	s0 =	rddreg [dreg:$0x0];
	s2 =	stileid.u32  }
0x695: {  	s1 =	rddreg [dreg:$0x1];
	p0 =	sne.s32 s2, $0x0  }
0x696: {  	s3 =	rddreg [dreg:$0x2];
	[bflag:$0x3] =	sbarrier.arrive $0xFFFF;
	s2 =	simm.s32 @!p0 $0x1C05  }
0x697: {  	[timem:s3], [sflag:s2] =	dma.local @!p0 [hbm:s0], s1  }
0x698: {  	s0 =	simm.s32 @!p0 $0x5  }
0x699: {  	_ =	swait.ge @!p0 [sflag:s0], s1  }
0x69a: {  	s1 =	ssub.s32 @!p0 $0x0, s1;
	[sflag:s0] =	ssyncset.done @!p0 $0x0  }
0x69b: {  	[sflag:s0] =	ssyncadd.s32 @!p0 s1  }
0x69c: {  	[bflag:$0x3] =	sbarrier.arrive $0xFFFF  }
0x69d: {  	_ =	shalt  }

</sc_bundles>
